<compile_context>
chip_gen: v7x
topology: tpu7x:2x2x1
jax: 0.10.2.dev20260603
libtpu: 0.0.44.dev20260713+nightly
codegen_flags: <defaults>
</compile_context>

<pallas_src>
import functools

import jax
import jax.numpy as jnp
from jax import lax
from jax.experimental import pallas as pl
from jax.experimental.pallas import tpu as pltpu
from jax.experimental.pallas import tpu_sc as plsc

N = 10000
E = 160000
D = 256
H3 = 768

NC = 2
NS = 16
L = 16

_MESH = dict(core_axis_name="c", subcore_axis_name="s",
             num_cores=NC, num_subcores=NS)


def _zero_chunks(ref, n):
  z = jnp.zeros((L,), jnp.float32)
  def body(j, _):
    ref[pl.ds(j * L, L)] = z
    return 0
  lax.fori_loop(0, n // L, body, 0)


NPAD = 10240
EPAD = 163840
EPWA = EPAD // (NC * NS)
CHA = 64
SPT = NPAD // NS


def _deg_body(dst_hbm, deg_hbm, dst_i, ones_v, zero_v, acc_sh):
  c = lax.axis_index("c")
  s = lax.axis_index("s")

  one = jnp.ones((L,), jnp.float32)
  def fill(j, _):
    ones_v[pl.ds(j * L, L)] = one
    return 0
  lax.fori_loop(0, CHA // L, fill, 0)
  _zero_chunks(zero_v, SPT)
  pltpu.sync_copy(zero_v, acc_sh.at[pl.ds(s * SPT, SPT)])
  plsc.subcore_barrier()

  def chunk(ci, _):
    off = c * (EPAD // NC) + s * EPWA + ci * CHA
    pltpu.sync_copy(dst_hbm.at[pl.ds(off, CHA)], dst_i)
    pltpu.sync_copy(ones_v, acc_sh.at[dst_i], add=True)
    return 0
  lax.fori_loop(0, EPWA // CHA, chunk, 0)

  plsc.subcore_barrier()
  pltpu.sync_copy(acc_sh.at[pl.ds(s * SPT, SPT)],
                  deg_hbm.at[c, pl.ds(s * SPT, SPT)])


def _deg(dst):
  return pl.kernel(
      _deg_body,
      out_type=jax.ShapeDtypeStruct((NC, NPAD), jnp.float32),
      mesh=plsc.VectorSubcoreMesh(**_MESH),
      scratch_types=[
          pltpu.VMEM((CHA,), jnp.int32),
          pltpu.VMEM((CHA,), jnp.float32),
          pltpu.VMEM((SPT,), jnp.float32),
          pltpu.VMEM_SHARED((NPAD,), jnp.float32),
      ],
  )(dst)


HD = D // 2
CHE = 16
ACC1 = NPAD * HD
ZCH = 5120


def _agg_body(src_hbm, dst_hbm, hp_hbm, out_hbm,
              src_i, dst_i, sidx, rows_v, zero_v, acc_sh, sem, sem2):
  c = lax.axis_index("c")
  s = lax.axis_index("s")
  iotas = [lax.iota(jnp.int32, L) + L * m for m in range(HD // L)]

  _zero_chunks(zero_v, ZCH)
  for p in range(2):
    if p:
      plsc.subcore_barrier()
    for r in range(ACC1 // NS // ZCH):
      pltpu.sync_copy(zero_v,
                      acc_sh.at[pl.ds((s * (ACC1 // NS) + r * ZCH), ZCH)])
    plsc.subcore_barrier()

    def chunk(ci, _):
      off = c * (EPAD // NC) + s * EPWA + ci * CHE
      pltpu.sync_copy(src_hbm.at[pl.ds(off, CHE)], src_i)
      pltpu.sync_copy(dst_hbm.at[pl.ds(off, CHE)], dst_i)
      gh = pltpu.async_copy(hp_hbm.at[src_i], rows_v, sem)
      dv = dst_i[...]
      for j in range(CHE):
        sb = dv[j] * HD
        for m in range(HD // L):
          sidx[j, pl.ds(m * L, L)] = iotas[m] + sb
      gh.wait()
      sh = [pltpu.async_copy(rows_v.at[j, pl.ds(p * HD, HD)],
                             acc_sh.at[sidx.at[j]], sem2, add=True)
            for j in range(CHE)]
      for h in sh:
        h.wait()
      return 0
    lax.fori_loop(0, EPWA // CHE, chunk, 0)

    plsc.subcore_barrier()
    pltpu.sync_copy(acc_sh.at[pl.ds(s * (ACC1 // NS), ACC1 // NS)],
                    out_hbm.at[c, p, pl.ds(s * (ACC1 // NS), ACC1 // NS)])


def _agg(src, dst, hp):
  return pl.kernel(
      _agg_body,
      out_type=jax.ShapeDtypeStruct((NC, 2, ACC1), jnp.float32),
      mesh=plsc.VectorSubcoreMesh(**_MESH),
      scratch_types=[
          pltpu.VMEM((CHE,), jnp.int32),
          pltpu.VMEM((CHE,), jnp.int32),
          pltpu.VMEM((CHE, HD), jnp.int32),
          pltpu.VMEM((CHE, D), jnp.float32),
          pltpu.VMEM((ZCH,), jnp.float32),
          pltpu.VMEM_SHARED((ACC1,), jnp.float32),
          pltpu.SemaphoreType.DMA,
          pltpu.SemaphoreType.DMA,
      ],
  )(src, dst, hp)


def _fin_body(src_hbm, dst_hbm, h2p_hbm, out_hbm,
              src_i, dst_i, vals_v, zero_v, acc_sh, sem):
  c = lax.axis_index("c")
  s = lax.axis_index("s")

  _zero_chunks(zero_v, SPT)
  pltpu.sync_copy(zero_v, acc_sh.at[pl.ds(s * SPT, SPT)])
  plsc.subcore_barrier()

  def chunk(ci, _):
    off = c * (EPAD // NC) + s * EPWA + ci * CHA
    pltpu.sync_copy(src_hbm.at[pl.ds(off, CHA)], src_i)
    pltpu.sync_copy(dst_hbm.at[pl.ds(off, CHA)], dst_i)
    pltpu.async_copy(h2p_hbm.at[src_i], vals_v, sem).wait()
    pltpu.sync_copy(vals_v, acc_sh.at[dst_i], add=True)
    return 0
  lax.fori_loop(0, EPWA // CHA, chunk, 0)

  plsc.subcore_barrier()
  pltpu.sync_copy(acc_sh.at[pl.ds(s * SPT, SPT)],
                  out_hbm.at[c, pl.ds(s * SPT, SPT)])


def _fin(src, dst, h2p):
  return pl.kernel(
      _fin_body,
      out_type=jax.ShapeDtypeStruct((NC, NPAD), jnp.float32),
      mesh=plsc.VectorSubcoreMesh(**_MESH),
      scratch_types=[
          pltpu.VMEM((CHA,), jnp.int32),
          pltpu.VMEM((CHA,), jnp.int32),
          pltpu.VMEM((CHA,), jnp.float32),
          pltpu.VMEM((SPT,), jnp.float32),
          pltpu.VMEM_SHARED((NPAD,), jnp.float32),
          pltpu.SemaphoreType.DMA,
      ],
  )(src, dst, h2p)


def _fincomb_body(fa_ref, fb_ref, h2p_ref, dinv_ref, b2_ref, out_ref):
  out_ref[...] = (dinv_ref[...] * (fa_ref[...] + fb_ref[...] + h2p_ref[...])
                  + b2_ref[...])


def _fincomb(fa, fb, h2p, dinv, b2):
  return pl.pallas_call(
      _fincomb_body,
      grid=(GRID,),
      in_specs=[
          pl.BlockSpec((RB, 1), lambda i: (i, 0)),
          pl.BlockSpec((RB, 1), lambda i: (i, 0)),
          pl.BlockSpec((RB, 1), lambda i: (i, 0)),
          pl.BlockSpec((RB, 1), lambda i: (i, 0)),
          pl.BlockSpec((1, 1), lambda i: (0, 0)),
      ],
      out_specs=pl.BlockSpec((RB, 1), lambda i: (i, 0)),
      out_shape=jax.ShapeDtypeStruct((N, 1), jnp.float32),
  )(fa, fb, h2p, dinv, b2)


RB = 400
GRID = N // RB


def _lin1_body(x_ref, w1_ref, dega_ref, degb_ref, hp_ref, dinv_ref):
  deg = dega_ref[...] + degb_ref[...] + 1.0
  di = lax.rsqrt(jnp.maximum(deg, 1.0))
  h = jnp.dot(x_ref[...], w1_ref[...], preferred_element_type=jnp.float32)
  hp_ref[...] = di * h
  dinv_ref[...] = di


def _lin1(x, W1, dega, degb):
  return pl.pallas_call(
      _lin1_body,
      grid=(GRID,),
      in_specs=[
          pl.BlockSpec((RB, D), lambda i: (i, 0)),
          pl.BlockSpec((D, D), lambda i: (0, 0)),
          pl.BlockSpec((RB, 1), lambda i: (i, 0)),
          pl.BlockSpec((RB, 1), lambda i: (i, 0)),
      ],
      out_specs=[
          pl.BlockSpec((RB, D), lambda i: (i, 0)),
          pl.BlockSpec((RB, 1), lambda i: (i, 0)),
      ],
      out_shape=[
          jax.ShapeDtypeStruct((N, D), jnp.float32),
          jax.ShapeDtypeStruct((N, 1), jnp.float32),
      ],
  )(x, W1, dega, degb)


def _gates_body(agga_ref, aggb_ref, hp_ref, dinv_ref, b1_ref, wih_ref,
                bih_ref, gi_ref):
  out1 = jax.nn.relu(
      dinv_ref[...] * (agga_ref[...] + aggb_ref[...] + hp_ref[...])
      + b1_ref[...])
  gi_ref[...] = lax.dot_general(
      out1, wih_ref[...], (((1,), (1,)), ((), ())),
      preferred_element_type=jnp.float32) + bih_ref[...]


def _gates(agga, aggb, hp, dinv, b1, W_ih, b_ih):
  return pl.pallas_call(
      _gates_body,
      grid=(GRID,),
      in_specs=[
          pl.BlockSpec((RB, D), lambda i: (i, 0)),
          pl.BlockSpec((RB, D), lambda i: (i, 0)),
          pl.BlockSpec((RB, D), lambda i: (i, 0)),
          pl.BlockSpec((RB, 1), lambda i: (i, 0)),
          pl.BlockSpec((1, D), lambda i: (0, 0)),
          pl.BlockSpec((H3, D), lambda i: (0, 0)),
          pl.BlockSpec((1, H3), lambda i: (0, 0)),
      ],
      out_specs=pl.BlockSpec((RB, H3), lambda i: (i, 0)),
      out_shape=jax.ShapeDtypeStruct((N, H3), jnp.float32),
  )(agga, aggb, hp, dinv, b1, W_ih, b_ih)


def _gru_body(gi_ref, whh_ref, bhh_ref, w2_ref, dinv_ref, out_ref,
              h_s, y_s):
  @pl.when(pl.program_id(0) == 0)
  def _():
    h_s[...] = jnp.zeros((1, D), jnp.float32)

  def step(t, _):
    h = h_s[...]
    gi = gi_ref[pl.ds(t, 1), :]
    gh = lax.dot_general(h, whh_ref[...], (((1,), (1,)), ((), ())),
                         preferred_element_type=jnp.float32) + bhh_ref[...]
    r = jax.nn.sigmoid(gi[:, 0:D] + gh[:, 0:D])
    z = jax.nn.sigmoid(gi[:, D:2 * D] + gh[:, D:2 * D])
    ng = jnp.tanh(gi[:, 2 * D:] + r * gh[:, 2 * D:])
    hn = (1.0 - z) * ng + z * h
    h_s[...] = hn
    y_s[pl.ds(t, 1), :] = hn
    return 0
  lax.fori_loop(0, RB, step, 0)

  out_ref[...] = dinv_ref[...] * jnp.dot(
      y_s[...], w2_ref[...], preferred_element_type=jnp.float32)


def _gru(GI, W_hh, b_hh, W2, dinv):
  return pl.pallas_call(
      _gru_body,
      grid=(GRID,),
      in_specs=[
          pl.BlockSpec((RB, H3), lambda i: (i, 0)),
          pl.BlockSpec((H3, D), lambda i: (0, 0)),
          pl.BlockSpec((1, H3), lambda i: (0, 0)),
          pl.BlockSpec((D, 1), lambda i: (0, 0)),
          pl.BlockSpec((RB, 1), lambda i: (i, 0)),
      ],
      out_specs=pl.BlockSpec((RB, 1), lambda i: (i, 0)),
      out_shape=jax.ShapeDtypeStruct((N, 1), jnp.float32),
      scratch_shapes=[
          pltpu.VMEM((1, D), jnp.float32),
          pltpu.VMEM((RB, D), jnp.float32),
      ],
  )(GI, W_hh, b_hh, W2, dinv)


@jax.jit
def kernel(x, edge_index, W1, b1, W_ih, W_hh, b_ih, b_hh, W2, b2):
  src = edge_index[0]
  dst = edge_index[1]
  pad = EPAD - E
  src_p = jnp.concatenate([src, jnp.zeros((pad,), jnp.int32)])
  dst_p = jnp.concatenate([dst, jnp.full((pad,), N, jnp.int32)])
  deg2 = _deg(dst_p)
  hp, dinv = _lin1(x, W1, deg2[0, :N, None], deg2[1, :N, None])
  agg2 = _agg(src_p, dst_p, hp)
  agg_a = jnp.concatenate([agg2[0, 0].reshape(NPAD, HD)[:N],
                           agg2[0, 1].reshape(NPAD, HD)[:N]], axis=1)
  agg_b = jnp.concatenate([agg2[1, 0].reshape(NPAD, HD)[:N],
                           agg2[1, 1].reshape(NPAD, HD)[:N]], axis=1)
  GI = _gates(agg_a, agg_b, hp, dinv,
              b1.reshape(1, D), W_ih, b_ih.reshape(1, H3))
  h2p = _gru(GI, W_hh, b_hh.reshape(1, H3), W2, dinv)
  fin2 = _fin(src_p, dst_p, h2p.reshape(N))
  out = _fincomb(fin2[0, :N, None], fin2[1, :N, None], h2p, dinv,
                 b2.reshape(1, 1))
  return out.reshape(N)

# --- scband reference (transcript-rebuilt; emitter-appended) ---
"""Pipeline reference for scband-tgcn-17815524344014 (READ-ONLY COPY).

The authoritative reference and input builder live on the scoring server;
editing this copy changes nothing except your own understanding.
"""

import jax, jax.numpy as jnp
import numpy as np

N = 10000
E = 160000
D_IN = 256
H = 256
G = 256


def gcn_conv(x, edge_index, W, b):
    # PyG-style GCNConv: add self-loops, symmetric normalization, linear, bias
    n = x.shape[0]
    src = edge_index[0]
    dst = edge_index[1]
    loop = jnp.arange(n, dtype=src.dtype)
    src = jnp.concatenate([src, loop])
    dst = jnp.concatenate([dst, loop])
    deg = jnp.zeros((n,), dtype=x.dtype).at[dst].add(1.0)
    dinv = jax.lax.rsqrt(jnp.maximum(deg, 1.0))
    norm = dinv[src] * dinv[dst]
    h = x @ W
    msg = h[src] * norm[:, None]
    out = jax.ops.segment_sum(msg, dst, num_segments=n)
    return out + b


def gru_seq(x_seq, W_ih, W_hh, b_ih, b_hh):
    # PyTorch GRU, single layer, batch=1, seq over nodes; gate order r,z,n
    Hd = W_hh.shape[1]

    def step(h, x_t):
        gi = W_ih @ x_t + b_ih
        gh = W_hh @ h + b_hh
        ir, iz, inn = jnp.split(gi, 3)
        hr, hz, hn = jnp.split(gh, 3)
        r = jax.nn.sigmoid(ir + hr)
        z = jax.nn.sigmoid(iz + hz)
        ng = jnp.tanh(inn + r * hn)
        h_new = (1.0 - z) * ng + z * h
        return h_new, h_new

    h0 = jnp.zeros((Hd,), dtype=x_seq.dtype)
    _, ys = jax.lax.scan(step, h0, x_seq)
    return ys


def setup_inputs(seed: int = 0) -> dict:
    key = jax.random.key(seed)
    ks = jax.random.split(key, 10)
    x = jax.random.normal(ks[0], (N, D_IN), dtype=jnp.float32)
    edge_index = jax.random.randint(ks[1], (2, E), 0, N, dtype=jnp.int32)
    W1 = jax.random.normal(ks[2], (D_IN, H), dtype=jnp.float32) * 0.05
    b1 = jnp.zeros((H,), dtype=jnp.float32)
    W_ih = jax.random.normal(ks[3], (3 * G, H), dtype=jnp.float32) * 0.05
    W_hh = jax.random.normal(ks[4], (3 * G, G), dtype=jnp.float32) * 0.05
    b_ih = jnp.zeros((3 * G,), dtype=jnp.float32)
    b_hh = jnp.zeros((3 * G,), dtype=jnp.float32)
    W2 = jax.random.normal(ks[5], (G, 1), dtype=jnp.float32) * 0.05
    b2 = jnp.zeros((1,), dtype=jnp.float32)
    return {"x": x, "edge_index": edge_index, "W1": W1, "b1": b1,
            "W_ih": W_ih, "W_hh": W_hh, "b_ih": b_ih, "b_hh": b_hh,
            "W2": W2, "b2": b2}


def reference(x, edge_index, W1, b1, W_ih, W_hh, b_ih, b_hh, W2, b2):
    h = jax.nn.relu(gcn_conv(x, edge_index, W1, b1))
    # unsqueeze(0) + GRU(batch_first) + squeeze(0): seq over the N nodes
    h = gru_seq(h, W_ih, W_hh, b_ih, b_hh)
    # dropout in eval mode -> identity
    out = gcn_conv(h, edge_index, W2, b2)
    return out.squeeze(-1)

if __name__ == "__main__":
    import jax
    _d = setup_inputs()
    print(jax.jit(kernel)(*tuple(_d.values())))

</pallas_src>

<mosaic_0001>
#map = affine_map<(d0, d1) -> (0)>
#map1 = affine_map<(d0, d1) -> (0, 0)>
module attributes {stable_mosaic.version = 14 : i64} {
  func.func @_deg_body(%arg0: i32, %arg1: i32, %arg2: memref<163840xi32, #tpu.memory_space<hbm>>, %arg3: memref<2x10240xf32, #tpu.memory_space<hbm>>, %arg4: memref<64xi32, #tpu.memory_space<vmem>>, %arg5: memref<64xf32, #tpu.memory_space<vmem>>, %arg6: memref<640xf32, #tpu.memory_space<vmem>>, %arg7: memref<10240xf32, #tpu.memory_space<vmem_shared>>) attributes {dimension_semantics = [#tpu.dimension_semantics<core_parallel>, #tpu.dimension_semantics<subcore_parallel>], iteration_bounds = array<i64: 2, 16>, scalar_prefetch = 0 : i64, scratch_operands = 4 : i64, tpu.core_type = #tpu.core_type<sc_vector_subcore>, window_params = [{transform_indices = #map}, {transform_indices = #map1}]} {
    %broadcast_in_dim3A = arith.constant 1.000000e+00 : f32
    %broadcast_in_dim3A_0 = vector.broadcast %broadcast_in_dim3A : f32 to vector<16xf32>
    %scan3A = arith.constant 0 : i32
    %scan3A_1 = arith.constant 0 : i32
    %scan3A_2 = arith.constant 4 : i32
    %scan3A_3 = arith.addi %scan3A_1, %scan3A_2 : i32
    %scan3A_4 = arith.constant 1 : i32
    %scan3A_5 = scf.for %scan3A_29 = %scan3A_1 to %scan3A_3 step %scan3A_4 iter_args(%scan3A_30 = %scan3A) -> (i32)  : i32 {
      %mul3A_31 = arith.constant 16 : i32
      %mul3A_32 = arith.muli %scan3A_29, %mul3A_31 : i32
      %swap3A = arith.index_cast %mul3A_32 : i32 to index
      %swap3A_33 = tpu.vector_load %arg5[%swap3A] {strides = array<i32>} : memref<64xf32, #tpu.memory_space<vmem>>, vector<16xf32>,
      %swap3A_34 = vector.shape_cast %swap3A_33 : vector<16xf32> to vector<16xf32>
      %swap3A_35 = vector.shape_cast %broadcast_in_dim3A_0 : vector<16xf32> to vector<16xf32>
      tpu.vector_store %arg5[%swap3A], %swap3A_35 {strides = array<i32>} : memref<64xf32, #tpu.memory_space<vmem>>, vector<16xf32>,
      %scan3A_36 = arith.constant 0 : i32
      scf.yield %scan3A_36 : i32
    }
    %scan3A_6 = arith.constant 4 : i32
    %broadcast_in_dim3A_7 = arith.constant 0.000000e+00 : f32
    %broadcast_in_dim3A_8 = vector.broadcast %broadcast_in_dim3A_7 : f32 to vector<16xf32>
    %scan3A_9 = arith.constant 0 : i32
    %scan3A_10 = arith.constant 0 : i32
    %scan3A_11 = arith.constant 40 : i32
    %scan3A_12 = arith.addi %scan3A_10, %scan3A_11 : i32
    %scan3A_13 = arith.constant 1 : i32
    %scan3A_14 = scf.for %scan3A_29 = %scan3A_10 to %scan3A_12 step %scan3A_13 iter_args(%scan3A_30 = %scan3A_9) -> (i32)  : i32 {
      %mul3A_31 = arith.constant 16 : i32
      %mul3A_32 = arith.muli %scan3A_29, %mul3A_31 : i32
      %swap3A = arith.index_cast %mul3A_32 : i32 to index
      %swap3A_33 = tpu.vector_load %arg6[%swap3A] {strides = array<i32>} : memref<640xf32, #tpu.memory_space<vmem>>, vector<16xf32>,
      %swap3A_34 = vector.shape_cast %swap3A_33 : vector<16xf32> to vector<16xf32>
      %swap3A_35 = vector.shape_cast %broadcast_in_dim3A_8 : vector<16xf32> to vector<16xf32>
      tpu.vector_store %arg6[%swap3A], %swap3A_35 {strides = array<i32>} : memref<640xf32, #tpu.memory_space<vmem>>, vector<16xf32>,
      %scan3A_36 = arith.constant 0 : i32
      scf.yield %scan3A_36 : i32
    }
    %scan3A_15 = arith.constant 40 : i32
    %mul3A = arith.constant 640 : i32
    %mul3A_16 = arith.muli %arg1, %mul3A : i32
    "tpu.region"() ({
      %run_scoped3A = tpu.sem_alloc : memref<!tpu.dma_semaphore, #tpu.memory_space<semaphore_mem>>
      %dma_start3A = tpu.memref_slice %arg7[%mul3A_16] : memref<10240xf32, #tpu.memory_space<vmem_shared>> -> memref<640xf32, #tpu.memory_space<vmem_shared>>
      %dma_start3A_29 = tpu.memref_slice %arg7[%mul3A_16] : memref<10240xf32, #tpu.memory_space<vmem_shared>> -> memref<640xf32, #tpu.memory_space<vmem_shared>>
      tpu.enqueue_dma source(%arg6 : memref<640xf32, #tpu.memory_space<vmem>>) target(%dma_start3A_29 : memref<640xf32, #tpu.memory_space<vmem_shared>>) target_semaphore(%run_scoped3A : memref<!tpu.dma_semaphore, #tpu.memory_space<semaphore_mem>>)
      %dma_wait3A = tpu.memref_slice %arg7[%mul3A_16] : memref<10240xf32, #tpu.memory_space<vmem_shared>> -> memref<640xf32, #tpu.memory_space<vmem_shared>>
      %dma_wait3A_30 = tpu.memref_slice %arg7[%mul3A_16] : memref<10240xf32, #tpu.memory_space<vmem_shared>> -> memref<640xf32, #tpu.memory_space<vmem_shared>>
      tpu.wait_dma2 semaphore(%run_scoped3A : memref<!tpu.dma_semaphore, #tpu.memory_space<semaphore_mem>>) src(%arg6 : memref<640xf32, #tpu.memory_space<vmem>>) dst(%dma_wait3A_30 : memref<640xf32, #tpu.memory_space<vmem_shared>>)
      tpu.yield
    }) : () -> ()
    %barrier3A = arith.constant 0 : index
    tpu.barrier barrier_id(%barrier3A)
    %scan3A_17 = arith.constant 0 : i32
    %scan3A_18 = arith.constant 0 : i32
    %scan3A_19 = arith.constant 80 : i32
    %scan3A_20 = arith.addi %scan3A_18, %scan3A_19 : i32
    %scan3A_21 = arith.constant 1 : i32
    %scan3A_22 = scf.for %scan3A_29 = %scan3A_18 to %scan3A_20 step %scan3A_21 iter_args(%scan3A_30 = %scan3A_17) -> (i32)  : i32 {
      %mul3A_31 = arith.constant 81920 : i32
      %mul3A_32 = arith.muli %arg0, %mul3A_31 : i32
      %mul3A_33 = arith.constant 5120 : i32
      %mul3A_34 = arith.muli %arg1, %mul3A_33 : i32
      %add3A = arith.addi %mul3A_32, %mul3A_34 : i32
      %mul3A_35 = arith.constant 64 : i32
      %mul3A_36 = arith.muli %scan3A_29, %mul3A_35 : i32
      %add3A_37 = arith.addi %add3A, %mul3A_36 : i32
      "tpu.region"() ({
        %run_scoped3A = tpu.sem_alloc : memref<!tpu.dma_semaphore, #tpu.memory_space<semaphore_mem>>
        %dma_start3A = tpu.memref_slice %arg2[%add3A_37] : memref<163840xi32, #tpu.memory_space<hbm>> -> memref<64xi32, #tpu.memory_space<hbm>>
        %dma_start3A_39 = tpu.memref_slice %arg2[%add3A_37] : memref<163840xi32, #tpu.memory_space<hbm>> -> memref<64xi32, #tpu.memory_space<hbm>>
        tpu.enqueue_dma source(%dma_start3A_39 : memref<64xi32, #tpu.memory_space<hbm>>) target(%arg4 : memref<64xi32, #tpu.memory_space<vmem>>) target_semaphore(%run_scoped3A : memref<!tpu.dma_semaphore, #tpu.memory_space<semaphore_mem>>)
        %dma_wait3A = tpu.memref_slice %arg2[%add3A_37] : memref<163840xi32, #tpu.memory_space<hbm>> -> memref<64xi32, #tpu.memory_space<hbm>>
        %dma_wait3A_40 = tpu.memref_slice %arg2[%add3A_37] : memref<163840xi32, #tpu.memory_space<hbm>> -> memref<64xi32, #tpu.memory_space<hbm>>
        tpu.wait_dma2 semaphore(%run_scoped3A : memref<!tpu.dma_semaphore, #tpu.memory_space<semaphore_mem>>) src(%dma_wait3A_40 : memref<64xi32, #tpu.memory_space<hbm>>) dst(%arg4 : memref<64xi32, #tpu.memory_space<vmem>>)
        tpu.yield
      }) : () -> ()
      "tpu.region"() ({
        %run_scoped3A = tpu.sem_alloc : memref<!tpu.dma_semaphore, #tpu.memory_space<semaphore_mem>>
        %dma_start3A = arith.constant 0 : i32
        %dma_start3A_39 = tpu.memref_slice %arg7[%dma_start3A] : memref<10240xf32, #tpu.memory_space<vmem_shared>> -> memref<10240xf32, #tpu.memory_space<vmem_shared>>
        tpu.enqueue_indirect_dma source(%arg5 : memref<64xf32, #tpu.memory_space<vmem>>) target(%dma_start3A_39 : memref<10240xf32, #tpu.memory_space<vmem_shared>>) offsets(%arg4 : memref<64xi32, #tpu.memory_space<vmem>>) semaphore(%run_scoped3A : memref<!tpu.dma_semaphore, #tpu.memory_space<semaphore_mem>>) {add = true}
        %dma_wait3A = arith.constant 0 : i32
        %dma_wait3A_40 = tpu.memref_slice %arg7[%dma_wait3A] : memref<10240xf32, #tpu.memory_space<vmem_shared>> -> memref<10240xf32, #tpu.memory_space<vmem_shared>>
        tpu.wait_indirect_dma semaphore(%run_scoped3A : memref<!tpu.dma_semaphore, #tpu.memory_space<semaphore_mem>>) src(%arg5 : memref<64xf32, #tpu.memory_space<vmem>>) dst(%dma_wait3A_40 : memref<10240xf32, #tpu.memory_space<vmem_shared>>)
        tpu.yield
      }) : () -> ()
      %scan3A_38 = arith.constant 0 : i32
      scf.yield %scan3A_38 : i32
    }
    %scan3A_23 = arith.constant 80 : i32
    %barrier3A_24 = arith.constant 0 : index
    tpu.barrier barrier_id(%barrier3A_24)
    %mul3A_25 = arith.constant 640 : i32
    %mul3A_26 = arith.muli %arg1, %mul3A_25 : i32
    %mul3A_27 = arith.constant 640 : i32
    %mul3A_28 = arith.muli %arg1, %mul3A_27 : i32
    "tpu.region"() ({
      %run_scoped3A = tpu.sem_alloc : memref<!tpu.dma_semaphore, #tpu.memory_space<semaphore_mem>>
      %dma_start3A = tpu.memref_slice %arg3[%arg0, %mul3A_28] : memref<2x10240xf32, #tpu.memory_space<hbm>> -> memref<1x640xf32, #tpu.memory_space<hbm>>
      %dma_start3A_29 = tpu.memref_squeeze %dma_start3A : memref<1x640xf32, #tpu.memory_space<hbm>> -> memref<640xf32, #tpu.memory_space<hbm>>
      %dma_start3A_30 = tpu.memref_slice %arg7[%mul3A_26] : memref<10240xf32, #tpu.memory_space<vmem_shared>> -> memref<640xf32, #tpu.memory_space<vmem_shared>>
      tpu.enqueue_dma source(%dma_start3A_30 : memref<640xf32, #tpu.memory_space<vmem_shared>>) target(%dma_start3A_29 : memref<640xf32, #tpu.memory_space<hbm>>) target_semaphore(%run_scoped3A : memref<!tpu.dma_semaphore, #tpu.memory_space<semaphore_mem>>)
      %dma_wait3A = tpu.memref_slice %arg3[%arg0, %mul3A_28] : memref<2x10240xf32, #tpu.memory_space<hbm>> -> memref<1x640xf32, #tpu.memory_space<hbm>>
      %dma_wait3A_31 = tpu.memref_squeeze %dma_wait3A : memref<1x640xf32, #tpu.memory_space<hbm>> -> memref<640xf32, #tpu.memory_space<hbm>>
      %dma_wait3A_32 = tpu.memref_slice %arg7[%mul3A_26] : memref<10240xf32, #tpu.memory_space<vmem_shared>> -> memref<640xf32, #tpu.memory_space<vmem_shared>>
      tpu.wait_dma2 semaphore(%run_scoped3A : memref<!tpu.dma_semaphore, #tpu.memory_space<semaphore_mem>>) src(%dma_wait3A_32 : memref<640xf32, #tpu.memory_space<vmem_shared>>) dst(%dma_wait3A_31 : memref<640xf32, #tpu.memory_space<hbm>>)
      tpu.yield
    }) : () -> ()
    return
  }
}

#map = affine_map<(d0, d1) -> (0)>
#map1 = affine_map<(d0, d1) -> (0, 0)>
module attributes {stable_mosaic.version = 14 : i64} {
  func.func @_fin_body(%arg0: i32, %arg1: i32, %arg2: memref<163840xi32, #tpu.memory_space<hbm>>, %arg3: memref<163840xi32, #tpu.memory_space<hbm>>, %arg4: memref<10000xf32, #tpu.memory_space<hbm>>, %arg5: memref<2x10240xf32, #tpu.memory_space<hbm>>, %arg6: memref<64xi32, #tpu.memory_space<vmem>>, %arg7: memref<64xi32, #tpu.memory_space<vmem>>, %arg8: memref<64xf32, #tpu.memory_space<vmem>>, %arg9: memref<640xf32, #tpu.memory_space<vmem>>, %arg10: memref<10240xf32, #tpu.memory_space<vmem_shared>>, %arg11: memref<!tpu.dma_semaphore, #tpu.memory_space<semaphore_mem>>) attributes {dimension_semantics = [#tpu.dimension_semantics<core_parallel>, #tpu.dimension_semantics<subcore_parallel>], iteration_bounds = array<i64: 2, 16>, scalar_prefetch = 0 : i64, scratch_operands = 6 : i64, tpu.core_type = #tpu.core_type<sc_vector_subcore>, window_params = [{transform_indices = #map}, {transform_indices = #map}, {transform_indices = #map}, {transform_indices = #map1}]} {
    %broadcast_in_dim3A = arith.constant 0.000000e+00 : f32
    %broadcast_in_dim3A_0 = vector.broadcast %broadcast_in_dim3A : f32 to vector<16xf32>
    %scan3A = arith.constant 0 : i32
    %scan3A_1 = arith.constant 0 : i32
    %scan3A_2 = arith.constant 40 : i32
    %scan3A_3 = arith.addi %scan3A_1, %scan3A_2 : i32
    %scan3A_4 = arith.constant 1 : i32
    %scan3A_5 = scf.for %scan3A_20 = %scan3A_1 to %scan3A_3 step %scan3A_4 iter_args(%scan3A_21 = %scan3A) -> (i32)  : i32 {
      %mul3A_22 = arith.constant 16 : i32
      %mul3A_23 = arith.muli %scan3A_20, %mul3A_22 : i32
      %swap3A = arith.index_cast %mul3A_23 : i32 to index
      %swap3A_24 = tpu.vector_load %arg9[%swap3A] {strides = array<i32>} : memref<640xf32, #tpu.memory_space<vmem>>, vector<16xf32>,
      %swap3A_25 = vector.shape_cast %swap3A_24 : vector<16xf32> to vector<16xf32>
      %swap3A_26 = vector.shape_cast %broadcast_in_dim3A_0 : vector<16xf32> to vector<16xf32>
      tpu.vector_store %arg9[%swap3A], %swap3A_26 {strides = array<i32>} : memref<640xf32, #tpu.memory_space<vmem>>, vector<16xf32>,
      %scan3A_27 = arith.constant 0 : i32
      scf.yield %scan3A_27 : i32
    }
    %scan3A_6 = arith.constant 40 : i32
    %mul3A = arith.constant 640 : i32
    %mul3A_7 = arith.muli %arg1, %mul3A : i32
    "tpu.region"() ({
      %run_scoped3A = tpu.sem_alloc : memref<!tpu.dma_semaphore, #tpu.memory_space<semaphore_mem>>
      %dma_start3A = tpu.memref_slice %arg10[%mul3A_7] : memref<10240xf32, #tpu.memory_space<vmem_shared>> -> memref<640xf32, #tpu.memory_space<vmem_shared>>
      %dma_start3A_20 = tpu.memref_slice %arg10[%mul3A_7] : memref<10240xf32, #tpu.memory_space<vmem_shared>> -> memref<640xf32, #tpu.memory_space<vmem_shared>>
      tpu.enqueue_dma source(%arg9 : memref<640xf32, #tpu.memory_space<vmem>>) target(%dma_start3A_20 : memref<640xf32, #tpu.memory_space<vmem_shared>>) target_semaphore(%run_scoped3A : memref<!tpu.dma_semaphore, #tpu.memory_space<semaphore_mem>>)
      %dma_wait3A = tpu.memref_slice %arg10[%mul3A_7] : memref<10240xf32, #tpu.memory_space<vmem_shared>> -> memref<640xf32, #tpu.memory_space<vmem_shared>>
      %dma_wait3A_21 = tpu.memref_slice %arg10[%mul3A_7] : memref<10240xf32, #tpu.memory_space<vmem_shared>> -> memref<640xf32, #tpu.memory_space<vmem_shared>>
      tpu.wait_dma2 semaphore(%run_scoped3A : memref<!tpu.dma_semaphore, #tpu.memory_space<semaphore_mem>>) src(%arg9 : memref<640xf32, #tpu.memory_space<vmem>>) dst(%dma_wait3A_21 : memref<640xf32, #tpu.memory_space<vmem_shared>>)
      tpu.yield
    }) : () -> ()
    %barrier3A = arith.constant 0 : index
    tpu.barrier barrier_id(%barrier3A)
    %scan3A_8 = arith.constant 0 : i32
    %scan3A_9 = arith.constant 0 : i32
    %scan3A_10 = arith.constant 80 : i32
    %scan3A_11 = arith.addi %scan3A_9, %scan3A_10 : i32
    %scan3A_12 = arith.constant 1 : i32
    %scan3A_13 = scf.for %scan3A_20 = %scan3A_9 to %scan3A_11 step %scan3A_12 iter_args(%scan3A_21 = %scan3A_8) -> (i32)  : i32 {
      %mul3A_22 = arith.constant 81920 : i32
      %mul3A_23 = arith.muli %arg0, %mul3A_22 : i32
      %mul3A_24 = arith.constant 5120 : i32
      %mul3A_25 = arith.muli %arg1, %mul3A_24 : i32
      %add3A = arith.addi %mul3A_23, %mul3A_25 : i32
      %mul3A_26 = arith.constant 64 : i32
      %mul3A_27 = arith.muli %scan3A_20, %mul3A_26 : i32
      %add3A_28 = arith.addi %add3A, %mul3A_27 : i32
      "tpu.region"() ({
        %run_scoped3A = tpu.sem_alloc : memref<!tpu.dma_semaphore, #tpu.memory_space<semaphore_mem>>
        %dma_start3A_32 = tpu.memref_slice %arg2[%add3A_28] : memref<163840xi32, #tpu.memory_space<hbm>> -> memref<64xi32, #tpu.memory_space<hbm>>
        %dma_start3A_33 = tpu.memref_slice %arg2[%add3A_28] : memref<163840xi32, #tpu.memory_space<hbm>> -> memref<64xi32, #tpu.memory_space<hbm>>
        tpu.enqueue_dma source(%dma_start3A_33 : memref<64xi32, #tpu.memory_space<hbm>>) target(%arg6 : memref<64xi32, #tpu.memory_space<vmem>>) target_semaphore(%run_scoped3A : memref<!tpu.dma_semaphore, #tpu.memory_space<semaphore_mem>>)
        %dma_wait3A_34 = tpu.memref_slice %arg2[%add3A_28] : memref<163840xi32, #tpu.memory_space<hbm>> -> memref<64xi32, #tpu.memory_space<hbm>>
        %dma_wait3A_35 = tpu.memref_slice %arg2[%add3A_28] : memref<163840xi32, #tpu.memory_space<hbm>> -> memref<64xi32, #tpu.memory_space<hbm>>
        tpu.wait_dma2 semaphore(%run_scoped3A : memref<!tpu.dma_semaphore, #tpu.memory_space<semaphore_mem>>) src(%dma_wait3A_35 : memref<64xi32, #tpu.memory_space<hbm>>) dst(%arg6 : memref<64xi32, #tpu.memory_space<vmem>>)
        tpu.yield
      }) : () -> ()
      "tpu.region"() ({
        %run_scoped3A = tpu.sem_alloc : memref<!tpu.dma_semaphore, #tpu.memory_space<semaphore_mem>>
        %dma_start3A_32 = tpu.memref_slice %arg3[%add3A_28] : memref<163840xi32, #tpu.memory_space<hbm>> -> memref<64xi32, #tpu.memory_space<hbm>>
        %dma_start3A_33 = tpu.memref_slice %arg3[%add3A_28] : memref<163840xi32, #tpu.memory_space<hbm>> -> memref<64xi32, #tpu.memory_space<hbm>>
        tpu.enqueue_dma source(%dma_start3A_33 : memref<64xi32, #tpu.memory_space<hbm>>) target(%arg7 : memref<64xi32, #tpu.memory_space<vmem>>) target_semaphore(%run_scoped3A : memref<!tpu.dma_semaphore, #tpu.memory_space<semaphore_mem>>)
        %dma_wait3A_34 = tpu.memref_slice %arg3[%add3A_28] : memref<163840xi32, #tpu.memory_space<hbm>> -> memref<64xi32, #tpu.memory_space<hbm>>
        %dma_wait3A_35 = tpu.memref_slice %arg3[%add3A_28] : memref<163840xi32, #tpu.memory_space<hbm>> -> memref<64xi32, #tpu.memory_space<hbm>>
        tpu.wait_dma2 semaphore(%run_scoped3A : memref<!tpu.dma_semaphore, #tpu.memory_space<semaphore_mem>>) src(%dma_wait3A_35 : memref<64xi32, #tpu.memory_space<hbm>>) dst(%arg7 : memref<64xi32, #tpu.memory_space<vmem>>)
        tpu.yield
      }) : () -> ()
      %dma_start3A = arith.constant 0 : i32
      %dma_start3A_29 = tpu.memref_slice %arg4[%dma_start3A] : memref<10000xf32, #tpu.memory_space<hbm>> -> memref<10000xf32, #tpu.memory_space<hbm>>
      tpu.enqueue_indirect_dma source(%dma_start3A_29 : memref<10000xf32, #tpu.memory_space<hbm>>) target(%arg8 : memref<64xf32, #tpu.memory_space<vmem>>) offsets(%arg6 : memref<64xi32, #tpu.memory_space<vmem>>) semaphore(%arg11 : memref<!tpu.dma_semaphore, #tpu.memory_space<semaphore_mem>>)
      %dma_wait3A = arith.constant 0 : i32
      %dma_wait3A_30 = tpu.memref_slice %arg4[%dma_wait3A] : memref<10000xf32, #tpu.memory_space<hbm>> -> memref<10000xf32, #tpu.memory_space<hbm>>
      tpu.wait_indirect_dma semaphore(%arg11 : memref<!tpu.dma_semaphore, #tpu.memory_space<semaphore_mem>>) src(%dma_wait3A_30 : memref<10000xf32, #tpu.memory_space<hbm>>) dst(%arg8 : memref<64xf32, #tpu.memory_space<vmem>>)
      "tpu.region"() ({
        %run_scoped3A = tpu.sem_alloc : memref<!tpu.dma_semaphore, #tpu.memory_space<semaphore_mem>>
        %dma_start3A_32 = arith.constant 0 : i32
        %dma_start3A_33 = tpu.memref_slice %arg10[%dma_start3A_32] : memref<10240xf32, #tpu.memory_space<vmem_shared>> -> memref<10240xf32, #tpu.memory_space<vmem_shared>>
        tpu.enqueue_indirect_dma source(%arg8 : memref<64xf32, #tpu.memory_space<vmem>>) target(%dma_start3A_33 : memref<10240xf32, #tpu.memory_space<vmem_shared>>) offsets(%arg7 : memref<64xi32, #tpu.memory_space<vmem>>) semaphore(%run_scoped3A : memref<!tpu.dma_semaphore, #tpu.memory_space<semaphore_mem>>) {add = true}
        %dma_wait3A_34 = arith.constant 0 : i32
        %dma_wait3A_35 = tpu.memref_slice %arg10[%dma_wait3A_34] : memref<10240xf32, #tpu.memory_space<vmem_shared>> -> memref<10240xf32, #tpu.memory_space<vmem_shared>>
        tpu.wait_indirect_dma semaphore(%run_scoped3A : memref<!tpu.dma_semaphore, #tpu.memory_space<semaphore_mem>>) src(%arg8 : memref<64xf32, #tpu.memory_space<vmem>>) dst(%dma_wait3A_35 : memref<10240xf32, #tpu.memory_space<vmem_shared>>)
        tpu.yield
      }) : () -> ()
      %scan3A_31 = arith.constant 0 : i32
      scf.yield %scan3A_31 : i32
    }
    %scan3A_14 = arith.constant 80 : i32
    %barrier3A_15 = arith.constant 0 : index
    tpu.barrier barrier_id(%barrier3A_15)
    %mul3A_16 = arith.constant 640 : i32
    %mul3A_17 = arith.muli %arg1, %mul3A_16 : i32
    %mul3A_18 = arith.constant 640 : i32
    %mul3A_19 = arith.muli %arg1, %mul3A_18 : i32
    "tpu.region"() ({
      %run_scoped3A = tpu.sem_alloc : memref<!tpu.dma_semaphore, #tpu.memory_space<semaphore_mem>>
      %dma_start3A = tpu.memref_slice %arg5[%arg0, %mul3A_19] : memref<2x10240xf32, #tpu.memory_space<hbm>> -> memref<1x640xf32, #tpu.memory_space<hbm>>
      %dma_start3A_20 = tpu.memref_squeeze %dma_start3A : memref<1x640xf32, #tpu.memory_space<hbm>> -> memref<640xf32, #tpu.memory_space<hbm>>
      %dma_start3A_21 = tpu.memref_slice %arg10[%mul3A_17] : memref<10240xf32, #tpu.memory_space<vmem_shared>> -> memref<640xf32, #tpu.memory_space<vmem_shared>>
      tpu.enqueue_dma source(%dma_start3A_21 : memref<640xf32, #tpu.memory_space<vmem_shared>>) target(%dma_start3A_20 : memref<640xf32, #tpu.memory_space<hbm>>) target_semaphore(%run_scoped3A : memref<!tpu.dma_semaphore, #tpu.memory_space<semaphore_mem>>)
      %dma_wait3A = tpu.memref_slice %arg5[%arg0, %mul3A_19] : memref<2x10240xf32, #tpu.memory_space<hbm>> -> memref<1x640xf32, #tpu.memory_space<hbm>>
      %dma_wait3A_22 = tpu.memref_squeeze %dma_wait3A : memref<1x640xf32, #tpu.memory_space<hbm>> -> memref<640xf32, #tpu.memory_space<hbm>>
      %dma_wait3A_23 = tpu.memref_slice %arg10[%mul3A_17] : memref<10240xf32, #tpu.memory_space<vmem_shared>> -> memref<640xf32, #tpu.memory_space<vmem_shared>>
      tpu.wait_dma2 semaphore(%run_scoped3A : memref<!tpu.dma_semaphore, #tpu.memory_space<semaphore_mem>>) src(%dma_wait3A_23 : memref<640xf32, #tpu.memory_space<vmem_shared>>) dst(%dma_wait3A_22 : memref<640xf32, #tpu.memory_space<hbm>>)
      tpu.yield
    }) : () -> ()
    return
  }
}

#map = affine_map<(d0, d1) -> (0)>
#map1 = affine_map<(d0, d1) -> (0, 0)>
#map2 = affine_map<(d0, d1) -> (0, 0, 0)>
module attributes {stable_mosaic.version = 14 : i64} {
  func.func @_agg_body(%arg0: i32, %arg1: i32, %arg2: memref<163840xi32, #tpu.memory_space<hbm>>, %arg3: memref<163840xi32, #tpu.memory_space<hbm>>, %arg4: memref<10000x256xf32, #tpu.memory_space<hbm>>, %arg5: memref<2x2x1310720xf32, #tpu.memory_space<hbm>>, %arg6: memref<16xi32, #tpu.memory_space<vmem>>, %arg7: memref<16xi32, #tpu.memory_space<vmem>>, %arg8: memref<16x128xi32, #tpu.memory_space<vmem>>, %arg9: memref<16x256xf32, #tpu.memory_space<vmem>>, %arg10: memref<5120xf32, #tpu.memory_space<vmem>>, %arg11: memref<1310720xf32, #tpu.memory_space<vmem_shared>>, %arg12: memref<!tpu.dma_semaphore, #tpu.memory_space<semaphore_mem>>, %arg13: memref<!tpu.dma_semaphore, #tpu.memory_space<semaphore_mem>>) attributes {dimension_semantics = [#tpu.dimension_semantics<core_parallel>, #tpu.dimension_semantics<subcore_parallel>], iteration_bounds = array<i64: 2, 16>, scalar_prefetch = 0 : i64, scratch_operands = 8 : i64, tpu.core_type = #tpu.core_type<sc_vector_subcore>, window_params = [{transform_indices = #map}, {transform_indices = #map}, {transform_indices = #map1}, {transform_indices = #map2}]} {
    %iota3A = tpu.iota {dimensions = array<i32: 0>} : vector<16xi32>
    %add3A = arith.constant 0 : i32
    %add3A_0 = vector.broadcast %add3A : i32 to vector<16xi32>
    %add3A_1 = arith.addi %iota3A, %add3A_0 : vector<16xi32>
    %iota3A_2 = tpu.iota {dimensions = array<i32: 0>} : vector<16xi32>
    %add3A_3 = arith.constant 16 : i32
    %add3A_4 = vector.broadcast %add3A_3 : i32 to vector<16xi32>
    %add3A_5 = arith.addi %iota3A_2, %add3A_4 : vector<16xi32>
    %iota3A_6 = tpu.iota {dimensions = array<i32: 0>} : vector<16xi32>
    %add3A_7 = arith.constant 32 : i32
    %add3A_8 = vector.broadcast %add3A_7 : i32 to vector<16xi32>
    %add3A_9 = arith.addi %iota3A_6, %add3A_8 : vector<16xi32>
    %iota3A_10 = tpu.iota {dimensions = array<i32: 0>} : vector<16xi32>
    %add3A_11 = arith.constant 48 : i32
    %add3A_12 = vector.broadcast %add3A_11 : i32 to vector<16xi32>
    %add3A_13 = arith.addi %iota3A_10, %add3A_12 : vector<16xi32>
    %iota3A_14 = tpu.iota {dimensions = array<i32: 0>} : vector<16xi32>
    %add3A_15 = arith.constant 64 : i32
    %add3A_16 = vector.broadcast %add3A_15 : i32 to vector<16xi32>
    %add3A_17 = arith.addi %iota3A_14, %add3A_16 : vector<16xi32>
    %iota3A_18 = tpu.iota {dimensions = array<i32: 0>} : vector<16xi32>
    %add3A_19 = arith.constant 80 : i32
    %add3A_20 = vector.broadcast %add3A_19 : i32 to vector<16xi32>
    %add3A_21 = arith.addi %iota3A_18, %add3A_20 : vector<16xi32>
    %iota3A_22 = tpu.iota {dimensions = array<i32: 0>} : vector<16xi32>
    %add3A_23 = arith.constant 96 : i32
    %add3A_24 = vector.broadcast %add3A_23 : i32 to vector<16xi32>
    %add3A_25 = arith.addi %iota3A_22, %add3A_24 : vector<16xi32>
    %iota3A_26 = tpu.iota {dimensions = array<i32: 0>} : vector<16xi32>
    %add3A_27 = arith.constant 112 : i32
    %add3A_28 = vector.broadcast %add3A_27 : i32 to vector<16xi32>
    %add3A_29 = arith.addi %iota3A_26, %add3A_28 : vector<16xi32>
    %broadcast_in_dim3A = arith.constant 0.000000e+00 : f32
    %broadcast_in_dim3A_30 = vector.broadcast %broadcast_in_dim3A : f32 to vector<16xf32>
    %scan3A = arith.constant 0 : i32
    %scan3A_31 = arith.constant 0 : i32
    %scan3A_32 = arith.constant 320 : i32
    %scan3A_33 = arith.addi %scan3A_31, %scan3A_32 : i32
    %scan3A_34 = arith.constant 1 : i32
    %scan3A_35 = scf.for %scan3A_191 = %scan3A_31 to %scan3A_33 step %scan3A_34 iter_args(%scan3A_192 = %scan3A) -> (i32)  : i32 {
      %mul3A_193 = arith.constant 16 : i32
      %mul3A_194 = arith.muli %scan3A_191, %mul3A_193 : i32
      %swap3A = arith.index_cast %mul3A_194 : i32 to index
      %swap3A_195 = tpu.vector_load %arg10[%swap3A] {strides = array<i32>} : memref<5120xf32, #tpu.memory_space<vmem>>, vector<16xf32>,
      %swap3A_196 = vector.shape_cast %swap3A_195 : vector<16xf32> to vector<16xf32>
      %swap3A_197 = vector.shape_cast %broadcast_in_dim3A_30 : vector<16xf32> to vector<16xf32>
      tpu.vector_store %arg10[%swap3A], %swap3A_197 {strides = array<i32>} : memref<5120xf32, #tpu.memory_space<vmem>>, vector<16xf32>,
      %scan3A_198 = arith.constant 0 : i32
      scf.yield %scan3A_198 : i32
    }
    %scan3A_36 = arith.constant 320 : i32
    %mul3A = arith.constant 81920 : i32
    %mul3A_37 = arith.muli %arg1, %mul3A : i32
    %add3A_38 = arith.constant 0 : i32
    %add3A_39 = arith.addi %mul3A_37, %add3A_38 : i32
    "tpu.region"() ({
      %run_scoped3A_191 = tpu.sem_alloc : memref<!tpu.dma_semaphore, #tpu.memory_space<semaphore_mem>>
      %dma_start3A = tpu.memref_slice %arg11[%add3A_39] : memref<1310720xf32, #tpu.memory_space<vmem_shared>> -> memref<5120xf32, #tpu.memory_space<vmem_shared>>
      %dma_start3A_192 = tpu.memref_slice %arg11[%add3A_39] : memref<1310720xf32, #tpu.memory_space<vmem_shared>> -> memref<5120xf32, #tpu.memory_space<vmem_shared>>
      tpu.enqueue_dma source(%arg10 : memref<5120xf32, #tpu.memory_space<vmem>>) target(%dma_start3A_192 : memref<5120xf32, #tpu.memory_space<vmem_shared>>) target_semaphore(%run_scoped3A_191 : memref<!tpu.dma_semaphore, #tpu.memory_space<semaphore_mem>>)
      %dma_wait3A = tpu.memref_slice %arg11[%add3A_39] : memref<1310720xf32, #tpu.memory_space<vmem_shared>> -> memref<5120xf32, #tpu.memory_space<vmem_shared>>
      %dma_wait3A_193 = tpu.memref_slice %arg11[%add3A_39] : memref<1310720xf32, #tpu.memory_space<vmem_shared>> -> memref<5120xf32, #tpu.memory_space<vmem_shared>>
      tpu.wait_dma2 semaphore(%run_scoped3A_191 : memref<!tpu.dma_semaphore, #tpu.memory_space<semaphore_mem>>) src(%arg10 : memref<5120xf32, #tpu.memory_space<vmem>>) dst(%dma_wait3A_193 : memref<5120xf32, #tpu.memory_space<vmem_shared>>)
      tpu.yield
    }) : () -> ()
    %mul3A_40 = arith.constant 81920 : i32
    %mul3A_41 = arith.muli %arg1, %mul3A_40 : i32
    %add3A_42 = arith.constant 5120 : i32
    %add3A_43 = arith.addi %mul3A_41, %add3A_42 : i32
    "tpu.region"() ({
      %run_scoped3A_191 = tpu.sem_alloc : memref<!tpu.dma_semaphore, #tpu.memory_space<semaphore_mem>>
      %dma_start3A = tpu.memref_slice %arg11[%add3A_43] : memref<1310720xf32, #tpu.memory_space<vmem_shared>> -> memref<5120xf32, #tpu.memory_space<vmem_shared>>
      %dma_start3A_192 = tpu.memref_slice %arg11[%add3A_43] : memref<1310720xf32, #tpu.memory_space<vmem_shared>> -> memref<5120xf32, #tpu.memory_space<vmem_shared>>
      tpu.enqueue_dma source(%arg10 : memref<5120xf32, #tpu.memory_space<vmem>>) target(%dma_start3A_192 : memref<5120xf32, #tpu.memory_space<vmem_shared>>) target_semaphore(%run_scoped3A_191 : memref<!tpu.dma_semaphore, #tpu.memory_space<semaphore_mem>>)
      %dma_wait3A = tpu.memref_slice %arg11[%add3A_43] : memref<1310720xf32, #tpu.memory_space<vmem_shared>> -> memref<5120xf32, #tpu.memory_space<vmem_shared>>
      %dma_wait3A_193 = tpu.memref_slice %arg11[%add3A_43] : memref<1310720xf32, #tpu.memory_space<vmem_shared>> -> memref<5120xf32, #tpu.memory_space<vmem_shared>>
      tpu.wait_dma2 semaphore(%run_scoped3A_191 : memref<!tpu.dma_semaphore, #tpu.memory_space<semaphore_mem>>) src(%arg10 : memref<5120xf32, #tpu.memory_space<vmem>>) dst(%dma_wait3A_193 : memref<5120xf32, #tpu.memory_space<vmem_shared>>)
      tpu.yield
    }) : () -> ()
    %mul3A_44 = arith.constant 81920 : i32
    %mul3A_45 = arith.muli %arg1, %mul3A_44 : i32
    %add3A_46 = arith.constant 10240 : i32
    %add3A_47 = arith.addi %mul3A_45, %add3A_46 : i32
    "tpu.region"() ({
      %run_scoped3A_191 = tpu.sem_alloc : memref<!tpu.dma_semaphore, #tpu.memory_space<semaphore_mem>>
      %dma_start3A = tpu.memref_slice %arg11[%add3A_47] : memref<1310720xf32, #tpu.memory_space<vmem_shared>> -> memref<5120xf32, #tpu.memory_space<vmem_shared>>
      %dma_start3A_192 = tpu.memref_slice %arg11[%add3A_47] : memref<1310720xf32, #tpu.memory_space<vmem_shared>> -> memref<5120xf32, #tpu.memory_space<vmem_shared>>
      tpu.enqueue_dma source(%arg10 : memref<5120xf32, #tpu.memory_space<vmem>>) target(%dma_start3A_192 : memref<5120xf32, #tpu.memory_space<vmem_shared>>) target_semaphore(%run_scoped3A_191 : memref<!tpu.dma_semaphore, #tpu.memory_space<semaphore_mem>>)
      %dma_wait3A = tpu.memref_slice %arg11[%add3A_47] : memref<1310720xf32, #tpu.memory_space<vmem_shared>> -> memref<5120xf32, #tpu.memory_space<vmem_shared>>
      %dma_wait3A_193 = tpu.memref_slice %arg11[%add3A_47] : memref<1310720xf32, #tpu.memory_space<vmem_shared>> -> memref<5120xf32, #tpu.memory_space<vmem_shared>>
      tpu.wait_dma2 semaphore(%run_scoped3A_191 : memref<!tpu.dma_semaphore, #tpu.memory_space<semaphore_mem>>) src(%arg10 : memref<5120xf32, #tpu.memory_space<vmem>>) dst(%dma_wait3A_193 : memref<5120xf32, #tpu.memory_space<vmem_shared>>)
      tpu.yield
    }) : () -> ()
    %mul3A_48 = arith.constant 81920 : i32
    %mul3A_49 = arith.muli %arg1, %mul3A_48 : i32
    %add3A_50 = arith.constant 15360 : i32
    %add3A_51 = arith.addi %mul3A_49, %add3A_50 : i32
    "tpu.region"() ({
      %run_scoped3A_191 = tpu.sem_alloc : memref<!tpu.dma_semaphore, #tpu.memory_space<semaphore_mem>>
      %dma_start3A = tpu.memref_slice %arg11[%add3A_51] : memref<1310720xf32, #tpu.memory_space<vmem_shared>> -> memref<5120xf32, #tpu.memory_space<vmem_shared>>
      %dma_start3A_192 = tpu.memref_slice %arg11[%add3A_51] : memref<1310720xf32, #tpu.memory_space<vmem_shared>> -> memref<5120xf32, #tpu.memory_space<vmem_shared>>
      tpu.enqueue_dma source(%arg10 : memref<5120xf32, #tpu.memory_space<vmem>>) target(%dma_start3A_192 : memref<5120xf32, #tpu.memory_space<vmem_shared>>) target_semaphore(%run_scoped3A_191 : memref<!tpu.dma_semaphore, #tpu.memory_space<semaphore_mem>>)
      %dma_wait3A = tpu.memref_slice %arg11[%add3A_51] : memref<1310720xf32, #tpu.memory_space<vmem_shared>> -> memref<5120xf32, #tpu.memory_space<vmem_shared>>
      %dma_wait3A_193 = tpu.memref_slice %arg11[%add3A_51] : memref<1310720xf32, #tpu.memory_space<vmem_shared>> -> memref<5120xf32, #tpu.memory_space<vmem_shared>>
      tpu.wait_dma2 semaphore(%run_scoped3A_191 : memref<!tpu.dma_semaphore, #tpu.memory_space<semaphore_mem>>) src(%arg10 : memref<5120xf32, #tpu.memory_space<vmem>>) dst(%dma_wait3A_193 : memref<5120xf32, #tpu.memory_space<vmem_shared>>)
      tpu.yield
    }) : () -> ()
    %mul3A_52 = arith.constant 81920 : i32
    %mul3A_53 = arith.muli %arg1, %mul3A_52 : i32
    %add3A_54 = arith.constant 20480 : i32
    %add3A_55 = arith.addi %mul3A_53, %add3A_54 : i32
    "tpu.region"() ({
      %run_scoped3A_191 = tpu.sem_alloc : memref<!tpu.dma_semaphore, #tpu.memory_space<semaphore_mem>>
      %dma_start3A = tpu.memref_slice %arg11[%add3A_55] : memref<1310720xf32, #tpu.memory_space<vmem_shared>> -> memref<5120xf32, #tpu.memory_space<vmem_shared>>
      %dma_start3A_192 = tpu.memref_slice %arg11[%add3A_55] : memref<1310720xf32, #tpu.memory_space<vmem_shared>> -> memref<5120xf32, #tpu.memory_space<vmem_shared>>
      tpu.enqueue_dma source(%arg10 : memref<5120xf32, #tpu.memory_space<vmem>>) target(%dma_start3A_192 : memref<5120xf32, #tpu.memory_space<vmem_shared>>) target_semaphore(%run_scoped3A_191 : memref<!tpu.dma_semaphore, #tpu.memory_space<semaphore_mem>>)
      %dma_wait3A = tpu.memref_slice %arg11[%add3A_55] : memref<1310720xf32, #tpu.memory_space<vmem_shared>> -> memref<5120xf32, #tpu.memory_space<vmem_shared>>
      %dma_wait3A_193 = tpu.memref_slice %arg11[%add3A_55] : memref<1310720xf32, #tpu.memory_space<vmem_shared>> -> memref<5120xf32, #tpu.memory_space<vmem_shared>>
      tpu.wait_dma2 semaphore(%run_scoped3A_191 : memref<!tpu.dma_semaphore, #tpu.memory_space<semaphore_mem>>) src(%arg10 : memref<5120xf32, #tpu.memory_space<vmem>>) dst(%dma_wait3A_193 : memref<5120xf32, #tpu.memory_space<vmem_shared>>)
      tpu.yield
    }) : () -> ()
    %mul3A_56 = arith.constant 81920 : i32
    %mul3A_57 = arith.muli %arg1, %mul3A_56 : i32
    %add3A_58 = arith.constant 25600 : i32
    %add3A_59 = arith.addi %mul3A_57, %add3A_58 : i32
    "tpu.region"() ({
      %run_scoped3A_191 = tpu.sem_alloc : memref<!tpu.dma_semaphore, #tpu.memory_space<semaphore_mem>>
      %dma_start3A = tpu.memref_slice %arg11[%add3A_59] : memref<1310720xf32, #tpu.memory_space<vmem_shared>> -> memref<5120xf32, #tpu.memory_space<vmem_shared>>
      %dma_start3A_192 = tpu.memref_slice %arg11[%add3A_59] : memref<1310720xf32, #tpu.memory_space<vmem_shared>> -> memref<5120xf32, #tpu.memory_space<vmem_shared>>
      tpu.enqueue_dma source(%arg10 : memref<5120xf32, #tpu.memory_space<vmem>>) target(%dma_start3A_192 : memref<5120xf32, #tpu.memory_space<vmem_shared>>) target_semaphore(%run_scoped3A_191 : memref<!tpu.dma_semaphore, #tpu.memory_space<semaphore_mem>>)
      %dma_wait3A = tpu.memref_slice %arg11[%add3A_59] : memref<1310720xf32, #tpu.memory_space<vmem_shared>> -> memref<5120xf32, #tpu.memory_space<vmem_shared>>
      %dma_wait3A_193 = tpu.memref_slice %arg11[%add3A_59] : memref<1310720xf32, #tpu.memory_space<vmem_shared>> -> memref<5120xf32, #tpu.memory_space<vmem_shared>>
      tpu.wait_dma2 semaphore(%run_scoped3A_191 : memref<!tpu.dma_semaphore, #tpu.memory_space<semaphore_mem>>) src(%arg10 : memref<5120xf32, #tpu.memory_space<vmem>>) dst(%dma_wait3A_193 : memref<5120xf32, #tpu.memory_space<vmem_shared>>)
      tpu.yield
    }) : () -> ()
    %mul3A_60 = arith.constant 81920 : i32
    %mul3A_61 = arith.muli %arg1, %mul3A_60 : i32
    %add3A_62 = arith.constant 30720 : i32
    %add3A_63 = arith.addi %mul3A_61, %add3A_62 : i32
    "tpu.region"() ({
      %run_scoped3A_191 = tpu.sem_alloc : memref<!tpu.dma_semaphore, #tpu.memory_space<semaphore_mem>>
      %dma_start3A = tpu.memref_slice %arg11[%add3A_63] : memref<1310720xf32, #tpu.memory_space<vmem_shared>> -> memref<5120xf32, #tpu.memory_space<vmem_shared>>
      %dma_start3A_192 = tpu.memref_slice %arg11[%add3A_63] : memref<1310720xf32, #tpu.memory_space<vmem_shared>> -> memref<5120xf32, #tpu.memory_space<vmem_shared>>
      tpu.enqueue_dma source(%arg10 : memref<5120xf32, #tpu.memory_space<vmem>>) target(%dma_start3A_192 : memref<5120xf32, #tpu.memory_space<vmem_shared>>) target_semaphore(%run_scoped3A_191 : memref<!tpu.dma_semaphore, #tpu.memory_space<semaphore_mem>>)
      %dma_wait3A = tpu.memref_slice %arg11[%add3A_63] : memref<1310720xf32, #tpu.memory_space<vmem_shared>> -> memref<5120xf32, #tpu.memory_space<vmem_shared>>
      %dma_wait3A_193 = tpu.memref_slice %arg11[%add3A_63] : memref<1310720xf32, #tpu.memory_space<vmem_shared>> -> memref<5120xf32, #tpu.memory_space<vmem_shared>>
      tpu.wait_dma2 semaphore(%run_scoped3A_191 : memref<!tpu.dma_semaphore, #tpu.memory_space<semaphore_mem>>) src(%arg10 : memref<5120xf32, #tpu.memory_space<vmem>>) dst(%dma_wait3A_193 : memref<5120xf32, #tpu.memory_space<vmem_shared>>)
      tpu.yield
    }) : () -> ()
    %mul3A_64 = arith.constant 81920 : i32
    %mul3A_65 = arith.muli %arg1, %mul3A_64 : i32
    %add3A_66 = arith.constant 35840 : i32
    %add3A_67 = arith.addi %mul3A_65, %add3A_66 : i32
    "tpu.region"() ({
      %run_scoped3A_191 = tpu.sem_alloc : memref<!tpu.dma_semaphore, #tpu.memory_space<semaphore_mem>>
      %dma_start3A = tpu.memref_slice %arg11[%add3A_67] : memref<1310720xf32, #tpu.memory_space<vmem_shared>> -> memref<5120xf32, #tpu.memory_space<vmem_shared>>
      %dma_start3A_192 = tpu.memref_slice %arg11[%add3A_67] : memref<1310720xf32, #tpu.memory_space<vmem_shared>> -> memref<5120xf32, #tpu.memory_space<vmem_shared>>
      tpu.enqueue_dma source(%arg10 : memref<5120xf32, #tpu.memory_space<vmem>>) target(%dma_start3A_192 : memref<5120xf32, #tpu.memory_space<vmem_shared>>) target_semaphore(%run_scoped3A_191 : memref<!tpu.dma_semaphore, #tpu.memory_space<semaphore_mem>>)
      %dma_wait3A = tpu.memref_slice %arg11[%add3A_67] : memref<1310720xf32, #tpu.memory_space<vmem_shared>> -> memref<5120xf32, #tpu.memory_space<vmem_shared>>
      %dma_wait3A_193 = tpu.memref_slice %arg11[%add3A_67] : memref<1310720xf32, #tpu.memory_space<vmem_shared>> -> memref<5120xf32, #tpu.memory_space<vmem_shared>>
      tpu.wait_dma2 semaphore(%run_scoped3A_191 : memref<!tpu.dma_semaphore, #tpu.memory_space<semaphore_mem>>) src(%arg10 : memref<5120xf32, #tpu.memory_space<vmem>>) dst(%dma_wait3A_193 : memref<5120xf32, #tpu.memory_space<vmem_shared>>)
      tpu.yield
    }) : () -> ()
    %mul3A_68 = arith.constant 81920 : i32
    %mul3A_69 = arith.muli %arg1, %mul3A_68 : i32
    %add3A_70 = arith.constant 40960 : i32
    %add3A_71 = arith.addi %mul3A_69, %add3A_70 : i32
    "tpu.region"() ({
      %run_scoped3A_191 = tpu.sem_alloc : memref<!tpu.dma_semaphore, #tpu.memory_space<semaphore_mem>>
      %dma_start3A = tpu.memref_slice %arg11[%add3A_71] : memref<1310720xf32, #tpu.memory_space<vmem_shared>> -> memref<5120xf32, #tpu.memory_space<vmem_shared>>
      %dma_start3A_192 = tpu.memref_slice %arg11[%add3A_71] : memref<1310720xf32, #tpu.memory_space<vmem_shared>> -> memref<5120xf32, #tpu.memory_space<vmem_shared>>
      tpu.enqueue_dma source(%arg10 : memref<5120xf32, #tpu.memory_space<vmem>>) target(%dma_start3A_192 : memref<5120xf32, #tpu.memory_space<vmem_shared>>) target_semaphore(%run_scoped3A_191 : memref<!tpu.dma_semaphore, #tpu.memory_space<semaphore_mem>>)
      %dma_wait3A = tpu.memref_slice %arg11[%add3A_71] : memref<1310720xf32, #tpu.memory_space<vmem_shared>> -> memref<5120xf32, #tpu.memory_space<vmem_shared>>
      %dma_wait3A_193 = tpu.memref_slice %arg11[%add3A_71] : memref<1310720xf32, #tpu.memory_space<vmem_shared>> -> memref<5120xf32, #tpu.memory_space<vmem_shared>>
      tpu.wait_dma2 semaphore(%run_scoped3A_191 : memref<!tpu.dma_semaphore, #tpu.memory_space<semaphore_mem>>) src(%arg10 : memref<5120xf32, #tpu.memory_space<vmem>>) dst(%dma_wait3A_193 : memref<5120xf32, #tpu.memory_space<vmem_shared>>)
      tpu.yield
    }) : () -> ()
    %mul3A_72 = arith.constant 81920 : i32
    %mul3A_73 = arith.muli %arg1, %mul3A_72 : i32
    %add3A_74 = arith.constant 46080 : i32
    %add3A_75 = arith.addi %mul3A_73, %add3A_74 : i32
    "tpu.region"() ({
      %run_scoped3A_191 = tpu.sem_alloc : memref<!tpu.dma_semaphore, #tpu.memory_space<semaphore_mem>>
      %dma_start3A = tpu.memref_slice %arg11[%add3A_75] : memref<1310720xf32, #tpu.memory_space<vmem_shared>> -> memref<5120xf32, #tpu.memory_space<vmem_shared>>
      %dma_start3A_192 = tpu.memref_slice %arg11[%add3A_75] : memref<1310720xf32, #tpu.memory_space<vmem_shared>> -> memref<5120xf32, #tpu.memory_space<vmem_shared>>
      tpu.enqueue_dma source(%arg10 : memref<5120xf32, #tpu.memory_space<vmem>>) target(%dma_start3A_192 : memref<5120xf32, #tpu.memory_space<vmem_shared>>) target_semaphore(%run_scoped3A_191 : memref<!tpu.dma_semaphore, #tpu.memory_space<semaphore_mem>>)
      %dma_wait3A = tpu.memref_slice %arg11[%add3A_75] : memref<1310720xf32, #tpu.memory_space<vmem_shared>> -> memref<5120xf32, #tpu.memory_space<vmem_shared>>
      %dma_wait3A_193 = tpu.memref_slice %arg11[%add3A_75] : memref<1310720xf32, #tpu.memory_space<vmem_shared>> -> memref<5120xf32, #tpu.memory_space<vmem_shared>>
      tpu.wait_dma2 semaphore(%run_scoped3A_191 : memref<!tpu.dma_semaphore, #tpu.memory_space<semaphore_mem>>) src(%arg10 : memref<5120xf32, #tpu.memory_space<vmem>>) dst(%dma_wait3A_193 : memref<5120xf32, #tpu.memory_space<vmem_shared>>)
      tpu.yield
    }) : () -> ()
    %mul3A_76 = arith.constant 81920 : i32
    %mul3A_77 = arith.muli %arg1, %mul3A_76 : i32
    %add3A_78 = arith.constant 51200 : i32
    %add3A_79 = arith.addi %mul3A_77, %add3A_78 : i32
    "tpu.region"() ({
      %run_scoped3A_191 = tpu.sem_alloc : memref<!tpu.dma_semaphore, #tpu.memory_space<semaphore_mem>>
      %dma_start3A = tpu.memref_slice %arg11[%add3A_79] : memref<1310720xf32, #tpu.memory_space<vmem_shared>> -> memref<5120xf32, #tpu.memory_space<vmem_shared>>
      %dma_start3A_192 = tpu.memref_slice %arg11[%add3A_79] : memref<1310720xf32, #tpu.memory_space<vmem_shared>> -> memref<5120xf32, #tpu.memory_space<vmem_shared>>
      tpu.enqueue_dma source(%arg10 : memref<5120xf32, #tpu.memory_space<vmem>>) target(%dma_start3A_192 : memref<5120xf32, #tpu.memory_space<vmem_shared>>) target_semaphore(%run_scoped3A_191 : memref<!tpu.dma_semaphore, #tpu.memory_space<semaphore_mem>>)
      %dma_wait3A = tpu.memref_slice %arg11[%add3A_79] : memref<1310720xf32, #tpu.memory_space<vmem_shared>> -> memref<5120xf32, #tpu.memory_space<vmem_shared>>
      %dma_wait3A_193 = tpu.memref_slice %arg11[%add3A_79] : memref<1310720xf32, #tpu.memory_space<vmem_shared>> -> memref<5120xf32, #tpu.memory_space<vmem_shared>>
      tpu.wait_dma2 semaphore(%run_scoped3A_191 : memref<!tpu.dma_semaphore, #tpu.memory_space<semaphore_mem>>) src(%arg10 : memref<5120xf32, #tpu.memory_space<vmem>>) dst(%dma_wait3A_193 : memref<5120xf32, #tpu.memory_space<vmem_shared>>)
      tpu.yield
    }) : () -> ()
    %mul3A_80 = arith.constant 81920 : i32
    %mul3A_81 = arith.muli %arg1, %mul3A_80 : i32
    %add3A_82 = arith.constant 56320 : i32
    %add3A_83 = arith.addi %mul3A_81, %add3A_82 : i32
    "tpu.region"() ({
      %run_scoped3A_191 = tpu.sem_alloc : memref<!tpu.dma_semaphore, #tpu.memory_space<semaphore_mem>>
      %dma_start3A = tpu.memref_slice %arg11[%add3A_83] : memref<1310720xf32, #tpu.memory_space<vmem_shared>> -> memref<5120xf32, #tpu.memory_space<vmem_shared>>
      %dma_start3A_192 = tpu.memref_slice %arg11[%add3A_83] : memref<1310720xf32, #tpu.memory_space<vmem_shared>> -> memref<5120xf32, #tpu.memory_space<vmem_shared>>
      tpu.enqueue_dma source(%arg10 : memref<5120xf32, #tpu.memory_space<vmem>>) target(%dma_start3A_192 : memref<5120xf32, #tpu.memory_space<vmem_shared>>) target_semaphore(%run_scoped3A_191 : memref<!tpu.dma_semaphore, #tpu.memory_space<semaphore_mem>>)
      %dma_wait3A = tpu.memref_slice %arg11[%add3A_83] : memref<1310720xf32, #tpu.memory_space<vmem_shared>> -> memref<5120xf32, #tpu.memory_space<vmem_shared>>
      %dma_wait3A_193 = tpu.memref_slice %arg11[%add3A_83] : memref<1310720xf32, #tpu.memory_space<vmem_shared>> -> memref<5120xf32, #tpu.memory_space<vmem_shared>>
      tpu.wait_dma2 semaphore(%run_scoped3A_191 : memref<!tpu.dma_semaphore, #tpu.memory_space<semaphore_mem>>) src(%arg10 : memref<5120xf32, #tpu.memory_space<vmem>>) dst(%dma_wait3A_193 : memref<5120xf32, #tpu.memory_space<vmem_shared>>)
      tpu.yield
    }) : () -> ()
    %mul3A_84 = arith.constant 81920 : i32
    %mul3A_85 = arith.muli %arg1, %mul3A_84 : i32
    %add3A_86 = arith.constant 61440 : i32
    %add3A_87 = arith.addi %mul3A_85, %add3A_86 : i32
    "tpu.region"() ({
      %run_scoped3A_191 = tpu.sem_alloc : memref<!tpu.dma_semaphore, #tpu.memory_space<semaphore_mem>>
      %dma_start3A = tpu.memref_slice %arg11[%add3A_87] : memref<1310720xf32, #tpu.memory_space<vmem_shared>> -> memref<5120xf32, #tpu.memory_space<vmem_shared>>
      %dma_start3A_192 = tpu.memref_slice %arg11[%add3A_87] : memref<1310720xf32, #tpu.memory_space<vmem_shared>> -> memref<5120xf32, #tpu.memory_space<vmem_shared>>
      tpu.enqueue_dma source(%arg10 : memref<5120xf32, #tpu.memory_space<vmem>>) target(%dma_start3A_192 : memref<5120xf32, #tpu.memory_space<vmem_shared>>) target_semaphore(%run_scoped3A_191 : memref<!tpu.dma_semaphore, #tpu.memory_space<semaphore_mem>>)
      %dma_wait3A = tpu.memref_slice %arg11[%add3A_87] : memref<1310720xf32, #tpu.memory_space<vmem_shared>> -> memref<5120xf32, #tpu.memory_space<vmem_shared>>
      %dma_wait3A_193 = tpu.memref_slice %arg11[%add3A_87] : memref<1310720xf32, #tpu.memory_space<vmem_shared>> -> memref<5120xf32, #tpu.memory_space<vmem_shared>>
      tpu.wait_dma2 semaphore(%run_scoped3A_191 : memref<!tpu.dma_semaphore, #tpu.memory_space<semaphore_mem>>) src(%arg10 : memref<5120xf32, #tpu.memory_space<vmem>>) dst(%dma_wait3A_193 : memref<5120xf32, #tpu.memory_space<vmem_shared>>)
      tpu.yield
    }) : () -> ()
    %mul3A_88 = arith.constant 81920 : i32
    %mul3A_89 = arith.muli %arg1, %mul3A_88 : i32
    %add3A_90 = arith.constant 66560 : i32
    %add3A_91 = arith.addi %mul3A_89, %add3A_90 : i32
    "tpu.region"() ({
      %run_scoped3A_191 = tpu.sem_alloc : memref<!tpu.dma_semaphore, #tpu.memory_space<semaphore_mem>>
      %dma_start3A = tpu.memref_slice %arg11[%add3A_91] : memref<1310720xf32, #tpu.memory_space<vmem_shared>> -> memref<5120xf32, #tpu.memory_space<vmem_shared>>
      %dma_start3A_192 = tpu.memref_slice %arg11[%add3A_91] : memref<1310720xf32, #tpu.memory_space<vmem_shared>> -> memref<5120xf32, #tpu.memory_space<vmem_shared>>
      tpu.enqueue_dma source(%arg10 : memref<5120xf32, #tpu.memory_space<vmem>>) target(%dma_start3A_192 : memref<5120xf32, #tpu.memory_space<vmem_shared>>) target_semaphore(%run_scoped3A_191 : memref<!tpu.dma_semaphore, #tpu.memory_space<semaphore_mem>>)
      %dma_wait3A = tpu.memref_slice %arg11[%add3A_91] : memref<1310720xf32, #tpu.memory_space<vmem_shared>> -> memref<5120xf32, #tpu.memory_space<vmem_shared>>
      %dma_wait3A_193 = tpu.memref_slice %arg11[%add3A_91] : memref<1310720xf32, #tpu.memory_space<vmem_shared>> -> memref<5120xf32, #tpu.memory_space<vmem_shared>>
      tpu.wait_dma2 semaphore(%run_scoped3A_191 : memref<!tpu.dma_semaphore, #tpu.memory_space<semaphore_mem>>) src(%arg10 : memref<5120xf32, #tpu.memory_space<vmem>>) dst(%dma_wait3A_193 : memref<5120xf32, #tpu.memory_space<vmem_shared>>)
      tpu.yield
    }) : () -> ()
    %mul3A_92 = arith.constant 81920 : i32
    %mul3A_93 = arith.muli %arg1, %mul3A_92 : i32
    %add3A_94 = arith.constant 71680 : i32
    %add3A_95 = arith.addi %mul3A_93, %add3A_94 : i32
    "tpu.region"() ({
      %run_scoped3A_191 = tpu.sem_alloc : memref<!tpu.dma_semaphore, #tpu.memory_space<semaphore_mem>>
      %dma_start3A = tpu.memref_slice %arg11[%add3A_95] : memref<1310720xf32, #tpu.memory_space<vmem_shared>> -> memref<5120xf32, #tpu.memory_space<vmem_shared>>
      %dma_start3A_192 = tpu.memref_slice %arg11[%add3A_95] : memref<1310720xf32, #tpu.memory_space<vmem_shared>> -> memref<5120xf32, #tpu.memory_space<vmem_shared>>
      tpu.enqueue_dma source(%arg10 : memref<5120xf32, #tpu.memory_space<vmem>>) target(%dma_start3A_192 : memref<5120xf32, #tpu.memory_space<vmem_shared>>) target_semaphore(%run_scoped3A_191 : memref<!tpu.dma_semaphore, #tpu.memory_space<semaphore_mem>>)
      %dma_wait3A = tpu.memref_slice %arg11[%add3A_95] : memref<1310720xf32, #tpu.memory_space<vmem_shared>> -> memref<5120xf32, #tpu.memory_space<vmem_shared>>
      %dma_wait3A_193 = tpu.memref_slice %arg11[%add3A_95] : memref<1310720xf32, #tpu.memory_space<vmem_shared>> -> memref<5120xf32, #tpu.memory_space<vmem_shared>>
      tpu.wait_dma2 semaphore(%run_scoped3A_191 : memref<!tpu.dma_semaphore, #tpu.memory_space<semaphore_mem>>) src(%arg10 : memref<5120xf32, #tpu.memory_space<vmem>>) dst(%dma_wait3A_193 : memref<5120xf32, #tpu.memory_space<vmem_shared>>)
      tpu.yield
    }) : () -> ()
    %mul3A_96 = arith.constant 81920 : i32
    %mul3A_97 = arith.muli %arg1, %mul3A_96 : i32
    %add3A_98 = arith.constant 76800 : i32
    %add3A_99 = arith.addi %mul3A_97, %add3A_98 : i32
    "tpu.region"() ({
      %run_scoped3A_191 = tpu.sem_alloc : memref<!tpu.dma_semaphore, #tpu.memory_space<semaphore_mem>>
      %dma_start3A = tpu.memref_slice %arg11[%add3A_99] : memref<1310720xf32, #tpu.memory_space<vmem_shared>> -> memref<5120xf32, #tpu.memory_space<vmem_shared>>
      %dma_start3A_192 = tpu.memref_slice %arg11[%add3A_99] : memref<1310720xf32, #tpu.memory_space<vmem_shared>> -> memref<5120xf32, #tpu.memory_space<vmem_shared>>
      tpu.enqueue_dma source(%arg10 : memref<5120xf32, #tpu.memory_space<vmem>>) target(%dma_start3A_192 : memref<5120xf32, #tpu.memory_space<vmem_shared>>) target_semaphore(%run_scoped3A_191 : memref<!tpu.dma_semaphore, #tpu.memory_space<semaphore_mem>>)
      %dma_wait3A = tpu.memref_slice %arg11[%add3A_99] : memref<1310720xf32, #tpu.memory_space<vmem_shared>> -> memref<5120xf32, #tpu.memory_space<vmem_shared>>
      %dma_wait3A_193 = tpu.memref_slice %arg11[%add3A_99] : memref<1310720xf32, #tpu.memory_space<vmem_shared>> -> memref<5120xf32, #tpu.memory_space<vmem_shared>>
      tpu.wait_dma2 semaphore(%run_scoped3A_191 : memref<!tpu.dma_semaphore, #tpu.memory_space<semaphore_mem>>) src(%arg10 : memref<5120xf32, #tpu.memory_space<vmem>>) dst(%dma_wait3A_193 : memref<5120xf32, #tpu.memory_space<vmem_shared>>)
      tpu.yield
    }) : () -> ()
    %barrier3A = arith.constant 0 : index
    tpu.barrier barrier_id(%barrier3A)
    %scan3A_100 = arith.constant 0 : i32
    %scan3A_101 = arith.constant 0 : i32
    %scan3A_102 = arith.constant 320 : i32
    %scan3A_103 = arith.addi %scan3A_101, %scan3A_102 : i32
    %scan3A_104 = arith.constant 1 : i32
    %scan3A_105 = scf.for %scan3A_191 = %scan3A_101 to %scan3A_103 step %scan3A_104 iter_args(%scan3A_192 = %scan3A_100) -> (i32)  : i32 {
      %mul3A_193 = arith.constant 81920 : i32
      %mul3A_194 = arith.muli %arg0, %mul3A_193 : i32
      %mul3A_195 = arith.constant 5120 : i32
      %mul3A_196 = arith.muli %arg1, %mul3A_195 : i32
      %add3A_197 = arith.addi %mul3A_194, %mul3A_196 : i32
      %mul3A_198 = arith.constant 16 : i32
      %mul3A_199 = arith.muli %scan3A_191, %mul3A_198 : i32
      %add3A_200 = arith.addi %add3A_197, %mul3A_199 : i32
      "tpu.region"() ({
        %run_scoped3A_1613 = tpu.sem_alloc : memref<!tpu.dma_semaphore, #tpu.memory_space<semaphore_mem>>
        %dma_start3A_1614 = tpu.memref_slice %arg2[%add3A_200] : memref<163840xi32, #tpu.memory_space<hbm>> -> memref<16xi32, #tpu.memory_space<hbm>>
        %dma_start3A_1615 = tpu.memref_slice %arg2[%add3A_200] : memref<163840xi32, #tpu.memory_space<hbm>> -> memref<16xi32, #tpu.memory_space<hbm>>
        tpu.enqueue_dma source(%dma_start3A_1615 : memref<16xi32, #tpu.memory_space<hbm>>) target(%arg6 : memref<16xi32, #tpu.memory_space<vmem>>) target_semaphore(%run_scoped3A_1613 : memref<!tpu.dma_semaphore, #tpu.memory_space<semaphore_mem>>)
        %dma_wait3A_1616 = tpu.memref_slice %arg2[%add3A_200] : memref<163840xi32, #tpu.memory_space<hbm>> -> memref<16xi32, #tpu.memory_space<hbm>>
        %dma_wait3A_1617 = tpu.memref_slice %arg2[%add3A_200] : memref<163840xi32, #tpu.memory_space<hbm>> -> memref<16xi32, #tpu.memory_space<hbm>>
        tpu.wait_dma2 semaphore(%run_scoped3A_1613 : memref<!tpu.dma_semaphore, #tpu.memory_space<semaphore_mem>>) src(%dma_wait3A_1617 : memref<16xi32, #tpu.memory_space<hbm>>) dst(%arg6 : memref<16xi32, #tpu.memory_space<vmem>>)
        tpu.yield
      }) : () -> ()
      "tpu.region"() ({
        %run_scoped3A_1613 = tpu.sem_alloc : memref<!tpu.dma_semaphore, #tpu.memory_space<semaphore_mem>>
        %dma_start3A_1614 = tpu.memref_slice %arg3[%add3A_200] : memref<163840xi32, #tpu.memory_space<hbm>> -> memref<16xi32, #tpu.memory_space<hbm>>
        %dma_start3A_1615 = tpu.memref_slice %arg3[%add3A_200] : memref<163840xi32, #tpu.memory_space<hbm>> -> memref<16xi32, #tpu.memory_space<hbm>>
        tpu.enqueue_dma source(%dma_start3A_1615 : memref<16xi32, #tpu.memory_space<hbm>>) target(%arg7 : memref<16xi32, #tpu.memory_space<vmem>>) target_semaphore(%run_scoped3A_1613 : memref<!tpu.dma_semaphore, #tpu.memory_space<semaphore_mem>>)
        %dma_wait3A_1616 = tpu.memref_slice %arg3[%add3A_200] : memref<163840xi32, #tpu.memory_space<hbm>> -> memref<16xi32, #tpu.memory_space<hbm>>
        %dma_wait3A_1617 = tpu.memref_slice %arg3[%add3A_200] : memref<163840xi32, #tpu.memory_space<hbm>> -> memref<16xi32, #tpu.memory_space<hbm>>
        tpu.wait_dma2 semaphore(%run_scoped3A_1613 : memref<!tpu.dma_semaphore, #tpu.memory_space<semaphore_mem>>) src(%dma_wait3A_1617 : memref<16xi32, #tpu.memory_space<hbm>>) dst(%arg7 : memref<16xi32, #tpu.memory_space<vmem>>)
        tpu.yield
      }) : () -> ()
      %dma_start3A = arith.constant 0 : i32
      %dma_start3A_201 = arith.constant 0 : i32
      %dma_start3A_202 = tpu.memref_slice %arg4[%dma_start3A, %dma_start3A_201] : memref<10000x256xf32, #tpu.memory_space<hbm>> -> memref<10000x256xf32, #tpu.memory_space<hbm>>
      tpu.enqueue_indirect_dma source(%dma_start3A_202 : memref<10000x256xf32, #tpu.memory_space<hbm>>) target(%arg9 : memref<16x256xf32, #tpu.memory_space<vmem>>) offsets(%arg6 : memref<16xi32, #tpu.memory_space<vmem>>) semaphore(%arg12 : memref<!tpu.dma_semaphore, #tpu.memory_space<semaphore_mem>>)
      %get3A = arith.constant 0 : index
      %get3A_203 = tpu.vector_load %arg7[%get3A] {strides = array<i32>} : memref<16xi32, #tpu.memory_space<vmem>>, vector<16xi32>,
      %get3A_204 = vector.shape_cast %get3A_203 : vector<16xi32> to vector<16xi32>
      %slice3A = vector.extract_strided_slice %get3A_204 {offsets = [0], sizes = [1], strides = [1]} : vector<16xi32> to vector<1xi32>
      %squeeze3A = vector.extract %slice3A[0] : i32 from vector<1xi32>
      %mul3A_205 = arith.constant 128 : i32
      %mul3A_206 = arith.muli %squeeze3A, %mul3A_205 : i32
      %add3A_207 = vector.broadcast %mul3A_206 : i32 to vector<16xi32>
      %add3A_208 = arith.addi %add3A_1, %add3A_207 : vector<16xi32>
      %swap3A = arith.constant 0 : i32
      %swap3A_209 = arith.index_cast %swap3A : i32 to index
      %swap3A_210 = arith.constant 0 : index
      %swap3A_211 = tpu.vector_load %arg8[%swap3A_209, %swap3A_210] {strides = array<i32>} : memref<16x128xi32, #tpu.memory_space<vmem>>, vector<1x16xi32>,
      %swap3A_212 = vector.shape_cast %swap3A_211 : vector<1x16xi32> to vector<16xi32>
      %swap3A_213 = vector.shape_cast %add3A_208 : vector<16xi32> to vector<1x16xi32>
      tpu.vector_store %arg8[%swap3A_209, %swap3A_210], %swap3A_213 {strides = array<i32>} : memref<16x128xi32, #tpu.memory_space<vmem>>, vector<1x16xi32>,
      %add3A_214 = vector.broadcast %mul3A_206 : i32 to vector<16xi32>
      %add3A_215 = arith.addi %add3A_5, %add3A_214 : vector<16xi32>
      %swap3A_216 = arith.constant 0 : i32
      %swap3A_217 = arith.index_cast %swap3A_216 : i32 to index
      %swap3A_218 = arith.constant 16 : index
      %swap3A_219 = tpu.vector_load %arg8[%swap3A_217, %swap3A_218] {strides = array<i32>} : memref<16x128xi32, #tpu.memory_space<vmem>>, vector<1x16xi32>,
      %swap3A_220 = vector.shape_cast %swap3A_219 : vector<1x16xi32> to vector<16xi32>
      %swap3A_221 = vector.shape_cast %add3A_215 : vector<16xi32> to vector<1x16xi32>
      tpu.vector_store %arg8[%swap3A_217, %swap3A_218], %swap3A_221 {strides = array<i32>} : memref<16x128xi32, #tpu.memory_space<vmem>>, vector<1x16xi32>,
      %add3A_222 = vector.broadcast %mul3A_206 : i32 to vector<16xi32>
      %add3A_223 = arith.addi %add3A_9, %add3A_222 : vector<16xi32>
      %swap3A_224 = arith.constant 0 : i32
      %swap3A_225 = arith.index_cast %swap3A_224 : i32 to index
      %swap3A_226 = arith.constant 32 : index
      %swap3A_227 = tpu.vector_load %arg8[%swap3A_225, %swap3A_226] {strides = array<i32>} : memref<16x128xi32, #tpu.memory_space<vmem>>, vector<1x16xi32>,
      %swap3A_228 = vector.shape_cast %swap3A_227 : vector<1x16xi32> to vector<16xi32>
      %swap3A_229 = vector.shape_cast %add3A_223 : vector<16xi32> to vector<1x16xi32>
      tpu.vector_store %arg8[%swap3A_225, %swap3A_226], %swap3A_229 {strides = array<i32>} : memref<16x128xi32, #tpu.memory_space<vmem>>, vector<1x16xi32>,
      %add3A_230 = vector.broadcast %mul3A_206 : i32 to vector<16xi32>
      %add3A_231 = arith.addi %add3A_13, %add3A_230 : vector<16xi32>
      %swap3A_232 = arith.constant 0 : i32
      %swap3A_233 = arith.index_cast %swap3A_232 : i32 to index
      %swap3A_234 = arith.constant 48 : index
      %swap3A_235 = tpu.vector_load %arg8[%swap3A_233, %swap3A_234] {strides = array<i32>} : memref<16x128xi32, #tpu.memory_space<vmem>>, vector<1x16xi32>,
      %swap3A_236 = vector.shape_cast %swap3A_235 : vector<1x16xi32> to vector<16xi32>
      %swap3A_237 = vector.shape_cast %add3A_231 : vector<16xi32> to vector<1x16xi32>
      tpu.vector_store %arg8[%swap3A_233, %swap3A_234], %swap3A_237 {strides = array<i32>} : memref<16x128xi32, #tpu.memory_space<vmem>>, vector<1x16xi32>,
      %add3A_238 = vector.broadcast %mul3A_206 : i32 to vector<16xi32>
      %add3A_239 = arith.addi %add3A_17, %add3A_238 : vector<16xi32>
      %swap3A_240 = arith.constant 0 : i32
      %swap3A_241 = arith.index_cast %swap3A_240 : i32 to index
      %swap3A_242 = arith.constant 64 : index
      %swap3A_243 = tpu.vector_load %arg8[%swap3A_241, %swap3A_242] {strides = array<i32>} : memref<16x128xi32, #tpu.memory_space<vmem>>, vector<1x16xi32>,
      %swap3A_244 = vector.shape_cast %swap3A_243 : vector<1x16xi32> to vector<16xi32>
      %swap3A_245 = vector.shape_cast %add3A_239 : vector<16xi32> to vector<1x16xi32>
      tpu.vector_store %arg8[%swap3A_241, %swap3A_242], %swap3A_245 {strides = array<i32>} : memref<16x128xi32, #tpu.memory_space<vmem>>, vector<1x16xi32>,
      %add3A_246 = vector.broadcast %mul3A_206 : i32 to vector<16xi32>
      %add3A_247 = arith.addi %add3A_21, %add3A_246 : vector<16xi32>
      %swap3A_248 = arith.constant 0 : i32
      %swap3A_249 = arith.index_cast %swap3A_248 : i32 to index
      %swap3A_250 = arith.constant 80 : index
      %swap3A_251 = tpu.vector_load %arg8[%swap3A_249, %swap3A_250] {strides = array<i32>} : memref<16x128xi32, #tpu.memory_space<vmem>>, vector<1x16xi32>,
      %swap3A_252 = vector.shape_cast %swap3A_251 : vector<1x16xi32> to vector<16xi32>
      %swap3A_253 = vector.shape_cast %add3A_247 : vector<16xi32> to vector<1x16xi32>
      tpu.vector_store %arg8[%swap3A_249, %swap3A_250], %swap3A_253 {strides = array<i32>} : memref<16x128xi32, #tpu.memory_space<vmem>>, vector<1x16xi32>,
      %add3A_254 = vector.broadcast %mul3A_206 : i32 to vector<16xi32>
      %add3A_255 = arith.addi %add3A_25, %add3A_254 : vector<16xi32>
      %swap3A_256 = arith.constant 0 : i32
      %swap3A_257 = arith.index_cast %swap3A_256 : i32 to index
      %swap3A_258 = arith.constant 96 : index
      %swap3A_259 = tpu.vector_load %arg8[%swap3A_257, %swap3A_258] {strides = array<i32>} : memref<16x128xi32, #tpu.memory_space<vmem>>, vector<1x16xi32>,
      %swap3A_260 = vector.shape_cast %swap3A_259 : vector<1x16xi32> to vector<16xi32>
      %swap3A_261 = vector.shape_cast %add3A_255 : vector<16xi32> to vector<1x16xi32>
      tpu.vector_store %arg8[%swap3A_257, %swap3A_258], %swap3A_261 {strides = array<i32>} : memref<16x128xi32, #tpu.memory_space<vmem>>, vector<1x16xi32>,
      %add3A_262 = vector.broadcast %mul3A_206 : i32 to vector<16xi32>
      %add3A_263 = arith.addi %add3A_29, %add3A_262 : vector<16xi32>
      %swap3A_264 = arith.constant 0 : i32
      %swap3A_265 = arith.index_cast %swap3A_264 : i32 to index
      %swap3A_266 = arith.constant 112 : index
      %swap3A_267 = tpu.vector_load %arg8[%swap3A_265, %swap3A_266] {strides = array<i32>} : memref<16x128xi32, #tpu.memory_space<vmem>>, vector<1x16xi32>,
      %swap3A_268 = vector.shape_cast %swap3A_267 : vector<1x16xi32> to vector<16xi32>
      %swap3A_269 = vector.shape_cast %add3A_263 : vector<16xi32> to vector<1x16xi32>
      tpu.vector_store %arg8[%swap3A_265, %swap3A_266], %swap3A_269 {strides = array<i32>} : memref<16x128xi32, #tpu.memory_space<vmem>>, vector<1x16xi32>,
      %slice3A_270 = vector.extract_strided_slice %get3A_204 {offsets = [1], sizes = [1], strides = [1]} : vector<16xi32> to vector<1xi32>
      %squeeze3A_271 = vector.extract %slice3A_270[0] : i32 from vector<1xi32>
      %mul3A_272 = arith.constant 128 : i32
      %mul3A_273 = arith.muli %squeeze3A_271, %mul3A_272 : i32
      %add3A_274 = vector.broadcast %mul3A_273 : i32 to vector<16xi32>
      %add3A_275 = arith.addi %add3A_1, %add3A_274 : vector<16xi32>
      %swap3A_276 = arith.constant 1 : i32
      %swap3A_277 = arith.index_cast %swap3A_276 : i32 to index
      %swap3A_278 = arith.constant 0 : index
      %swap3A_279 = tpu.vector_load %arg8[%swap3A_277, %swap3A_278] {strides = array<i32>} : memref<16x128xi32, #tpu.memory_space<vmem>>, vector<1x16xi32>,
      %swap3A_280 = vector.shape_cast %swap3A_279 : vector<1x16xi32> to vector<16xi32>
      %swap3A_281 = vector.shape_cast %add3A_275 : vector<16xi32> to vector<1x16xi32>
      tpu.vector_store %arg8[%swap3A_277, %swap3A_278], %swap3A_281 {strides = array<i32>} : memref<16x128xi32, #tpu.memory_space<vmem>>, vector<1x16xi32>,
      %add3A_282 = vector.broadcast %mul3A_273 : i32 to vector<16xi32>
      %add3A_283 = arith.addi %add3A_5, %add3A_282 : vector<16xi32>
      %swap3A_284 = arith.constant 1 : i32
      %swap3A_285 = arith.index_cast %swap3A_284 : i32 to index
      %swap3A_286 = arith.constant 16 : index
      %swap3A_287 = tpu.vector_load %arg8[%swap3A_285, %swap3A_286] {strides = array<i32>} : memref<16x128xi32, #tpu.memory_space<vmem>>, vector<1x16xi32>,
      %swap3A_288 = vector.shape_cast %swap3A_287 : vector<1x16xi32> to vector<16xi32>
      %swap3A_289 = vector.shape_cast %add3A_283 : vector<16xi32> to vector<1x16xi32>
      tpu.vector_store %arg8[%swap3A_285, %swap3A_286], %swap3A_289 {strides = array<i32>} : memref<16x128xi32, #tpu.memory_space<vmem>>, vector<1x16xi32>,
      %add3A_290 = vector.broadcast %mul3A_273 : i32 to vector<16xi32>
      %add3A_291 = arith.addi %add3A_9, %add3A_290 : vector<16xi32>
      %swap3A_292 = arith.constant 1 : i32
      %swap3A_293 = arith.index_cast %swap3A_292 : i32 to index
      %swap3A_294 = arith.constant 32 : index
      %swap3A_295 = tpu.vector_load %arg8[%swap3A_293, %swap3A_294] {strides = array<i32>} : memref<16x128xi32, #tpu.memory_space<vmem>>, vector<1x16xi32>,
      %swap3A_296 = vector.shape_cast %swap3A_295 : vector<1x16xi32> to vector<16xi32>
      %swap3A_297 = vector.shape_cast %add3A_291 : vector<16xi32> to vector<1x16xi32>
      tpu.vector_store %arg8[%swap3A_293, %swap3A_294], %swap3A_297 {strides = array<i32>} : memref<16x128xi32, #tpu.memory_space<vmem>>, vector<1x16xi32>,
      %add3A_298 = vector.broadcast %mul3A_273 : i32 to vector<16xi32>
      %add3A_299 = arith.addi %add3A_13, %add3A_298 : vector<16xi32>
      %swap3A_300 = arith.constant 1 : i32
      %swap3A_301 = arith.index_cast %swap3A_300 : i32 to index
      %swap3A_302 = arith.constant 48 : index
      %swap3A_303 = tpu.vector_load %arg8[%swap3A_301, %swap3A_302] {strides = array<i32>} : memref<16x128xi32, #tpu.memory_space<vmem>>, vector<1x16xi32>,
      %swap3A_304 = vector.shape_cast %swap3A_303 : vector<1x16xi32> to vector<16xi32>
      %swap3A_305 = vector.shape_cast %add3A_299 : vector<16xi32> to vector<1x16xi32>
      tpu.vector_store %arg8[%swap3A_301, %swap3A_302], %swap3A_305 {strides = array<i32>} : memref<16x128xi32, #tpu.memory_space<vmem>>, vector<1x16xi32>,
      %add3A_306 = vector.broadcast %mul3A_273 : i32 to vector<16xi32>
      %add3A_307 = arith.addi %add3A_17, %add3A_306 : vector<16xi32>
      %swap3A_308 = arith.constant 1 : i32
      %swap3A_309 = arith.index_cast %swap3A_308 : i32 to index
      %swap3A_310 = arith.constant 64 : index
      %swap3A_311 = tpu.vector_load %arg8[%swap3A_309, %swap3A_310] {strides = array<i32>} : memref<16x128xi32, #tpu.memory_space<vmem>>, vector<1x16xi32>,
      %swap3A_312 = vector.shape_cast %swap3A_311 : vector<1x16xi32> to vector<16xi32>
      %swap3A_313 = vector.shape_cast %add3A_307 : vector<16xi32> to vector<1x16xi32>
      tpu.vector_store %arg8[%swap3A_309, %swap3A_310], %swap3A_313 {strides = array<i32>} : memref<16x128xi32, #tpu.memory_space<vmem>>, vector<1x16xi32>,
      %add3A_314 = vector.broadcast %mul3A_273 : i32 to vector<16xi32>
      %add3A_315 = arith.addi %add3A_21, %add3A_314 : vector<16xi32>
      %swap3A_316 = arith.constant 1 : i32
      %swap3A_317 = arith.index_cast %swap3A_316 : i32 to index
      %swap3A_318 = arith.constant 80 : index
      %swap3A_319 = tpu.vector_load %arg8[%swap3A_317, %swap3A_318] {strides = array<i32>} : memref<16x128xi32, #tpu.memory_space<vmem>>, vector<1x16xi32>,
      %swap3A_320 = vector.shape_cast %swap3A_319 : vector<1x16xi32> to vector<16xi32>
      %swap3A_321 = vector.shape_cast %add3A_315 : vector<16xi32> to vector<1x16xi32>
      tpu.vector_store %arg8[%swap3A_317, %swap3A_318], %swap3A_321 {strides = array<i32>} : memref<16x128xi32, #tpu.memory_space<vmem>>, vector<1x16xi32>,
      %add3A_322 = vector.broadcast %mul3A_273 : i32 to vector<16xi32>
      %add3A_323 = arith.addi %add3A_25, %add3A_322 : vector<16xi32>
      %swap3A_324 = arith.constant 1 : i32
      %swap3A_325 = arith.index_cast %swap3A_324 : i32 to index
      %swap3A_326 = arith.constant 96 : index
      %swap3A_327 = tpu.vector_load %arg8[%swap3A_325, %swap3A_326] {strides = array<i32>} : memref<16x128xi32, #tpu.memory_space<vmem>>, vector<1x16xi32>,
      %swap3A_328 = vector.shape_cast %swap3A_327 : vector<1x16xi32> to vector<16xi32>
      %swap3A_329 = vector.shape_cast %add3A_323 : vector<16xi32> to vector<1x16xi32>
      tpu.vector_store %arg8[%swap3A_325, %swap3A_326], %swap3A_329 {strides = array<i32>} : memref<16x128xi32, #tpu.memory_space<vmem>>, vector<1x16xi32>,
      %add3A_330 = vector.broadcast %mul3A_273 : i32 to vector<16xi32>
      %add3A_331 = arith.addi %add3A_29, %add3A_330 : vector<16xi32>
      %swap3A_332 = arith.constant 1 : i32
      %swap3A_333 = arith.index_cast %swap3A_332 : i32 to index
      %swap3A_334 = arith.constant 112 : index
      %swap3A_335 = tpu.vector_load %arg8[%swap3A_333, %swap3A_334] {strides = array<i32>} : memref<16x128xi32, #tpu.memory_space<vmem>>, vector<1x16xi32>,
      %swap3A_336 = vector.shape_cast %swap3A_335 : vector<1x16xi32> to vector<16xi32>
      %swap3A_337 = vector.shape_cast %add3A_331 : vector<16xi32> to vector<1x16xi32>
      tpu.vector_store %arg8[%swap3A_333, %swap3A_334], %swap3A_337 {strides = array<i32>} : memref<16x128xi32, #tpu.memory_space<vmem>>, vector<1x16xi32>,
      %slice3A_338 = vector.extract_strided_slice %get3A_204 {offsets = [2], sizes = [1], strides = [1]} : vector<16xi32> to vector<1xi32>
      %squeeze3A_339 = vector.extract %slice3A_338[0] : i32 from vector<1xi32>
      %mul3A_340 = arith.constant 128 : i32
      %mul3A_341 = arith.muli %squeeze3A_339, %mul3A_340 : i32
      %add3A_342 = vector.broadcast %mul3A_341 : i32 to vector<16xi32>
      %add3A_343 = arith.addi %add3A_1, %add3A_342 : vector<16xi32>
      %swap3A_344 = arith.constant 2 : i32
      %swap3A_345 = arith.index_cast %swap3A_344 : i32 to index
      %swap3A_346 = arith.constant 0 : index
      %swap3A_347 = tpu.vector_load %arg8[%swap3A_345, %swap3A_346] {strides = array<i32>} : memref<16x128xi32, #tpu.memory_space<vmem>>, vector<1x16xi32>,
      %swap3A_348 = vector.shape_cast %swap3A_347 : vector<1x16xi32> to vector<16xi32>
      %swap3A_349 = vector.shape_cast %add3A_343 : vector<16xi32> to vector<1x16xi32>
      tpu.vector_store %arg8[%swap3A_345, %swap3A_346], %swap3A_349 {strides = array<i32>} : memref<16x128xi32, #tpu.memory_space<vmem>>, vector<1x16xi32>,
      %add3A_350 = vector.broadcast %mul3A_341 : i32 to vector<16xi32>
      %add3A_351 = arith.addi %add3A_5, %add3A_350 : vector<16xi32>
      %swap3A_352 = arith.constant 2 : i32
      %swap3A_353 = arith.index_cast %swap3A_352 : i32 to index
      %swap3A_354 = arith.constant 16 : index
      %swap3A_355 = tpu.vector_load %arg8[%swap3A_353, %swap3A_354] {strides = array<i32>} : memref<16x128xi32, #tpu.memory_space<vmem>>, vector<1x16xi32>,
      %swap3A_356 = vector.shape_cast %swap3A_355 : vector<1x16xi32> to vector<16xi32>
      %swap3A_357 = vector.shape_cast %add3A_351 : vector<16xi32> to vector<1x16xi32>
      tpu.vector_store %arg8[%swap3A_353, %swap3A_354], %swap3A_357 {strides = array<i32>} : memref<16x128xi32, #tpu.memory_space<vmem>>, vector<1x16xi32>,
      %add3A_358 = vector.broadcast %mul3A_341 : i32 to vector<16xi32>
      %add3A_359 = arith.addi %add3A_9, %add3A_358 : vector<16xi32>
      %swap3A_360 = arith.constant 2 : i32
      %swap3A_361 = arith.index_cast %swap3A_360 : i32 to index
      %swap3A_362 = arith.constant 32 : index
      %swap3A_363 = tpu.vector_load %arg8[%swap3A_361, %swap3A_362] {strides = array<i32>} : memref<16x128xi32, #tpu.memory_space<vmem>>, vector<1x16xi32>,
      %swap3A_364 = vector.shape_cast %swap3A_363 : vector<1x16xi32> to vector<16xi32>
      %swap3A_365 = vector.shape_cast %add3A_359 : vector<16xi32> to vector<1x16xi32>
      tpu.vector_store %arg8[%swap3A_361, %swap3A_362], %swap3A_365 {strides = array<i32>} : memref<16x128xi32, #tpu.memory_space<vmem>>, vector<1x16xi32>,
      %add3A_366 = vector.broadcast %mul3A_341 : i32 to vector<16xi32>
      %add3A_367 = arith.addi %add3A_13, %add3A_366 : vector<16xi32>
      %swap3A_368 = arith.constant 2 : i32
      %swap3A_369 = arith.index_cast %swap3A_368 : i32 to index
      %swap3A_370 = arith.constant 48 : index
      %swap3A_371 = tpu.vector_load %arg8[%swap3A_369, %swap3A_370] {strides = array<i32>} : memref<16x128xi32, #tpu.memory_space<vmem>>, vector<1x16xi32>,
      %swap3A_372 = vector.shape_cast %swap3A_371 : vector<1x16xi32> to vector<16xi32>
      %swap3A_373 = vector.shape_cast %add3A_367 : vector<16xi32> to vector<1x16xi32>
      tpu.vector_store %arg8[%swap3A_369, %swap3A_370], %swap3A_373 {strides = array<i32>} : memref<16x128xi32, #tpu.memory_space<vmem>>, vector<1x16xi32>,
      %add3A_374 = vector.broadcast %mul3A_341 : i32 to vector<16xi32>
      %add3A_375 = arith.addi %add3A_17, %add3A_374 : vector<16xi32>
      %swap3A_376 = arith.constant 2 : i32
      %swap3A_377 = arith.index_cast %swap3A_376 : i32 to index
      %swap3A_378 = arith.constant 64 : index
      %swap3A_379 = tpu.vector_load %arg8[%swap3A_377, %swap3A_378] {strides = array<i32>} : memref<16x128xi32, #tpu.memory_space<vmem>>, vector<1x16xi32>,
      %swap3A_380 = vector.shape_cast %swap3A_379 : vector<1x16xi32> to vector<16xi32>
      %swap3A_381 = vector.shape_cast %add3A_375 : vector<16xi32> to vector<1x16xi32>
      tpu.vector_store %arg8[%swap3A_377, %swap3A_378], %swap3A_381 {strides = array<i32>} : memref<16x128xi32, #tpu.memory_space<vmem>>, vector<1x16xi32>,
      %add3A_382 = vector.broadcast %mul3A_341 : i32 to vector<16xi32>
      %add3A_383 = arith.addi %add3A_21, %add3A_382 : vector<16xi32>
      %swap3A_384 = arith.constant 2 : i32
      %swap3A_385 = arith.index_cast %swap3A_384 : i32 to index
      %swap3A_386 = arith.constant 80 : index
      %swap3A_387 = tpu.vector_load %arg8[%swap3A_385, %swap3A_386] {strides = array<i32>} : memref<16x128xi32, #tpu.memory_space<vmem>>, vector<1x16xi32>,
      %swap3A_388 = vector.shape_cast %swap3A_387 : vector<1x16xi32> to vector<16xi32>
      %swap3A_389 = vector.shape_cast %add3A_383 : vector<16xi32> to vector<1x16xi32>
      tpu.vector_store %arg8[%swap3A_385, %swap3A_386], %swap3A_389 {strides = array<i32>} : memref<16x128xi32, #tpu.memory_space<vmem>>, vector<1x16xi32>,
      %add3A_390 = vector.broadcast %mul3A_341 : i32 to vector<16xi32>
      %add3A_391 = arith.addi %add3A_25, %add3A_390 : vector<16xi32>
      %swap3A_392 = arith.constant 2 : i32
      %swap3A_393 = arith.index_cast %swap3A_392 : i32 to index
      %swap3A_394 = arith.constant 96 : index
      %swap3A_395 = tpu.vector_load %arg8[%swap3A_393, %swap3A_394] {strides = array<i32>} : memref<16x128xi32, #tpu.memory_space<vmem>>, vector<1x16xi32>,
      %swap3A_396 = vector.shape_cast %swap3A_395 : vector<1x16xi32> to vector<16xi32>
      %swap3A_397 = vector.shape_cast %add3A_391 : vector<16xi32> to vector<1x16xi32>
      tpu.vector_store %arg8[%swap3A_393, %swap3A_394], %swap3A_397 {strides = array<i32>} : memref<16x128xi32, #tpu.memory_space<vmem>>, vector<1x16xi32>,
      %add3A_398 = vector.broadcast %mul3A_341 : i32 to vector<16xi32>
      %add3A_399 = arith.addi %add3A_29, %add3A_398 : vector<16xi32>
      %swap3A_400 = arith.constant 2 : i32
      %swap3A_401 = arith.index_cast %swap3A_400 : i32 to index
      %swap3A_402 = arith.constant 112 : index
      %swap3A_403 = tpu.vector_load %arg8[%swap3A_401, %swap3A_402] {strides = array<i32>} : memref<16x128xi32, #tpu.memory_space<vmem>>, vector<1x16xi32>,
      %swap3A_404 = vector.shape_cast %swap3A_403 : vector<1x16xi32> to vector<16xi32>
      %swap3A_405 = vector.shape_cast %add3A_399 : vector<16xi32> to vector<1x16xi32>
      tpu.vector_store %arg8[%swap3A_401, %swap3A_402], %swap3A_405 {strides = array<i32>} : memref<16x128xi32, #tpu.memory_space<vmem>>, vector<1x16xi32>,
      %slice3A_406 = vector.extract_strided_slice %get3A_204 {offsets = [3], sizes = [1], strides = [1]} : vector<16xi32> to vector<1xi32>
      %squeeze3A_407 = vector.extract %slice3A_406[0] : i32 from vector<1xi32>
      %mul3A_408 = arith.constant 128 : i32
      %mul3A_409 = arith.muli %squeeze3A_407, %mul3A_408 : i32
      %add3A_410 = vector.broadcast %mul3A_409 : i32 to vector<16xi32>
      %add3A_411 = arith.addi %add3A_1, %add3A_410 : vector<16xi32>
      %swap3A_412 = arith.constant 3 : i32
      %swap3A_413 = arith.index_cast %swap3A_412 : i32 to index
      %swap3A_414 = arith.constant 0 : index
      %swap3A_415 = tpu.vector_load %arg8[%swap3A_413, %swap3A_414] {strides = array<i32>} : memref<16x128xi32, #tpu.memory_space<vmem>>, vector<1x16xi32>,
      %swap3A_416 = vector.shape_cast %swap3A_415 : vector<1x16xi32> to vector<16xi32>
      %swap3A_417 = vector.shape_cast %add3A_411 : vector<16xi32> to vector<1x16xi32>
      tpu.vector_store %arg8[%swap3A_413, %swap3A_414], %swap3A_417 {strides = array<i32>} : memref<16x128xi32, #tpu.memory_space<vmem>>, vector<1x16xi32>,
      %add3A_418 = vector.broadcast %mul3A_409 : i32 to vector<16xi32>
      %add3A_419 = arith.addi %add3A_5, %add3A_418 : vector<16xi32>
      %swap3A_420 = arith.constant 3 : i32
      %swap3A_421 = arith.index_cast %swap3A_420 : i32 to index
      %swap3A_422 = arith.constant 16 : index
      %swap3A_423 = tpu.vector_load %arg8[%swap3A_421, %swap3A_422] {strides = array<i32>} : memref<16x128xi32, #tpu.memory_space<vmem>>, vector<1x16xi32>,
      %swap3A_424 = vector.shape_cast %swap3A_423 : vector<1x16xi32> to vector<16xi32>
      %swap3A_425 = vector.shape_cast %add3A_419 : vector<16xi32> to vector<1x16xi32>
      tpu.vector_store %arg8[%swap3A_421, %swap3A_422], %swap3A_425 {strides = array<i32>} : memref<16x128xi32, #tpu.memory_space<vmem>>, vector<1x16xi32>,
      %add3A_426 = vector.broadcast %mul3A_409 : i32 to vector<16xi32>
      %add3A_427 = arith.addi %add3A_9, %add3A_426 : vector<16xi32>
      %swap3A_428 = arith.constant 3 : i32
      %swap3A_429 = arith.index_cast %swap3A_428 : i32 to index
      %swap3A_430 = arith.constant 32 : index
      %swap3A_431 = tpu.vector_load %arg8[%swap3A_429, %swap3A_430] {strides = array<i32>} : memref<16x128xi32, #tpu.memory_space<vmem>>, vector<1x16xi32>,
      %swap3A_432 = vector.shape_cast %swap3A_431 : vector<1x16xi32> to vector<16xi32>
      %swap3A_433 = vector.shape_cast %add3A_427 : vector<16xi32> to vector<1x16xi32>
      tpu.vector_store %arg8[%swap3A_429, %swap3A_430], %swap3A_433 {strides = array<i32>} : memref<16x128xi32, #tpu.memory_space<vmem>>, vector<1x16xi32>,
      %add3A_434 = vector.broadcast %mul3A_409 : i32 to vector<16xi32>
      %add3A_435 = arith.addi %add3A_13, %add3A_434 : vector<16xi32>
      %swap3A_436 = arith.constant 3 : i32
      %swap3A_437 = arith.index_cast %swap3A_436 : i32 to index
      %swap3A_438 = arith.constant 48 : index
      %swap3A_439 = tpu.vector_load %arg8[%swap3A_437, %swap3A_438] {strides = array<i32>} : memref<16x128xi32, #tpu.memory_space<vmem>>, vector<1x16xi32>,
      %swap3A_440 = vector.shape_cast %swap3A_439 : vector<1x16xi32> to vector<16xi32>
      %swap3A_441 = vector.shape_cast %add3A_435 : vector<16xi32> to vector<1x16xi32>
      tpu.vector_store %arg8[%swap3A_437, %swap3A_438], %swap3A_441 {strides = array<i32>} : memref<16x128xi32, #tpu.memory_space<vmem>>, vector<1x16xi32>,
      %add3A_442 = vector.broadcast %mul3A_409 : i32 to vector<16xi32>
      %add3A_443 = arith.addi %add3A_17, %add3A_442 : vector<16xi32>
      %swap3A_444 = arith.constant 3 : i32
      %swap3A_445 = arith.index_cast %swap3A_444 : i32 to index
      %swap3A_446 = arith.constant 64 : index
      %swap3A_447 = tpu.vector_load %arg8[%swap3A_445, %swap3A_446] {strides = array<i32>} : memref<16x128xi32, #tpu.memory_space<vmem>>, vector<1x16xi32>,
      %swap3A_448 = vector.shape_cast %swap3A_447 : vector<1x16xi32> to vector<16xi32>
      %swap3A_449 = vector.shape_cast %add3A_443 : vector<16xi32> to vector<1x16xi32>
      tpu.vector_store %arg8[%swap3A_445, %swap3A_446], %swap3A_449 {strides = array<i32>} : memref<16x128xi32, #tpu.memory_space<vmem>>, vector<1x16xi32>,
      %add3A_450 = vector.broadcast %mul3A_409 : i32 to vector<16xi32>
      %add3A_451 = arith.addi %add3A_21, %add3A_450 : vector<16xi32>
      %swap3A_452 = arith.constant 3 : i32
      %swap3A_453 = arith.index_cast %swap3A_452 : i32 to index
      %swap3A_454 = arith.constant 80 : index
      %swap3A_455 = tpu.vector_load %arg8[%swap3A_453, %swap3A_454] {strides = array<i32>} : memref<16x128xi32, #tpu.memory_space<vmem>>, vector<1x16xi32>,
      %swap3A_456 = vector.shape_cast %swap3A_455 : vector<1x16xi32> to vector<16xi32>
      %swap3A_457 = vector.shape_cast %add3A_451 : vector<16xi32> to vector<1x16xi32>
      tpu.vector_store %arg8[%swap3A_453, %swap3A_454], %swap3A_457 {strides = array<i32>} : memref<16x128xi32, #tpu.memory_space<vmem>>, vector<1x16xi32>,
      %add3A_458 = vector.broadcast %mul3A_409 : i32 to vector<16xi32>
      %add3A_459 = arith.addi %add3A_25, %add3A_458 : vector<16xi32>
      %swap3A_460 = arith.constant 3 : i32
      %swap3A_461 = arith.index_cast %swap3A_460 : i32 to index
      %swap3A_462 = arith.constant 96 : index
      %swap3A_463 = tpu.vector_load %arg8[%swap3A_461, %swap3A_462] {strides = array<i32>} : memref<16x128xi32, #tpu.memory_space<vmem>>, vector<1x16xi32>,
      %swap3A_464 = vector.shape_cast %swap3A_463 : vector<1x16xi32> to vector<16xi32>
      %swap3A_465 = vector.shape_cast %add3A_459 : vector<16xi32> to vector<1x16xi32>
      tpu.vector_store %arg8[%swap3A_461, %swap3A_462], %swap3A_465 {strides = array<i32>} : memref<16x128xi32, #tpu.memory_space<vmem>>, vector<1x16xi32>,
      %add3A_466 = vector.broadcast %mul3A_409 : i32 to vector<16xi32>
      %add3A_467 = arith.addi %add3A_29, %add3A_466 : vector<16xi32>
      %swap3A_468 = arith.constant 3 : i32
      %swap3A_469 = arith.index_cast %swap3A_468 : i32 to index
      %swap3A_470 = arith.constant 112 : index
      %swap3A_471 = tpu.vector_load %arg8[%swap3A_469, %swap3A_470] {strides = array<i32>} : memref<16x128xi32, #tpu.memory_space<vmem>>, vector<1x16xi32>,
      %swap3A_472 = vector.shape_cast %swap3A_471 : vector<1x16xi32> to vector<16xi32>
      %swap3A_473 = vector.shape_cast %add3A_467 : vector<16xi32> to vector<1x16xi32>
      tpu.vector_store %arg8[%swap3A_469, %swap3A_470], %swap3A_473 {strides = array<i32>} : memref<16x128xi32, #tpu.memory_space<vmem>>, vector<1x16xi32>,
      %slice3A_474 = vector.extract_strided_slice %get3A_204 {offsets = [4], sizes = [1], strides = [1]} : vector<16xi32> to vector<1xi32>
      %squeeze3A_475 = vector.extract %slice3A_474[0] : i32 from vector<1xi32>
      %mul3A_476 = arith.constant 128 : i32
      %mul3A_477 = arith.muli %squeeze3A_475, %mul3A_476 : i32
      %add3A_478 = vector.broadcast %mul3A_477 : i32 to vector<16xi32>
      %add3A_479 = arith.addi %add3A_1, %add3A_478 : vector<16xi32>
      %swap3A_480 = arith.constant 4 : i32
      %swap3A_481 = arith.index_cast %swap3A_480 : i32 to index
      %swap3A_482 = arith.constant 0 : index
      %swap3A_483 = tpu.vector_load %arg8[%swap3A_481, %swap3A_482] {strides = array<i32>} : memref<16x128xi32, #tpu.memory_space<vmem>>, vector<1x16xi32>,
      %swap3A_484 = vector.shape_cast %swap3A_483 : vector<1x16xi32> to vector<16xi32>
      %swap3A_485 = vector.shape_cast %add3A_479 : vector<16xi32> to vector<1x16xi32>
      tpu.vector_store %arg8[%swap3A_481, %swap3A_482], %swap3A_485 {strides = array<i32>} : memref<16x128xi32, #tpu.memory_space<vmem>>, vector<1x16xi32>,
      %add3A_486 = vector.broadcast %mul3A_477 : i32 to vector<16xi32>
      %add3A_487 = arith.addi %add3A_5, %add3A_486 : vector<16xi32>
      %swap3A_488 = arith.constant 4 : i32
      %swap3A_489 = arith.index_cast %swap3A_488 : i32 to index
      %swap3A_490 = arith.constant 16 : index
      %swap3A_491 = tpu.vector_load %arg8[%swap3A_489, %swap3A_490] {strides = array<i32>} : memref<16x128xi32, #tpu.memory_space<vmem>>, vector<1x16xi32>,
      %swap3A_492 = vector.shape_cast %swap3A_491 : vector<1x16xi32> to vector<16xi32>
      %swap3A_493 = vector.shape_cast %add3A_487 : vector<16xi32> to vector<1x16xi32>
      tpu.vector_store %arg8[%swap3A_489, %swap3A_490], %swap3A_493 {strides = array<i32>} : memref<16x128xi32, #tpu.memory_space<vmem>>, vector<1x16xi32>,
      %add3A_494 = vector.broadcast %mul3A_477 : i32 to vector<16xi32>
      %add3A_495 = arith.addi %add3A_9, %add3A_494 : vector<16xi32>
      %swap3A_496 = arith.constant 4 : i32
      %swap3A_497 = arith.index_cast %swap3A_496 : i32 to index
      %swap3A_498 = arith.constant 32 : index
      %swap3A_499 = tpu.vector_load %arg8[%swap3A_497, %swap3A_498] {strides = array<i32>} : memref<16x128xi32, #tpu.memory_space<vmem>>, vector<1x16xi32>,
      %swap3A_500 = vector.shape_cast %swap3A_499 : vector<1x16xi32> to vector<16xi32>
      %swap3A_501 = vector.shape_cast %add3A_495 : vector<16xi32> to vector<1x16xi32>
      tpu.vector_store %arg8[%swap3A_497, %swap3A_498], %swap3A_501 {strides = array<i32>} : memref<16x128xi32, #tpu.memory_space<vmem>>, vector<1x16xi32>,
      %add3A_502 = vector.broadcast %mul3A_477 : i32 to vector<16xi32>
      %add3A_503 = arith.addi %add3A_13, %add3A_502 : vector<16xi32>
      %swap3A_504 = arith.constant 4 : i32
      %swap3A_505 = arith.index_cast %swap3A_504 : i32 to index
      %swap3A_506 = arith.constant 48 : index
      %swap3A_507 = tpu.vector_load %arg8[%swap3A_505, %swap3A_506] {strides = array<i32>} : memref<16x128xi32, #tpu.memory_space<vmem>>, vector<1x16xi32>,
      %swap3A_508 = vector.shape_cast %swap3A_507 : vector<1x16xi32> to vector<16xi32>
      %swap3A_509 = vector.shape_cast %add3A_503 : vector<16xi32> to vector<1x16xi32>
      tpu.vector_store %arg8[%swap3A_505, %swap3A_506], %swap3A_509 {strides = array<i32>} : memref<16x128xi32, #tpu.memory_space<vmem>>, vector<1x16xi32>,
      %add3A_510 = vector.broadcast %mul3A_477 : i32 to vector<16xi32>
      %add3A_511 = arith.addi %add3A_17, %add3A_510 : vector<16xi32>
      %swap3A_512 = arith.constant 4 : i32
      %swap3A_513 = arith.index_cast %swap3A_512 : i32 to index
      %swap3A_514 = arith.constant 64 : index
      %swap3A_515 = tpu.vector_load %arg8[%swap3A_513, %swap3A_514] {strides = array<i32>} : memref<16x128xi32, #tpu.memory_space<vmem>>, vector<1x16xi32>,
      %swap3A_516 = vector.shape_cast %swap3A_515 : vector<1x16xi32> to vector<16xi32>
      %swap3A_517 = vector.shape_cast %add3A_511 : vector<16xi32> to vector<1x16xi32>
      tpu.vector_store %arg8[%swap3A_513, %swap3A_514], %swap3A_517 {strides = array<i32>} : memref<16x128xi32, #tpu.memory_space<vmem>>, vector<1x16xi32>,
      %add3A_518 = vector.broadcast %mul3A_477 : i32 to vector<16xi32>
      %add3A_519 = arith.addi %add3A_21, %add3A_518 : vector<16xi32>
      %swap3A_520 = arith.constant 4 : i32
      %swap3A_521 = arith.index_cast %swap3A_520 : i32 to index
      %swap3A_522 = arith.constant 80 : index
      %swap3A_523 = tpu.vector_load %arg8[%swap3A_521, %swap3A_522] {strides = array<i32>} : memref<16x128xi32, #tpu.memory_space<vmem>>, vector<1x16xi32>,
      %swap3A_524 = vector.shape_cast %swap3A_523 : vector<1x16xi32> to vector<16xi32>
      %swap3A_525 = vector.shape_cast %add3A_519 : vector<16xi32> to vector<1x16xi32>
      tpu.vector_store %arg8[%swap3A_521, %swap3A_522], %swap3A_525 {strides = array<i32>} : memref<16x128xi32, #tpu.memory_space<vmem>>, vector<1x16xi32>,
      %add3A_526 = vector.broadcast %mul3A_477 : i32 to vector<16xi32>
      %add3A_527 = arith.addi %add3A_25, %add3A_526 : vector<16xi32>
      %swap3A_528 = arith.constant 4 : i32
      %swap3A_529 = arith.index_cast %swap3A_528 : i32 to index
      %swap3A_530 = arith.constant 96 : index
      %swap3A_531 = tpu.vector_load %arg8[%swap3A_529, %swap3A_530] {strides = array<i32>} : memref<16x128xi32, #tpu.memory_space<vmem>>, vector<1x16xi32>,
      %swap3A_532 = vector.shape_cast %swap3A_531 : vector<1x16xi32> to vector<16xi32>
      %swap3A_533 = vector.shape_cast %add3A_527 : vector<16xi32> to vector<1x16xi32>
      tpu.vector_store %arg8[%swap3A_529, %swap3A_530], %swap3A_533 {strides = array<i32>} : memref<16x128xi32, #tpu.memory_space<vmem>>, vector<1x16xi32>,
      %add3A_534 = vector.broadcast %mul3A_477 : i32 to vector<16xi32>
      %add3A_535 = arith.addi %add3A_29, %add3A_534 : vector<16xi32>
      %swap3A_536 = arith.constant 4 : i32
      %swap3A_537 = arith.index_cast %swap3A_536 : i32 to index
      %swap3A_538 = arith.constant 112 : index
      %swap3A_539 = tpu.vector_load %arg8[%swap3A_537, %swap3A_538] {strides = array<i32>} : memref<16x128xi32, #tpu.memory_space<vmem>>, vector<1x16xi32>,
      %swap3A_540 = vector.shape_cast %swap3A_539 : vector<1x16xi32> to vector<16xi32>
      %swap3A_541 = vector.shape_cast %add3A_535 : vector<16xi32> to vector<1x16xi32>
      tpu.vector_store %arg8[%swap3A_537, %swap3A_538], %swap3A_541 {strides = array<i32>} : memref<16x128xi32, #tpu.memory_space<vmem>>, vector<1x16xi32>,
      %slice3A_542 = vector.extract_strided_slice %get3A_204 {offsets = [5], sizes = [1], strides = [1]} : vector<16xi32> to vector<1xi32>
      %squeeze3A_543 = vector.extract %slice3A_542[0] : i32 from vector<1xi32>
      %mul3A_544 = arith.constant 128 : i32
      %mul3A_545 = arith.muli %squeeze3A_543, %mul3A_544 : i32
      %add3A_546 = vector.broadcast %mul3A_545 : i32 to vector<16xi32>
      %add3A_547 = arith.addi %add3A_1, %add3A_546 : vector<16xi32>
      %swap3A_548 = arith.constant 5 : i32
      %swap3A_549 = arith.index_cast %swap3A_548 : i32 to index
      %swap3A_550 = arith.constant 0 : index
      %swap3A_551 = tpu.vector_load %arg8[%swap3A_549, %swap3A_550] {strides = array<i32>} : memref<16x128xi32, #tpu.memory_space<vmem>>, vector<1x16xi32>,
      %swap3A_552 = vector.shape_cast %swap3A_551 : vector<1x16xi32> to vector<16xi32>
      %swap3A_553 = vector.shape_cast %add3A_547 : vector<16xi32> to vector<1x16xi32>
      tpu.vector_store %arg8[%swap3A_549, %swap3A_550], %swap3A_553 {strides = array<i32>} : memref<16x128xi32, #tpu.memory_space<vmem>>, vector<1x16xi32>,
      %add3A_554 = vector.broadcast %mul3A_545 : i32 to vector<16xi32>
      %add3A_555 = arith.addi %add3A_5, %add3A_554 : vector<16xi32>
      %swap3A_556 = arith.constant 5 : i32
      %swap3A_557 = arith.index_cast %swap3A_556 : i32 to index
      %swap3A_558 = arith.constant 16 : index
      %swap3A_559 = tpu.vector_load %arg8[%swap3A_557, %swap3A_558] {strides = array<i32>} : memref<16x128xi32, #tpu.memory_space<vmem>>, vector<1x16xi32>,
      %swap3A_560 = vector.shape_cast %swap3A_559 : vector<1x16xi32> to vector<16xi32>
      %swap3A_561 = vector.shape_cast %add3A_555 : vector<16xi32> to vector<1x16xi32>
      tpu.vector_store %arg8[%swap3A_557, %swap3A_558], %swap3A_561 {strides = array<i32>} : memref<16x128xi32, #tpu.memory_space<vmem>>, vector<1x16xi32>,
      %add3A_562 = vector.broadcast %mul3A_545 : i32 to vector<16xi32>
      %add3A_563 = arith.addi %add3A_9, %add3A_562 : vector<16xi32>
      %swap3A_564 = arith.constant 5 : i32
      %swap3A_565 = arith.index_cast %swap3A_564 : i32 to index
      %swap3A_566 = arith.constant 32 : index
      %swap3A_567 = tpu.vector_load %arg8[%swap3A_565, %swap3A_566] {strides = array<i32>} : memref<16x128xi32, #tpu.memory_space<vmem>>, vector<1x16xi32>,
      %swap3A_568 = vector.shape_cast %swap3A_567 : vector<1x16xi32> to vector<16xi32>
      %swap3A_569 = vector.shape_cast %add3A_563 : vector<16xi32> to vector<1x16xi32>
      tpu.vector_store %arg8[%swap3A_565, %swap3A_566], %swap3A_569 {strides = array<i32>} : memref<16x128xi32, #tpu.memory_space<vmem>>, vector<1x16xi32>,
      %add3A_570 = vector.broadcast %mul3A_545 : i32 to vector<16xi32>
      %add3A_571 = arith.addi %add3A_13, %add3A_570 : vector<16xi32>
      %swap3A_572 = arith.constant 5 : i32
      %swap3A_573 = arith.index_cast %swap3A_572 : i32 to index
      %swap3A_574 = arith.constant 48 : index
      %swap3A_575 = tpu.vector_load %arg8[%swap3A_573, %swap3A_574] {strides = array<i32>} : memref<16x128xi32, #tpu.memory_space<vmem>>, vector<1x16xi32>,
      %swap3A_576 = vector.shape_cast %swap3A_575 : vector<1x16xi32> to vector<16xi32>
      %swap3A_577 = vector.shape_cast %add3A_571 : vector<16xi32> to vector<1x16xi32>
      tpu.vector_store %arg8[%swap3A_573, %swap3A_574], %swap3A_577 {strides = array<i32>} : memref<16x128xi32, #tpu.memory_space<vmem>>, vector<1x16xi32>,
      %add3A_578 = vector.broadcast %mul3A_545 : i32 to vector<16xi32>
      %add3A_579 = arith.addi %add3A_17, %add3A_578 : vector<16xi32>
      %swap3A_580 = arith.constant 5 : i32
      %swap3A_581 = arith.index_cast %swap3A_580 : i32 to index
      %swap3A_582 = arith.constant 64 : index
      %swap3A_583 = tpu.vector_load %arg8[%swap3A_581, %swap3A_582] {strides = array<i32>} : memref<16x128xi32, #tpu.memory_space<vmem>>, vector<1x16xi32>,
      %swap3A_584 = vector.shape_cast %swap3A_583 : vector<1x16xi32> to vector<16xi32>
      %swap3A_585 = vector.shape_cast %add3A_579 : vector<16xi32> to vector<1x16xi32>
      tpu.vector_store %arg8[%swap3A_581, %swap3A_582], %swap3A_585 {strides = array<i32>} : memref<16x128xi32, #tpu.memory_space<vmem>>, vector<1x16xi32>,
      %add3A_586 = vector.broadcast %mul3A_545 : i32 to vector<16xi32>
      %add3A_587 = arith.addi %add3A_21, %add3A_586 : vector<16xi32>
      %swap3A_588 = arith.constant 5 : i32
      %swap3A_589 = arith.index_cast %swap3A_588 : i32 to index
      %swap3A_590 = arith.constant 80 : index
      %swap3A_591 = tpu.vector_load %arg8[%swap3A_589, %swap3A_590] {strides = array<i32>} : memref<16x128xi32, #tpu.memory_space<vmem>>, vector<1x16xi32>,
      %swap3A_592 = vector.shape_cast %swap3A_591 : vector<1x16xi32> to vector<16xi32>
      %swap3A_593 = vector.shape_cast %add3A_587 : vector<16xi32> to vector<1x16xi32>
      tpu.vector_store %arg8[%swap3A_589, %swap3A_590], %swap3A_593 {strides = array<i32>} : memref<16x128xi32, #tpu.memory_space<vmem>>, vector<1x16xi32>,
      %add3A_594 = vector.broadcast %mul3A_545 : i32 to vector<16xi32>
      %add3A_595 = arith.addi %add3A_25, %add3A_594 : vector<16xi32>
      %swap3A_596 = arith.constant 5 : i32
      %swap3A_597 = arith.index_cast %swap3A_596 : i32 to index
      %swap3A_598 = arith.constant 96 : index
      %swap3A_599 = tpu.vector_load %arg8[%swap3A_597, %swap3A_598] {strides = array<i32>} : memref<16x128xi32, #tpu.memory_space<vmem>>, vector<1x16xi32>,
      %swap3A_600 = vector.shape_cast %swap3A_599 : vector<1x16xi32> to vector<16xi32>
      %swap3A_601 = vector.shape_cast %add3A_595 : vector<16xi32> to vector<1x16xi32>
      tpu.vector_store %arg8[%swap3A_597, %swap3A_598], %swap3A_601 {strides = array<i32>} : memref<16x128xi32, #tpu.memory_space<vmem>>, vector<1x16xi32>,
      %add3A_602 = vector.broadcast %mul3A_545 : i32 to vector<16xi32>
      %add3A_603 = arith.addi %add3A_29, %add3A_602 : vector<16xi32>
      %swap3A_604 = arith.constant 5 : i32
      %swap3A_605 = arith.index_cast %swap3A_604 : i32 to index
      %swap3A_606 = arith.constant 112 : index
      %swap3A_607 = tpu.vector_load %arg8[%swap3A_605, %swap3A_606] {strides = array<i32>} : memref<16x128xi32, #tpu.memory_space<vmem>>, vector<1x16xi32>,
      %swap3A_608 = vector.shape_cast %swap3A_607 : vector<1x16xi32> to vector<16xi32>
      %swap3A_609 = vector.shape_cast %add3A_603 : vector<16xi32> to vector<1x16xi32>
      tpu.vector_store %arg8[%swap3A_605, %swap3A_606], %swap3A_609 {strides = array<i32>} : memref<16x128xi32, #tpu.memory_space<vmem>>, vector<1x16xi32>,
      %slice3A_610 = vector.extract_strided_slice %get3A_204 {offsets = [6], sizes = [1], strides = [1]} : vector<16xi32> to vector<1xi32>
      %squeeze3A_611 = vector.extract %slice3A_610[0] : i32 from vector<1xi32>
      %mul3A_612 = arith.constant 128 : i32
      %mul3A_613 = arith.muli %squeeze3A_611, %mul3A_612 : i32
      %add3A_614 = vector.broadcast %mul3A_613 : i32 to vector<16xi32>
      %add3A_615 = arith.addi %add3A_1, %add3A_614 : vector<16xi32>
      %swap3A_616 = arith.constant 6 : i32
      %swap3A_617 = arith.index_cast %swap3A_616 : i32 to index
      %swap3A_618 = arith.constant 0 : index
      %swap3A_619 = tpu.vector_load %arg8[%swap3A_617, %swap3A_618] {strides = array<i32>} : memref<16x128xi32, #tpu.memory_space<vmem>>, vector<1x16xi32>,
      %swap3A_620 = vector.shape_cast %swap3A_619 : vector<1x16xi32> to vector<16xi32>
      %swap3A_621 = vector.shape_cast %add3A_615 : vector<16xi32> to vector<1x16xi32>
      tpu.vector_store %arg8[%swap3A_617, %swap3A_618], %swap3A_621 {strides = array<i32>} : memref<16x128xi32, #tpu.memory_space<vmem>>, vector<1x16xi32>,
      %add3A_622 = vector.broadcast %mul3A_613 : i32 to vector<16xi32>
      %add3A_623 = arith.addi %add3A_5, %add3A_622 : vector<16xi32>
      %swap3A_624 = arith.constant 6 : i32
      %swap3A_625 = arith.index_cast %swap3A_624 : i32 to index
      %swap3A_626 = arith.constant 16 : index
      %swap3A_627 = tpu.vector_load %arg8[%swap3A_625, %swap3A_626] {strides = array<i32>} : memref<16x128xi32, #tpu.memory_space<vmem>>, vector<1x16xi32>,
      %swap3A_628 = vector.shape_cast %swap3A_627 : vector<1x16xi32> to vector<16xi32>
      %swap3A_629 = vector.shape_cast %add3A_623 : vector<16xi32> to vector<1x16xi32>
      tpu.vector_store %arg8[%swap3A_625, %swap3A_626], %swap3A_629 {strides = array<i32>} : memref<16x128xi32, #tpu.memory_space<vmem>>, vector<1x16xi32>,
      %add3A_630 = vector.broadcast %mul3A_613 : i32 to vector<16xi32>
      %add3A_631 = arith.addi %add3A_9, %add3A_630 : vector<16xi32>
      %swap3A_632 = arith.constant 6 : i32
      %swap3A_633 = arith.index_cast %swap3A_632 : i32 to index
      %swap3A_634 = arith.constant 32 : index
      %swap3A_635 = tpu.vector_load %arg8[%swap3A_633, %swap3A_634] {strides = array<i32>} : memref<16x128xi32, #tpu.memory_space<vmem>>, vector<1x16xi32>,
      %swap3A_636 = vector.shape_cast %swap3A_635 : vector<1x16xi32> to vector<16xi32>
      %swap3A_637 = vector.shape_cast %add3A_631 : vector<16xi32> to vector<1x16xi32>
      tpu.vector_store %arg8[%swap3A_633, %swap3A_634], %swap3A_637 {strides = array<i32>} : memref<16x128xi32, #tpu.memory_space<vmem>>, vector<1x16xi32>,
      %add3A_638 = vector.broadcast %mul3A_613 : i32 to vector<16xi32>
      %add3A_639 = arith.addi %add3A_13, %add3A_638 : vector<16xi32>
      %swap3A_640 = arith.constant 6 : i32
      %swap3A_641 = arith.index_cast %swap3A_640 : i32 to index
      %swap3A_642 = arith.constant 48 : index
      %swap3A_643 = tpu.vector_load %arg8[%swap3A_641, %swap3A_642] {strides = array<i32>} : memref<16x128xi32, #tpu.memory_space<vmem>>, vector<1x16xi32>,
      %swap3A_644 = vector.shape_cast %swap3A_643 : vector<1x16xi32> to vector<16xi32>
      %swap3A_645 = vector.shape_cast %add3A_639 : vector<16xi32> to vector<1x16xi32>
      tpu.vector_store %arg8[%swap3A_641, %swap3A_642], %swap3A_645 {strides = array<i32>} : memref<16x128xi32, #tpu.memory_space<vmem>>, vector<1x16xi32>,
      %add3A_646 = vector.broadcast %mul3A_613 : i32 to vector<16xi32>
      %add3A_647 = arith.addi %add3A_17, %add3A_646 : vector<16xi32>
      %swap3A_648 = arith.constant 6 : i32
      %swap3A_649 = arith.index_cast %swap3A_648 : i32 to index
      %swap3A_650 = arith.constant 64 : index
      %swap3A_651 = tpu.vector_load %arg8[%swap3A_649, %swap3A_650] {strides = array<i32>} : memref<16x128xi32, #tpu.memory_space<vmem>>, vector<1x16xi32>,
      %swap3A_652 = vector.shape_cast %swap3A_651 : vector<1x16xi32> to vector<16xi32>
      %swap3A_653 = vector.shape_cast %add3A_647 : vector<16xi32> to vector<1x16xi32>
      tpu.vector_store %arg8[%swap3A_649, %swap3A_650], %swap3A_653 {strides = array<i32>} : memref<16x128xi32, #tpu.memory_space<vmem>>, vector<1x16xi32>,
      %add3A_654 = vector.broadcast %mul3A_613 : i32 to vector<16xi32>
      %add3A_655 = arith.addi %add3A_21, %add3A_654 : vector<16xi32>
      %swap3A_656 = arith.constant 6 : i32
      %swap3A_657 = arith.index_cast %swap3A_656 : i32 to index
      %swap3A_658 = arith.constant 80 : index
      %swap3A_659 = tpu.vector_load %arg8[%swap3A_657, %swap3A_658] {strides = array<i32>} : memref<16x128xi32, #tpu.memory_space<vmem>>, vector<1x16xi32>,
      %swap3A_660 = vector.shape_cast %swap3A_659 : vector<1x16xi32> to vector<16xi32>
      %swap3A_661 = vector.shape_cast %add3A_655 : vector<16xi32> to vector<1x16xi32>
      tpu.vector_store %arg8[%swap3A_657, %swap3A_658], %swap3A_661 {strides = array<i32>} : memref<16x128xi32, #tpu.memory_space<vmem>>, vector<1x16xi32>,
      %add3A_662 = vector.broadcast %mul3A_613 : i32 to vector<16xi32>
      %add3A_663 = arith.addi %add3A_25, %add3A_662 : vector<16xi32>
      %swap3A_664 = arith.constant 6 : i32
      %swap3A_665 = arith.index_cast %swap3A_664 : i32 to index
      %swap3A_666 = arith.constant 96 : index
      %swap3A_667 = tpu.vector_load %arg8[%swap3A_665, %swap3A_666] {strides = array<i32>} : memref<16x128xi32, #tpu.memory_space<vmem>>, vector<1x16xi32>,
      %swap3A_668 = vector.shape_cast %swap3A_667 : vector<1x16xi32> to vector<16xi32>
      %swap3A_669 = vector.shape_cast %add3A_663 : vector<16xi32> to vector<1x16xi32>
      tpu.vector_store %arg8[%swap3A_665, %swap3A_666], %swap3A_669 {strides = array<i32>} : memref<16x128xi32, #tpu.memory_space<vmem>>, vector<1x16xi32>,
      %add3A_670 = vector.broadcast %mul3A_613 : i32 to vector<16xi32>
      %add3A_671 = arith.addi %add3A_29, %add3A_670 : vector<16xi32>
      %swap3A_672 = arith.constant 6 : i32
      %swap3A_673 = arith.index_cast %swap3A_672 : i32 to index
      %swap3A_674 = arith.constant 112 : index
      %swap3A_675 = tpu.vector_load %arg8[%swap3A_673, %swap3A_674] {strides = array<i32>} : memref<16x128xi32, #tpu.memory_space<vmem>>, vector<1x16xi32>,
      %swap3A_676 = vector.shape_cast %swap3A_675 : vector<1x16xi32> to vector<16xi32>
      %swap3A_677 = vector.shape_cast %add3A_671 : vector<16xi32> to vector<1x16xi32>
      tpu.vector_store %arg8[%swap3A_673, %swap3A_674], %swap3A_677 {strides = array<i32>} : memref<16x128xi32, #tpu.memory_space<vmem>>, vector<1x16xi32>,
      %slice3A_678 = vector.extract_strided_slice %get3A_204 {offsets = [7], sizes = [1], strides = [1]} : vector<16xi32> to vector<1xi32>
      %squeeze3A_679 = vector.extract %slice3A_678[0] : i32 from vector<1xi32>
      %mul3A_680 = arith.constant 128 : i32
      %mul3A_681 = arith.muli %squeeze3A_679, %mul3A_680 : i32
      %add3A_682 = vector.broadcast %mul3A_681 : i32 to vector<16xi32>
      %add3A_683 = arith.addi %add3A_1, %add3A_682 : vector<16xi32>
      %swap3A_684 = arith.constant 7 : i32
      %swap3A_685 = arith.index_cast %swap3A_684 : i32 to index
      %swap3A_686 = arith.constant 0 : index
      %swap3A_687 = tpu.vector_load %arg8[%swap3A_685, %swap3A_686] {strides = array<i32>} : memref<16x128xi32, #tpu.memory_space<vmem>>, vector<1x16xi32>,
      %swap3A_688 = vector.shape_cast %swap3A_687 : vector<1x16xi32> to vector<16xi32>
      %swap3A_689 = vector.shape_cast %add3A_683 : vector<16xi32> to vector<1x16xi32>
      tpu.vector_store %arg8[%swap3A_685, %swap3A_686], %swap3A_689 {strides = array<i32>} : memref<16x128xi32, #tpu.memory_space<vmem>>, vector<1x16xi32>,
      %add3A_690 = vector.broadcast %mul3A_681 : i32 to vector<16xi32>
      %add3A_691 = arith.addi %add3A_5, %add3A_690 : vector<16xi32>
      %swap3A_692 = arith.constant 7 : i32
      %swap3A_693 = arith.index_cast %swap3A_692 : i32 to index
      %swap3A_694 = arith.constant 16 : index
      %swap3A_695 = tpu.vector_load %arg8[%swap3A_693, %swap3A_694] {strides = array<i32>} : memref<16x128xi32, #tpu.memory_space<vmem>>, vector<1x16xi32>,
      %swap3A_696 = vector.shape_cast %swap3A_695 : vector<1x16xi32> to vector<16xi32>
      %swap3A_697 = vector.shape_cast %add3A_691 : vector<16xi32> to vector<1x16xi32>
      tpu.vector_store %arg8[%swap3A_693, %swap3A_694], %swap3A_697 {strides = array<i32>} : memref<16x128xi32, #tpu.memory_space<vmem>>, vector<1x16xi32>,
      %add3A_698 = vector.broadcast %mul3A_681 : i32 to vector<16xi32>
      %add3A_699 = arith.addi %add3A_9, %add3A_698 : vector<16xi32>
      %swap3A_700 = arith.constant 7 : i32
      %swap3A_701 = arith.index_cast %swap3A_700 : i32 to index
      %swap3A_702 = arith.constant 32 : index
      %swap3A_703 = tpu.vector_load %arg8[%swap3A_701, %swap3A_702] {strides = array<i32>} : memref<16x128xi32, #tpu.memory_space<vmem>>, vector<1x16xi32>,
      %swap3A_704 = vector.shape_cast %swap3A_703 : vector<1x16xi32> to vector<16xi32>
      %swap3A_705 = vector.shape_cast %add3A_699 : vector<16xi32> to vector<1x16xi32>
      tpu.vector_store %arg8[%swap3A_701, %swap3A_702], %swap3A_705 {strides = array<i32>} : memref<16x128xi32, #tpu.memory_space<vmem>>, vector<1x16xi32>,
      %add3A_706 = vector.broadcast %mul3A_681 : i32 to vector<16xi32>
      %add3A_707 = arith.addi %add3A_13, %add3A_706 : vector<16xi32>
      %swap3A_708 = arith.constant 7 : i32
      %swap3A_709 = arith.index_cast %swap3A_708 : i32 to index
      %swap3A_710 = arith.constant 48 : index
      %swap3A_711 = tpu.vector_load %arg8[%swap3A_709, %swap3A_710] {strides = array<i32>} : memref<16x128xi32, #tpu.memory_space<vmem>>, vector<1x16xi32>,
      %swap3A_712 = vector.shape_cast %swap3A_711 : vector<1x16xi32> to vector<16xi32>
      %swap3A_713 = vector.shape_cast %add3A_707 : vector<16xi32> to vector<1x16xi32>
      tpu.vector_store %arg8[%swap3A_709, %swap3A_710], %swap3A_713 {strides = array<i32>} : memref<16x128xi32, #tpu.memory_space<vmem>>, vector<1x16xi32>,
      %add3A_714 = vector.broadcast %mul3A_681 : i32 to vector<16xi32>
      %add3A_715 = arith.addi %add3A_17, %add3A_714 : vector<16xi32>
      %swap3A_716 = arith.constant 7 : i32
      %swap3A_717 = arith.index_cast %swap3A_716 : i32 to index
      %swap3A_718 = arith.constant 64 : index
      %swap3A_719 = tpu.vector_load %arg8[%swap3A_717, %swap3A_718] {strides = array<i32>} : memref<16x128xi32, #tpu.memory_space<vmem>>, vector<1x16xi32>,
      %swap3A_720 = vector.shape_cast %swap3A_719 : vector<1x16xi32> to vector<16xi32>
      %swap3A_721 = vector.shape_cast %add3A_715 : vector<16xi32> to vector<1x16xi32>
      tpu.vector_store %arg8[%swap3A_717, %swap3A_718], %swap3A_721 {strides = array<i32>} : memref<16x128xi32, #tpu.memory_space<vmem>>, vector<1x16xi32>,
      %add3A_722 = vector.broadcast %mul3A_681 : i32 to vector<16xi32>
      %add3A_723 = arith.addi %add3A_21, %add3A_722 : vector<16xi32>
      %swap3A_724 = arith.constant 7 : i32
      %swap3A_725 = arith.index_cast %swap3A_724 : i32 to index
      %swap3A_726 = arith.constant 80 : index
      %swap3A_727 = tpu.vector_load %arg8[%swap3A_725, %swap3A_726] {strides = array<i32>} : memref<16x128xi32, #tpu.memory_space<vmem>>, vector<1x16xi32>,
      %swap3A_728 = vector.shape_cast %swap3A_727 : vector<1x16xi32> to vector<16xi32>
      %swap3A_729 = vector.shape_cast %add3A_723 : vector<16xi32> to vector<1x16xi32>
      tpu.vector_store %arg8[%swap3A_725, %swap3A_726], %swap3A_729 {strides = array<i32>} : memref<16x128xi32, #tpu.memory_space<vmem>>, vector<1x16xi32>,
      %add3A_730 = vector.broadcast %mul3A_681 : i32 to vector<16xi32>
      %add3A_731 = arith.addi %add3A_25, %add3A_730 : vector<16xi32>
      %swap3A_732 = arith.constant 7 : i32
      %swap3A_733 = arith.index_cast %swap3A_732 : i32 to index
      %swap3A_734 = arith.constant 96 : index
      %swap3A_735 = tpu.vector_load %arg8[%swap3A_733, %swap3A_734] {strides = array<i32>} : memref<16x128xi32, #tpu.memory_space<vmem>>, vector<1x16xi32>,
      %swap3A_736 = vector.shape_cast %swap3A_735 : vector<1x16xi32> to vector<16xi32>
      %swap3A_737 = vector.shape_cast %add3A_731 : vector<16xi32> to vector<1x16xi32>
      tpu.vector_store %arg8[%swap3A_733, %swap3A_734], %swap3A_737 {strides = array<i32>} : memref<16x128xi32, #tpu.memory_space<vmem>>, vector<1x16xi32>,
      %add3A_738 = vector.broadcast %mul3A_681 : i32 to vector<16xi32>
      %add3A_739 = arith.addi %add3A_29, %add3A_738 : vector<16xi32>
      %swap3A_740 = arith.constant 7 : i32
      %swap3A_741 = arith.index_cast %swap3A_740 : i32 to index
      %swap3A_742 = arith.constant 112 : index
      %swap3A_743 = tpu.vector_load %arg8[%swap3A_741, %swap3A_742] {strides = array<i32>} : memref<16x128xi32, #tpu.memory_space<vmem>>, vector<1x16xi32>,
      %swap3A_744 = vector.shape_cast %swap3A_743 : vector<1x16xi32> to vector<16xi32>
      %swap3A_745 = vector.shape_cast %add3A_739 : vector<16xi32> to vector<1x16xi32>
      tpu.vector_store %arg8[%swap3A_741, %swap3A_742], %swap3A_745 {strides = array<i32>} : memref<16x128xi32, #tpu.memory_space<vmem>>, vector<1x16xi32>,
      %slice3A_746 = vector.extract_strided_slice %get3A_204 {offsets = [8], sizes = [1], strides = [1]} : vector<16xi32> to vector<1xi32>
      %squeeze3A_747 = vector.extract %slice3A_746[0] : i32 from vector<1xi32>
      %mul3A_748 = arith.constant 128 : i32
      %mul3A_749 = arith.muli %squeeze3A_747, %mul3A_748 : i32
      %add3A_750 = vector.broadcast %mul3A_749 : i32 to vector<16xi32>
      %add3A_751 = arith.addi %add3A_1, %add3A_750 : vector<16xi32>
      %swap3A_752 = arith.constant 8 : i32
      %swap3A_753 = arith.index_cast %swap3A_752 : i32 to index
      %swap3A_754 = arith.constant 0 : index
      %swap3A_755 = tpu.vector_load %arg8[%swap3A_753, %swap3A_754] {strides = array<i32>} : memref<16x128xi32, #tpu.memory_space<vmem>>, vector<1x16xi32>,
      %swap3A_756 = vector.shape_cast %swap3A_755 : vector<1x16xi32> to vector<16xi32>
      %swap3A_757 = vector.shape_cast %add3A_751 : vector<16xi32> to vector<1x16xi32>
      tpu.vector_store %arg8[%swap3A_753, %swap3A_754], %swap3A_757 {strides = array<i32>} : memref<16x128xi32, #tpu.memory_space<vmem>>, vector<1x16xi32>,
      %add3A_758 = vector.broadcast %mul3A_749 : i32 to vector<16xi32>
      %add3A_759 = arith.addi %add3A_5, %add3A_758 : vector<16xi32>
      %swap3A_760 = arith.constant 8 : i32
      %swap3A_761 = arith.index_cast %swap3A_760 : i32 to index
      %swap3A_762 = arith.constant 16 : index
      %swap3A_763 = tpu.vector_load %arg8[%swap3A_761, %swap3A_762] {strides = array<i32>} : memref<16x128xi32, #tpu.memory_space<vmem>>, vector<1x16xi32>,
      %swap3A_764 = vector.shape_cast %swap3A_763 : vector<1x16xi32> to vector<16xi32>
      %swap3A_765 = vector.shape_cast %add3A_759 : vector<16xi32> to vector<1x16xi32>
      tpu.vector_store %arg8[%swap3A_761, %swap3A_762], %swap3A_765 {strides = array<i32>} : memref<16x128xi32, #tpu.memory_space<vmem>>, vector<1x16xi32>,
      %add3A_766 = vector.broadcast %mul3A_749 : i32 to vector<16xi32>
      %add3A_767 = arith.addi %add3A_9, %add3A_766 : vector<16xi32>
      %swap3A_768 = arith.constant 8 : i32
      %swap3A_769 = arith.index_cast %swap3A_768 : i32 to index
      %swap3A_770 = arith.constant 32 : index
      %swap3A_771 = tpu.vector_load %arg8[%swap3A_769, %swap3A_770] {strides = array<i32>} : memref<16x128xi32, #tpu.memory_space<vmem>>, vector<1x16xi32>,
      %swap3A_772 = vector.shape_cast %swap3A_771 : vector<1x16xi32> to vector<16xi32>
      %swap3A_773 = vector.shape_cast %add3A_767 : vector<16xi32> to vector<1x16xi32>
      tpu.vector_store %arg8[%swap3A_769, %swap3A_770], %swap3A_773 {strides = array<i32>} : memref<16x128xi32, #tpu.memory_space<vmem>>, vector<1x16xi32>,
      %add3A_774 = vector.broadcast %mul3A_749 : i32 to vector<16xi32>
      %add3A_775 = arith.addi %add3A_13, %add3A_774 : vector<16xi32>
      %swap3A_776 = arith.constant 8 : i32
      %swap3A_777 = arith.index_cast %swap3A_776 : i32 to index
      %swap3A_778 = arith.constant 48 : index
      %swap3A_779 = tpu.vector_load %arg8[%swap3A_777, %swap3A_778] {strides = array<i32>} : memref<16x128xi32, #tpu.memory_space<vmem>>, vector<1x16xi32>,
      %swap3A_780 = vector.shape_cast %swap3A_779 : vector<1x16xi32> to vector<16xi32>
      %swap3A_781 = vector.shape_cast %add3A_775 : vector<16xi32> to vector<1x16xi32>
      tpu.vector_store %arg8[%swap3A_777, %swap3A_778], %swap3A_781 {strides = array<i32>} : memref<16x128xi32, #tpu.memory_space<vmem>>, vector<1x16xi32>,
      %add3A_782 = vector.broadcast %mul3A_749 : i32 to vector<16xi32>
      %add3A_783 = arith.addi %add3A_17, %add3A_782 : vector<16xi32>
      %swap3A_784 = arith.constant 8 : i32
      %swap3A_785 = arith.index_cast %swap3A_784 : i32 to index
      %swap3A_786 = arith.constant 64 : index
      %swap3A_787 = tpu.vector_load %arg8[%swap3A_785, %swap3A_786] {strides = array<i32>} : memref<16x128xi32, #tpu.memory_space<vmem>>, vector<1x16xi32>,
      %swap3A_788 = vector.shape_cast %swap3A_787 : vector<1x16xi32> to vector<16xi32>
      %swap3A_789 = vector.shape_cast %add3A_783 : vector<16xi32> to vector<1x16xi32>
      tpu.vector_store %arg8[%swap3A_785, %swap3A_786], %swap3A_789 {strides = array<i32>} : memref<16x128xi32, #tpu.memory_space<vmem>>, vector<1x16xi32>,
      %add3A_790 = vector.broadcast %mul3A_749 : i32 to vector<16xi32>
      %add3A_791 = arith.addi %add3A_21, %add3A_790 : vector<16xi32>
      %swap3A_792 = arith.constant 8 : i32
      %swap3A_793 = arith.index_cast %swap3A_792 : i32 to index
      %swap3A_794 = arith.constant 80 : index
      %swap3A_795 = tpu.vector_load %arg8[%swap3A_793, %swap3A_794] {strides = array<i32>} : memref<16x128xi32, #tpu.memory_space<vmem>>, vector<1x16xi32>,
      %swap3A_796 = vector.shape_cast %swap3A_795 : vector<1x16xi32> to vector<16xi32>
      %swap3A_797 = vector.shape_cast %add3A_791 : vector<16xi32> to vector<1x16xi32>
      tpu.vector_store %arg8[%swap3A_793, %swap3A_794], %swap3A_797 {strides = array<i32>} : memref<16x128xi32, #tpu.memory_space<vmem>>, vector<1x16xi32>,
      %add3A_798 = vector.broadcast %mul3A_749 : i32 to vector<16xi32>
      %add3A_799 = arith.addi %add3A_25, %add3A_798 : vector<16xi32>
      %swap3A_800 = arith.constant 8 : i32
      %swap3A_801 = arith.index_cast %swap3A_800 : i32 to index
      %swap3A_802 = arith.constant 96 : index
      %swap3A_803 = tpu.vector_load %arg8[%swap3A_801, %swap3A_802] {strides = array<i32>} : memref<16x128xi32, #tpu.memory_space<vmem>>, vector<1x16xi32>,
      %swap3A_804 = vector.shape_cast %swap3A_803 : vector<1x16xi32> to vector<16xi32>
      %swap3A_805 = vector.shape_cast %add3A_799 : vector<16xi32> to vector<1x16xi32>
      tpu.vector_store %arg8[%swap3A_801, %swap3A_802], %swap3A_805 {strides = array<i32>} : memref<16x128xi32, #tpu.memory_space<vmem>>, vector<1x16xi32>,
      %add3A_806 = vector.broadcast %mul3A_749 : i32 to vector<16xi32>
      %add3A_807 = arith.addi %add3A_29, %add3A_806 : vector<16xi32>
      %swap3A_808 = arith.constant 8 : i32
      %swap3A_809 = arith.index_cast %swap3A_808 : i32 to index
      %swap3A_810 = arith.constant 112 : index
      %swap3A_811 = tpu.vector_load %arg8[%swap3A_809, %swap3A_810] {strides = array<i32>} : memref<16x128xi32, #tpu.memory_space<vmem>>, vector<1x16xi32>,
      %swap3A_812 = vector.shape_cast %swap3A_811 : vector<1x16xi32> to vector<16xi32>
      %swap3A_813 = vector.shape_cast %add3A_807 : vector<16xi32> to vector<1x16xi32>
      tpu.vector_store %arg8[%swap3A_809, %swap3A_810], %swap3A_813 {strides = array<i32>} : memref<16x128xi32, #tpu.memory_space<vmem>>, vector<1x16xi32>,
      %slice3A_814 = vector.extract_strided_slice %get3A_204 {offsets = [9], sizes = [1], strides = [1]} : vector<16xi32> to vector<1xi32>
      %squeeze3A_815 = vector.extract %slice3A_814[0] : i32 from vector<1xi32>
      %mul3A_816 = arith.constant 128 : i32
      %mul3A_817 = arith.muli %squeeze3A_815, %mul3A_816 : i32
      %add3A_818 = vector.broadcast %mul3A_817 : i32 to vector<16xi32>
      %add3A_819 = arith.addi %add3A_1, %add3A_818 : vector<16xi32>
      %swap3A_820 = arith.constant 9 : i32
      %swap3A_821 = arith.index_cast %swap3A_820 : i32 to index
      %swap3A_822 = arith.constant 0 : index
      %swap3A_823 = tpu.vector_load %arg8[%swap3A_821, %swap3A_822] {strides = array<i32>} : memref<16x128xi32, #tpu.memory_space<vmem>>, vector<1x16xi32>,
      %swap3A_824 = vector.shape_cast %swap3A_823 : vector<1x16xi32> to vector<16xi32>
      %swap3A_825 = vector.shape_cast %add3A_819 : vector<16xi32> to vector<1x16xi32>
      tpu.vector_store %arg8[%swap3A_821, %swap3A_822], %swap3A_825 {strides = array<i32>} : memref<16x128xi32, #tpu.memory_space<vmem>>, vector<1x16xi32>,
      %add3A_826 = vector.broadcast %mul3A_817 : i32 to vector<16xi32>
      %add3A_827 = arith.addi %add3A_5, %add3A_826 : vector<16xi32>
      %swap3A_828 = arith.constant 9 : i32
      %swap3A_829 = arith.index_cast %swap3A_828 : i32 to index
      %swap3A_830 = arith.constant 16 : index
      %swap3A_831 = tpu.vector_load %arg8[%swap3A_829, %swap3A_830] {strides = array<i32>} : memref<16x128xi32, #tpu.memory_space<vmem>>, vector<1x16xi32>,
      %swap3A_832 = vector.shape_cast %swap3A_831 : vector<1x16xi32> to vector<16xi32>
      %swap3A_833 = vector.shape_cast %add3A_827 : vector<16xi32> to vector<1x16xi32>
      tpu.vector_store %arg8[%swap3A_829, %swap3A_830], %swap3A_833 {strides = array<i32>} : memref<16x128xi32, #tpu.memory_space<vmem>>, vector<1x16xi32>,
      %add3A_834 = vector.broadcast %mul3A_817 : i32 to vector<16xi32>
      %add3A_835 = arith.addi %add3A_9, %add3A_834 : vector<16xi32>
      %swap3A_836 = arith.constant 9 : i32
      %swap3A_837 = arith.index_cast %swap3A_836 : i32 to index
      %swap3A_838 = arith.constant 32 : index
      %swap3A_839 = tpu.vector_load %arg8[%swap3A_837, %swap3A_838] {strides = array<i32>} : memref<16x128xi32, #tpu.memory_space<vmem>>, vector<1x16xi32>,
      %swap3A_840 = vector.shape_cast %swap3A_839 : vector<1x16xi32> to vector<16xi32>
      %swap3A_841 = vector.shape_cast %add3A_835 : vector<16xi32> to vector<1x16xi32>
      tpu.vector_store %arg8[%swap3A_837, %swap3A_838], %swap3A_841 {strides = array<i32>} : memref<16x128xi32, #tpu.memory_space<vmem>>, vector<1x16xi32>,
      %add3A_842 = vector.broadcast %mul3A_817 : i32 to vector<16xi32>
      %add3A_843 = arith.addi %add3A_13, %add3A_842 : vector<16xi32>
      %swap3A_844 = arith.constant 9 : i32
      %swap3A_845 = arith.index_cast %swap3A_844 : i32 to index
      %swap3A_846 = arith.constant 48 : index
      %swap3A_847 = tpu.vector_load %arg8[%swap3A_845, %swap3A_846] {strides = array<i32>} : memref<16x128xi32, #tpu.memory_space<vmem>>, vector<1x16xi32>,
      %swap3A_848 = vector.shape_cast %swap3A_847 : vector<1x16xi32> to vector<16xi32>
      %swap3A_849 = vector.shape_cast %add3A_843 : vector<16xi32> to vector<1x16xi32>
      tpu.vector_store %arg8[%swap3A_845, %swap3A_846], %swap3A_849 {strides = array<i32>} : memref<16x128xi32, #tpu.memory_space<vmem>>, vector<1x16xi32>,
      %add3A_850 = vector.broadcast %mul3A_817 : i32 to vector<16xi32>
      %add3A_851 = arith.addi %add3A_17, %add3A_850 : vector<16xi32>
      %swap3A_852 = arith.constant 9 : i32
      %swap3A_853 = arith.index_cast %swap3A_852 : i32 to index
      %swap3A_854 = arith.constant 64 : index
      %swap3A_855 = tpu.vector_load %arg8[%swap3A_853, %swap3A_854] {strides = array<i32>} : memref<16x128xi32, #tpu.memory_space<vmem>>, vector<1x16xi32>,
      %swap3A_856 = vector.shape_cast %swap3A_855 : vector<1x16xi32> to vector<16xi32>
      %swap3A_857 = vector.shape_cast %add3A_851 : vector<16xi32> to vector<1x16xi32>
      tpu.vector_store %arg8[%swap3A_853, %swap3A_854], %swap3A_857 {strides = array<i32>} : memref<16x128xi32, #tpu.memory_space<vmem>>, vector<1x16xi32>,
      %add3A_858 = vector.broadcast %mul3A_817 : i32 to vector<16xi32>
      %add3A_859 = arith.addi %add3A_21, %add3A_858 : vector<16xi32>
      %swap3A_860 = arith.constant 9 : i32
      %swap3A_861 = arith.index_cast %swap3A_860 : i32 to index
      %swap3A_862 = arith.constant 80 : index
      %swap3A_863 = tpu.vector_load %arg8[%swap3A_861, %swap3A_862] {strides = array<i32>} : memref<16x128xi32, #tpu.memory_space<vmem>>, vector<1x16xi32>,
      %swap3A_864 = vector.shape_cast %swap3A_863 : vector<1x16xi32> to vector<16xi32>
      %swap3A_865 = vector.shape_cast %add3A_859 : vector<16xi32> to vector<1x16xi32>
      tpu.vector_store %arg8[%swap3A_861, %swap3A_862], %swap3A_865 {strides = array<i32>} : memref<16x128xi32, #tpu.memory_space<vmem>>, vector<1x16xi32>,
      %add3A_866 = vector.broadcast %mul3A_817 : i32 to vector<16xi32>
      %add3A_867 = arith.addi %add3A_25, %add3A_866 : vector<16xi32>
      %swap3A_868 = arith.constant 9 : i32
      %swap3A_869 = arith.index_cast %swap3A_868 : i32 to index
      %swap3A_870 = arith.constant 96 : index
      %swap3A_871 = tpu.vector_load %arg8[%swap3A_869, %swap3A_870] {strides = array<i32>} : memref<16x128xi32, #tpu.memory_space<vmem>>, vector<1x16xi32>,
      %swap3A_872 = vector.shape_cast %swap3A_871 : vector<1x16xi32> to vector<16xi32>
      %swap3A_873 = vector.shape_cast %add3A_867 : vector<16xi32> to vector<1x16xi32>
      tpu.vector_store %arg8[%swap3A_869, %swap3A_870], %swap3A_873 {strides = array<i32>} : memref<16x128xi32, #tpu.memory_space<vmem>>, vector<1x16xi32>,
      %add3A_874 = vector.broadcast %mul3A_817 : i32 to vector<16xi32>
      %add3A_875 = arith.addi %add3A_29, %add3A_874 : vector<16xi32>
      %swap3A_876 = arith.constant 9 : i32
      %swap3A_877 = arith.index_cast %swap3A_876 : i32 to index
      %swap3A_878 = arith.constant 112 : index
      %swap3A_879 = tpu.vector_load %arg8[%swap3A_877, %swap3A_878] {strides = array<i32>} : memref<16x128xi32, #tpu.memory_space<vmem>>, vector<1x16xi32>,
      %swap3A_880 = vector.shape_cast %swap3A_879 : vector<1x16xi32> to vector<16xi32>
      %swap3A_881 = vector.shape_cast %add3A_875 : vector<16xi32> to vector<1x16xi32>
      tpu.vector_store %arg8[%swap3A_877, %swap3A_878], %swap3A_881 {strides = array<i32>} : memref<16x128xi32, #tpu.memory_space<vmem>>, vector<1x16xi32>,
      %slice3A_882 = vector.extract_strided_slice %get3A_204 {offsets = [10], sizes = [1], strides = [1]} : vector<16xi32> to vector<1xi32>
      %squeeze3A_883 = vector.extract %slice3A_882[0] : i32 from vector<1xi32>
      %mul3A_884 = arith.constant 128 : i32
      %mul3A_885 = arith.muli %squeeze3A_883, %mul3A_884 : i32
      %add3A_886 = vector.broadcast %mul3A_885 : i32 to vector<16xi32>
      %add3A_887 = arith.addi %add3A_1, %add3A_886 : vector<16xi32>
      %swap3A_888 = arith.constant 10 : i32
      %swap3A_889 = arith.index_cast %swap3A_888 : i32 to index
      %swap3A_890 = arith.constant 0 : index
      %swap3A_891 = tpu.vector_load %arg8[%swap3A_889, %swap3A_890] {strides = array<i32>} : memref<16x128xi32, #tpu.memory_space<vmem>>, vector<1x16xi32>,
      %swap3A_892 = vector.shape_cast %swap3A_891 : vector<1x16xi32> to vector<16xi32>
      %swap3A_893 = vector.shape_cast %add3A_887 : vector<16xi32> to vector<1x16xi32>
      tpu.vector_store %arg8[%swap3A_889, %swap3A_890], %swap3A_893 {strides = array<i32>} : memref<16x128xi32, #tpu.memory_space<vmem>>, vector<1x16xi32>,
      %add3A_894 = vector.broadcast %mul3A_885 : i32 to vector<16xi32>
      %add3A_895 = arith.addi %add3A_5, %add3A_894 : vector<16xi32>
      %swap3A_896 = arith.constant 10 : i32
      %swap3A_897 = arith.index_cast %swap3A_896 : i32 to index
      %swap3A_898 = arith.constant 16 : index
      %swap3A_899 = tpu.vector_load %arg8[%swap3A_897, %swap3A_898] {strides = array<i32>} : memref<16x128xi32, #tpu.memory_space<vmem>>, vector<1x16xi32>,
      %swap3A_900 = vector.shape_cast %swap3A_899 : vector<1x16xi32> to vector<16xi32>
      %swap3A_901 = vector.shape_cast %add3A_895 : vector<16xi32> to vector<1x16xi32>
      tpu.vector_store %arg8[%swap3A_897, %swap3A_898], %swap3A_901 {strides = array<i32>} : memref<16x128xi32, #tpu.memory_space<vmem>>, vector<1x16xi32>,
      %add3A_902 = vector.broadcast %mul3A_885 : i32 to vector<16xi32>
      %add3A_903 = arith.addi %add3A_9, %add3A_902 : vector<16xi32>
      %swap3A_904 = arith.constant 10 : i32
      %swap3A_905 = arith.index_cast %swap3A_904 : i32 to index
      %swap3A_906 = arith.constant 32 : index
      %swap3A_907 = tpu.vector_load %arg8[%swap3A_905, %swap3A_906] {strides = array<i32>} : memref<16x128xi32, #tpu.memory_space<vmem>>, vector<1x16xi32>,
      %swap3A_908 = vector.shape_cast %swap3A_907 : vector<1x16xi32> to vector<16xi32>
      %swap3A_909 = vector.shape_cast %add3A_903 : vector<16xi32> to vector<1x16xi32>
      tpu.vector_store %arg8[%swap3A_905, %swap3A_906], %swap3A_909 {strides = array<i32>} : memref<16x128xi32, #tpu.memory_space<vmem>>, vector<1x16xi32>,
      %add3A_910 = vector.broadcast %mul3A_885 : i32 to vector<16xi32>
      %add3A_911 = arith.addi %add3A_13, %add3A_910 : vector<16xi32>
      %swap3A_912 = arith.constant 10 : i32
      %swap3A_913 = arith.index_cast %swap3A_912 : i32 to index
      %swap3A_914 = arith.constant 48 : index
      %swap3A_915 = tpu.vector_load %arg8[%swap3A_913, %swap3A_914] {strides = array<i32>} : memref<16x128xi32, #tpu.memory_space<vmem>>, vector<1x16xi32>,
      %swap3A_916 = vector.shape_cast %swap3A_915 : vector<1x16xi32> to vector<16xi32>
      %swap3A_917 = vector.shape_cast %add3A_911 : vector<16xi32> to vector<1x16xi32>
      tpu.vector_store %arg8[%swap3A_913, %swap3A_914], %swap3A_917 {strides = array<i32>} : memref<16x128xi32, #tpu.memory_space<vmem>>, vector<1x16xi32>,
      %add3A_918 = vector.broadcast %mul3A_885 : i32 to vector<16xi32>
      %add3A_919 = arith.addi %add3A_17, %add3A_918 : vector<16xi32>
      %swap3A_920 = arith.constant 10 : i32
      %swap3A_921 = arith.index_cast %swap3A_920 : i32 to index
      %swap3A_922 = arith.constant 64 : index
      %swap3A_923 = tpu.vector_load %arg8[%swap3A_921, %swap3A_922] {strides = array<i32>} : memref<16x128xi32, #tpu.memory_space<vmem>>, vector<1x16xi32>,
      %swap3A_924 = vector.shape_cast %swap3A_923 : vector<1x16xi32> to vector<16xi32>
      %swap3A_925 = vector.shape_cast %add3A_919 : vector<16xi32> to vector<1x16xi32>
      tpu.vector_store %arg8[%swap3A_921, %swap3A_922], %swap3A_925 {strides = array<i32>} : memref<16x128xi32, #tpu.memory_space<vmem>>, vector<1x16xi32>,
      %add3A_926 = vector.broadcast %mul3A_885 : i32 to vector<16xi32>
      %add3A_927 = arith.addi %add3A_21, %add3A_926 : vector<16xi32>
      %swap3A_928 = arith.constant 10 : i32
      %swap3A_929 = arith.index_cast %swap3A_928 : i32 to index
      %swap3A_930 = arith.constant 80 : index
      %swap3A_931 = tpu.vector_load %arg8[%swap3A_929, %swap3A_930] {strides = array<i32>} : memref<16x128xi32, #tpu.memory_space<vmem>>, vector<1x16xi32>,
      %swap3A_932 = vector.shape_cast %swap3A_931 : vector<1x16xi32> to vector<16xi32>
      %swap3A_933 = vector.shape_cast %add3A_927 : vector<16xi32> to vector<1x16xi32>
      tpu.vector_store %arg8[%swap3A_929, %swap3A_930], %swap3A_933 {strides = array<i32>} : memref<16x128xi32, #tpu.memory_space<vmem>>, vector<1x16xi32>,
      %add3A_934 = vector.broadcast %mul3A_885 : i32 to vector<16xi32>
      %add3A_935 = arith.addi %add3A_25, %add3A_934 : vector<16xi32>
      %swap3A_936 = arith.constant 10 : i32
      %swap3A_937 = arith.index_cast %swap3A_936 : i32 to index
      %swap3A_938 = arith.constant 96 : index
      %swap3A_939 = tpu.vector_load %arg8[%swap3A_937, %swap3A_938] {strides = array<i32>} : memref<16x128xi32, #tpu.memory_space<vmem>>, vector<1x16xi32>,
      %swap3A_940 = vector.shape_cast %swap3A_939 : vector<1x16xi32> to vector<16xi32>
      %swap3A_941 = vector.shape_cast %add3A_935 : vector<16xi32> to vector<1x16xi32>
      tpu.vector_store %arg8[%swap3A_937, %swap3A_938], %swap3A_941 {strides = array<i32>} : memref<16x128xi32, #tpu.memory_space<vmem>>, vector<1x16xi32>,
      %add3A_942 = vector.broadcast %mul3A_885 : i32 to vector<16xi32>
      %add3A_943 = arith.addi %add3A_29, %add3A_942 : vector<16xi32>
      %swap3A_944 = arith.constant 10 : i32
      %swap3A_945 = arith.index_cast %swap3A_944 : i32 to index
      %swap3A_946 = arith.constant 112 : index
      %swap3A_947 = tpu.vector_load %arg8[%swap3A_945, %swap3A_946] {strides = array<i32>} : memref<16x128xi32, #tpu.memory_space<vmem>>, vector<1x16xi32>,
      %swap3A_948 = vector.shape_cast %swap3A_947 : vector<1x16xi32> to vector<16xi32>
      %swap3A_949 = vector.shape_cast %add3A_943 : vector<16xi32> to vector<1x16xi32>
      tpu.vector_store %arg8[%swap3A_945, %swap3A_946], %swap3A_949 {strides = array<i32>} : memref<16x128xi32, #tpu.memory_space<vmem>>, vector<1x16xi32>,
      %slice3A_950 = vector.extract_strided_slice %get3A_204 {offsets = [11], sizes = [1], strides = [1]} : vector<16xi32> to vector<1xi32>
      %squeeze3A_951 = vector.extract %slice3A_950[0] : i32 from vector<1xi32>
      %mul3A_952 = arith.constant 128 : i32
      %mul3A_953 = arith.muli %squeeze3A_951, %mul3A_952 : i32
      %add3A_954 = vector.broadcast %mul3A_953 : i32 to vector<16xi32>
      %add3A_955 = arith.addi %add3A_1, %add3A_954 : vector<16xi32>
      %swap3A_956 = arith.constant 11 : i32
      %swap3A_957 = arith.index_cast %swap3A_956 : i32 to index
      %swap3A_958 = arith.constant 0 : index
      %swap3A_959 = tpu.vector_load %arg8[%swap3A_957, %swap3A_958] {strides = array<i32>} : memref<16x128xi32, #tpu.memory_space<vmem>>, vector<1x16xi32>,
      %swap3A_960 = vector.shape_cast %swap3A_959 : vector<1x16xi32> to vector<16xi32>
      %swap3A_961 = vector.shape_cast %add3A_955 : vector<16xi32> to vector<1x16xi32>
      tpu.vector_store %arg8[%swap3A_957, %swap3A_958], %swap3A_961 {strides = array<i32>} : memref<16x128xi32, #tpu.memory_space<vmem>>, vector<1x16xi32>,
      %add3A_962 = vector.broadcast %mul3A_953 : i32 to vector<16xi32>
      %add3A_963 = arith.addi %add3A_5, %add3A_962 : vector<16xi32>
      %swap3A_964 = arith.constant 11 : i32
      %swap3A_965 = arith.index_cast %swap3A_964 : i32 to index
      %swap3A_966 = arith.constant 16 : index
      %swap3A_967 = tpu.vector_load %arg8[%swap3A_965, %swap3A_966] {strides = array<i32>} : memref<16x128xi32, #tpu.memory_space<vmem>>, vector<1x16xi32>,
      %swap3A_968 = vector.shape_cast %swap3A_967 : vector<1x16xi32> to vector<16xi32>
      %swap3A_969 = vector.shape_cast %add3A_963 : vector<16xi32> to vector<1x16xi32>
      tpu.vector_store %arg8[%swap3A_965, %swap3A_966], %swap3A_969 {strides = array<i32>} : memref<16x128xi32, #tpu.memory_space<vmem>>, vector<1x16xi32>,
      %add3A_970 = vector.broadcast %mul3A_953 : i32 to vector<16xi32>
      %add3A_971 = arith.addi %add3A_9, %add3A_970 : vector<16xi32>
      %swap3A_972 = arith.constant 11 : i32
      %swap3A_973 = arith.index_cast %swap3A_972 : i32 to index
      %swap3A_974 = arith.constant 32 : index
      %swap3A_975 = tpu.vector_load %arg8[%swap3A_973, %swap3A_974] {strides = array<i32>} : memref<16x128xi32, #tpu.memory_space<vmem>>, vector<1x16xi32>,
      %swap3A_976 = vector.shape_cast %swap3A_975 : vector<1x16xi32> to vector<16xi32>
      %swap3A_977 = vector.shape_cast %add3A_971 : vector<16xi32> to vector<1x16xi32>
      tpu.vector_store %arg8[%swap3A_973, %swap3A_974], %swap3A_977 {strides = array<i32>} : memref<16x128xi32, #tpu.memory_space<vmem>>, vector<1x16xi32>,
      %add3A_978 = vector.broadcast %mul3A_953 : i32 to vector<16xi32>
      %add3A_979 = arith.addi %add3A_13, %add3A_978 : vector<16xi32>
      %swap3A_980 = arith.constant 11 : i32
      %swap3A_981 = arith.index_cast %swap3A_980 : i32 to index
      %swap3A_982 = arith.constant 48 : index
      %swap3A_983 = tpu.vector_load %arg8[%swap3A_981, %swap3A_982] {strides = array<i32>} : memref<16x128xi32, #tpu.memory_space<vmem>>, vector<1x16xi32>,
      %swap3A_984 = vector.shape_cast %swap3A_983 : vector<1x16xi32> to vector<16xi32>
      %swap3A_985 = vector.shape_cast %add3A_979 : vector<16xi32> to vector<1x16xi32>
      tpu.vector_store %arg8[%swap3A_981, %swap3A_982], %swap3A_985 {strides = array<i32>} : memref<16x128xi32, #tpu.memory_space<vmem>>, vector<1x16xi32>,
      %add3A_986 = vector.broadcast %mul3A_953 : i32 to vector<16xi32>
      %add3A_987 = arith.addi %add3A_17, %add3A_986 : vector<16xi32>
      %swap3A_988 = arith.constant 11 : i32
      %swap3A_989 = arith.index_cast %swap3A_988 : i32 to index
      %swap3A_990 = arith.constant 64 : index
      %swap3A_991 = tpu.vector_load %arg8[%swap3A_989, %swap3A_990] {strides = array<i32>} : memref<16x128xi32, #tpu.memory_space<vmem>>, vector<1x16xi32>,
      %swap3A_992 = vector.shape_cast %swap3A_991 : vector<1x16xi32> to vector<16xi32>
      %swap3A_993 = vector.shape_cast %add3A_987 : vector<16xi32> to vector<1x16xi32>
      tpu.vector_store %arg8[%swap3A_989, %swap3A_990], %swap3A_993 {strides = array<i32>} : memref<16x128xi32, #tpu.memory_space<vmem>>, vector<1x16xi32>,
      %add3A_994 = vector.broadcast %mul3A_953 : i32 to vector<16xi32>
      %add3A_995 = arith.addi %add3A_21, %add3A_994 : vector<16xi32>
      %swap3A_996 = arith.constant 11 : i32
      %swap3A_997 = arith.index_cast %swap3A_996 : i32 to index
      %swap3A_998 = arith.constant 80 : index
      %swap3A_999 = tpu.vector_load %arg8[%swap3A_997, %swap3A_998] {strides = array<i32>} : memref<16x128xi32, #tpu.memory_space<vmem>>, vector<1x16xi32>,
      %swap3A_1000 = vector.shape_cast %swap3A_999 : vector<1x16xi32> to vector<16xi32>
      %swap3A_1001 = vector.shape_cast %add3A_995 : vector<16xi32> to vector<1x16xi32>
      tpu.vector_store %arg8[%swap3A_997, %swap3A_998], %swap3A_1001 {strides = array<i32>} : memref<16x128xi32, #tpu.memory_space<vmem>>, vector<1x16xi32>,
      %add3A_1002 = vector.broadcast %mul3A_953 : i32 to vector<16xi32>
      %add3A_1003 = arith.addi %add3A_25, %add3A_1002 : vector<16xi32>
      %swap3A_1004 = arith.constant 11 : i32
      %swap3A_1005 = arith.index_cast %swap3A_1004 : i32 to index
      %swap3A_1006 = arith.constant 96 : index
      %swap3A_1007 = tpu.vector_load %arg8[%swap3A_1005, %swap3A_1006] {strides = array<i32>} : memref<16x128xi32, #tpu.memory_space<vmem>>, vector<1x16xi32>,
      %swap3A_1008 = vector.shape_cast %swap3A_1007 : vector<1x16xi32> to vector<16xi32>
      %swap3A_1009 = vector.shape_cast %add3A_1003 : vector<16xi32> to vector<1x16xi32>
      tpu.vector_store %arg8[%swap3A_1005, %swap3A_1006], %swap3A_1009 {strides = array<i32>} : memref<16x128xi32, #tpu.memory_space<vmem>>, vector<1x16xi32>,
      %add3A_1010 = vector.broadcast %mul3A_953 : i32 to vector<16xi32>
      %add3A_1011 = arith.addi %add3A_29, %add3A_1010 : vector<16xi32>
      %swap3A_1012 = arith.constant 11 : i32
      %swap3A_1013 = arith.index_cast %swap3A_1012 : i32 to index
      %swap3A_1014 = arith.constant 112 : index
      %swap3A_1015 = tpu.vector_load %arg8[%swap3A_1013, %swap3A_1014] {strides = array<i32>} : memref<16x128xi32, #tpu.memory_space<vmem>>, vector<1x16xi32>,
      %swap3A_1016 = vector.shape_cast %swap3A_1015 : vector<1x16xi32> to vector<16xi32>
      %swap3A_1017 = vector.shape_cast %add3A_1011 : vector<16xi32> to vector<1x16xi32>
      tpu.vector_store %arg8[%swap3A_1013, %swap3A_1014], %swap3A_1017 {strides = array<i32>} : memref<16x128xi32, #tpu.memory_space<vmem>>, vector<1x16xi32>,
      %slice3A_1018 = vector.extract_strided_slice %get3A_204 {offsets = [12], sizes = [1], strides = [1]} : vector<16xi32> to vector<1xi32>
      %squeeze3A_1019 = vector.extract %slice3A_1018[0] : i32 from vector<1xi32>
      %mul3A_1020 = arith.constant 128 : i32
      %mul3A_1021 = arith.muli %squeeze3A_1019, %mul3A_1020 : i32
      %add3A_1022 = vector.broadcast %mul3A_1021 : i32 to vector<16xi32>
      %add3A_1023 = arith.addi %add3A_1, %add3A_1022 : vector<16xi32>
      %swap3A_1024 = arith.constant 12 : i32
      %swap3A_1025 = arith.index_cast %swap3A_1024 : i32 to index
      %swap3A_1026 = arith.constant 0 : index
      %swap3A_1027 = tpu.vector_load %arg8[%swap3A_1025, %swap3A_1026] {strides = array<i32>} : memref<16x128xi32, #tpu.memory_space<vmem>>, vector<1x16xi32>,
      %swap3A_1028 = vector.shape_cast %swap3A_1027 : vector<1x16xi32> to vector<16xi32>
      %swap3A_1029 = vector.shape_cast %add3A_1023 : vector<16xi32> to vector<1x16xi32>
      tpu.vector_store %arg8[%swap3A_1025, %swap3A_1026], %swap3A_1029 {strides = array<i32>} : memref<16x128xi32, #tpu.memory_space<vmem>>, vector<1x16xi32>,
      %add3A_1030 = vector.broadcast %mul3A_1021 : i32 to vector<16xi32>
      %add3A_1031 = arith.addi %add3A_5, %add3A_1030 : vector<16xi32>
      %swap3A_1032 = arith.constant 12 : i32
      %swap3A_1033 = arith.index_cast %swap3A_1032 : i32 to index
      %swap3A_1034 = arith.constant 16 : index
      %swap3A_1035 = tpu.vector_load %arg8[%swap3A_1033, %swap3A_1034] {strides = array<i32>} : memref<16x128xi32, #tpu.memory_space<vmem>>, vector<1x16xi32>,
      %swap3A_1036 = vector.shape_cast %swap3A_1035 : vector<1x16xi32> to vector<16xi32>
      %swap3A_1037 = vector.shape_cast %add3A_1031 : vector<16xi32> to vector<1x16xi32>
      tpu.vector_store %arg8[%swap3A_1033, %swap3A_1034], %swap3A_1037 {strides = array<i32>} : memref<16x128xi32, #tpu.memory_space<vmem>>, vector<1x16xi32>,
      %add3A_1038 = vector.broadcast %mul3A_1021 : i32 to vector<16xi32>
      %add3A_1039 = arith.addi %add3A_9, %add3A_1038 : vector<16xi32>
      %swap3A_1040 = arith.constant 12 : i32
      %swap3A_1041 = arith.index_cast %swap3A_1040 : i32 to index
      %swap3A_1042 = arith.constant 32 : index
      %swap3A_1043 = tpu.vector_load %arg8[%swap3A_1041, %swap3A_1042] {strides = array<i32>} : memref<16x128xi32, #tpu.memory_space<vmem>>, vector<1x16xi32>,
      %swap3A_1044 = vector.shape_cast %swap3A_1043 : vector<1x16xi32> to vector<16xi32>
      %swap3A_1045 = vector.shape_cast %add3A_1039 : vector<16xi32> to vector<1x16xi32>
      tpu.vector_store %arg8[%swap3A_1041, %swap3A_1042], %swap3A_1045 {strides = array<i32>} : memref<16x128xi32, #tpu.memory_space<vmem>>, vector<1x16xi32>,
      %add3A_1046 = vector.broadcast %mul3A_1021 : i32 to vector<16xi32>
      %add3A_1047 = arith.addi %add3A_13, %add3A_1046 : vector<16xi32>
      %swap3A_1048 = arith.constant 12 : i32
      %swap3A_1049 = arith.index_cast %swap3A_1048 : i32 to index
      %swap3A_1050 = arith.constant 48 : index
      %swap3A_1051 = tpu.vector_load %arg8[%swap3A_1049, %swap3A_1050] {strides = array<i32>} : memref<16x128xi32, #tpu.memory_space<vmem>>, vector<1x16xi32>,
      %swap3A_1052 = vector.shape_cast %swap3A_1051 : vector<1x16xi32> to vector<16xi32>
      %swap3A_1053 = vector.shape_cast %add3A_1047 : vector<16xi32> to vector<1x16xi32>
      tpu.vector_store %arg8[%swap3A_1049, %swap3A_1050], %swap3A_1053 {strides = array<i32>} : memref<16x128xi32, #tpu.memory_space<vmem>>, vector<1x16xi32>,
      %add3A_1054 = vector.broadcast %mul3A_1021 : i32 to vector<16xi32>
      %add3A_1055 = arith.addi %add3A_17, %add3A_1054 : vector<16xi32>
      %swap3A_1056 = arith.constant 12 : i32
      %swap3A_1057 = arith.index_cast %swap3A_1056 : i32 to index
      %swap3A_1058 = arith.constant 64 : index
      %swap3A_1059 = tpu.vector_load %arg8[%swap3A_1057, %swap3A_1058] {strides = array<i32>} : memref<16x128xi32, #tpu.memory_space<vmem>>, vector<1x16xi32>,
      %swap3A_1060 = vector.shape_cast %swap3A_1059 : vector<1x16xi32> to vector<16xi32>
      %swap3A_1061 = vector.shape_cast %add3A_1055 : vector<16xi32> to vector<1x16xi32>
      tpu.vector_store %arg8[%swap3A_1057, %swap3A_1058], %swap3A_1061 {strides = array<i32>} : memref<16x128xi32, #tpu.memory_space<vmem>>, vector<1x16xi32>,
      %add3A_1062 = vector.broadcast %mul3A_1021 : i32 to vector<16xi32>
      %add3A_1063 = arith.addi %add3A_21, %add3A_1062 : vector<16xi32>
      %swap3A_1064 = arith.constant 12 : i32
      %swap3A_1065 = arith.index_cast %swap3A_1064 : i32 to index
      %swap3A_1066 = arith.constant 80 : index
      %swap3A_1067 = tpu.vector_load %arg8[%swap3A_1065, %swap3A_1066] {strides = array<i32>} : memref<16x128xi32, #tpu.memory_space<vmem>>, vector<1x16xi32>,
      %swap3A_1068 = vector.shape_cast %swap3A_1067 : vector<1x16xi32> to vector<16xi32>
      %swap3A_1069 = vector.shape_cast %add3A_1063 : vector<16xi32> to vector<1x16xi32>
      tpu.vector_store %arg8[%swap3A_1065, %swap3A_1066], %swap3A_1069 {strides = array<i32>} : memref<16x128xi32, #tpu.memory_space<vmem>>, vector<1x16xi32>,
      %add3A_1070 = vector.broadcast %mul3A_1021 : i32 to vector<16xi32>
      %add3A_1071 = arith.addi %add3A_25, %add3A_1070 : vector<16xi32>
      %swap3A_1072 = arith.constant 12 : i32
      %swap3A_1073 = arith.index_cast %swap3A_1072 : i32 to index
      %swap3A_1074 = arith.constant 96 : index
      %swap3A_1075 = tpu.vector_load %arg8[%swap3A_1073, %swap3A_1074] {strides = array<i32>} : memref<16x128xi32, #tpu.memory_space<vmem>>, vector<1x16xi32>,
      %swap3A_1076 = vector.shape_cast %swap3A_1075 : vector<1x16xi32> to vector<16xi32>
      %swap3A_1077 = vector.shape_cast %add3A_1071 : vector<16xi32> to vector<1x16xi32>
      tpu.vector_store %arg8[%swap3A_1073, %swap3A_1074], %swap3A_1077 {strides = array<i32>} : memref<16x128xi32, #tpu.memory_space<vmem>>, vector<1x16xi32>,
      %add3A_1078 = vector.broadcast %mul3A_1021 : i32 to vector<16xi32>
      %add3A_1079 = arith.addi %add3A_29, %add3A_1078 : vector<16xi32>
      %swap3A_1080 = arith.constant 12 : i32
      %swap3A_1081 = arith.index_cast %swap3A_1080 : i32 to index
      %swap3A_1082 = arith.constant 112 : index
      %swap3A_1083 = tpu.vector_load %arg8[%swap3A_1081, %swap3A_1082] {strides = array<i32>} : memref<16x128xi32, #tpu.memory_space<vmem>>, vector<1x16xi32>,
      %swap3A_1084 = vector.shape_cast %swap3A_1083 : vector<1x16xi32> to vector<16xi32>
      %swap3A_1085 = vector.shape_cast %add3A_1079 : vector<16xi32> to vector<1x16xi32>
      tpu.vector_store %arg8[%swap3A_1081, %swap3A_1082], %swap3A_1085 {strides = array<i32>} : memref<16x128xi32, #tpu.memory_space<vmem>>, vector<1x16xi32>,
      %slice3A_1086 = vector.extract_strided_slice %get3A_204 {offsets = [13], sizes = [1], strides = [1]} : vector<16xi32> to vector<1xi32>
      %squeeze3A_1087 = vector.extract %slice3A_1086[0] : i32 from vector<1xi32>
      %mul3A_1088 = arith.constant 128 : i32
      %mul3A_1089 = arith.muli %squeeze3A_1087, %mul3A_1088 : i32
      %add3A_1090 = vector.broadcast %mul3A_1089 : i32 to vector<16xi32>
      %add3A_1091 = arith.addi %add3A_1, %add3A_1090 : vector<16xi32>
      %swap3A_1092 = arith.constant 13 : i32
      %swap3A_1093 = arith.index_cast %swap3A_1092 : i32 to index
      %swap3A_1094 = arith.constant 0 : index
      %swap3A_1095 = tpu.vector_load %arg8[%swap3A_1093, %swap3A_1094] {strides = array<i32>} : memref<16x128xi32, #tpu.memory_space<vmem>>, vector<1x16xi32>,
      %swap3A_1096 = vector.shape_cast %swap3A_1095 : vector<1x16xi32> to vector<16xi32>
      %swap3A_1097 = vector.shape_cast %add3A_1091 : vector<16xi32> to vector<1x16xi32>
      tpu.vector_store %arg8[%swap3A_1093, %swap3A_1094], %swap3A_1097 {strides = array<i32>} : memref<16x128xi32, #tpu.memory_space<vmem>>, vector<1x16xi32>,
      %add3A_1098 = vector.broadcast %mul3A_1089 : i32 to vector<16xi32>
      %add3A_1099 = arith.addi %add3A_5, %add3A_1098 : vector<16xi32>
      %swap3A_1100 = arith.constant 13 : i32
      %swap3A_1101 = arith.index_cast %swap3A_1100 : i32 to index
      %swap3A_1102 = arith.constant 16 : index
      %swap3A_1103 = tpu.vector_load %arg8[%swap3A_1101, %swap3A_1102] {strides = array<i32>} : memref<16x128xi32, #tpu.memory_space<vmem>>, vector<1x16xi32>,
      %swap3A_1104 = vector.shape_cast %swap3A_1103 : vector<1x16xi32> to vector<16xi32>
      %swap3A_1105 = vector.shape_cast %add3A_1099 : vector<16xi32> to vector<1x16xi32>
      tpu.vector_store %arg8[%swap3A_1101, %swap3A_1102], %swap3A_1105 {strides = array<i32>} : memref<16x128xi32, #tpu.memory_space<vmem>>, vector<1x16xi32>,
      %add3A_1106 = vector.broadcast %mul3A_1089 : i32 to vector<16xi32>
      %add3A_1107 = arith.addi %add3A_9, %add3A_1106 : vector<16xi32>
      %swap3A_1108 = arith.constant 13 : i32
      %swap3A_1109 = arith.index_cast %swap3A_1108 : i32 to index
      %swap3A_1110 = arith.constant 32 : index
      %swap3A_1111 = tpu.vector_load %arg8[%swap3A_1109, %swap3A_1110] {strides = array<i32>} : memref<16x128xi32, #tpu.memory_space<vmem>>, vector<1x16xi32>,
      %swap3A_1112 = vector.shape_cast %swap3A_1111 : vector<1x16xi32> to vector<16xi32>
      %swap3A_1113 = vector.shape_cast %add3A_1107 : vector<16xi32> to vector<1x16xi32>
      tpu.vector_store %arg8[%swap3A_1109, %swap3A_1110], %swap3A_1113 {strides = array<i32>} : memref<16x128xi32, #tpu.memory_space<vmem>>, vector<1x16xi32>,
      %add3A_1114 = vector.broadcast %mul3A_1089 : i32 to vector<16xi32>
      %add3A_1115 = arith.addi %add3A_13, %add3A_1114 : vector<16xi32>
      %swap3A_1116 = arith.constant 13 : i32
      %swap3A_1117 = arith.index_cast %swap3A_1116 : i32 to index
      %swap3A_1118 = arith.constant 48 : index
      %swap3A_1119 = tpu.vector_load %arg8[%swap3A_1117, %swap3A_1118] {strides = array<i32>} : memref<16x128xi32, #tpu.memory_space<vmem>>, vector<1x16xi32>,
      %swap3A_1120 = vector.shape_cast %swap3A_1119 : vector<1x16xi32> to vector<16xi32>
      %swap3A_1121 = vector.shape_cast %add3A_1115 : vector<16xi32> to vector<1x16xi32>
      tpu.vector_store %arg8[%swap3A_1117, %swap3A_1118], %swap3A_1121 {strides = array<i32>} : memref<16x128xi32, #tpu.memory_space<vmem>>, vector<1x16xi32>,
      %add3A_1122 = vector.broadcast %mul3A_1089 : i32 to vector<16xi32>
      %add3A_1123 = arith.addi %add3A_17, %add3A_1122 : vector<16xi32>
      %swap3A_1124 = arith.constant 13 : i32
      %swap3A_1125 = arith.index_cast %swap3A_1124 : i32 to index
      %swap3A_1126 = arith.constant 64 : index
      %swap3A_1127 = tpu.vector_load %arg8[%swap3A_1125, %swap3A_1126] {strides = array<i32>} : memref<16x128xi32, #tpu.memory_space<vmem>>, vector<1x16xi32>,
      %swap3A_1128 = vector.shape_cast %swap3A_1127 : vector<1x16xi32> to vector<16xi32>
      %swap3A_1129 = vector.shape_cast %add3A_1123 : vector<16xi32> to vector<1x16xi32>
      tpu.vector_store %arg8[%swap3A_1125, %swap3A_1126], %swap3A_1129 {strides = array<i32>} : memref<16x128xi32, #tpu.memory_space<vmem>>, vector<1x16xi32>,
      %add3A_1130 = vector.broadcast %mul3A_1089 : i32 to vector<16xi32>
      %add3A_1131 = arith.addi %add3A_21, %add3A_1130 : vector<16xi32>
      %swap3A_1132 = arith.constant 13 : i32
      %swap3A_1133 = arith.index_cast %swap3A_1132 : i32 to index
      %swap3A_1134 = arith.constant 80 : index
      %swap3A_1135 = tpu.vector_load %arg8[%swap3A_1133, %swap3A_1134] {strides = array<i32>} : memref<16x128xi32, #tpu.memory_space<vmem>>, vector<1x16xi32>,
      %swap3A_1136 = vector.shape_cast %swap3A_1135 : vector<1x16xi32> to vector<16xi32>
      %swap3A_1137 = vector.shape_cast %add3A_1131 : vector<16xi32> to vector<1x16xi32>
      tpu.vector_store %arg8[%swap3A_1133, %swap3A_1134], %swap3A_1137 {strides = array<i32>} : memref<16x128xi32, #tpu.memory_space<vmem>>, vector<1x16xi32>,
      %add3A_1138 = vector.broadcast %mul3A_1089 : i32 to vector<16xi32>
      %add3A_1139 = arith.addi %add3A_25, %add3A_1138 : vector<16xi32>
      %swap3A_1140 = arith.constant 13 : i32
      %swap3A_1141 = arith.index_cast %swap3A_1140 : i32 to index
      %swap3A_1142 = arith.constant 96 : index
      %swap3A_1143 = tpu.vector_load %arg8[%swap3A_1141, %swap3A_1142] {strides = array<i32>} : memref<16x128xi32, #tpu.memory_space<vmem>>, vector<1x16xi32>,
      %swap3A_1144 = vector.shape_cast %swap3A_1143 : vector<1x16xi32> to vector<16xi32>
      %swap3A_1145 = vector.shape_cast %add3A_1139 : vector<16xi32> to vector<1x16xi32>
      tpu.vector_store %arg8[%swap3A_1141, %swap3A_1142], %swap3A_1145 {strides = array<i32>} : memref<16x128xi32, #tpu.memory_space<vmem>>, vector<1x16xi32>,
      %add3A_1146 = vector.broadcast %mul3A_1089 : i32 to vector<16xi32>
      %add3A_1147 = arith.addi %add3A_29, %add3A_1146 : vector<16xi32>
      %swap3A_1148 = arith.constant 13 : i32
      %swap3A_1149 = arith.index_cast %swap3A_1148 : i32 to index
      %swap3A_1150 = arith.constant 112 : index
      %swap3A_1151 = tpu.vector_load %arg8[%swap3A_1149, %swap3A_1150] {strides = array<i32>} : memref<16x128xi32, #tpu.memory_space<vmem>>, vector<1x16xi32>,
      %swap3A_1152 = vector.shape_cast %swap3A_1151 : vector<1x16xi32> to vector<16xi32>
      %swap3A_1153 = vector.shape_cast %add3A_1147 : vector<16xi32> to vector<1x16xi32>
      tpu.vector_store %arg8[%swap3A_1149, %swap3A_1150], %swap3A_1153 {strides = array<i32>} : memref<16x128xi32, #tpu.memory_space<vmem>>, vector<1x16xi32>,
      %slice3A_1154 = vector.extract_strided_slice %get3A_204 {offsets = [14], sizes = [1], strides = [1]} : vector<16xi32> to vector<1xi32>
      %squeeze3A_1155 = vector.extract %slice3A_1154[0] : i32 from vector<1xi32>
      %mul3A_1156 = arith.constant 128 : i32
      %mul3A_1157 = arith.muli %squeeze3A_1155, %mul3A_1156 : i32
      %add3A_1158 = vector.broadcast %mul3A_1157 : i32 to vector<16xi32>
      %add3A_1159 = arith.addi %add3A_1, %add3A_1158 : vector<16xi32>
      %swap3A_1160 = arith.constant 14 : i32
      %swap3A_1161 = arith.index_cast %swap3A_1160 : i32 to index
      %swap3A_1162 = arith.constant 0 : index
      %swap3A_1163 = tpu.vector_load %arg8[%swap3A_1161, %swap3A_1162] {strides = array<i32>} : memref<16x128xi32, #tpu.memory_space<vmem>>, vector<1x16xi32>,
      %swap3A_1164 = vector.shape_cast %swap3A_1163 : vector<1x16xi32> to vector<16xi32>
      %swap3A_1165 = vector.shape_cast %add3A_1159 : vector<16xi32> to vector<1x16xi32>
      tpu.vector_store %arg8[%swap3A_1161, %swap3A_1162], %swap3A_1165 {strides = array<i32>} : memref<16x128xi32, #tpu.memory_space<vmem>>, vector<1x16xi32>,
      %add3A_1166 = vector.broadcast %mul3A_1157 : i32 to vector<16xi32>
      %add3A_1167 = arith.addi %add3A_5, %add3A_1166 : vector<16xi32>
      %swap3A_1168 = arith.constant 14 : i32
      %swap3A_1169 = arith.index_cast %swap3A_1168 : i32 to index
      %swap3A_1170 = arith.constant 16 : index
      %swap3A_1171 = tpu.vector_load %arg8[%swap3A_1169, %swap3A_1170] {strides = array<i32>} : memref<16x128xi32, #tpu.memory_space<vmem>>, vector<1x16xi32>,
      %swap3A_1172 = vector.shape_cast %swap3A_1171 : vector<1x16xi32> to vector<16xi32>
      %swap3A_1173 = vector.shape_cast %add3A_1167 : vector<16xi32> to vector<1x16xi32>
      tpu.vector_store %arg8[%swap3A_1169, %swap3A_1170], %swap3A_1173 {strides = array<i32>} : memref<16x128xi32, #tpu.memory_space<vmem>>, vector<1x16xi32>,
      %add3A_1174 = vector.broadcast %mul3A_1157 : i32 to vector<16xi32>
      %add3A_1175 = arith.addi %add3A_9, %add3A_1174 : vector<16xi32>
      %swap3A_1176 = arith.constant 14 : i32
      %swap3A_1177 = arith.index_cast %swap3A_1176 : i32 to index
      %swap3A_1178 = arith.constant 32 : index
      %swap3A_1179 = tpu.vector_load %arg8[%swap3A_1177, %swap3A_1178] {strides = array<i32>} : memref<16x128xi32, #tpu.memory_space<vmem>>, vector<1x16xi32>,
      %swap3A_1180 = vector.shape_cast %swap3A_1179 : vector<1x16xi32> to vector<16xi32>
      %swap3A_1181 = vector.shape_cast %add3A_1175 : vector<16xi32> to vector<1x16xi32>
      tpu.vector_store %arg8[%swap3A_1177, %swap3A_1178], %swap3A_1181 {strides = array<i32>} : memref<16x128xi32, #tpu.memory_space<vmem>>, vector<1x16xi32>,
      %add3A_1182 = vector.broadcast %mul3A_1157 : i32 to vector<16xi32>
      %add3A_1183 = arith.addi %add3A_13, %add3A_1182 : vector<16xi32>
      %swap3A_1184 = arith.constant 14 : i32
      %swap3A_1185 = arith.index_cast %swap3A_1184 : i32 to index
      %swap3A_1186 = arith.constant 48 : index
      %swap3A_1187 = tpu.vector_load %arg8[%swap3A_1185, %swap3A_1186] {strides = array<i32>} : memref<16x128xi32, #tpu.memory_space<vmem>>, vector<1x16xi32>,
      %swap3A_1188 = vector.shape_cast %swap3A_1187 : vector<1x16xi32> to vector<16xi32>
      %swap3A_1189 = vector.shape_cast %add3A_1183 : vector<16xi32> to vector<1x16xi32>
      tpu.vector_store %arg8[%swap3A_1185, %swap3A_1186], %swap3A_1189 {strides = array<i32>} : memref<16x128xi32, #tpu.memory_space<vmem>>, vector<1x16xi32>,
      %add3A_1190 = vector.broadcast %mul3A_1157 : i32 to vector<16xi32>
      %add3A_1191 = arith.addi %add3A_17, %add3A_1190 : vector<16xi32>
      %swap3A_1192 = arith.constant 14 : i32
      %swap3A_1193 = arith.index_cast %swap3A_1192 : i32 to index
      %swap3A_1194 = arith.constant 64 : index
      %swap3A_1195 = tpu.vector_load %arg8[%swap3A_1193, %swap3A_1194] {strides = array<i32>} : memref<16x128xi32, #tpu.memory_space<vmem>>, vector<1x16xi32>,
      %swap3A_1196 = vector.shape_cast %swap3A_1195 : vector<1x16xi32> to vector<16xi32>
      %swap3A_1197 = vector.shape_cast %add3A_1191 : vector<16xi32> to vector<1x16xi32>
      tpu.vector_store %arg8[%swap3A_1193, %swap3A_1194], %swap3A_1197 {strides = array<i32>} : memref<16x128xi32, #tpu.memory_space<vmem>>, vector<1x16xi32>,
      %add3A_1198 = vector.broadcast %mul3A_1157 : i32 to vector<16xi32>
      %add3A_1199 = arith.addi %add3A_21, %add3A_1198 : vector<16xi32>
      %swap3A_1200 = arith.constant 14 : i32
      %swap3A_1201 = arith.index_cast %swap3A_1200 : i32 to index
      %swap3A_1202 = arith.constant 80 : index
      %swap3A_1203 = tpu.vector_load %arg8[%swap3A_1201, %swap3A_1202] {strides = array<i32>} : memref<16x128xi32, #tpu.memory_space<vmem>>, vector<1x16xi32>,
      %swap3A_1204 = vector.shape_cast %swap3A_1203 : vector<1x16xi32> to vector<16xi32>
      %swap3A_1205 = vector.shape_cast %add3A_1199 : vector<16xi32> to vector<1x16xi32>
      tpu.vector_store %arg8[%swap3A_1201, %swap3A_1202], %swap3A_1205 {strides = array<i32>} : memref<16x128xi32, #tpu.memory_space<vmem>>, vector<1x16xi32>,
      %add3A_1206 = vector.broadcast %mul3A_1157 : i32 to vector<16xi32>
      %add3A_1207 = arith.addi %add3A_25, %add3A_1206 : vector<16xi32>
      %swap3A_1208 = arith.constant 14 : i32
      %swap3A_1209 = arith.index_cast %swap3A_1208 : i32 to index
      %swap3A_1210 = arith.constant 96 : index
      %swap3A_1211 = tpu.vector_load %arg8[%swap3A_1209, %swap3A_1210] {strides = array<i32>} : memref<16x128xi32, #tpu.memory_space<vmem>>, vector<1x16xi32>,
      %swap3A_1212 = vector.shape_cast %swap3A_1211 : vector<1x16xi32> to vector<16xi32>
      %swap3A_1213 = vector.shape_cast %add3A_1207 : vector<16xi32> to vector<1x16xi32>
      tpu.vector_store %arg8[%swap3A_1209, %swap3A_1210], %swap3A_1213 {strides = array<i32>} : memref<16x128xi32, #tpu.memory_space<vmem>>, vector<1x16xi32>,
      %add3A_1214 = vector.broadcast %mul3A_1157 : i32 to vector<16xi32>
      %add3A_1215 = arith.addi %add3A_29, %add3A_1214 : vector<16xi32>
      %swap3A_1216 = arith.constant 14 : i32
      %swap3A_1217 = arith.index_cast %swap3A_1216 : i32 to index
      %swap3A_1218 = arith.constant 112 : index
      %swap3A_1219 = tpu.vector_load %arg8[%swap3A_1217, %swap3A_1218] {strides = array<i32>} : memref<16x128xi32, #tpu.memory_space<vmem>>, vector<1x16xi32>,
      %swap3A_1220 = vector.shape_cast %swap3A_1219 : vector<1x16xi32> to vector<16xi32>
      %swap3A_1221 = vector.shape_cast %add3A_1215 : vector<16xi32> to vector<1x16xi32>
      tpu.vector_store %arg8[%swap3A_1217, %swap3A_1218], %swap3A_1221 {strides = array<i32>} : memref<16x128xi32, #tpu.memory_space<vmem>>, vector<1x16xi32>,
      %slice3A_1222 = vector.extract_strided_slice %get3A_204 {offsets = [15], sizes = [1], strides = [1]} : vector<16xi32> to vector<1xi32>
      %squeeze3A_1223 = vector.extract %slice3A_1222[0] : i32 from vector<1xi32>
      %mul3A_1224 = arith.constant 128 : i32
      %mul3A_1225 = arith.muli %squeeze3A_1223, %mul3A_1224 : i32
      %add3A_1226 = vector.broadcast %mul3A_1225 : i32 to vector<16xi32>
      %add3A_1227 = arith.addi %add3A_1, %add3A_1226 : vector<16xi32>
      %swap3A_1228 = arith.constant 15 : i32
      %swap3A_1229 = arith.index_cast %swap3A_1228 : i32 to index
      %swap3A_1230 = arith.constant 0 : index
      %swap3A_1231 = tpu.vector_load %arg8[%swap3A_1229, %swap3A_1230] {strides = array<i32>} : memref<16x128xi32, #tpu.memory_space<vmem>>, vector<1x16xi32>,
      %swap3A_1232 = vector.shape_cast %swap3A_1231 : vector<1x16xi32> to vector<16xi32>
      %swap3A_1233 = vector.shape_cast %add3A_1227 : vector<16xi32> to vector<1x16xi32>
      tpu.vector_store %arg8[%swap3A_1229, %swap3A_1230], %swap3A_1233 {strides = array<i32>} : memref<16x128xi32, #tpu.memory_space<vmem>>, vector<1x16xi32>,
      %add3A_1234 = vector.broadcast %mul3A_1225 : i32 to vector<16xi32>
      %add3A_1235 = arith.addi %add3A_5, %add3A_1234 : vector<16xi32>
      %swap3A_1236 = arith.constant 15 : i32
      %swap3A_1237 = arith.index_cast %swap3A_1236 : i32 to index
      %swap3A_1238 = arith.constant 16 : index
      %swap3A_1239 = tpu.vector_load %arg8[%swap3A_1237, %swap3A_1238] {strides = array<i32>} : memref<16x128xi32, #tpu.memory_space<vmem>>, vector<1x16xi32>,
      %swap3A_1240 = vector.shape_cast %swap3A_1239 : vector<1x16xi32> to vector<16xi32>
      %swap3A_1241 = vector.shape_cast %add3A_1235 : vector<16xi32> to vector<1x16xi32>
      tpu.vector_store %arg8[%swap3A_1237, %swap3A_1238], %swap3A_1241 {strides = array<i32>} : memref<16x128xi32, #tpu.memory_space<vmem>>, vector<1x16xi32>,
      %add3A_1242 = vector.broadcast %mul3A_1225 : i32 to vector<16xi32>
      %add3A_1243 = arith.addi %add3A_9, %add3A_1242 : vector<16xi32>
      %swap3A_1244 = arith.constant 15 : i32
      %swap3A_1245 = arith.index_cast %swap3A_1244 : i32 to index
      %swap3A_1246 = arith.constant 32 : index
      %swap3A_1247 = tpu.vector_load %arg8[%swap3A_1245, %swap3A_1246] {strides = array<i32>} : memref<16x128xi32, #tpu.memory_space<vmem>>, vector<1x16xi32>,
      %swap3A_1248 = vector.shape_cast %swap3A_1247 : vector<1x16xi32> to vector<16xi32>
      %swap3A_1249 = vector.shape_cast %add3A_1243 : vector<16xi32> to vector<1x16xi32>
      tpu.vector_store %arg8[%swap3A_1245, %swap3A_1246], %swap3A_1249 {strides = array<i32>} : memref<16x128xi32, #tpu.memory_space<vmem>>, vector<1x16xi32>,
      %add3A_1250 = vector.broadcast %mul3A_1225 : i32 to vector<16xi32>
      %add3A_1251 = arith.addi %add3A_13, %add3A_1250 : vector<16xi32>
      %swap3A_1252 = arith.constant 15 : i32
      %swap3A_1253 = arith.index_cast %swap3A_1252 : i32 to index
      %swap3A_1254 = arith.constant 48 : index
      %swap3A_1255 = tpu.vector_load %arg8[%swap3A_1253, %swap3A_1254] {strides = array<i32>} : memref<16x128xi32, #tpu.memory_space<vmem>>, vector<1x16xi32>,
      %swap3A_1256 = vector.shape_cast %swap3A_1255 : vector<1x16xi32> to vector<16xi32>
      %swap3A_1257 = vector.shape_cast %add3A_1251 : vector<16xi32> to vector<1x16xi32>
      tpu.vector_store %arg8[%swap3A_1253, %swap3A_1254], %swap3A_1257 {strides = array<i32>} : memref<16x128xi32, #tpu.memory_space<vmem>>, vector<1x16xi32>,
      %add3A_1258 = vector.broadcast %mul3A_1225 : i32 to vector<16xi32>
      %add3A_1259 = arith.addi %add3A_17, %add3A_1258 : vector<16xi32>
      %swap3A_1260 = arith.constant 15 : i32
      %swap3A_1261 = arith.index_cast %swap3A_1260 : i32 to index
      %swap3A_1262 = arith.constant 64 : index
      %swap3A_1263 = tpu.vector_load %arg8[%swap3A_1261, %swap3A_1262] {strides = array<i32>} : memref<16x128xi32, #tpu.memory_space<vmem>>, vector<1x16xi32>,
      %swap3A_1264 = vector.shape_cast %swap3A_1263 : vector<1x16xi32> to vector<16xi32>
      %swap3A_1265 = vector.shape_cast %add3A_1259 : vector<16xi32> to vector<1x16xi32>
      tpu.vector_store %arg8[%swap3A_1261, %swap3A_1262], %swap3A_1265 {strides = array<i32>} : memref<16x128xi32, #tpu.memory_space<vmem>>, vector<1x16xi32>,
      %add3A_1266 = vector.broadcast %mul3A_1225 : i32 to vector<16xi32>
      %add3A_1267 = arith.addi %add3A_21, %add3A_1266 : vector<16xi32>
      %swap3A_1268 = arith.constant 15 : i32
      %swap3A_1269 = arith.index_cast %swap3A_1268 : i32 to index
      %swap3A_1270 = arith.constant 80 : index
      %swap3A_1271 = tpu.vector_load %arg8[%swap3A_1269, %swap3A_1270] {strides = array<i32>} : memref<16x128xi32, #tpu.memory_space<vmem>>, vector<1x16xi32>,
      %swap3A_1272 = vector.shape_cast %swap3A_1271 : vector<1x16xi32> to vector<16xi32>
      %swap3A_1273 = vector.shape_cast %add3A_1267 : vector<16xi32> to vector<1x16xi32>
      tpu.vector_store %arg8[%swap3A_1269, %swap3A_1270], %swap3A_1273 {strides = array<i32>} : memref<16x128xi32, #tpu.memory_space<vmem>>, vector<1x16xi32>,
      %add3A_1274 = vector.broadcast %mul3A_1225 : i32 to vector<16xi32>
      %add3A_1275 = arith.addi %add3A_25, %add3A_1274 : vector<16xi32>
      %swap3A_1276 = arith.constant 15 : i32
      %swap3A_1277 = arith.index_cast %swap3A_1276 : i32 to index
      %swap3A_1278 = arith.constant 96 : index
      %swap3A_1279 = tpu.vector_load %arg8[%swap3A_1277, %swap3A_1278] {strides = array<i32>} : memref<16x128xi32, #tpu.memory_space<vmem>>, vector<1x16xi32>,
      %swap3A_1280 = vector.shape_cast %swap3A_1279 : vector<1x16xi32> to vector<16xi32>
      %swap3A_1281 = vector.shape_cast %add3A_1275 : vector<16xi32> to vector<1x16xi32>
      tpu.vector_store %arg8[%swap3A_1277, %swap3A_1278], %swap3A_1281 {strides = array<i32>} : memref<16x128xi32, #tpu.memory_space<vmem>>, vector<1x16xi32>,
      %add3A_1282 = vector.broadcast %mul3A_1225 : i32 to vector<16xi32>
      %add3A_1283 = arith.addi %add3A_29, %add3A_1282 : vector<16xi32>
      %swap3A_1284 = arith.constant 15 : i32
      %swap3A_1285 = arith.index_cast %swap3A_1284 : i32 to index
      %swap3A_1286 = arith.constant 112 : index
      %swap3A_1287 = tpu.vector_load %arg8[%swap3A_1285, %swap3A_1286] {strides = array<i32>} : memref<16x128xi32, #tpu.memory_space<vmem>>, vector<1x16xi32>,
      %swap3A_1288 = vector.shape_cast %swap3A_1287 : vector<1x16xi32> to vector<16xi32>
      %swap3A_1289 = vector.shape_cast %add3A_1283 : vector<16xi32> to vector<1x16xi32>
      tpu.vector_store %arg8[%swap3A_1285, %swap3A_1286], %swap3A_1289 {strides = array<i32>} : memref<16x128xi32, #tpu.memory_space<vmem>>, vector<1x16xi32>,
      %dma_wait3A = arith.constant 0 : i32
      %dma_wait3A_1290 = arith.constant 0 : i32
      %dma_wait3A_1291 = tpu.memref_slice %arg4[%dma_wait3A, %dma_wait3A_1290] : memref<10000x256xf32, #tpu.memory_space<hbm>> -> memref<10000x256xf32, #tpu.memory_space<hbm>>
      tpu.wait_indirect_dma semaphore(%arg12 : memref<!tpu.dma_semaphore, #tpu.memory_space<semaphore_mem>>) src(%dma_wait3A_1291 : memref<10000x256xf32, #tpu.memory_space<hbm>>) dst(%arg9 : memref<16x256xf32, #tpu.memory_space<vmem>>)
      %dma_start3A_1292 = arith.constant 0 : i32
      %dma_start3A_1293 = arith.constant 0 : i32
      %dma_start3A_1294 = arith.constant 0 : i32
      %dma_start3A_1295 = tpu.memref_slice %arg9[%dma_start3A_1292, %dma_start3A_1294] : memref<16x256xf32, #tpu.memory_space<vmem>> -> memref<1x128xf32, #tpu.memory_space<vmem>>
      %dma_start3A_1296 = tpu.memref_squeeze %dma_start3A_1295 : memref<1x128xf32, #tpu.memory_space<vmem>> -> memref<128xf32, #tpu.memory_space<vmem>>
      %dma_start3A_1297 = arith.constant 0 : i32
      %dma_start3A_1298 = tpu.memref_slice %arg8[%dma_start3A_1293, %dma_start3A_1297] : memref<16x128xi32, #tpu.memory_space<vmem>> -> memref<1x128xi32, #tpu.memory_space<vmem>>
      %dma_start3A_1299 = tpu.memref_squeeze %dma_start3A_1298 : memref<1x128xi32, #tpu.memory_space<vmem>> -> memref<128xi32, #tpu.memory_space<vmem>>
      %dma_start3A_1300 = arith.constant 0 : i32
      %dma_start3A_1301 = tpu.memref_slice %arg11[%dma_start3A_1300] : memref<1310720xf32, #tpu.memory_space<vmem_shared>> -> memref<1310720xf32, #tpu.memory_space<vmem_shared>>
      tpu.enqueue_indirect_dma source(%dma_start3A_1296 : memref<128xf32, #tpu.memory_space<vmem>>) target(%dma_start3A_1301 : memref<1310720xf32, #tpu.memory_space<vmem_shared>>) offsets(%dma_start3A_1299 : memref<128xi32, #tpu.memory_space<vmem>>) semaphore(%arg13 : memref<!tpu.dma_semaphore, #tpu.memory_space<semaphore_mem>>) {add = true}
      %dma_start3A_1302 = arith.constant 1 : i32
      %dma_start3A_1303 = arith.constant 1 : i32
      %dma_start3A_1304 = arith.constant 0 : i32
      %dma_start3A_1305 = tpu.memref_slice %arg9[%dma_start3A_1302, %dma_start3A_1304] : memref<16x256xf32, #tpu.memory_space<vmem>> -> memref<1x128xf32, #tpu.memory_space<vmem>>
      %dma_start3A_1306 = tpu.memref_squeeze %dma_start3A_1305 : memref<1x128xf32, #tpu.memory_space<vmem>> -> memref<128xf32, #tpu.memory_space<vmem>>
      %dma_start3A_1307 = arith.constant 0 : i32
      %dma_start3A_1308 = tpu.memref_slice %arg8[%dma_start3A_1303, %dma_start3A_1307] : memref<16x128xi32, #tpu.memory_space<vmem>> -> memref<1x128xi32, #tpu.memory_space<vmem>>
      %dma_start3A_1309 = tpu.memref_squeeze %dma_start3A_1308 : memref<1x128xi32, #tpu.memory_space<vmem>> -> memref<128xi32, #tpu.memory_space<vmem>>
      %dma_start3A_1310 = arith.constant 0 : i32
      %dma_start3A_1311 = tpu.memref_slice %arg11[%dma_start3A_1310] : memref<1310720xf32, #tpu.memory_space<vmem_shared>> -> memref<1310720xf32, #tpu.memory_space<vmem_shared>>
      tpu.enqueue_indirect_dma source(%dma_start3A_1306 : memref<128xf32, #tpu.memory_space<vmem>>) target(%dma_start3A_1311 : memref<1310720xf32, #tpu.memory_space<vmem_shared>>) offsets(%dma_start3A_1309 : memref<128xi32, #tpu.memory_space<vmem>>) semaphore(%arg13 : memref<!tpu.dma_semaphore, #tpu.memory_space<semaphore_mem>>) {add = true}
      %dma_start3A_1312 = arith.constant 2 : i32
      %dma_start3A_1313 = arith.constant 2 : i32
      %dma_start3A_1314 = arith.constant 0 : i32
      %dma_start3A_1315 = tpu.memref_slice %arg9[%dma_start3A_1312, %dma_start3A_1314] : memref<16x256xf32, #tpu.memory_space<vmem>> -> memref<1x128xf32, #tpu.memory_space<vmem>>
      %dma_start3A_1316 = tpu.memref_squeeze %dma_start3A_1315 : memref<1x128xf32, #tpu.memory_space<vmem>> -> memref<128xf32, #tpu.memory_space<vmem>>
      %dma_start3A_1317 = arith.constant 0 : i32
      %dma_start3A_1318 = tpu.memref_slice %arg8[%dma_start3A_1313, %dma_start3A_1317] : memref<16x128xi32, #tpu.memory_space<vmem>> -> memref<1x128xi32, #tpu.memory_space<vmem>>
      %dma_start3A_1319 = tpu.memref_squeeze %dma_start3A_1318 : memref<1x128xi32, #tpu.memory_space<vmem>> -> memref<128xi32, #tpu.memory_space<vmem>>
      %dma_start3A_1320 = arith.constant 0 : i32
      %dma_start3A_1321 = tpu.memref_slice %arg11[%dma_start3A_1320] : memref<1310720xf32, #tpu.memory_space<vmem_shared>> -> memref<1310720xf32, #tpu.memory_space<vmem_shared>>
      tpu.enqueue_indirect_dma source(%dma_start3A_1316 : memref<128xf32, #tpu.memory_space<vmem>>) target(%dma_start3A_1321 : memref<1310720xf32, #tpu.memory_space<vmem_shared>>) offsets(%dma_start3A_1319 : memref<128xi32, #tpu.memory_space<vmem>>) semaphore(%arg13 : memref<!tpu.dma_semaphore, #tpu.memory_space<semaphore_mem>>) {add = true}
      %dma_start3A_1322 = arith.constant 3 : i32
      %dma_start3A_1323 = arith.constant 3 : i32
      %dma_start3A_1324 = arith.constant 0 : i32
      %dma_start3A_1325 = tpu.memref_slice %arg9[%dma_start3A_1322, %dma_start3A_1324] : memref<16x256xf32, #tpu.memory_space<vmem>> -> memref<1x128xf32, #tpu.memory_space<vmem>>
      %dma_start3A_1326 = tpu.memref_squeeze %dma_start3A_1325 : memref<1x128xf32, #tpu.memory_space<vmem>> -> memref<128xf32, #tpu.memory_space<vmem>>
      %dma_start3A_1327 = arith.constant 0 : i32
      %dma_start3A_1328 = tpu.memref_slice %arg8[%dma_start3A_1323, %dma_start3A_1327] : memref<16x128xi32, #tpu.memory_space<vmem>> -> memref<1x128xi32, #tpu.memory_space<vmem>>
      %dma_start3A_1329 = tpu.memref_squeeze %dma_start3A_1328 : memref<1x128xi32, #tpu.memory_space<vmem>> -> memref<128xi32, #tpu.memory_space<vmem>>
      %dma_start3A_1330 = arith.constant 0 : i32
      %dma_start3A_1331 = tpu.memref_slice %arg11[%dma_start3A_1330] : memref<1310720xf32, #tpu.memory_space<vmem_shared>> -> memref<1310720xf32, #tpu.memory_space<vmem_shared>>
      tpu.enqueue_indirect_dma source(%dma_start3A_1326 : memref<128xf32, #tpu.memory_space<vmem>>) target(%dma_start3A_1331 : memref<1310720xf32, #tpu.memory_space<vmem_shared>>) offsets(%dma_start3A_1329 : memref<128xi32, #tpu.memory_space<vmem>>) semaphore(%arg13 : memref<!tpu.dma_semaphore, #tpu.memory_space<semaphore_mem>>) {add = true}
      %dma_start3A_1332 = arith.constant 4 : i32
      %dma_start3A_1333 = arith.constant 4 : i32
      %dma_start3A_1334 = arith.constant 0 : i32
      %dma_start3A_1335 = tpu.memref_slice %arg9[%dma_start3A_1332, %dma_start3A_1334] : memref<16x256xf32, #tpu.memory_space<vmem>> -> memref<1x128xf32, #tpu.memory_space<vmem>>
      %dma_start3A_1336 = tpu.memref_squeeze %dma_start3A_1335 : memref<1x128xf32, #tpu.memory_space<vmem>> -> memref<128xf32, #tpu.memory_space<vmem>>
      %dma_start3A_1337 = arith.constant 0 : i32
      %dma_start3A_1338 = tpu.memref_slice %arg8[%dma_start3A_1333, %dma_start3A_1337] : memref<16x128xi32, #tpu.memory_space<vmem>> -> memref<1x128xi32, #tpu.memory_space<vmem>>
      %dma_start3A_1339 = tpu.memref_squeeze %dma_start3A_1338 : memref<1x128xi32, #tpu.memory_space<vmem>> -> memref<128xi32, #tpu.memory_space<vmem>>
      %dma_start3A_1340 = arith.constant 0 : i32
      %dma_start3A_1341 = tpu.memref_slice %arg11[%dma_start3A_1340] : memref<1310720xf32, #tpu.memory_space<vmem_shared>> -> memref<1310720xf32, #tpu.memory_space<vmem_shared>>
      tpu.enqueue_indirect_dma source(%dma_start3A_1336 : memref<128xf32, #tpu.memory_space<vmem>>) target(%dma_start3A_1341 : memref<1310720xf32, #tpu.memory_space<vmem_shared>>) offsets(%dma_start3A_1339 : memref<128xi32, #tpu.memory_space<vmem>>) semaphore(%arg13 : memref<!tpu.dma_semaphore, #tpu.memory_space<semaphore_mem>>) {add = true}
      %dma_start3A_1342 = arith.constant 5 : i32
      %dma_start3A_1343 = arith.constant 5 : i32
      %dma_start3A_1344 = arith.constant 0 : i32
      %dma_start3A_1345 = tpu.memref_slice %arg9[%dma_start3A_1342, %dma_start3A_1344] : memref<16x256xf32, #tpu.memory_space<vmem>> -> memref<1x128xf32, #tpu.memory_space<vmem>>
      %dma_start3A_1346 = tpu.memref_squeeze %dma_start3A_1345 : memref<1x128xf32, #tpu.memory_space<vmem>> -> memref<128xf32, #tpu.memory_space<vmem>>
      %dma_start3A_1347 = arith.constant 0 : i32
      %dma_start3A_1348 = tpu.memref_slice %arg8[%dma_start3A_1343, %dma_start3A_1347] : memref<16x128xi32, #tpu.memory_space<vmem>> -> memref<1x128xi32, #tpu.memory_space<vmem>>
      %dma_start3A_1349 = tpu.memref_squeeze %dma_start3A_1348 : memref<1x128xi32, #tpu.memory_space<vmem>> -> memref<128xi32, #tpu.memory_space<vmem>>
      %dma_start3A_1350 = arith.constant 0 : i32
      %dma_start3A_1351 = tpu.memref_slice %arg11[%dma_start3A_1350] : memref<1310720xf32, #tpu.memory_space<vmem_shared>> -> memref<1310720xf32, #tpu.memory_space<vmem_shared>>
      tpu.enqueue_indirect_dma source(%dma_start3A_1346 : memref<128xf32, #tpu.memory_space<vmem>>) target(%dma_start3A_1351 : memref<1310720xf32, #tpu.memory_space<vmem_shared>>) offsets(%dma_start3A_1349 : memref<128xi32, #tpu.memory_space<vmem>>) semaphore(%arg13 : memref<!tpu.dma_semaphore, #tpu.memory_space<semaphore_mem>>) {add = true}
      %dma_start3A_1352 = arith.constant 6 : i32
      %dma_start3A_1353 = arith.constant 6 : i32
      %dma_start3A_1354 = arith.constant 0 : i32
      %dma_start3A_1355 = tpu.memref_slice %arg9[%dma_start3A_1352, %dma_start3A_1354] : memref<16x256xf32, #tpu.memory_space<vmem>> -> memref<1x128xf32, #tpu.memory_space<vmem>>
      %dma_start3A_1356 = tpu.memref_squeeze %dma_start3A_1355 : memref<1x128xf32, #tpu.memory_space<vmem>> -> memref<128xf32, #tpu.memory_space<vmem>>
      %dma_start3A_1357 = arith.constant 0 : i32
      %dma_start3A_1358 = tpu.memref_slice %arg8[%dma_start3A_1353, %dma_start3A_1357] : memref<16x128xi32, #tpu.memory_space<vmem>> -> memref<1x128xi32, #tpu.memory_space<vmem>>
      %dma_start3A_1359 = tpu.memref_squeeze %dma_start3A_1358 : memref<1x128xi32, #tpu.memory_space<vmem>> -> memref<128xi32, #tpu.memory_space<vmem>>
      %dma_start3A_1360 = arith.constant 0 : i32
      %dma_start3A_1361 = tpu.memref_slice %arg11[%dma_start3A_1360] : memref<1310720xf32, #tpu.memory_space<vmem_shared>> -> memref<1310720xf32, #tpu.memory_space<vmem_shared>>
      tpu.enqueue_indirect_dma source(%dma_start3A_1356 : memref<128xf32, #tpu.memory_space<vmem>>) target(%dma_start3A_1361 : memref<1310720xf32, #tpu.memory_space<vmem_shared>>) offsets(%dma_start3A_1359 : memref<128xi32, #tpu.memory_space<vmem>>) semaphore(%arg13 : memref<!tpu.dma_semaphore, #tpu.memory_space<semaphore_mem>>) {add = true}
      %dma_start3A_1362 = arith.constant 7 : i32
      %dma_start3A_1363 = arith.constant 7 : i32
      %dma_start3A_1364 = arith.constant 0 : i32
      %dma_start3A_1365 = tpu.memref_slice %arg9[%dma_start3A_1362, %dma_start3A_1364] : memref<16x256xf32, #tpu.memory_space<vmem>> -> memref<1x128xf32, #tpu.memory_space<vmem>>
      %dma_start3A_1366 = tpu.memref_squeeze %dma_start3A_1365 : memref<1x128xf32, #tpu.memory_space<vmem>> -> memref<128xf32, #tpu.memory_space<vmem>>
      %dma_start3A_1367 = arith.constant 0 : i32
      %dma_start3A_1368 = tpu.memref_slice %arg8[%dma_start3A_1363, %dma_start3A_1367] : memref<16x128xi32, #tpu.memory_space<vmem>> -> memref<1x128xi32, #tpu.memory_space<vmem>>
      %dma_start3A_1369 = tpu.memref_squeeze %dma_start3A_1368 : memref<1x128xi32, #tpu.memory_space<vmem>> -> memref<128xi32, #tpu.memory_space<vmem>>
      %dma_start3A_1370 = arith.constant 0 : i32
      %dma_start3A_1371 = tpu.memref_slice %arg11[%dma_start3A_1370] : memref<1310720xf32, #tpu.memory_space<vmem_shared>> -> memref<1310720xf32, #tpu.memory_space<vmem_shared>>
      tpu.enqueue_indirect_dma source(%dma_start3A_1366 : memref<128xf32, #tpu.memory_space<vmem>>) target(%dma_start3A_1371 : memref<1310720xf32, #tpu.memory_space<vmem_shared>>) offsets(%dma_start3A_1369 : memref<128xi32, #tpu.memory_space<vmem>>) semaphore(%arg13 : memref<!tpu.dma_semaphore, #tpu.memory_space<semaphore_mem>>) {add = true}
      %dma_start3A_1372 = arith.constant 8 : i32
      %dma_start3A_1373 = arith.constant 8 : i32
      %dma_start3A_1374 = arith.constant 0 : i32
      %dma_start3A_1375 = tpu.memref_slice %arg9[%dma_start3A_1372, %dma_start3A_1374] : memref<16x256xf32, #tpu.memory_space<vmem>> -> memref<1x128xf32, #tpu.memory_space<vmem>>
      %dma_start3A_1376 = tpu.memref_squeeze %dma_start3A_1375 : memref<1x128xf32, #tpu.memory_space<vmem>> -> memref<128xf32, #tpu.memory_space<vmem>>
      %dma_start3A_1377 = arith.constant 0 : i32
      %dma_start3A_1378 = tpu.memref_slice %arg8[%dma_start3A_1373, %dma_start3A_1377] : memref<16x128xi32, #tpu.memory_space<vmem>> -> memref<1x128xi32, #tpu.memory_space<vmem>>
      %dma_start3A_1379 = tpu.memref_squeeze %dma_start3A_1378 : memref<1x128xi32, #tpu.memory_space<vmem>> -> memref<128xi32, #tpu.memory_space<vmem>>
      %dma_start3A_1380 = arith.constant 0 : i32
      %dma_start3A_1381 = tpu.memref_slice %arg11[%dma_start3A_1380] : memref<1310720xf32, #tpu.memory_space<vmem_shared>> -> memref<1310720xf32, #tpu.memory_space<vmem_shared>>
      tpu.enqueue_indirect_dma source(%dma_start3A_1376 : memref<128xf32, #tpu.memory_space<vmem>>) target(%dma_start3A_1381 : memref<1310720xf32, #tpu.memory_space<vmem_shared>>) offsets(%dma_start3A_1379 : memref<128xi32, #tpu.memory_space<vmem>>) semaphore(%arg13 : memref<!tpu.dma_semaphore, #tpu.memory_space<semaphore_mem>>) {add = true}
      %dma_start3A_1382 = arith.constant 9 : i32
      %dma_start3A_1383 = arith.constant 9 : i32
      %dma_start3A_1384 = arith.constant 0 : i32
      %dma_start3A_1385 = tpu.memref_slice %arg9[%dma_start3A_1382, %dma_start3A_1384] : memref<16x256xf32, #tpu.memory_space<vmem>> -> memref<1x128xf32, #tpu.memory_space<vmem>>
      %dma_start3A_1386 = tpu.memref_squeeze %dma_start3A_1385 : memref<1x128xf32, #tpu.memory_space<vmem>> -> memref<128xf32, #tpu.memory_space<vmem>>
      %dma_start3A_1387 = arith.constant 0 : i32
      %dma_start3A_1388 = tpu.memref_slice %arg8[%dma_start3A_1383, %dma_start3A_1387] : memref<16x128xi32, #tpu.memory_space<vmem>> -> memref<1x128xi32, #tpu.memory_space<vmem>>
      %dma_start3A_1389 = tpu.memref_squeeze %dma_start3A_1388 : memref<1x128xi32, #tpu.memory_space<vmem>> -> memref<128xi32, #tpu.memory_space<vmem>>
      %dma_start3A_1390 = arith.constant 0 : i32
      %dma_start3A_1391 = tpu.memref_slice %arg11[%dma_start3A_1390] : memref<1310720xf32, #tpu.memory_space<vmem_shared>> -> memref<1310720xf32, #tpu.memory_space<vmem_shared>>
      tpu.enqueue_indirect_dma source(%dma_start3A_1386 : memref<128xf32, #tpu.memory_space<vmem>>) target(%dma_start3A_1391 : memref<1310720xf32, #tpu.memory_space<vmem_shared>>) offsets(%dma_start3A_1389 : memref<128xi32, #tpu.memory_space<vmem>>) semaphore(%arg13 : memref<!tpu.dma_semaphore, #tpu.memory_space<semaphore_mem>>) {add = true}
      %dma_start3A_1392 = arith.constant 10 : i32
      %dma_start3A_1393 = arith.constant 10 : i32
      %dma_start3A_1394 = arith.constant 0 : i32
      %dma_start3A_1395 = tpu.memref_slice %arg9[%dma_start3A_1392, %dma_start3A_1394] : memref<16x256xf32, #tpu.memory_space<vmem>> -> memref<1x128xf32, #tpu.memory_space<vmem>>
      %dma_start3A_1396 = tpu.memref_squeeze %dma_start3A_1395 : memref<1x128xf32, #tpu.memory_space<vmem>> -> memref<128xf32, #tpu.memory_space<vmem>>
      %dma_start3A_1397 = arith.constant 0 : i32
      %dma_start3A_1398 = tpu.memref_slice %arg8[%dma_start3A_1393, %dma_start3A_1397] : memref<16x128xi32, #tpu.memory_space<vmem>> -> memref<1x128xi32, #tpu.memory_space<vmem>>
      %dma_start3A_1399 = tpu.memref_squeeze %dma_start3A_1398 : memref<1x128xi32, #tpu.memory_space<vmem>> -> memref<128xi32, #tpu.memory_space<vmem>>
      %dma_start3A_1400 = arith.constant 0 : i32
      %dma_start3A_1401 = tpu.memref_slice %arg11[%dma_start3A_1400] : memref<1310720xf32, #tpu.memory_space<vmem_shared>> -> memref<1310720xf32, #tpu.memory_space<vmem_shared>>
      tpu.enqueue_indirect_dma source(%dma_start3A_1396 : memref<128xf32, #tpu.memory_space<vmem>>) target(%dma_start3A_1401 : memref<1310720xf32, #tpu.memory_space<vmem_shared>>) offsets(%dma_start3A_1399 : memref<128xi32, #tpu.memory_space<vmem>>) semaphore(%arg13 : memref<!tpu.dma_semaphore, #tpu.memory_space<semaphore_mem>>) {add = true}
      %dma_start3A_1402 = arith.constant 11 : i32
      %dma_start3A_1403 = arith.constant 11 : i32
      %dma_start3A_1404 = arith.constant 0 : i32
      %dma_start3A_1405 = tpu.memref_slice %arg9[%dma_start3A_1402, %dma_start3A_1404] : memref<16x256xf32, #tpu.memory_space<vmem>> -> memref<1x128xf32, #tpu.memory_space<vmem>>
      %dma_start3A_1406 = tpu.memref_squeeze %dma_start3A_1405 : memref<1x128xf32, #tpu.memory_space<vmem>> -> memref<128xf32, #tpu.memory_space<vmem>>
      %dma_start3A_1407 = arith.constant 0 : i32
      %dma_start3A_1408 = tpu.memref_slice %arg8[%dma_start3A_1403, %dma_start3A_1407] : memref<16x128xi32, #tpu.memory_space<vmem>> -> memref<1x128xi32, #tpu.memory_space<vmem>>
      %dma_start3A_1409 = tpu.memref_squeeze %dma_start3A_1408 : memref<1x128xi32, #tpu.memory_space<vmem>> -> memref<128xi32, #tpu.memory_space<vmem>>
      %dma_start3A_1410 = arith.constant 0 : i32
      %dma_start3A_1411 = tpu.memref_slice %arg11[%dma_start3A_1410] : memref<1310720xf32, #tpu.memory_space<vmem_shared>> -> memref<1310720xf32, #tpu.memory_space<vmem_shared>>
      tpu.enqueue_indirect_dma source(%dma_start3A_1406 : memref<128xf32, #tpu.memory_space<vmem>>) target(%dma_start3A_1411 : memref<1310720xf32, #tpu.memory_space<vmem_shared>>) offsets(%dma_start3A_1409 : memref<128xi32, #tpu.memory_space<vmem>>) semaphore(%arg13 : memref<!tpu.dma_semaphore, #tpu.memory_space<semaphore_mem>>) {add = true}
      %dma_start3A_1412 = arith.constant 12 : i32
      %dma_start3A_1413 = arith.constant 12 : i32
      %dma_start3A_1414 = arith.constant 0 : i32
      %dma_start3A_1415 = tpu.memref_slice %arg9[%dma_start3A_1412, %dma_start3A_1414] : memref<16x256xf32, #tpu.memory_space<vmem>> -> memref<1x128xf32, #tpu.memory_space<vmem>>
      %dma_start3A_1416 = tpu.memref_squeeze %dma_start3A_1415 : memref<1x128xf32, #tpu.memory_space<vmem>> -> memref<128xf32, #tpu.memory_space<vmem>>
      %dma_start3A_1417 = arith.constant 0 : i32
      %dma_start3A_1418 = tpu.memref_slice %arg8[%dma_start3A_1413, %dma_start3A_1417] : memref<16x128xi32, #tpu.memory_space<vmem>> -> memref<1x128xi32, #tpu.memory_space<vmem>>
      %dma_start3A_1419 = tpu.memref_squeeze %dma_start3A_1418 : memref<1x128xi32, #tpu.memory_space<vmem>> -> memref<128xi32, #tpu.memory_space<vmem>>
      %dma_start3A_1420 = arith.constant 0 : i32
      %dma_start3A_1421 = tpu.memref_slice %arg11[%dma_start3A_1420] : memref<1310720xf32, #tpu.memory_space<vmem_shared>> -> memref<1310720xf32, #tpu.memory_space<vmem_shared>>
      tpu.enqueue_indirect_dma source(%dma_start3A_1416 : memref<128xf32, #tpu.memory_space<vmem>>) target(%dma_start3A_1421 : memref<1310720xf32, #tpu.memory_space<vmem_shared>>) offsets(%dma_start3A_1419 : memref<128xi32, #tpu.memory_space<vmem>>) semaphore(%arg13 : memref<!tpu.dma_semaphore, #tpu.memory_space<semaphore_mem>>) {add = true}
      %dma_start3A_1422 = arith.constant 13 : i32
      %dma_start3A_1423 = arith.constant 13 : i32
      %dma_start3A_1424 = arith.constant 0 : i32
      %dma_start3A_1425 = tpu.memref_slice %arg9[%dma_start3A_1422, %dma_start3A_1424] : memref<16x256xf32, #tpu.memory_space<vmem>> -> memref<1x128xf32, #tpu.memory_space<vmem>>
      %dma_start3A_1426 = tpu.memref_squeeze %dma_start3A_1425 : memref<1x128xf32, #tpu.memory_space<vmem>> -> memref<128xf32, #tpu.memory_space<vmem>>
      %dma_start3A_1427 = arith.constant 0 : i32
      %dma_start3A_1428 = tpu.memref_slice %arg8[%dma_start3A_1423, %dma_start3A_1427] : memref<16x128xi32, #tpu.memory_space<vmem>> -> memref<1x128xi32, #tpu.memory_space<vmem>>
      %dma_start3A_1429 = tpu.memref_squeeze %dma_start3A_1428 : memref<1x128xi32, #tpu.memory_space<vmem>> -> memref<128xi32, #tpu.memory_space<vmem>>
      %dma_start3A_1430 = arith.constant 0 : i32
      %dma_start3A_1431 = tpu.memref_slice %arg11[%dma_start3A_1430] : memref<1310720xf32, #tpu.memory_space<vmem_shared>> -> memref<1310720xf32, #tpu.memory_space<vmem_shared>>
      tpu.enqueue_indirect_dma source(%dma_start3A_1426 : memref<128xf32, #tpu.memory_space<vmem>>) target(%dma_start3A_1431 : memref<1310720xf32, #tpu.memory_space<vmem_shared>>) offsets(%dma_start3A_1429 : memref<128xi32, #tpu.memory_space<vmem>>) semaphore(%arg13 : memref<!tpu.dma_semaphore, #tpu.memory_space<semaphore_mem>>) {add = true}
      %dma_start3A_1432 = arith.constant 14 : i32
      %dma_start3A_1433 = arith.constant 14 : i32
      %dma_start3A_1434 = arith.constant 0 : i32
      %dma_start3A_1435 = tpu.memref_slice %arg9[%dma_start3A_1432, %dma_start3A_1434] : memref<16x256xf32, #tpu.memory_space<vmem>> -> memref<1x128xf32, #tpu.memory_space<vmem>>
      %dma_start3A_1436 = tpu.memref_squeeze %dma_start3A_1435 : memref<1x128xf32, #tpu.memory_space<vmem>> -> memref<128xf32, #tpu.memory_space<vmem>>
      %dma_start3A_1437 = arith.constant 0 : i32
      %dma_start3A_1438 = tpu.memref_slice %arg8[%dma_start3A_1433, %dma_start3A_1437] : memref<16x128xi32, #tpu.memory_space<vmem>> -> memref<1x128xi32, #tpu.memory_space<vmem>>
      %dma_start3A_1439 = tpu.memref_squeeze %dma_start3A_1438 : memref<1x128xi32, #tpu.memory_space<vmem>> -> memref<128xi32, #tpu.memory_space<vmem>>
      %dma_start3A_1440 = arith.constant 0 : i32
      %dma_start3A_1441 = tpu.memref_slice %arg11[%dma_start3A_1440] : memref<1310720xf32, #tpu.memory_space<vmem_shared>> -> memref<1310720xf32, #tpu.memory_space<vmem_shared>>
      tpu.enqueue_indirect_dma source(%dma_start3A_1436 : memref<128xf32, #tpu.memory_space<vmem>>) target(%dma_start3A_1441 : memref<1310720xf32, #tpu.memory_space<vmem_shared>>) offsets(%dma_start3A_1439 : memref<128xi32, #tpu.memory_space<vmem>>) semaphore(%arg13 : memref<!tpu.dma_semaphore, #tpu.memory_space<semaphore_mem>>) {add = true}
      %dma_start3A_1442 = arith.constant 15 : i32
      %dma_start3A_1443 = arith.constant 15 : i32
      %dma_start3A_1444 = arith.constant 0 : i32
      %dma_start3A_1445 = tpu.memref_slice %arg9[%dma_start3A_1442, %dma_start3A_1444] : memref<16x256xf32, #tpu.memory_space<vmem>> -> memref<1x128xf32, #tpu.memory_space<vmem>>
      %dma_start3A_1446 = tpu.memref_squeeze %dma_start3A_1445 : memref<1x128xf32, #tpu.memory_space<vmem>> -> memref<128xf32, #tpu.memory_space<vmem>>
      %dma_start3A_1447 = arith.constant 0 : i32
      %dma_start3A_1448 = tpu.memref_slice %arg8[%dma_start3A_1443, %dma_start3A_1447] : memref<16x128xi32, #tpu.memory_space<vmem>> -> memref<1x128xi32, #tpu.memory_space<vmem>>
      %dma_start3A_1449 = tpu.memref_squeeze %dma_start3A_1448 : memref<1x128xi32, #tpu.memory_space<vmem>> -> memref<128xi32, #tpu.memory_space<vmem>>
      %dma_start3A_1450 = arith.constant 0 : i32
      %dma_start3A_1451 = tpu.memref_slice %arg11[%dma_start3A_1450] : memref<1310720xf32, #tpu.memory_space<vmem_shared>> -> memref<1310720xf32, #tpu.memory_space<vmem_shared>>
      tpu.enqueue_indirect_dma source(%dma_start3A_1446 : memref<128xf32, #tpu.memory_space<vmem>>) target(%dma_start3A_1451 : memref<1310720xf32, #tpu.memory_space<vmem_shared>>) offsets(%dma_start3A_1449 : memref<128xi32, #tpu.memory_space<vmem>>) semaphore(%arg13 : memref<!tpu.dma_semaphore, #tpu.memory_space<semaphore_mem>>) {add = true}
      %dma_wait3A_1452 = arith.constant 0 : i32
      %dma_wait3A_1453 = arith.constant 0 : i32
      %dma_wait3A_1454 = arith.constant 0 : i32
      %dma_wait3A_1455 = tpu.memref_slice %arg9[%dma_wait3A_1452, %dma_wait3A_1454] : memref<16x256xf32, #tpu.memory_space<vmem>> -> memref<1x128xf32, #tpu.memory_space<vmem>>
      %dma_wait3A_1456 = tpu.memref_squeeze %dma_wait3A_1455 : memref<1x128xf32, #tpu.memory_space<vmem>> -> memref<128xf32, #tpu.memory_space<vmem>>
      %dma_wait3A_1457 = arith.constant 0 : i32
      %dma_wait3A_1458 = tpu.memref_slice %arg8[%dma_wait3A_1453, %dma_wait3A_1457] : memref<16x128xi32, #tpu.memory_space<vmem>> -> memref<1x128xi32, #tpu.memory_space<vmem>>
      %dma_wait3A_1459 = tpu.memref_squeeze %dma_wait3A_1458 : memref<1x128xi32, #tpu.memory_space<vmem>> -> memref<128xi32, #tpu.memory_space<vmem>>
      %dma_wait3A_1460 = arith.constant 0 : i32
      %dma_wait3A_1461 = tpu.memref_slice %arg11[%dma_wait3A_1460] : memref<1310720xf32, #tpu.memory_space<vmem_shared>> -> memref<1310720xf32, #tpu.memory_space<vmem_shared>>
      tpu.wait_indirect_dma semaphore(%arg13 : memref<!tpu.dma_semaphore, #tpu.memory_space<semaphore_mem>>) src(%dma_wait3A_1456 : memref<128xf32, #tpu.memory_space<vmem>>) dst(%dma_wait3A_1461 : memref<1310720xf32, #tpu.memory_space<vmem_shared>>)
      %dma_wait3A_1462 = arith.constant 1 : i32
      %dma_wait3A_1463 = arith.constant 1 : i32
      %dma_wait3A_1464 = arith.constant 0 : i32
      %dma_wait3A_1465 = tpu.memref_slice %arg9[%dma_wait3A_1462, %dma_wait3A_1464] : memref<16x256xf32, #tpu.memory_space<vmem>> -> memref<1x128xf32, #tpu.memory_space<vmem>>
      %dma_wait3A_1466 = tpu.memref_squeeze %dma_wait3A_1465 : memref<1x128xf32, #tpu.memory_space<vmem>> -> memref<128xf32, #tpu.memory_space<vmem>>
      %dma_wait3A_1467 = arith.constant 0 : i32
      %dma_wait3A_1468 = tpu.memref_slice %arg8[%dma_wait3A_1463, %dma_wait3A_1467] : memref<16x128xi32, #tpu.memory_space<vmem>> -> memref<1x128xi32, #tpu.memory_space<vmem>>
      %dma_wait3A_1469 = tpu.memref_squeeze %dma_wait3A_1468 : memref<1x128xi32, #tpu.memory_space<vmem>> -> memref<128xi32, #tpu.memory_space<vmem>>
      %dma_wait3A_1470 = arith.constant 0 : i32
      %dma_wait3A_1471 = tpu.memref_slice %arg11[%dma_wait3A_1470] : memref<1310720xf32, #tpu.memory_space<vmem_shared>> -> memref<1310720xf32, #tpu.memory_space<vmem_shared>>
      tpu.wait_indirect_dma semaphore(%arg13 : memref<!tpu.dma_semaphore, #tpu.memory_space<semaphore_mem>>) src(%dma_wait3A_1466 : memref<128xf32, #tpu.memory_space<vmem>>) dst(%dma_wait3A_1471 : memref<1310720xf32, #tpu.memory_space<vmem_shared>>)
      %dma_wait3A_1472 = arith.constant 2 : i32
      %dma_wait3A_1473 = arith.constant 2 : i32
      %dma_wait3A_1474 = arith.constant 0 : i32
      %dma_wait3A_1475 = tpu.memref_slice %arg9[%dma_wait3A_1472, %dma_wait3A_1474] : memref<16x256xf32, #tpu.memory_space<vmem>> -> memref<1x128xf32, #tpu.memory_space<vmem>>
      %dma_wait3A_1476 = tpu.memref_squeeze %dma_wait3A_1475 : memref<1x128xf32, #tpu.memory_space<vmem>> -> memref<128xf32, #tpu.memory_space<vmem>>
      %dma_wait3A_1477 = arith.constant 0 : i32
      %dma_wait3A_1478 = tpu.memref_slice %arg8[%dma_wait3A_1473, %dma_wait3A_1477] : memref<16x128xi32, #tpu.memory_space<vmem>> -> memref<1x128xi32, #tpu.memory_space<vmem>>
      %dma_wait3A_1479 = tpu.memref_squeeze %dma_wait3A_1478 : memref<1x128xi32, #tpu.memory_space<vmem>> -> memref<128xi32, #tpu.memory_space<vmem>>
      %dma_wait3A_1480 = arith.constant 0 : i32
      %dma_wait3A_1481 = tpu.memref_slice %arg11[%dma_wait3A_1480] : memref<1310720xf32, #tpu.memory_space<vmem_shared>> -> memref<1310720xf32, #tpu.memory_space<vmem_shared>>
      tpu.wait_indirect_dma semaphore(%arg13 : memref<!tpu.dma_semaphore, #tpu.memory_space<semaphore_mem>>) src(%dma_wait3A_1476 : memref<128xf32, #tpu.memory_space<vmem>>) dst(%dma_wait3A_1481 : memref<1310720xf32, #tpu.memory_space<vmem_shared>>)
      %dma_wait3A_1482 = arith.constant 3 : i32
      %dma_wait3A_1483 = arith.constant 3 : i32
      %dma_wait3A_1484 = arith.constant 0 : i32
      %dma_wait3A_1485 = tpu.memref_slice %arg9[%dma_wait3A_1482, %dma_wait3A_1484] : memref<16x256xf32, #tpu.memory_space<vmem>> -> memref<1x128xf32, #tpu.memory_space<vmem>>
      %dma_wait3A_1486 = tpu.memref_squeeze %dma_wait3A_1485 : memref<1x128xf32, #tpu.memory_space<vmem>> -> memref<128xf32, #tpu.memory_space<vmem>>
      %dma_wait3A_1487 = arith.constant 0 : i32
      %dma_wait3A_1488 = tpu.memref_slice %arg8[%dma_wait3A_1483, %dma_wait3A_1487] : memref<16x128xi32, #tpu.memory_space<vmem>> -> memref<1x128xi32, #tpu.memory_space<vmem>>
      %dma_wait3A_1489 = tpu.memref_squeeze %dma_wait3A_1488 : memref<1x128xi32, #tpu.memory_space<vmem>> -> memref<128xi32, #tpu.memory_space<vmem>>
      %dma_wait3A_1490 = arith.constant 0 : i32
      %dma_wait3A_1491 = tpu.memref_slice %arg11[%dma_wait3A_1490] : memref<1310720xf32, #tpu.memory_space<vmem_shared>> -> memref<1310720xf32, #tpu.memory_space<vmem_shared>>
      tpu.wait_indirect_dma semaphore(%arg13 : memref<!tpu.dma_semaphore, #tpu.memory_space<semaphore_mem>>) src(%dma_wait3A_1486 : memref<128xf32, #tpu.memory_space<vmem>>) dst(%dma_wait3A_1491 : memref<1310720xf32, #tpu.memory_space<vmem_shared>>)
      %dma_wait3A_1492 = arith.constant 4 : i32
      %dma_wait3A_1493 = arith.constant 4 : i32
      %dma_wait3A_1494 = arith.constant 0 : i32
      %dma_wait3A_1495 = tpu.memref_slice %arg9[%dma_wait3A_1492, %dma_wait3A_1494] : memref<16x256xf32, #tpu.memory_space<vmem>> -> memref<1x128xf32, #tpu.memory_space<vmem>>
      %dma_wait3A_1496 = tpu.memref_squeeze %dma_wait3A_1495 : memref<1x128xf32, #tpu.memory_space<vmem>> -> memref<128xf32, #tpu.memory_space<vmem>>
      %dma_wait3A_1497 = arith.constant 0 : i32
      %dma_wait3A_1498 = tpu.memref_slice %arg8[%dma_wait3A_1493, %dma_wait3A_1497] : memref<16x128xi32, #tpu.memory_space<vmem>> -> memref<1x128xi32, #tpu.memory_space<vmem>>
      %dma_wait3A_1499 = tpu.memref_squeeze %dma_wait3A_1498 : memref<1x128xi32, #tpu.memory_space<vmem>> -> memref<128xi32, #tpu.memory_space<vmem>>
      %dma_wait3A_1500 = arith.constant 0 : i32
      %dma_wait3A_1501 = tpu.memref_slice %arg11[%dma_wait3A_1500] : memref<1310720xf32, #tpu.memory_space<vmem_shared>> -> memref<1310720xf32, #tpu.memory_space<vmem_shared>>
      tpu.wait_indirect_dma semaphore(%arg13 : memref<!tpu.dma_semaphore, #tpu.memory_space<semaphore_mem>>) src(%dma_wait3A_1496 : memref<128xf32, #tpu.memory_space<vmem>>) dst(%dma_wait3A_1501 : memref<1310720xf32, #tpu.memory_space<vmem_shared>>)
      %dma_wait3A_1502 = arith.constant 5 : i32
      %dma_wait3A_1503 = arith.constant 5 : i32
      %dma_wait3A_1504 = arith.constant 0 : i32
      %dma_wait3A_1505 = tpu.memref_slice %arg9[%dma_wait3A_1502, %dma_wait3A_1504] : memref<16x256xf32, #tpu.memory_space<vmem>> -> memref<1x128xf32, #tpu.memory_space<vmem>>
      %dma_wait3A_1506 = tpu.memref_squeeze %dma_wait3A_1505 : memref<1x128xf32, #tpu.memory_space<vmem>> -> memref<128xf32, #tpu.memory_space<vmem>>
      %dma_wait3A_1507 = arith.constant 0 : i32
      %dma_wait3A_1508 = tpu.memref_slice %arg8[%dma_wait3A_1503, %dma_wait3A_1507] : memref<16x128xi32, #tpu.memory_space<vmem>> -> memref<1x128xi32, #tpu.memory_space<vmem>>
      %dma_wait3A_1509 = tpu.memref_squeeze %dma_wait3A_1508 : memref<1x128xi32, #tpu.memory_space<vmem>> -> memref<128xi32, #tpu.memory_space<vmem>>
      %dma_wait3A_1510 = arith.constant 0 : i32
      %dma_wait3A_1511 = tpu.memref_slice %arg11[%dma_wait3A_1510] : memref<1310720xf32, #tpu.memory_space<vmem_shared>> -> memref<1310720xf32, #tpu.memory_space<vmem_shared>>
      tpu.wait_indirect_dma semaphore(%arg13 : memref<!tpu.dma_semaphore, #tpu.memory_space<semaphore_mem>>) src(%dma_wait3A_1506 : memref<128xf32, #tpu.memory_space<vmem>>) dst(%dma_wait3A_1511 : memref<1310720xf32, #tpu.memory_space<vmem_shared>>)
      %dma_wait3A_1512 = arith.constant 6 : i32
      %dma_wait3A_1513 = arith.constant 6 : i32
      %dma_wait3A_1514 = arith.constant 0 : i32
      %dma_wait3A_1515 = tpu.memref_slice %arg9[%dma_wait3A_1512, %dma_wait3A_1514] : memref<16x256xf32, #tpu.memory_space<vmem>> -> memref<1x128xf32, #tpu.memory_space<vmem>>
      %dma_wait3A_1516 = tpu.memref_squeeze %dma_wait3A_1515 : memref<1x128xf32, #tpu.memory_space<vmem>> -> memref<128xf32, #tpu.memory_space<vmem>>
      %dma_wait3A_1517 = arith.constant 0 : i32
      %dma_wait3A_1518 = tpu.memref_slice %arg8[%dma_wait3A_1513, %dma_wait3A_1517] : memref<16x128xi32, #tpu.memory_space<vmem>> -> memref<1x128xi32, #tpu.memory_space<vmem>>
      %dma_wait3A_1519 = tpu.memref_squeeze %dma_wait3A_1518 : memref<1x128xi32, #tpu.memory_space<vmem>> -> memref<128xi32, #tpu.memory_space<vmem>>
      %dma_wait3A_1520 = arith.constant 0 : i32
      %dma_wait3A_1521 = tpu.memref_slice %arg11[%dma_wait3A_1520] : memref<1310720xf32, #tpu.memory_space<vmem_shared>> -> memref<1310720xf32, #tpu.memory_space<vmem_shared>>
      tpu.wait_indirect_dma semaphore(%arg13 : memref<!tpu.dma_semaphore, #tpu.memory_space<semaphore_mem>>) src(%dma_wait3A_1516 : memref<128xf32, #tpu.memory_space<vmem>>) dst(%dma_wait3A_1521 : memref<1310720xf32, #tpu.memory_space<vmem_shared>>)
      %dma_wait3A_1522 = arith.constant 7 : i32
      %dma_wait3A_1523 = arith.constant 7 : i32
      %dma_wait3A_1524 = arith.constant 0 : i32
      %dma_wait3A_1525 = tpu.memref_slice %arg9[%dma_wait3A_1522, %dma_wait3A_1524] : memref<16x256xf32, #tpu.memory_space<vmem>> -> memref<1x128xf32, #tpu.memory_space<vmem>>
      %dma_wait3A_1526 = tpu.memref_squeeze %dma_wait3A_1525 : memref<1x128xf32, #tpu.memory_space<vmem>> -> memref<128xf32, #tpu.memory_space<vmem>>
      %dma_wait3A_1527 = arith.constant 0 : i32
      %dma_wait3A_1528 = tpu.memref_slice %arg8[%dma_wait3A_1523, %dma_wait3A_1527] : memref<16x128xi32, #tpu.memory_space<vmem>> -> memref<1x128xi32, #tpu.memory_space<vmem>>
      %dma_wait3A_1529 = tpu.memref_squeeze %dma_wait3A_1528 : memref<1x128xi32, #tpu.memory_space<vmem>> -> memref<128xi32, #tpu.memory_space<vmem>>
      %dma_wait3A_1530 = arith.constant 0 : i32
      %dma_wait3A_1531 = tpu.memref_slice %arg11[%dma_wait3A_1530] : memref<1310720xf32, #tpu.memory_space<vmem_shared>> -> memref<1310720xf32, #tpu.memory_space<vmem_shared>>
      tpu.wait_indirect_dma semaphore(%arg13 : memref<!tpu.dma_semaphore, #tpu.memory_space<semaphore_mem>>) src(%dma_wait3A_1526 : memref<128xf32, #tpu.memory_space<vmem>>) dst(%dma_wait3A_1531 : memref<1310720xf32, #tpu.memory_space<vmem_shared>>)
      %dma_wait3A_1532 = arith.constant 8 : i32
      %dma_wait3A_1533 = arith.constant 8 : i32
      %dma_wait3A_1534 = arith.constant 0 : i32
      %dma_wait3A_1535 = tpu.memref_slice %arg9[%dma_wait3A_1532, %dma_wait3A_1534] : memref<16x256xf32, #tpu.memory_space<vmem>> -> memref<1x128xf32, #tpu.memory_space<vmem>>
      %dma_wait3A_1536 = tpu.memref_squeeze %dma_wait3A_1535 : memref<1x128xf32, #tpu.memory_space<vmem>> -> memref<128xf32, #tpu.memory_space<vmem>>
      %dma_wait3A_1537 = arith.constant 0 : i32
      %dma_wait3A_1538 = tpu.memref_slice %arg8[%dma_wait3A_1533, %dma_wait3A_1537] : memref<16x128xi32, #tpu.memory_space<vmem>> -> memref<1x128xi32, #tpu.memory_space<vmem>>
      %dma_wait3A_1539 = tpu.memref_squeeze %dma_wait3A_1538 : memref<1x128xi32, #tpu.memory_space<vmem>> -> memref<128xi32, #tpu.memory_space<vmem>>
      %dma_wait3A_1540 = arith.constant 0 : i32
      %dma_wait3A_1541 = tpu.memref_slice %arg11[%dma_wait3A_1540] : memref<1310720xf32, #tpu.memory_space<vmem_shared>> -> memref<1310720xf32, #tpu.memory_space<vmem_shared>>
      tpu.wait_indirect_dma semaphore(%arg13 : memref<!tpu.dma_semaphore, #tpu.memory_space<semaphore_mem>>) src(%dma_wait3A_1536 : memref<128xf32, #tpu.memory_space<vmem>>) dst(%dma_wait3A_1541 : memref<1310720xf32, #tpu.memory_space<vmem_shared>>)
      %dma_wait3A_1542 = arith.constant 9 : i32
      %dma_wait3A_1543 = arith.constant 9 : i32
      %dma_wait3A_1544 = arith.constant 0 : i32
      %dma_wait3A_1545 = tpu.memref_slice %arg9[%dma_wait3A_1542, %dma_wait3A_1544] : memref<16x256xf32, #tpu.memory_space<vmem>> -> memref<1x128xf32, #tpu.memory_space<vmem>>
      %dma_wait3A_1546 = tpu.memref_squeeze %dma_wait3A_1545 : memref<1x128xf32, #tpu.memory_space<vmem>> -> memref<128xf32, #tpu.memory_space<vmem>>
      %dma_wait3A_1547 = arith.constant 0 : i32
      %dma_wait3A_1548 = tpu.memref_slice %arg8[%dma_wait3A_1543, %dma_wait3A_1547] : memref<16x128xi32, #tpu.memory_space<vmem>> -> memref<1x128xi32, #tpu.memory_space<vmem>>
      %dma_wait3A_1549 = tpu.memref_squeeze %dma_wait3A_1548 : memref<1x128xi32, #tpu.memory_space<vmem>> -> memref<128xi32, #tpu.memory_space<vmem>>
      %dma_wait3A_1550 = arith.constant 0 : i32
      %dma_wait3A_1551 = tpu.memref_slice %arg11[%dma_wait3A_1550] : memref<1310720xf32, #tpu.memory_space<vmem_shared>> -> memref<1310720xf32, #tpu.memory_space<vmem_shared>>
      tpu.wait_indirect_dma semaphore(%arg13 : memref<!tpu.dma_semaphore, #tpu.memory_space<semaphore_mem>>) src(%dma_wait3A_1546 : memref<128xf32, #tpu.memory_space<vmem>>) dst(%dma_wait3A_1551 : memref<1310720xf32, #tpu.memory_space<vmem_shared>>)
      %dma_wait3A_1552 = arith.constant 10 : i32
      %dma_wait3A_1553 = arith.constant 10 : i32
      %dma_wait3A_1554 = arith.constant 0 : i32
      %dma_wait3A_1555 = tpu.memref_slice %arg9[%dma_wait3A_1552, %dma_wait3A_1554] : memref<16x256xf32, #tpu.memory_space<vmem>> -> memref<1x128xf32, #tpu.memory_space<vmem>>
      %dma_wait3A_1556 = tpu.memref_squeeze %dma_wait3A_1555 : memref<1x128xf32, #tpu.memory_space<vmem>> -> memref<128xf32, #tpu.memory_space<vmem>>
      %dma_wait3A_1557 = arith.constant 0 : i32
      %dma_wait3A_1558 = tpu.memref_slice %arg8[%dma_wait3A_1553, %dma_wait3A_1557] : memref<16x128xi32, #tpu.memory_space<vmem>> -> memref<1x128xi32, #tpu.memory_space<vmem>>
      %dma_wait3A_1559 = tpu.memref_squeeze %dma_wait3A_1558 : memref<1x128xi32, #tpu.memory_space<vmem>> -> memref<128xi32, #tpu.memory_space<vmem>>
      %dma_wait3A_1560 = arith.constant 0 : i32
      %dma_wait3A_1561 = tpu.memref_slice %arg11[%dma_wait3A_1560] : memref<1310720xf32, #tpu.memory_space<vmem_shared>> -> memref<1310720xf32, #tpu.memory_space<vmem_shared>>
      tpu.wait_indirect_dma semaphore(%arg13 : memref<!tpu.dma_semaphore, #tpu.memory_space<semaphore_mem>>) src(%dma_wait3A_1556 : memref<128xf32, #tpu.memory_space<vmem>>) dst(%dma_wait3A_1561 : memref<1310720xf32, #tpu.memory_space<vmem_shared>>)
      %dma_wait3A_1562 = arith.constant 11 : i32
      %dma_wait3A_1563 = arith.constant 11 : i32
      %dma_wait3A_1564 = arith.constant 0 : i32
      %dma_wait3A_1565 = tpu.memref_slice %arg9[%dma_wait3A_1562, %dma_wait3A_1564] : memref<16x256xf32, #tpu.memory_space<vmem>> -> memref<1x128xf32, #tpu.memory_space<vmem>>
      %dma_wait3A_1566 = tpu.memref_squeeze %dma_wait3A_1565 : memref<1x128xf32, #tpu.memory_space<vmem>> -> memref<128xf32, #tpu.memory_space<vmem>>
      %dma_wait3A_1567 = arith.constant 0 : i32
      %dma_wait3A_1568 = tpu.memref_slice %arg8[%dma_wait3A_1563, %dma_wait3A_1567] : memref<16x128xi32, #tpu.memory_space<vmem>> -> memref<1x128xi32, #tpu.memory_space<vmem>>
      %dma_wait3A_1569 = tpu.memref_squeeze %dma_wait3A_1568 : memref<1x128xi32, #tpu.memory_space<vmem>> -> memref<128xi32, #tpu.memory_space<vmem>>
      %dma_wait3A_1570 = arith.constant 0 : i32
      %dma_wait3A_1571 = tpu.memref_slice %arg11[%dma_wait3A_1570] : memref<1310720xf32, #tpu.memory_space<vmem_shared>> -> memref<1310720xf32, #tpu.memory_space<vmem_shared>>
      tpu.wait_indirect_dma semaphore(%arg13 : memref<!tpu.dma_semaphore, #tpu.memory_space<semaphore_mem>>) src(%dma_wait3A_1566 : memref<128xf32, #tpu.memory_space<vmem>>) dst(%dma_wait3A_1571 : memref<1310720xf32, #tpu.memory_space<vmem_shared>>)
      %dma_wait3A_1572 = arith.constant 12 : i32
      %dma_wait3A_1573 = arith.constant 12 : i32
      %dma_wait3A_1574 = arith.constant 0 : i32
      %dma_wait3A_1575 = tpu.memref_slice %arg9[%dma_wait3A_1572, %dma_wait3A_1574] : memref<16x256xf32, #tpu.memory_space<vmem>> -> memref<1x128xf32, #tpu.memory_space<vmem>>
      %dma_wait3A_1576 = tpu.memref_squeeze %dma_wait3A_1575 : memref<1x128xf32, #tpu.memory_space<vmem>> -> memref<128xf32, #tpu.memory_space<vmem>>
      %dma_wait3A_1577 = arith.constant 0 : i32
      %dma_wait3A_1578 = tpu.memref_slice %arg8[%dma_wait3A_1573, %dma_wait3A_1577] : memref<16x128xi32, #tpu.memory_space<vmem>> -> memref<1x128xi32, #tpu.memory_space<vmem>>
      %dma_wait3A_1579 = tpu.memref_squeeze %dma_wait3A_1578 : memref<1x128xi32, #tpu.memory_space<vmem>> -> memref<128xi32, #tpu.memory_space<vmem>>
      %dma_wait3A_1580 = arith.constant 0 : i32
      %dma_wait3A_1581 = tpu.memref_slice %arg11[%dma_wait3A_1580] : memref<1310720xf32, #tpu.memory_space<vmem_shared>> -> memref<1310720xf32, #tpu.memory_space<vmem_shared>>
      tpu.wait_indirect_dma semaphore(%arg13 : memref<!tpu.dma_semaphore, #tpu.memory_space<semaphore_mem>>) src(%dma_wait3A_1576 : memref<128xf32, #tpu.memory_space<vmem>>) dst(%dma_wait3A_1581 : memref<1310720xf32, #tpu.memory_space<vmem_shared>>)
      %dma_wait3A_1582 = arith.constant 13 : i32
      %dma_wait3A_1583 = arith.constant 13 : i32
      %dma_wait3A_1584 = arith.constant 0 : i32
      %dma_wait3A_1585 = tpu.memref_slice %arg9[%dma_wait3A_1582, %dma_wait3A_1584] : memref<16x256xf32, #tpu.memory_space<vmem>> -> memref<1x128xf32, #tpu.memory_space<vmem>>
      %dma_wait3A_1586 = tpu.memref_squeeze %dma_wait3A_1585 : memref<1x128xf32, #tpu.memory_space<vmem>> -> memref<128xf32, #tpu.memory_space<vmem>>
      %dma_wait3A_1587 = arith.constant 0 : i32
      %dma_wait3A_1588 = tpu.memref_slice %arg8[%dma_wait3A_1583, %dma_wait3A_1587] : memref<16x128xi32, #tpu.memory_space<vmem>> -> memref<1x128xi32, #tpu.memory_space<vmem>>
      %dma_wait3A_1589 = tpu.memref_squeeze %dma_wait3A_1588 : memref<1x128xi32, #tpu.memory_space<vmem>> -> memref<128xi32, #tpu.memory_space<vmem>>
      %dma_wait3A_1590 = arith.constant 0 : i32
      %dma_wait3A_1591 = tpu.memref_slice %arg11[%dma_wait3A_1590] : memref<1310720xf32, #tpu.memory_space<vmem_shared>> -> memref<1310720xf32, #tpu.memory_space<vmem_shared>>
      tpu.wait_indirect_dma semaphore(%arg13 : memref<!tpu.dma_semaphore, #tpu.memory_space<semaphore_mem>>) src(%dma_wait3A_1586 : memref<128xf32, #tpu.memory_space<vmem>>) dst(%dma_wait3A_1591 : memref<1310720xf32, #tpu.memory_space<vmem_shared>>)
      %dma_wait3A_1592 = arith.constant 14 : i32
      %dma_wait3A_1593 = arith.constant 14 : i32
      %dma_wait3A_1594 = arith.constant 0 : i32
      %dma_wait3A_1595 = tpu.memref_slice %arg9[%dma_wait3A_1592, %dma_wait3A_1594] : memref<16x256xf32, #tpu.memory_space<vmem>> -> memref<1x128xf32, #tpu.memory_space<vmem>>
      %dma_wait3A_1596 = tpu.memref_squeeze %dma_wait3A_1595 : memref<1x128xf32, #tpu.memory_space<vmem>> -> memref<128xf32, #tpu.memory_space<vmem>>
      %dma_wait3A_1597 = arith.constant 0 : i32
      %dma_wait3A_1598 = tpu.memref_slice %arg8[%dma_wait3A_1593, %dma_wait3A_1597] : memref<16x128xi32, #tpu.memory_space<vmem>> -> memref<1x128xi32, #tpu.memory_space<vmem>>
      %dma_wait3A_1599 = tpu.memref_squeeze %dma_wait3A_1598 : memref<1x128xi32, #tpu.memory_space<vmem>> -> memref<128xi32, #tpu.memory_space<vmem>>
      %dma_wait3A_1600 = arith.constant 0 : i32
      %dma_wait3A_1601 = tpu.memref_slice %arg11[%dma_wait3A_1600] : memref<1310720xf32, #tpu.memory_space<vmem_shared>> -> memref<1310720xf32, #tpu.memory_space<vmem_shared>>
      tpu.wait_indirect_dma semaphore(%arg13 : memref<!tpu.dma_semaphore, #tpu.memory_space<semaphore_mem>>) src(%dma_wait3A_1596 : memref<128xf32, #tpu.memory_space<vmem>>) dst(%dma_wait3A_1601 : memref<1310720xf32, #tpu.memory_space<vmem_shared>>)
      %dma_wait3A_1602 = arith.constant 15 : i32
      %dma_wait3A_1603 = arith.constant 15 : i32
      %dma_wait3A_1604 = arith.constant 0 : i32
      %dma_wait3A_1605 = tpu.memref_slice %arg9[%dma_wait3A_1602, %dma_wait3A_1604] : memref<16x256xf32, #tpu.memory_space<vmem>> -> memref<1x128xf32, #tpu.memory_space<vmem>>
      %dma_wait3A_1606 = tpu.memref_squeeze %dma_wait3A_1605 : memref<1x128xf32, #tpu.memory_space<vmem>> -> memref<128xf32, #tpu.memory_space<vmem>>
      %dma_wait3A_1607 = arith.constant 0 : i32
      %dma_wait3A_1608 = tpu.memref_slice %arg8[%dma_wait3A_1603, %dma_wait3A_1607] : memref<16x128xi32, #tpu.memory_space<vmem>> -> memref<1x128xi32, #tpu.memory_space<vmem>>
      %dma_wait3A_1609 = tpu.memref_squeeze %dma_wait3A_1608 : memref<1x128xi32, #tpu.memory_space<vmem>> -> memref<128xi32, #tpu.memory_space<vmem>>
      %dma_wait3A_1610 = arith.constant 0 : i32
      %dma_wait3A_1611 = tpu.memref_slice %arg11[%dma_wait3A_1610] : memref<1310720xf32, #tpu.memory_space<vmem_shared>> -> memref<1310720xf32, #tpu.memory_space<vmem_shared>>
      tpu.wait_indirect_dma semaphore(%arg13 : memref<!tpu.dma_semaphore, #tpu.memory_space<semaphore_mem>>) src(%dma_wait3A_1606 : memref<128xf32, #tpu.memory_space<vmem>>) dst(%dma_wait3A_1611 : memref<1310720xf32, #tpu.memory_space<vmem_shared>>)
      %scan3A_1612 = arith.constant 0 : i32
      scf.yield %scan3A_1612 : i32
    }
    %scan3A_106 = arith.constant 320 : i32
    %barrier3A_107 = arith.constant 0 : index
    tpu.barrier barrier_id(%barrier3A_107)
    %mul3A_108 = arith.constant 81920 : i32
    %mul3A_109 = arith.muli %arg1, %mul3A_108 : i32
    %mul3A_110 = arith.constant 81920 : i32
    %mul3A_111 = arith.muli %arg1, %mul3A_110 : i32
    %run_scoped3A = arith.constant 0 : i32
    "tpu.region"() ({
      %run_scoped3A_191 = tpu.sem_alloc : memref<!tpu.dma_semaphore, #tpu.memory_space<semaphore_mem>>
      %dma_start3A = tpu.memref_slice %arg5[%arg0, %run_scoped3A, %mul3A_111] : memref<2x2x1310720xf32, #tpu.memory_space<hbm>> -> memref<1x1x81920xf32, #tpu.memory_space<hbm>>
      %dma_start3A_192 = tpu.memref_squeeze %dma_start3A : memref<1x1x81920xf32, #tpu.memory_space<hbm>> -> memref<81920xf32, #tpu.memory_space<hbm>>
      %dma_start3A_193 = tpu.memref_slice %arg11[%mul3A_109] : memref<1310720xf32, #tpu.memory_space<vmem_shared>> -> memref<81920xf32, #tpu.memory_space<vmem_shared>>
      tpu.enqueue_dma source(%dma_start3A_193 : memref<81920xf32, #tpu.memory_space<vmem_shared>>) target(%dma_start3A_192 : memref<81920xf32, #tpu.memory_space<hbm>>) target_semaphore(%run_scoped3A_191 : memref<!tpu.dma_semaphore, #tpu.memory_space<semaphore_mem>>)
      %dma_wait3A = tpu.memref_slice %arg5[%arg0, %run_scoped3A, %mul3A_111] : memref<2x2x1310720xf32, #tpu.memory_space<hbm>> -> memref<1x1x81920xf32, #tpu.memory_space<hbm>>
      %dma_wait3A_194 = tpu.memref_squeeze %dma_wait3A : memref<1x1x81920xf32, #tpu.memory_space<hbm>> -> memref<81920xf32, #tpu.memory_space<hbm>>
      %dma_wait3A_195 = tpu.memref_slice %arg11[%mul3A_109] : memref<1310720xf32, #tpu.memory_space<vmem_shared>> -> memref<81920xf32, #tpu.memory_space<vmem_shared>>
      tpu.wait_dma2 semaphore(%run_scoped3A_191 : memref<!tpu.dma_semaphore, #tpu.memory_space<semaphore_mem>>) src(%dma_wait3A_195 : memref<81920xf32, #tpu.memory_space<vmem_shared>>) dst(%dma_wait3A_194 : memref<81920xf32, #tpu.memory_space<hbm>>)
      tpu.yield
    }) : () -> ()
    %barrier3A_112 = arith.constant 0 : index
    tpu.barrier barrier_id(%barrier3A_112)
    %mul3A_113 = arith.constant 81920 : i32
    %mul3A_114 = arith.muli %arg1, %mul3A_113 : i32
    %add3A_115 = arith.constant 0 : i32
    %add3A_116 = arith.addi %mul3A_114, %add3A_115 : i32
    "tpu.region"() ({
      %run_scoped3A_191 = tpu.sem_alloc : memref<!tpu.dma_semaphore, #tpu.memory_space<semaphore_mem>>
      %dma_start3A = tpu.memref_slice %arg11[%add3A_116] : memref<1310720xf32, #tpu.memory_space<vmem_shared>> -> memref<5120xf32, #tpu.memory_space<vmem_shared>>
      %dma_start3A_192 = tpu.memref_slice %arg11[%add3A_116] : memref<1310720xf32, #tpu.memory_space<vmem_shared>> -> memref<5120xf32, #tpu.memory_space<vmem_shared>>
      tpu.enqueue_dma source(%arg10 : memref<5120xf32, #tpu.memory_space<vmem>>) target(%dma_start3A_192 : memref<5120xf32, #tpu.memory_space<vmem_shared>>) target_semaphore(%run_scoped3A_191 : memref<!tpu.dma_semaphore, #tpu.memory_space<semaphore_mem>>)
      %dma_wait3A = tpu.memref_slice %arg11[%add3A_116] : memref<1310720xf32, #tpu.memory_space<vmem_shared>> -> memref<5120xf32, #tpu.memory_space<vmem_shared>>
      %dma_wait3A_193 = tpu.memref_slice %arg11[%add3A_116] : memref<1310720xf32, #tpu.memory_space<vmem_shared>> -> memref<5120xf32, #tpu.memory_space<vmem_shared>>
      tpu.wait_dma2 semaphore(%run_scoped3A_191 : memref<!tpu.dma_semaphore, #tpu.memory_space<semaphore_mem>>) src(%arg10 : memref<5120xf32, #tpu.memory_space<vmem>>) dst(%dma_wait3A_193 : memref<5120xf32, #tpu.memory_space<vmem_shared>>)
      tpu.yield
    }) : () -> ()
    %mul3A_117 = arith.constant 81920 : i32
    %mul3A_118 = arith.muli %arg1, %mul3A_117 : i32
    %add3A_119 = arith.constant 5120 : i32
    %add3A_120 = arith.addi %mul3A_118, %add3A_119 : i32
    "tpu.region"() ({
      %run_scoped3A_191 = tpu.sem_alloc : memref<!tpu.dma_semaphore, #tpu.memory_space<semaphore_mem>>
      %dma_start3A = tpu.memref_slice %arg11[%add3A_120] : memref<1310720xf32, #tpu.memory_space<vmem_shared>> -> memref<5120xf32, #tpu.memory_space<vmem_shared>>
      %dma_start3A_192 = tpu.memref_slice %arg11[%add3A_120] : memref<1310720xf32, #tpu.memory_space<vmem_shared>> -> memref<5120xf32, #tpu.memory_space<vmem_shared>>
      tpu.enqueue_dma source(%arg10 : memref<5120xf32, #tpu.memory_space<vmem>>) target(%dma_start3A_192 : memref<5120xf32, #tpu.memory_space<vmem_shared>>) target_semaphore(%run_scoped3A_191 : memref<!tpu.dma_semaphore, #tpu.memory_space<semaphore_mem>>)
      %dma_wait3A = tpu.memref_slice %arg11[%add3A_120] : memref<1310720xf32, #tpu.memory_space<vmem_shared>> -> memref<5120xf32, #tpu.memory_space<vmem_shared>>
      %dma_wait3A_193 = tpu.memref_slice %arg11[%add3A_120] : memref<1310720xf32, #tpu.memory_space<vmem_shared>> -> memref<5120xf32, #tpu.memory_space<vmem_shared>>
      tpu.wait_dma2 semaphore(%run_scoped3A_191 : memref<!tpu.dma_semaphore, #tpu.memory_space<semaphore_mem>>) src(%arg10 : memref<5120xf32, #tpu.memory_space<vmem>>) dst(%dma_wait3A_193 : memref<5120xf32, #tpu.memory_space<vmem_shared>>)
      tpu.yield
    }) : () -> ()
    %mul3A_121 = arith.constant 81920 : i32
    %mul3A_122 = arith.muli %arg1, %mul3A_121 : i32
    %add3A_123 = arith.constant 10240 : i32
    %add3A_124 = arith.addi %mul3A_122, %add3A_123 : i32
    "tpu.region"() ({
      %run_scoped3A_191 = tpu.sem_alloc : memref<!tpu.dma_semaphore, #tpu.memory_space<semaphore_mem>>
      %dma_start3A = tpu.memref_slice %arg11[%add3A_124] : memref<1310720xf32, #tpu.memory_space<vmem_shared>> -> memref<5120xf32, #tpu.memory_space<vmem_shared>>
      %dma_start3A_192 = tpu.memref_slice %arg11[%add3A_124] : memref<1310720xf32, #tpu.memory_space<vmem_shared>> -> memref<5120xf32, #tpu.memory_space<vmem_shared>>
      tpu.enqueue_dma source(%arg10 : memref<5120xf32, #tpu.memory_space<vmem>>) target(%dma_start3A_192 : memref<5120xf32, #tpu.memory_space<vmem_shared>>) target_semaphore(%run_scoped3A_191 : memref<!tpu.dma_semaphore, #tpu.memory_space<semaphore_mem>>)
      %dma_wait3A = tpu.memref_slice %arg11[%add3A_124] : memref<1310720xf32, #tpu.memory_space<vmem_shared>> -> memref<5120xf32, #tpu.memory_space<vmem_shared>>
      %dma_wait3A_193 = tpu.memref_slice %arg11[%add3A_124] : memref<1310720xf32, #tpu.memory_space<vmem_shared>> -> memref<5120xf32, #tpu.memory_space<vmem_shared>>
      tpu.wait_dma2 semaphore(%run_scoped3A_191 : memref<!tpu.dma_semaphore, #tpu.memory_space<semaphore_mem>>) src(%arg10 : memref<5120xf32, #tpu.memory_space<vmem>>) dst(%dma_wait3A_193 : memref<5120xf32, #tpu.memory_space<vmem_shared>>)
      tpu.yield
    }) : () -> ()
    %mul3A_125 = arith.constant 81920 : i32
    %mul3A_126 = arith.muli %arg1, %mul3A_125 : i32
    %add3A_127 = arith.constant 15360 : i32
    %add3A_128 = arith.addi %mul3A_126, %add3A_127 : i32
    "tpu.region"() ({
      %run_scoped3A_191 = tpu.sem_alloc : memref<!tpu.dma_semaphore, #tpu.memory_space<semaphore_mem>>
      %dma_start3A = tpu.memref_slice %arg11[%add3A_128] : memref<1310720xf32, #tpu.memory_space<vmem_shared>> -> memref<5120xf32, #tpu.memory_space<vmem_shared>>
      %dma_start3A_192 = tpu.memref_slice %arg11[%add3A_128] : memref<1310720xf32, #tpu.memory_space<vmem_shared>> -> memref<5120xf32, #tpu.memory_space<vmem_shared>>
      tpu.enqueue_dma source(%arg10 : memref<5120xf32, #tpu.memory_space<vmem>>) target(%dma_start3A_192 : memref<5120xf32, #tpu.memory_space<vmem_shared>>) target_semaphore(%run_scoped3A_191 : memref<!tpu.dma_semaphore, #tpu.memory_space<semaphore_mem>>)
      %dma_wait3A = tpu.memref_slice %arg11[%add3A_128] : memref<1310720xf32, #tpu.memory_space<vmem_shared>> -> memref<5120xf32, #tpu.memory_space<vmem_shared>>
      %dma_wait3A_193 = tpu.memref_slice %arg11[%add3A_128] : memref<1310720xf32, #tpu.memory_space<vmem_shared>> -> memref<5120xf32, #tpu.memory_space<vmem_shared>>
      tpu.wait_dma2 semaphore(%run_scoped3A_191 : memref<!tpu.dma_semaphore, #tpu.memory_space<semaphore_mem>>) src(%arg10 : memref<5120xf32, #tpu.memory_space<vmem>>) dst(%dma_wait3A_193 : memref<5120xf32, #tpu.memory_space<vmem_shared>>)
      tpu.yield
    }) : () -> ()
    %mul3A_129 = arith.constant 81920 : i32
    %mul3A_130 = arith.muli %arg1, %mul3A_129 : i32
    %add3A_131 = arith.constant 20480 : i32
    %add3A_132 = arith.addi %mul3A_130, %add3A_131 : i32
    "tpu.region"() ({
      %run_scoped3A_191 = tpu.sem_alloc : memref<!tpu.dma_semaphore, #tpu.memory_space<semaphore_mem>>
      %dma_start3A = tpu.memref_slice %arg11[%add3A_132] : memref<1310720xf32, #tpu.memory_space<vmem_shared>> -> memref<5120xf32, #tpu.memory_space<vmem_shared>>
      %dma_start3A_192 = tpu.memref_slice %arg11[%add3A_132] : memref<1310720xf32, #tpu.memory_space<vmem_shared>> -> memref<5120xf32, #tpu.memory_space<vmem_shared>>
      tpu.enqueue_dma source(%arg10 : memref<5120xf32, #tpu.memory_space<vmem>>) target(%dma_start3A_192 : memref<5120xf32, #tpu.memory_space<vmem_shared>>) target_semaphore(%run_scoped3A_191 : memref<!tpu.dma_semaphore, #tpu.memory_space<semaphore_mem>>)
      %dma_wait3A = tpu.memref_slice %arg11[%add3A_132] : memref<1310720xf32, #tpu.memory_space<vmem_shared>> -> memref<5120xf32, #tpu.memory_space<vmem_shared>>
      %dma_wait3A_193 = tpu.memref_slice %arg11[%add3A_132] : memref<1310720xf32, #tpu.memory_space<vmem_shared>> -> memref<5120xf32, #tpu.memory_space<vmem_shared>>
      tpu.wait_dma2 semaphore(%run_scoped3A_191 : memref<!tpu.dma_semaphore, #tpu.memory_space<semaphore_mem>>) src(%arg10 : memref<5120xf32, #tpu.memory_space<vmem>>) dst(%dma_wait3A_193 : memref<5120xf32, #tpu.memory_space<vmem_shared>>)
      tpu.yield
    }) : () -> ()
    %mul3A_133 = arith.constant 81920 : i32
    %mul3A_134 = arith.muli %arg1, %mul3A_133 : i32
    %add3A_135 = arith.constant 25600 : i32
    %add3A_136 = arith.addi %mul3A_134, %add3A_135 : i32
    "tpu.region"() ({
      %run_scoped3A_191 = tpu.sem_alloc : memref<!tpu.dma_semaphore, #tpu.memory_space<semaphore_mem>>
      %dma_start3A = tpu.memref_slice %arg11[%add3A_136] : memref<1310720xf32, #tpu.memory_space<vmem_shared>> -> memref<5120xf32, #tpu.memory_space<vmem_shared>>
      %dma_start3A_192 = tpu.memref_slice %arg11[%add3A_136] : memref<1310720xf32, #tpu.memory_space<vmem_shared>> -> memref<5120xf32, #tpu.memory_space<vmem_shared>>
      tpu.enqueue_dma source(%arg10 : memref<5120xf32, #tpu.memory_space<vmem>>) target(%dma_start3A_192 : memref<5120xf32, #tpu.memory_space<vmem_shared>>) target_semaphore(%run_scoped3A_191 : memref<!tpu.dma_semaphore, #tpu.memory_space<semaphore_mem>>)
      %dma_wait3A = tpu.memref_slice %arg11[%add3A_136] : memref<1310720xf32, #tpu.memory_space<vmem_shared>> -> memref<5120xf32, #tpu.memory_space<vmem_shared>>
      %dma_wait3A_193 = tpu.memref_slice %arg11[%add3A_136] : memref<1310720xf32, #tpu.memory_space<vmem_shared>> -> memref<5120xf32, #tpu.memory_space<vmem_shared>>
      tpu.wait_dma2 semaphore(%run_scoped3A_191 : memref<!tpu.dma_semaphore, #tpu.memory_space<semaphore_mem>>) src(%arg10 : memref<5120xf32, #tpu.memory_space<vmem>>) dst(%dma_wait3A_193 : memref<5120xf32, #tpu.memory_space<vmem_shared>>)
      tpu.yield
    }) : () -> ()
    %mul3A_137 = arith.constant 81920 : i32
    %mul3A_138 = arith.muli %arg1, %mul3A_137 : i32
    %add3A_139 = arith.constant 30720 : i32
    %add3A_140 = arith.addi %mul3A_138, %add3A_139 : i32
    "tpu.region"() ({
      %run_scoped3A_191 = tpu.sem_alloc : memref<!tpu.dma_semaphore, #tpu.memory_space<semaphore_mem>>
      %dma_start3A = tpu.memref_slice %arg11[%add3A_140] : memref<1310720xf32, #tpu.memory_space<vmem_shared>> -> memref<5120xf32, #tpu.memory_space<vmem_shared>>
      %dma_start3A_192 = tpu.memref_slice %arg11[%add3A_140] : memref<1310720xf32, #tpu.memory_space<vmem_shared>> -> memref<5120xf32, #tpu.memory_space<vmem_shared>>
      tpu.enqueue_dma source(%arg10 : memref<5120xf32, #tpu.memory_space<vmem>>) target(%dma_start3A_192 : memref<5120xf32, #tpu.memory_space<vmem_shared>>) target_semaphore(%run_scoped3A_191 : memref<!tpu.dma_semaphore, #tpu.memory_space<semaphore_mem>>)
      %dma_wait3A = tpu.memref_slice %arg11[%add3A_140] : memref<1310720xf32, #tpu.memory_space<vmem_shared>> -> memref<5120xf32, #tpu.memory_space<vmem_shared>>
      %dma_wait3A_193 = tpu.memref_slice %arg11[%add3A_140] : memref<1310720xf32, #tpu.memory_space<vmem_shared>> -> memref<5120xf32, #tpu.memory_space<vmem_shared>>
      tpu.wait_dma2 semaphore(%run_scoped3A_191 : memref<!tpu.dma_semaphore, #tpu.memory_space<semaphore_mem>>) src(%arg10 : memref<5120xf32, #tpu.memory_space<vmem>>) dst(%dma_wait3A_193 : memref<5120xf32, #tpu.memory_space<vmem_shared>>)
      tpu.yield
    }) : () -> ()
    %mul3A_141 = arith.constant 81920 : i32
    %mul3A_142 = arith.muli %arg1, %mul3A_141 : i32
    %add3A_143 = arith.constant 35840 : i32
    %add3A_144 = arith.addi %mul3A_142, %add3A_143 : i32
    "tpu.region"() ({
      %run_scoped3A_191 = tpu.sem_alloc : memref<!tpu.dma_semaphore, #tpu.memory_space<semaphore_mem>>
      %dma_start3A = tpu.memref_slice %arg11[%add3A_144] : memref<1310720xf32, #tpu.memory_space<vmem_shared>> -> memref<5120xf32, #tpu.memory_space<vmem_shared>>
      %dma_start3A_192 = tpu.memref_slice %arg11[%add3A_144] : memref<1310720xf32, #tpu.memory_space<vmem_shared>> -> memref<5120xf32, #tpu.memory_space<vmem_shared>>
      tpu.enqueue_dma source(%arg10 : memref<5120xf32, #tpu.memory_space<vmem>>) target(%dma_start3A_192 : memref<5120xf32, #tpu.memory_space<vmem_shared>>) target_semaphore(%run_scoped3A_191 : memref<!tpu.dma_semaphore, #tpu.memory_space<semaphore_mem>>)
      %dma_wait3A = tpu.memref_slice %arg11[%add3A_144] : memref<1310720xf32, #tpu.memory_space<vmem_shared>> -> memref<5120xf32, #tpu.memory_space<vmem_shared>>
      %dma_wait3A_193 = tpu.memref_slice %arg11[%add3A_144] : memref<1310720xf32, #tpu.memory_space<vmem_shared>> -> memref<5120xf32, #tpu.memory_space<vmem_shared>>
      tpu.wait_dma2 semaphore(%run_scoped3A_191 : memref<!tpu.dma_semaphore, #tpu.memory_space<semaphore_mem>>) src(%arg10 : memref<5120xf32, #tpu.memory_space<vmem>>) dst(%dma_wait3A_193 : memref<5120xf32, #tpu.memory_space<vmem_shared>>)
      tpu.yield
    }) : () -> ()
    %mul3A_145 = arith.constant 81920 : i32
    %mul3A_146 = arith.muli %arg1, %mul3A_145 : i32
    %add3A_147 = arith.constant 40960 : i32
    %add3A_148 = arith.addi %mul3A_146, %add3A_147 : i32
    "tpu.region"() ({
      %run_scoped3A_191 = tpu.sem_alloc : memref<!tpu.dma_semaphore, #tpu.memory_space<semaphore_mem>>
      %dma_start3A = tpu.memref_slice %arg11[%add3A_148] : memref<1310720xf32, #tpu.memory_space<vmem_shared>> -> memref<5120xf32, #tpu.memory_space<vmem_shared>>
      %dma_start3A_192 = tpu.memref_slice %arg11[%add3A_148] : memref<1310720xf32, #tpu.memory_space<vmem_shared>> -> memref<5120xf32, #tpu.memory_space<vmem_shared>>
      tpu.enqueue_dma source(%arg10 : memref<5120xf32, #tpu.memory_space<vmem>>) target(%dma_start3A_192 : memref<5120xf32, #tpu.memory_space<vmem_shared>>) target_semaphore(%run_scoped3A_191 : memref<!tpu.dma_semaphore, #tpu.memory_space<semaphore_mem>>)
      %dma_wait3A = tpu.memref_slice %arg11[%add3A_148] : memref<1310720xf32, #tpu.memory_space<vmem_shared>> -> memref<5120xf32, #tpu.memory_space<vmem_shared>>
      %dma_wait3A_193 = tpu.memref_slice %arg11[%add3A_148] : memref<1310720xf32, #tpu.memory_space<vmem_shared>> -> memref<5120xf32, #tpu.memory_space<vmem_shared>>
      tpu.wait_dma2 semaphore(%run_scoped3A_191 : memref<!tpu.dma_semaphore, #tpu.memory_space<semaphore_mem>>) src(%arg10 : memref<5120xf32, #tpu.memory_space<vmem>>) dst(%dma_wait3A_193 : memref<5120xf32, #tpu.memory_space<vmem_shared>>)
      tpu.yield
    }) : () -> ()
    %mul3A_149 = arith.constant 81920 : i32
    %mul3A_150 = arith.muli %arg1, %mul3A_149 : i32
    %add3A_151 = arith.constant 46080 : i32
    %add3A_152 = arith.addi %mul3A_150, %add3A_151 : i32
    "tpu.region"() ({
      %run_scoped3A_191 = tpu.sem_alloc : memref<!tpu.dma_semaphore, #tpu.memory_space<semaphore_mem>>
      %dma_start3A = tpu.memref_slice %arg11[%add3A_152] : memref<1310720xf32, #tpu.memory_space<vmem_shared>> -> memref<5120xf32, #tpu.memory_space<vmem_shared>>
      %dma_start3A_192 = tpu.memref_slice %arg11[%add3A_152] : memref<1310720xf32, #tpu.memory_space<vmem_shared>> -> memref<5120xf32, #tpu.memory_space<vmem_shared>>
      tpu.enqueue_dma source(%arg10 : memref<5120xf32, #tpu.memory_space<vmem>>) target(%dma_start3A_192 : memref<5120xf32, #tpu.memory_space<vmem_shared>>) target_semaphore(%run_scoped3A_191 : memref<!tpu.dma_semaphore, #tpu.memory_space<semaphore_mem>>)
      %dma_wait3A = tpu.memref_slice %arg11[%add3A_152] : memref<1310720xf32, #tpu.memory_space<vmem_shared>> -> memref<5120xf32, #tpu.memory_space<vmem_shared>>
      %dma_wait3A_193 = tpu.memref_slice %arg11[%add3A_152] : memref<1310720xf32, #tpu.memory_space<vmem_shared>> -> memref<5120xf32, #tpu.memory_space<vmem_shared>>
      tpu.wait_dma2 semaphore(%run_scoped3A_191 : memref<!tpu.dma_semaphore, #tpu.memory_space<semaphore_mem>>) src(%arg10 : memref<5120xf32, #tpu.memory_space<vmem>>) dst(%dma_wait3A_193 : memref<5120xf32, #tpu.memory_space<vmem_shared>>)
      tpu.yield
    }) : () -> ()
    %mul3A_153 = arith.constant 81920 : i32
    %mul3A_154 = arith.muli %arg1, %mul3A_153 : i32
    %add3A_155 = arith.constant 51200 : i32
    %add3A_156 = arith.addi %mul3A_154, %add3A_155 : i32
    "tpu.region"() ({
      %run_scoped3A_191 = tpu.sem_alloc : memref<!tpu.dma_semaphore, #tpu.memory_space<semaphore_mem>>
      %dma_start3A = tpu.memref_slice %arg11[%add3A_156] : memref<1310720xf32, #tpu.memory_space<vmem_shared>> -> memref<5120xf32, #tpu.memory_space<vmem_shared>>
      %dma_start3A_192 = tpu.memref_slice %arg11[%add3A_156] : memref<1310720xf32, #tpu.memory_space<vmem_shared>> -> memref<5120xf32, #tpu.memory_space<vmem_shared>>
      tpu.enqueue_dma source(%arg10 : memref<5120xf32, #tpu.memory_space<vmem>>) target(%dma_start3A_192 : memref<5120xf32, #tpu.memory_space<vmem_shared>>) target_semaphore(%run_scoped3A_191 : memref<!tpu.dma_semaphore, #tpu.memory_space<semaphore_mem>>)
      %dma_wait3A = tpu.memref_slice %arg11[%add3A_156] : memref<1310720xf32, #tpu.memory_space<vmem_shared>> -> memref<5120xf32, #tpu.memory_space<vmem_shared>>
      %dma_wait3A_193 = tpu.memref_slice %arg11[%add3A_156] : memref<1310720xf32, #tpu.memory_space<vmem_shared>> -> memref<5120xf32, #tpu.memory_space<vmem_shared>>
      tpu.wait_dma2 semaphore(%run_scoped3A_191 : memref<!tpu.dma_semaphore, #tpu.memory_space<semaphore_mem>>) src(%arg10 : memref<5120xf32, #tpu.memory_space<vmem>>) dst(%dma_wait3A_193 : memref<5120xf32, #tpu.memory_space<vmem_shared>>)
      tpu.yield
    }) : () -> ()
    %mul3A_157 = arith.constant 81920 : i32
    %mul3A_158 = arith.muli %arg1, %mul3A_157 : i32
    %add3A_159 = arith.constant 56320 : i32
    %add3A_160 = arith.addi %mul3A_158, %add3A_159 : i32
    "tpu.region"() ({
      %run_scoped3A_191 = tpu.sem_alloc : memref<!tpu.dma_semaphore, #tpu.memory_space<semaphore_mem>>
      %dma_start3A = tpu.memref_slice %arg11[%add3A_160] : memref<1310720xf32, #tpu.memory_space<vmem_shared>> -> memref<5120xf32, #tpu.memory_space<vmem_shared>>
      %dma_start3A_192 = tpu.memref_slice %arg11[%add3A_160] : memref<1310720xf32, #tpu.memory_space<vmem_shared>> -> memref<5120xf32, #tpu.memory_space<vmem_shared>>
      tpu.enqueue_dma source(%arg10 : memref<5120xf32, #tpu.memory_space<vmem>>) target(%dma_start3A_192 : memref<5120xf32, #tpu.memory_space<vmem_shared>>) target_semaphore(%run_scoped3A_191 : memref<!tpu.dma_semaphore, #tpu.memory_space<semaphore_mem>>)
      %dma_wait3A = tpu.memref_slice %arg11[%add3A_160] : memref<1310720xf32, #tpu.memory_space<vmem_shared>> -> memref<5120xf32, #tpu.memory_space<vmem_shared>>
      %dma_wait3A_193 = tpu.memref_slice %arg11[%add3A_160] : memref<1310720xf32, #tpu.memory_space<vmem_shared>> -> memref<5120xf32, #tpu.memory_space<vmem_shared>>
      tpu.wait_dma2 semaphore(%run_scoped3A_191 : memref<!tpu.dma_semaphore, #tpu.memory_space<semaphore_mem>>) src(%arg10 : memref<5120xf32, #tpu.memory_space<vmem>>) dst(%dma_wait3A_193 : memref<5120xf32, #tpu.memory_space<vmem_shared>>)
      tpu.yield
    }) : () -> ()
    %mul3A_161 = arith.constant 81920 : i32
    %mul3A_162 = arith.muli %arg1, %mul3A_161 : i32
    %add3A_163 = arith.constant 61440 : i32
    %add3A_164 = arith.addi %mul3A_162, %add3A_163 : i32
    "tpu.region"() ({
      %run_scoped3A_191 = tpu.sem_alloc : memref<!tpu.dma_semaphore, #tpu.memory_space<semaphore_mem>>
      %dma_start3A = tpu.memref_slice %arg11[%add3A_164] : memref<1310720xf32, #tpu.memory_space<vmem_shared>> -> memref<5120xf32, #tpu.memory_space<vmem_shared>>
      %dma_start3A_192 = tpu.memref_slice %arg11[%add3A_164] : memref<1310720xf32, #tpu.memory_space<vmem_shared>> -> memref<5120xf32, #tpu.memory_space<vmem_shared>>
      tpu.enqueue_dma source(%arg10 : memref<5120xf32, #tpu.memory_space<vmem>>) target(%dma_start3A_192 : memref<5120xf32, #tpu.memory_space<vmem_shared>>) target_semaphore(%run_scoped3A_191 : memref<!tpu.dma_semaphore, #tpu.memory_space<semaphore_mem>>)
      %dma_wait3A = tpu.memref_slice %arg11[%add3A_164] : memref<1310720xf32, #tpu.memory_space<vmem_shared>> -> memref<5120xf32, #tpu.memory_space<vmem_shared>>
      %dma_wait3A_193 = tpu.memref_slice %arg11[%add3A_164] : memref<1310720xf32, #tpu.memory_space<vmem_shared>> -> memref<5120xf32, #tpu.memory_space<vmem_shared>>
      tpu.wait_dma2 semaphore(%run_scoped3A_191 : memref<!tpu.dma_semaphore, #tpu.memory_space<semaphore_mem>>) src(%arg10 : memref<5120xf32, #tpu.memory_space<vmem>>) dst(%dma_wait3A_193 : memref<5120xf32, #tpu.memory_space<vmem_shared>>)
      tpu.yield
    }) : () -> ()
    %mul3A_165 = arith.constant 81920 : i32
    %mul3A_166 = arith.muli %arg1, %mul3A_165 : i32
    %add3A_167 = arith.constant 66560 : i32
    %add3A_168 = arith.addi %mul3A_166, %add3A_167 : i32
    "tpu.region"() ({
      %run_scoped3A_191 = tpu.sem_alloc : memref<!tpu.dma_semaphore, #tpu.memory_space<semaphore_mem>>
      %dma_start3A = tpu.memref_slice %arg11[%add3A_168] : memref<1310720xf32, #tpu.memory_space<vmem_shared>> -> memref<5120xf32, #tpu.memory_space<vmem_shared>>
      %dma_start3A_192 = tpu.memref_slice %arg11[%add3A_168] : memref<1310720xf32, #tpu.memory_space<vmem_shared>> -> memref<5120xf32, #tpu.memory_space<vmem_shared>>
      tpu.enqueue_dma source(%arg10 : memref<5120xf32, #tpu.memory_space<vmem>>) target(%dma_start3A_192 : memref<5120xf32, #tpu.memory_space<vmem_shared>>) target_semaphore(%run_scoped3A_191 : memref<!tpu.dma_semaphore, #tpu.memory_space<semaphore_mem>>)
      %dma_wait3A = tpu.memref_slice %arg11[%add3A_168] : memref<1310720xf32, #tpu.memory_space<vmem_shared>> -> memref<5120xf32, #tpu.memory_space<vmem_shared>>
      %dma_wait3A_193 = tpu.memref_slice %arg11[%add3A_168] : memref<1310720xf32, #tpu.memory_space<vmem_shared>> -> memref<5120xf32, #tpu.memory_space<vmem_shared>>
      tpu.wait_dma2 semaphore(%run_scoped3A_191 : memref<!tpu.dma_semaphore, #tpu.memory_space<semaphore_mem>>) src(%arg10 : memref<5120xf32, #tpu.memory_space<vmem>>) dst(%dma_wait3A_193 : memref<5120xf32, #tpu.memory_space<vmem_shared>>)
      tpu.yield
    }) : () -> ()
    %mul3A_169 = arith.constant 81920 : i32
    %mul3A_170 = arith.muli %arg1, %mul3A_169 : i32
    %add3A_171 = arith.constant 71680 : i32
    %add3A_172 = arith.addi %mul3A_170, %add3A_171 : i32
    "tpu.region"() ({
      %run_scoped3A_191 = tpu.sem_alloc : memref<!tpu.dma_semaphore, #tpu.memory_space<semaphore_mem>>
      %dma_start3A = tpu.memref_slice %arg11[%add3A_172] : memref<1310720xf32, #tpu.memory_space<vmem_shared>> -> memref<5120xf32, #tpu.memory_space<vmem_shared>>
      %dma_start3A_192 = tpu.memref_slice %arg11[%add3A_172] : memref<1310720xf32, #tpu.memory_space<vmem_shared>> -> memref<5120xf32, #tpu.memory_space<vmem_shared>>
      tpu.enqueue_dma source(%arg10 : memref<5120xf32, #tpu.memory_space<vmem>>) target(%dma_start3A_192 : memref<5120xf32, #tpu.memory_space<vmem_shared>>) target_semaphore(%run_scoped3A_191 : memref<!tpu.dma_semaphore, #tpu.memory_space<semaphore_mem>>)
      %dma_wait3A = tpu.memref_slice %arg11[%add3A_172] : memref<1310720xf32, #tpu.memory_space<vmem_shared>> -> memref<5120xf32, #tpu.memory_space<vmem_shared>>
      %dma_wait3A_193 = tpu.memref_slice %arg11[%add3A_172] : memref<1310720xf32, #tpu.memory_space<vmem_shared>> -> memref<5120xf32, #tpu.memory_space<vmem_shared>>
      tpu.wait_dma2 semaphore(%run_scoped3A_191 : memref<!tpu.dma_semaphore, #tpu.memory_space<semaphore_mem>>) src(%arg10 : memref<5120xf32, #tpu.memory_space<vmem>>) dst(%dma_wait3A_193 : memref<5120xf32, #tpu.memory_space<vmem_shared>>)
      tpu.yield
    }) : () -> ()
    %mul3A_173 = arith.constant 81920 : i32
    %mul3A_174 = arith.muli %arg1, %mul3A_173 : i32
    %add3A_175 = arith.constant 76800 : i32
    %add3A_176 = arith.addi %mul3A_174, %add3A_175 : i32
    "tpu.region"() ({
      %run_scoped3A_191 = tpu.sem_alloc : memref<!tpu.dma_semaphore, #tpu.memory_space<semaphore_mem>>
      %dma_start3A = tpu.memref_slice %arg11[%add3A_176] : memref<1310720xf32, #tpu.memory_space<vmem_shared>> -> memref<5120xf32, #tpu.memory_space<vmem_shared>>
      %dma_start3A_192 = tpu.memref_slice %arg11[%add3A_176] : memref<1310720xf32, #tpu.memory_space<vmem_shared>> -> memref<5120xf32, #tpu.memory_space<vmem_shared>>
      tpu.enqueue_dma source(%arg10 : memref<5120xf32, #tpu.memory_space<vmem>>) target(%dma_start3A_192 : memref<5120xf32, #tpu.memory_space<vmem_shared>>) target_semaphore(%run_scoped3A_191 : memref<!tpu.dma_semaphore, #tpu.memory_space<semaphore_mem>>)
      %dma_wait3A = tpu.memref_slice %arg11[%add3A_176] : memref<1310720xf32, #tpu.memory_space<vmem_shared>> -> memref<5120xf32, #tpu.memory_space<vmem_shared>>
      %dma_wait3A_193 = tpu.memref_slice %arg11[%add3A_176] : memref<1310720xf32, #tpu.memory_space<vmem_shared>> -> memref<5120xf32, #tpu.memory_space<vmem_shared>>
      tpu.wait_dma2 semaphore(%run_scoped3A_191 : memref<!tpu.dma_semaphore, #tpu.memory_space<semaphore_mem>>) src(%arg10 : memref<5120xf32, #tpu.memory_space<vmem>>) dst(%dma_wait3A_193 : memref<5120xf32, #tpu.memory_space<vmem_shared>>)
      tpu.yield
    }) : () -> ()
    %barrier3A_177 = arith.constant 0 : index
    tpu.barrier barrier_id(%barrier3A_177)
    %scan3A_178 = arith.constant 0 : i32
    %scan3A_179 = arith.constant 0 : i32
    %scan3A_180 = arith.constant 320 : i32
    %scan3A_181 = arith.addi %scan3A_179, %scan3A_180 : i32
    %scan3A_182 = arith.constant 1 : i32
    %scan3A_183 = scf.for %scan3A_191 = %scan3A_179 to %scan3A_181 step %scan3A_182 iter_args(%scan3A_192 = %scan3A_178) -> (i32)  : i32 {
      %mul3A_193 = arith.constant 81920 : i32
      %mul3A_194 = arith.muli %arg0, %mul3A_193 : i32
      %mul3A_195 = arith.constant 5120 : i32
      %mul3A_196 = arith.muli %arg1, %mul3A_195 : i32
      %add3A_197 = arith.addi %mul3A_194, %mul3A_196 : i32
      %mul3A_198 = arith.constant 16 : i32
      %mul3A_199 = arith.muli %scan3A_191, %mul3A_198 : i32
      %add3A_200 = arith.addi %add3A_197, %mul3A_199 : i32
      "tpu.region"() ({
        %run_scoped3A_1613 = tpu.sem_alloc : memref<!tpu.dma_semaphore, #tpu.memory_space<semaphore_mem>>
        %dma_start3A_1614 = tpu.memref_slice %arg2[%add3A_200] : memref<163840xi32, #tpu.memory_space<hbm>> -> memref<16xi32, #tpu.memory_space<hbm>>
        %dma_start3A_1615 = tpu.memref_slice %arg2[%add3A_200] : memref<163840xi32, #tpu.memory_space<hbm>> -> memref<16xi32, #tpu.memory_space<hbm>>
        tpu.enqueue_dma source(%dma_start3A_1615 : memref<16xi32, #tpu.memory_space<hbm>>) target(%arg6 : memref<16xi32, #tpu.memory_space<vmem>>) target_semaphore(%run_scoped3A_1613 : memref<!tpu.dma_semaphore, #tpu.memory_space<semaphore_mem>>)
        %dma_wait3A_1616 = tpu.memref_slice %arg2[%add3A_200] : memref<163840xi32, #tpu.memory_space<hbm>> -> memref<16xi32, #tpu.memory_space<hbm>>
        %dma_wait3A_1617 = tpu.memref_slice %arg2[%add3A_200] : memref<163840xi32, #tpu.memory_space<hbm>> -> memref<16xi32, #tpu.memory_space<hbm>>
        tpu.wait_dma2 semaphore(%run_scoped3A_1613 : memref<!tpu.dma_semaphore, #tpu.memory_space<semaphore_mem>>) src(%dma_wait3A_1617 : memref<16xi32, #tpu.memory_space<hbm>>) dst(%arg6 : memref<16xi32, #tpu.memory_space<vmem>>)
        tpu.yield
      }) : () -> ()
      "tpu.region"() ({
        %run_scoped3A_1613 = tpu.sem_alloc : memref<!tpu.dma_semaphore, #tpu.memory_space<semaphore_mem>>
        %dma_start3A_1614 = tpu.memref_slice %arg3[%add3A_200] : memref<163840xi32, #tpu.memory_space<hbm>> -> memref<16xi32, #tpu.memory_space<hbm>>
        %dma_start3A_1615 = tpu.memref_slice %arg3[%add3A_200] : memref<163840xi32, #tpu.memory_space<hbm>> -> memref<16xi32, #tpu.memory_space<hbm>>
        tpu.enqueue_dma source(%dma_start3A_1615 : memref<16xi32, #tpu.memory_space<hbm>>) target(%arg7 : memref<16xi32, #tpu.memory_space<vmem>>) target_semaphore(%run_scoped3A_1613 : memref<!tpu.dma_semaphore, #tpu.memory_space<semaphore_mem>>)
        %dma_wait3A_1616 = tpu.memref_slice %arg3[%add3A_200] : memref<163840xi32, #tpu.memory_space<hbm>> -> memref<16xi32, #tpu.memory_space<hbm>>
        %dma_wait3A_1617 = tpu.memref_slice %arg3[%add3A_200] : memref<163840xi32, #tpu.memory_space<hbm>> -> memref<16xi32, #tpu.memory_space<hbm>>
        tpu.wait_dma2 semaphore(%run_scoped3A_1613 : memref<!tpu.dma_semaphore, #tpu.memory_space<semaphore_mem>>) src(%dma_wait3A_1617 : memref<16xi32, #tpu.memory_space<hbm>>) dst(%arg7 : memref<16xi32, #tpu.memory_space<vmem>>)
        tpu.yield
      }) : () -> ()
      %dma_start3A = arith.constant 0 : i32
      %dma_start3A_201 = arith.constant 0 : i32
      %dma_start3A_202 = tpu.memref_slice %arg4[%dma_start3A, %dma_start3A_201] : memref<10000x256xf32, #tpu.memory_space<hbm>> -> memref<10000x256xf32, #tpu.memory_space<hbm>>
      tpu.enqueue_indirect_dma source(%dma_start3A_202 : memref<10000x256xf32, #tpu.memory_space<hbm>>) target(%arg9 : memref<16x256xf32, #tpu.memory_space<vmem>>) offsets(%arg6 : memref<16xi32, #tpu.memory_space<vmem>>) semaphore(%arg12 : memref<!tpu.dma_semaphore, #tpu.memory_space<semaphore_mem>>)
      %get3A = arith.constant 0 : index
      %get3A_203 = tpu.vector_load %arg7[%get3A] {strides = array<i32>} : memref<16xi32, #tpu.memory_space<vmem>>, vector<16xi32>,
      %get3A_204 = vector.shape_cast %get3A_203 : vector<16xi32> to vector<16xi32>
      %slice3A = vector.extract_strided_slice %get3A_204 {offsets = [0], sizes = [1], strides = [1]} : vector<16xi32> to vector<1xi32>
      %squeeze3A = vector.extract %slice3A[0] : i32 from vector<1xi32>
      %mul3A_205 = arith.constant 128 : i32
      %mul3A_206 = arith.muli %squeeze3A, %mul3A_205 : i32
      %add3A_207 = vector.broadcast %mul3A_206 : i32 to vector<16xi32>
      %add3A_208 = arith.addi %add3A_1, %add3A_207 : vector<16xi32>
      %swap3A = arith.constant 0 : i32
      %swap3A_209 = arith.index_cast %swap3A : i32 to index
      %swap3A_210 = arith.constant 0 : index
      %swap3A_211 = tpu.vector_load %arg8[%swap3A_209, %swap3A_210] {strides = array<i32>} : memref<16x128xi32, #tpu.memory_space<vmem>>, vector<1x16xi32>,
      %swap3A_212 = vector.shape_cast %swap3A_211 : vector<1x16xi32> to vector<16xi32>
      %swap3A_213 = vector.shape_cast %add3A_208 : vector<16xi32> to vector<1x16xi32>
      tpu.vector_store %arg8[%swap3A_209, %swap3A_210], %swap3A_213 {strides = array<i32>} : memref<16x128xi32, #tpu.memory_space<vmem>>, vector<1x16xi32>,
      %add3A_214 = vector.broadcast %mul3A_206 : i32 to vector<16xi32>
      %add3A_215 = arith.addi %add3A_5, %add3A_214 : vector<16xi32>
      %swap3A_216 = arith.constant 0 : i32
      %swap3A_217 = arith.index_cast %swap3A_216 : i32 to index
      %swap3A_218 = arith.constant 16 : index
      %swap3A_219 = tpu.vector_load %arg8[%swap3A_217, %swap3A_218] {strides = array<i32>} : memref<16x128xi32, #tpu.memory_space<vmem>>, vector<1x16xi32>,
      %swap3A_220 = vector.shape_cast %swap3A_219 : vector<1x16xi32> to vector<16xi32>
      %swap3A_221 = vector.shape_cast %add3A_215 : vector<16xi32> to vector<1x16xi32>
      tpu.vector_store %arg8[%swap3A_217, %swap3A_218], %swap3A_221 {strides = array<i32>} : memref<16x128xi32, #tpu.memory_space<vmem>>, vector<1x16xi32>,
      %add3A_222 = vector.broadcast %mul3A_206 : i32 to vector<16xi32>
      %add3A_223 = arith.addi %add3A_9, %add3A_222 : vector<16xi32>
      %swap3A_224 = arith.constant 0 : i32
      %swap3A_225 = arith.index_cast %swap3A_224 : i32 to index
      %swap3A_226 = arith.constant 32 : index
      %swap3A_227 = tpu.vector_load %arg8[%swap3A_225, %swap3A_226] {strides = array<i32>} : memref<16x128xi32, #tpu.memory_space<vmem>>, vector<1x16xi32>,
      %swap3A_228 = vector.shape_cast %swap3A_227 : vector<1x16xi32> to vector<16xi32>
      %swap3A_229 = vector.shape_cast %add3A_223 : vector<16xi32> to vector<1x16xi32>
      tpu.vector_store %arg8[%swap3A_225, %swap3A_226], %swap3A_229 {strides = array<i32>} : memref<16x128xi32, #tpu.memory_space<vmem>>, vector<1x16xi32>,
      %add3A_230 = vector.broadcast %mul3A_206 : i32 to vector<16xi32>
      %add3A_231 = arith.addi %add3A_13, %add3A_230 : vector<16xi32>
      %swap3A_232 = arith.constant 0 : i32
      %swap3A_233 = arith.index_cast %swap3A_232 : i32 to index
      %swap3A_234 = arith.constant 48 : index
      %swap3A_235 = tpu.vector_load %arg8[%swap3A_233, %swap3A_234] {strides = array<i32>} : memref<16x128xi32, #tpu.memory_space<vmem>>, vector<1x16xi32>,
      %swap3A_236 = vector.shape_cast %swap3A_235 : vector<1x16xi32> to vector<16xi32>
      %swap3A_237 = vector.shape_cast %add3A_231 : vector<16xi32> to vector<1x16xi32>
      tpu.vector_store %arg8[%swap3A_233, %swap3A_234], %swap3A_237 {strides = array<i32>} : memref<16x128xi32, #tpu.memory_space<vmem>>, vector<1x16xi32>,
      %add3A_238 = vector.broadcast %mul3A_206 : i32 to vector<16xi32>
      %add3A_239 = arith.addi %add3A_17, %add3A_238 : vector<16xi32>
      %swap3A_240 = arith.constant 0 : i32
      %swap3A_241 = arith.index_cast %swap3A_240 : i32 to index
      %swap3A_242 = arith.constant 64 : index
      %swap3A_243 = tpu.vector_load %arg8[%swap3A_241, %swap3A_242] {strides = array<i32>} : memref<16x128xi32, #tpu.memory_space<vmem>>, vector<1x16xi32>,
      %swap3A_244 = vector.shape_cast %swap3A_243 : vector<1x16xi32> to vector<16xi32>
      %swap3A_245 = vector.shape_cast %add3A_239 : vector<16xi32> to vector<1x16xi32>
      tpu.vector_store %arg8[%swap3A_241, %swap3A_242], %swap3A_245 {strides = array<i32>} : memref<16x128xi32, #tpu.memory_space<vmem>>, vector<1x16xi32>,
      %add3A_246 = vector.broadcast %mul3A_206 : i32 to vector<16xi32>
      %add3A_247 = arith.addi %add3A_21, %add3A_246 : vector<16xi32>
      %swap3A_248 = arith.constant 0 : i32
      %swap3A_249 = arith.index_cast %swap3A_248 : i32 to index
      %swap3A_250 = arith.constant 80 : index
      %swap3A_251 = tpu.vector_load %arg8[%swap3A_249, %swap3A_250] {strides = array<i32>} : memref<16x128xi32, #tpu.memory_space<vmem>>, vector<1x16xi32>,
      %swap3A_252 = vector.shape_cast %swap3A_251 : vector<1x16xi32> to vector<16xi32>
      %swap3A_253 = vector.shape_cast %add3A_247 : vector<16xi32> to vector<1x16xi32>
      tpu.vector_store %arg8[%swap3A_249, %swap3A_250], %swap3A_253 {strides = array<i32>} : memref<16x128xi32, #tpu.memory_space<vmem>>, vector<1x16xi32>,
      %add3A_254 = vector.broadcast %mul3A_206 : i32 to vector<16xi32>
      %add3A_255 = arith.addi %add3A_25, %add3A_254 : vector<16xi32>
      %swap3A_256 = arith.constant 0 : i32
      %swap3A_257 = arith.index_cast %swap3A_256 : i32 to index
      %swap3A_258 = arith.constant 96 : index
      %swap3A_259 = tpu.vector_load %arg8[%swap3A_257, %swap3A_258] {strides = array<i32>} : memref<16x128xi32, #tpu.memory_space<vmem>>, vector<1x16xi32>,
      %swap3A_260 = vector.shape_cast %swap3A_259 : vector<1x16xi32> to vector<16xi32>
      %swap3A_261 = vector.shape_cast %add3A_255 : vector<16xi32> to vector<1x16xi32>
      tpu.vector_store %arg8[%swap3A_257, %swap3A_258], %swap3A_261 {strides = array<i32>} : memref<16x128xi32, #tpu.memory_space<vmem>>, vector<1x16xi32>,
      %add3A_262 = vector.broadcast %mul3A_206 : i32 to vector<16xi32>
      %add3A_263 = arith.addi %add3A_29, %add3A_262 : vector<16xi32>
      %swap3A_264 = arith.constant 0 : i32
      %swap3A_265 = arith.index_cast %swap3A_264 : i32 to index
      %swap3A_266 = arith.constant 112 : index
      %swap3A_267 = tpu.vector_load %arg8[%swap3A_265, %swap3A_266] {strides = array<i32>} : memref<16x128xi32, #tpu.memory_space<vmem>>, vector<1x16xi32>,
      %swap3A_268 = vector.shape_cast %swap3A_267 : vector<1x16xi32> to vector<16xi32>
      %swap3A_269 = vector.shape_cast %add3A_263 : vector<16xi32> to vector<1x16xi32>
      tpu.vector_store %arg8[%swap3A_265, %swap3A_266], %swap3A_269 {strides = array<i32>} : memref<16x128xi32, #tpu.memory_space<vmem>>, vector<1x16xi32>,
      %slice3A_270 = vector.extract_strided_slice %get3A_204 {offsets = [1], sizes = [1], strides = [1]} : vector<16xi32> to vector<1xi32>
      %squeeze3A_271 = vector.extract %slice3A_270[0] : i32 from vector<1xi32>
      %mul3A_272 = arith.constant 128 : i32
      %mul3A_273 = arith.muli %squeeze3A_271, %mul3A_272 : i32
      %add3A_274 = vector.broadcast %mul3A_273 : i32 to vector<16xi32>
      %add3A_275 = arith.addi %add3A_1, %add3A_274 : vector<16xi32>
      %swap3A_276 = arith.constant 1 : i32
      %swap3A_277 = arith.index_cast %swap3A_276 : i32 to index
      %swap3A_278 = arith.constant 0 : index
      %swap3A_279 = tpu.vector_load %arg8[%swap3A_277, %swap3A_278] {strides = array<i32>} : memref<16x128xi32, #tpu.memory_space<vmem>>, vector<1x16xi32>,
      %swap3A_280 = vector.shape_cast %swap3A_279 : vector<1x16xi32> to vector<16xi32>
      %swap3A_281 = vector.shape_cast %add3A_275 : vector<16xi32> to vector<1x16xi32>
      tpu.vector_store %arg8[%swap3A_277, %swap3A_278], %swap3A_281 {strides = array<i32>} : memref<16x128xi32, #tpu.memory_space<vmem>>, vector<1x16xi32>,
      %add3A_282 = vector.broadcast %mul3A_273 : i32 to vector<16xi32>
      %add3A_283 = arith.addi %add3A_5, %add3A_282 : vector<16xi32>
      %swap3A_284 = arith.constant 1 : i32
      %swap3A_285 = arith.index_cast %swap3A_284 : i32 to index
      %swap3A_286 = arith.constant 16 : index
      %swap3A_287 = tpu.vector_load %arg8[%swap3A_285, %swap3A_286] {strides = array<i32>} : memref<16x128xi32, #tpu.memory_space<vmem>>, vector<1x16xi32>,
      %swap3A_288 = vector.shape_cast %swap3A_287 : vector<1x16xi32> to vector<16xi32>
      %swap3A_289 = vector.shape_cast %add3A_283 : vector<16xi32> to vector<1x16xi32>
      tpu.vector_store %arg8[%swap3A_285, %swap3A_286], %swap3A_289 {strides = array<i32>} : memref<16x128xi32, #tpu.memory_space<vmem>>, vector<1x16xi32>,
      %add3A_290 = vector.broadcast %mul3A_273 : i32 to vector<16xi32>
      %add3A_291 = arith.addi %add3A_9, %add3A_290 : vector<16xi32>
      %swap3A_292 = arith.constant 1 : i32
      %swap3A_293 = arith.index_cast %swap3A_292 : i32 to index
      %swap3A_294 = arith.constant 32 : index
      %swap3A_295 = tpu.vector_load %arg8[%swap3A_293, %swap3A_294] {strides = array<i32>} : memref<16x128xi32, #tpu.memory_space<vmem>>, vector<1x16xi32>,
      %swap3A_296 = vector.shape_cast %swap3A_295 : vector<1x16xi32> to vector<16xi32>
      %swap3A_297 = vector.shape_cast %add3A_291 : vector<16xi32> to vector<1x16xi32>
      tpu.vector_store %arg8[%swap3A_293, %swap3A_294], %swap3A_297 {strides = array<i32>} : memref<16x128xi32, #tpu.memory_space<vmem>>, vector<1x16xi32>,
      %add3A_298 = vector.broadcast %mul3A_273 : i32 to vector<16xi32>
      %add3A_299 = arith.addi %add3A_13, %add3A_298 : vector<16xi32>
      %swap3A_300 = arith.constant 1 : i32
      %swap3A_301 = arith.index_cast %swap3A_300 : i32 to index
      %swap3A_302 = arith.constant 48 : index
      %swap3A_303 = tpu.vector_load %arg8[%swap3A_301, %swap3A_302] {strides = array<i32>} : memref<16x128xi32, #tpu.memory_space<vmem>>, vector<1x16xi32>,
      %swap3A_304 = vector.shape_cast %swap3A_303 : vector<1x16xi32> to vector<16xi32>
      %swap3A_305 = vector.shape_cast %add3A_299 : vector<16xi32> to vector<1x16xi32>
      tpu.vector_store %arg8[%swap3A_301, %swap3A_302], %swap3A_305 {strides = array<i32>} : memref<16x128xi32, #tpu.memory_space<vmem>>, vector<1x16xi32>,
      %add3A_306 = vector.broadcast %mul3A_273 : i32 to vector<16xi32>
      %add3A_307 = arith.addi %add3A_17, %add3A_306 : vector<16xi32>
      %swap3A_308 = arith.constant 1 : i32
      %swap3A_309 = arith.index_cast %swap3A_308 : i32 to index
      %swap3A_310 = arith.constant 64 : index
      %swap3A_311 = tpu.vector_load %arg8[%swap3A_309, %swap3A_310] {strides = array<i32>} : memref<16x128xi32, #tpu.memory_space<vmem>>, vector<1x16xi32>,
      %swap3A_312 = vector.shape_cast %swap3A_311 : vector<1x16xi32> to vector<16xi32>
      %swap3A_313 = vector.shape_cast %add3A_307 : vector<16xi32> to vector<1x16xi32>
      tpu.vector_store %arg8[%swap3A_309, %swap3A_310], %swap3A_313 {strides = array<i32>} : memref<16x128xi32, #tpu.memory_space<vmem>>, vector<1x16xi32>,
      %add3A_314 = vector.broadcast %mul3A_273 : i32 to vector<16xi32>
      %add3A_315 = arith.addi %add3A_21, %add3A_314 : vector<16xi32>
      %swap3A_316 = arith.constant 1 : i32
      %swap3A_317 = arith.index_cast %swap3A_316 : i32 to index
      %swap3A_318 = arith.constant 80 : index
      %swap3A_319 = tpu.vector_load %arg8[%swap3A_317, %swap3A_318] {strides = array<i32>} : memref<16x128xi32, #tpu.memory_space<vmem>>, vector<1x16xi32>,
      %swap3A_320 = vector.shape_cast %swap3A_319 : vector<1x16xi32> to vector<16xi32>
      %swap3A_321 = vector.shape_cast %add3A_315 : vector<16xi32> to vector<1x16xi32>
      tpu.vector_store %arg8[%swap3A_317, %swap3A_318], %swap3A_321 {strides = array<i32>} : memref<16x128xi32, #tpu.memory_space<vmem>>, vector<1x16xi32>,
      %add3A_322 = vector.broadcast %mul3A_273 : i32 to vector<16xi32>
      %add3A_323 = arith.addi %add3A_25, %add3A_322 : vector<16xi32>
      %swap3A_324 = arith.constant 1 : i32
      %swap3A_325 = arith.index_cast %swap3A_324 : i32 to index
      %swap3A_326 = arith.constant 96 : index
      %swap3A_327 = tpu.vector_load %arg8[%swap3A_325, %swap3A_326] {strides = array<i32>} : memref<16x128xi32, #tpu.memory_space<vmem>>, vector<1x16xi32>,
      %swap3A_328 = vector.shape_cast %swap3A_327 : vector<1x16xi32> to vector<16xi32>
      %swap3A_329 = vector.shape_cast %add3A_323 : vector<16xi32> to vector<1x16xi32>
      tpu.vector_store %arg8[%swap3A_325, %swap3A_326], %swap3A_329 {strides = array<i32>} : memref<16x128xi32, #tpu.memory_space<vmem>>, vector<1x16xi32>,
      %add3A_330 = vector.broadcast %mul3A_273 : i32 to vector<16xi32>
      %add3A_331 = arith.addi %add3A_29, %add3A_330 : vector<16xi32>
      %swap3A_332 = arith.constant 1 : i32
      %swap3A_333 = arith.index_cast %swap3A_332 : i32 to index
      %swap3A_334 = arith.constant 112 : index
      %swap3A_335 = tpu.vector_load %arg8[%swap3A_333, %swap3A_334] {strides = array<i32>} : memref<16x128xi32, #tpu.memory_space<vmem>>, vector<1x16xi32>,
      %swap3A_336 = vector.shape_cast %swap3A_335 : vector<1x16xi32> to vector<16xi32>
      %swap3A_337 = vector.shape_cast %add3A_331 : vector<16xi32> to vector<1x16xi32>
      tpu.vector_store %arg8[%swap3A_333, %swap3A_334], %swap3A_337 {strides = array<i32>} : memref<16x128xi32, #tpu.memory_space<vmem>>, vector<1x16xi32>,
      %slice3A_338 = vector.extract_strided_slice %get3A_204 {offsets = [2], sizes = [1], strides = [1]} : vector<16xi32> to vector<1xi32>
      %squeeze3A_339 = vector.extract %slice3A_338[0] : i32 from vector<1xi32>
      %mul3A_340 = arith.constant 128 : i32
      %mul3A_341 = arith.muli %squeeze3A_339, %mul3A_340 : i32
      %add3A_342 = vector.broadcast %mul3A_341 : i32 to vector<16xi32>
      %add3A_343 = arith.addi %add3A_1, %add3A_342 : vector<16xi32>
      %swap3A_344 = arith.constant 2 : i32
      %swap3A_345 = arith.index_cast %swap3A_344 : i32 to index
      %swap3A_346 = arith.constant 0 : index
      %swap3A_347 = tpu.vector_load %arg8[%swap3A_345, %swap3A_346] {strides = array<i32>} : memref<16x128xi32, #tpu.memory_space<vmem>>, vector<1x16xi32>,
      %swap3A_348 = vector.shape_cast %swap3A_347 : vector<1x16xi32> to vector<16xi32>
      %swap3A_349 = vector.shape_cast %add3A_343 : vector<16xi32> to vector<1x16xi32>
      tpu.vector_store %arg8[%swap3A_345, %swap3A_346], %swap3A_349 {strides = array<i32>} : memref<16x128xi32, #tpu.memory_space<vmem>>, vector<1x16xi32>,
      %add3A_350 = vector.broadcast %mul3A_341 : i32 to vector<16xi32>
      %add3A_351 = arith.addi %add3A_5, %add3A_350 : vector<16xi32>
      %swap3A_352 = arith.constant 2 : i32
      %swap3A_353 = arith.index_cast %swap3A_352 : i32 to index
      %swap3A_354 = arith.constant 16 : index
      %swap3A_355 = tpu.vector_load %arg8[%swap3A_353, %swap3A_354] {strides = array<i32>} : memref<16x128xi32, #tpu.memory_space<vmem>>, vector<1x16xi32>,
      %swap3A_356 = vector.shape_cast %swap3A_355 : vector<1x16xi32> to vector<16xi32>
      %swap3A_357 = vector.shape_cast %add3A_351 : vector<16xi32> to vector<1x16xi32>
      tpu.vector_store %arg8[%swap3A_353, %swap3A_354], %swap3A_357 {strides = array<i32>} : memref<16x128xi32, #tpu.memory_space<vmem>>, vector<1x16xi32>,
      %add3A_358 = vector.broadcast %mul3A_341 : i32 to vector<16xi32>
      %add3A_359 = arith.addi %add3A_9, %add3A_358 : vector<16xi32>
      %swap3A_360 = arith.constant 2 : i32
      %swap3A_361 = arith.index_cast %swap3A_360 : i32 to index
      %swap3A_362 = arith.constant 32 : index
      %swap3A_363 = tpu.vector_load %arg8[%swap3A_361, %swap3A_362] {strides = array<i32>} : memref<16x128xi32, #tpu.memory_space<vmem>>, vector<1x16xi32>,
      %swap3A_364 = vector.shape_cast %swap3A_363 : vector<1x16xi32> to vector<16xi32>
      %swap3A_365 = vector.shape_cast %add3A_359 : vector<16xi32> to vector<1x16xi32>
      tpu.vector_store %arg8[%swap3A_361, %swap3A_362], %swap3A_365 {strides = array<i32>} : memref<16x128xi32, #tpu.memory_space<vmem>>, vector<1x16xi32>,
      %add3A_366 = vector.broadcast %mul3A_341 : i32 to vector<16xi32>
      %add3A_367 = arith.addi %add3A_13, %add3A_366 : vector<16xi32>
      %swap3A_368 = arith.constant 2 : i32
      %swap3A_369 = arith.index_cast %swap3A_368 : i32 to index
      %swap3A_370 = arith.constant 48 : index
      %swap3A_371 = tpu.vector_load %arg8[%swap3A_369, %swap3A_370] {strides = array<i32>} : memref<16x128xi32, #tpu.memory_space<vmem>>, vector<1x16xi32>,
      %swap3A_372 = vector.shape_cast %swap3A_371 : vector<1x16xi32> to vector<16xi32>
      %swap3A_373 = vector.shape_cast %add3A_367 : vector<16xi32> to vector<1x16xi32>
      tpu.vector_store %arg8[%swap3A_369, %swap3A_370], %swap3A_373 {strides = array<i32>} : memref<16x128xi32, #tpu.memory_space<vmem>>, vector<1x16xi32>,
      %add3A_374 = vector.broadcast %mul3A_341 : i32 to vector<16xi32>
      %add3A_375 = arith.addi %add3A_17, %add3A_374 : vector<16xi32>
      %swap3A_376 = arith.constant 2 : i32
      %swap3A_377 = arith.index_cast %swap3A_376 : i32 to index
      %swap3A_378 = arith.constant 64 : index
      %swap3A_379 = tpu.vector_load %arg8[%swap3A_377, %swap3A_378] {strides = array<i32>} : memref<16x128xi32, #tpu.memory_space<vmem>>, vector<1x16xi32>,
      %swap3A_380 = vector.shape_cast %swap3A_379 : vector<1x16xi32> to vector<16xi32>
      %swap3A_381 = vector.shape_cast %add3A_375 : vector<16xi32> to vector<1x16xi32>
      tpu.vector_store %arg8[%swap3A_377, %swap3A_378], %swap3A_381 {strides = array<i32>} : memref<16x128xi32, #tpu.memory_space<vmem>>, vector<1x16xi32>,
      %add3A_382 = vector.broadcast %mul3A_341 : i32 to vector<16xi32>
      %add3A_383 = arith.addi %add3A_21, %add3A_382 : vector<16xi32>
      %swap3A_384 = arith.constant 2 : i32
      %swap3A_385 = arith.index_cast %swap3A_384 : i32 to index
      %swap3A_386 = arith.constant 80 : index
      %swap3A_387 = tpu.vector_load %arg8[%swap3A_385, %swap3A_386] {strides = array<i32>} : memref<16x128xi32, #tpu.memory_space<vmem>>, vector<1x16xi32>,
      %swap3A_388 = vector.shape_cast %swap3A_387 : vector<1x16xi32> to vector<16xi32>
      %swap3A_389 = vector.shape_cast %add3A_383 : vector<16xi32> to vector<1x16xi32>
      tpu.vector_store %arg8[%swap3A_385, %swap3A_386], %swap3A_389 {strides = array<i32>} : memref<16x128xi32, #tpu.memory_space<vmem>>, vector<1x16xi32>,
      %add3A_390 = vector.broadcast %mul3A_341 : i32 to vector<16xi32>
      %add3A_391 = arith.addi %add3A_25, %add3A_390 : vector<16xi32>
      %swap3A_392 = arith.constant 2 : i32
      %swap3A_393 = arith.index_cast %swap3A_392 : i32 to index
      %swap3A_394 = arith.constant 96 : index
      %swap3A_395 = tpu.vector_load %arg8[%swap3A_393, %swap3A_394] {strides = array<i32>} : memref<16x128xi32, #tpu.memory_space<vmem>>, vector<1x16xi32>,
      %swap3A_396 = vector.shape_cast %swap3A_395 : vector<1x16xi32> to vector<16xi32>
      %swap3A_397 = vector.shape_cast %add3A_391 : vector<16xi32> to vector<1x16xi32>
      tpu.vector_store %arg8[%swap3A_393, %swap3A_394], %swap3A_397 {strides = array<i32>} : memref<16x128xi32, #tpu.memory_space<vmem>>, vector<1x16xi32>,
      %add3A_398 = vector.broadcast %mul3A_341 : i32 to vector<16xi32>
      %add3A_399 = arith.addi %add3A_29, %add3A_398 : vector<16xi32>
      %swap3A_400 = arith.constant 2 : i32
      %swap3A_401 = arith.index_cast %swap3A_400 : i32 to index
      %swap3A_402 = arith.constant 112 : index
      %swap3A_403 = tpu.vector_load %arg8[%swap3A_401, %swap3A_402] {strides = array<i32>} : memref<16x128xi32, #tpu.memory_space<vmem>>, vector<1x16xi32>,
      %swap3A_404 = vector.shape_cast %swap3A_403 : vector<1x16xi32> to vector<16xi32>
      %swap3A_405 = vector.shape_cast %add3A_399 : vector<16xi32> to vector<1x16xi32>
      tpu.vector_store %arg8[%swap3A_401, %swap3A_402], %swap3A_405 {strides = array<i32>} : memref<16x128xi32, #tpu.memory_space<vmem>>, vector<1x16xi32>,
      %slice3A_406 = vector.extract_strided_slice %get3A_204 {offsets = [3], sizes = [1], strides = [1]} : vector<16xi32> to vector<1xi32>
      %squeeze3A_407 = vector.extract %slice3A_406[0] : i32 from vector<1xi32>
      %mul3A_408 = arith.constant 128 : i32
      %mul3A_409 = arith.muli %squeeze3A_407, %mul3A_408 : i32
      %add3A_410 = vector.broadcast %mul3A_409 : i32 to vector<16xi32>
      %add3A_411 = arith.addi %add3A_1, %add3A_410 : vector<16xi32>
      %swap3A_412 = arith.constant 3 : i32
      %swap3A_413 = arith.index_cast %swap3A_412 : i32 to index
      %swap3A_414 = arith.constant 0 : index
      %swap3A_415 = tpu.vector_load %arg8[%swap3A_413, %swap3A_414] {strides = array<i32>} : memref<16x128xi32, #tpu.memory_space<vmem>>, vector<1x16xi32>,
      %swap3A_416 = vector.shape_cast %swap3A_415 : vector<1x16xi32> to vector<16xi32>
      %swap3A_417 = vector.shape_cast %add3A_411 : vector<16xi32> to vector<1x16xi32>
      tpu.vector_store %arg8[%swap3A_413, %swap3A_414], %swap3A_417 {strides = array<i32>} : memref<16x128xi32, #tpu.memory_space<vmem>>, vector<1x16xi32>,
      %add3A_418 = vector.broadcast %mul3A_409 : i32 to vector<16xi32>
      %add3A_419 = arith.addi %add3A_5, %add3A_418 : vector<16xi32>
      %swap3A_420 = arith.constant 3 : i32
      %swap3A_421 = arith.index_cast %swap3A_420 : i32 to index
      %swap3A_422 = arith.constant 16 : index
      %swap3A_423 = tpu.vector_load %arg8[%swap3A_421, %swap3A_422] {strides = array<i32>} : memref<16x128xi32, #tpu.memory_space<vmem>>, vector<1x16xi32>,
      %swap3A_424 = vector.shape_cast %swap3A_423 : vector<1x16xi32> to vector<16xi32>
      %swap3A_425 = vector.shape_cast %add3A_419 : vector<16xi32> to vector<1x16xi32>
      tpu.vector_store %arg8[%swap3A_421, %swap3A_422], %swap3A_425 {strides = array<i32>} : memref<16x128xi32, #tpu.memory_space<vmem>>, vector<1x16xi32>,
      %add3A_426 = vector.broadcast %mul3A_409 : i32 to vector<16xi32>
      %add3A_427 = arith.addi %add3A_9, %add3A_426 : vector<16xi32>
      %swap3A_428 = arith.constant 3 : i32
      %swap3A_429 = arith.index_cast %swap3A_428 : i32 to index
      %swap3A_430 = arith.constant 32 : index
      %swap3A_431 = tpu.vector_load %arg8[%swap3A_429, %swap3A_430] {strides = array<i32>} : memref<16x128xi32, #tpu.memory_space<vmem>>, vector<1x16xi32>,
      %swap3A_432 = vector.shape_cast %swap3A_431 : vector<1x16xi32> to vector<16xi32>
      %swap3A_433 = vector.shape_cast %add3A_427 : vector<16xi32> to vector<1x16xi32>
      tpu.vector_store %arg8[%swap3A_429, %swap3A_430], %swap3A_433 {strides = array<i32>} : memref<16x128xi32, #tpu.memory_space<vmem>>, vector<1x16xi32>,
      %add3A_434 = vector.broadcast %mul3A_409 : i32 to vector<16xi32>
      %add3A_435 = arith.addi %add3A_13, %add3A_434 : vector<16xi32>
      %swap3A_436 = arith.constant 3 : i32
      %swap3A_437 = arith.index_cast %swap3A_436 : i32 to index
      %swap3A_438 = arith.constant 48 : index
      %swap3A_439 = tpu.vector_load %arg8[%swap3A_437, %swap3A_438] {strides = array<i32>} : memref<16x128xi32, #tpu.memory_space<vmem>>, vector<1x16xi32>,
      %swap3A_440 = vector.shape_cast %swap3A_439 : vector<1x16xi32> to vector<16xi32>
      %swap3A_441 = vector.shape_cast %add3A_435 : vector<16xi32> to vector<1x16xi32>
      tpu.vector_store %arg8[%swap3A_437, %swap3A_438], %swap3A_441 {strides = array<i32>} : memref<16x128xi32, #tpu.memory_space<vmem>>, vector<1x16xi32>,
      %add3A_442 = vector.broadcast %mul3A_409 : i32 to vector<16xi32>
      %add3A_443 = arith.addi %add3A_17, %add3A_442 : vector<16xi32>
      %swap3A_444 = arith.constant 3 : i32
      %swap3A_445 = arith.index_cast %swap3A_444 : i32 to index
      %swap3A_446 = arith.constant 64 : index
      %swap3A_447 = tpu.vector_load %arg8[%swap3A_445, %swap3A_446] {strides = array<i32>} : memref<16x128xi32, #tpu.memory_space<vmem>>, vector<1x16xi32>,
      %swap3A_448 = vector.shape_cast %swap3A_447 : vector<1x16xi32> to vector<16xi32>
      %swap3A_449 = vector.shape_cast %add3A_443 : vector<16xi32> to vector<1x16xi32>
      tpu.vector_store %arg8[%swap3A_445, %swap3A_446], %swap3A_449 {strides = array<i32>} : memref<16x128xi32, #tpu.memory_space<vmem>>, vector<1x16xi32>,
      %add3A_450 = vector.broadcast %mul3A_409 : i32 to vector<16xi32>
      %add3A_451 = arith.addi %add3A_21, %add3A_450 : vector<16xi32>
      %swap3A_452 = arith.constant 3 : i32
      %swap3A_453 = arith.index_cast %swap3A_452 : i32 to index
      %swap3A_454 = arith.constant 80 : index
      %swap3A_455 = tpu.vector_load %arg8[%swap3A_453, %swap3A_454] {strides = array<i32>} : memref<16x128xi32, #tpu.memory_space<vmem>>, vector<1x16xi32>,
      %swap3A_456 = vector.shape_cast %swap3A_455 : vector<1x16xi32> to vector<16xi32>
      %swap3A_457 = vector.shape_cast %add3A_451 : vector<16xi32> to vector<1x16xi32>
      tpu.vector_store %arg8[%swap3A_453, %swap3A_454], %swap3A_457 {strides = array<i32>} : memref<16x128xi32, #tpu.memory_space<vmem>>, vector<1x16xi32>,
      %add3A_458 = vector.broadcast %mul3A_409 : i32 to vector<16xi32>
      %add3A_459 = arith.addi %add3A_25, %add3A_458 : vector<16xi32>
      %swap3A_460 = arith.constant 3 : i32
      %swap3A_461 = arith.index_cast %swap3A_460 : i32 to index
      %swap3A_462 = arith.constant 96 : index
      %swap3A_463 = tpu.vector_load %arg8[%swap3A_461, %swap3A_462] {strides = array<i32>} : memref<16x128xi32, #tpu.memory_space<vmem>>, vector<1x16xi32>,
      %swap3A_464 = vector.shape_cast %swap3A_463 : vector<1x16xi32> to vector<16xi32>
      %swap3A_465 = vector.shape_cast %add3A_459 : vector<16xi32> to vector<1x16xi32>
      tpu.vector_store %arg8[%swap3A_461, %swap3A_462], %swap3A_465 {strides = array<i32>} : memref<16x128xi32, #tpu.memory_space<vmem>>, vector<1x16xi32>,
      %add3A_466 = vector.broadcast %mul3A_409 : i32 to vector<16xi32>
      %add3A_467 = arith.addi %add3A_29, %add3A_466 : vector<16xi32>
      %swap3A_468 = arith.constant 3 : i32
      %swap3A_469 = arith.index_cast %swap3A_468 : i32 to index
      %swap3A_470 = arith.constant 112 : index
      %swap3A_471 = tpu.vector_load %arg8[%swap3A_469, %swap3A_470] {strides = array<i32>} : memref<16x128xi32, #tpu.memory_space<vmem>>, vector<1x16xi32>,
      %swap3A_472 = vector.shape_cast %swap3A_471 : vector<1x16xi32> to vector<16xi32>
      %swap3A_473 = vector.shape_cast %add3A_467 : vector<16xi32> to vector<1x16xi32>
      tpu.vector_store %arg8[%swap3A_469, %swap3A_470], %swap3A_473 {strides = array<i32>} : memref<16x128xi32, #tpu.memory_space<vmem>>, vector<1x16xi32>,
      %slice3A_474 = vector.extract_strided_slice %get3A_204 {offsets = [4], sizes = [1], strides = [1]} : vector<16xi32> to vector<1xi32>
      %squeeze3A_475 = vector.extract %slice3A_474[0] : i32 from vector<1xi32>
      %mul3A_476 = arith.constant 128 : i32
      %mul3A_477 = arith.muli %squeeze3A_475, %mul3A_476 : i32
      %add3A_478 = vector.broadcast %mul3A_477 : i32 to vector<16xi32>
      %add3A_479 = arith.addi %add3A_1, %add3A_478 : vector<16xi32>
      %swap3A_480 = arith.constant 4 : i32
      %swap3A_481 = arith.index_cast %swap3A_480 : i32 to index
      %swap3A_482 = arith.constant 0 : index
      %swap3A_483 = tpu.vector_load %arg8[%swap3A_481, %swap3A_482] {strides = array<i32>} : memref<16x128xi32, #tpu.memory_space<vmem>>, vector<1x16xi32>,
      %swap3A_484 = vector.shape_cast %swap3A_483 : vector<1x16xi32> to vector<16xi32>
      %swap3A_485 = vector.shape_cast %add3A_479 : vector<16xi32> to vector<1x16xi32>
      tpu.vector_store %arg8[%swap3A_481, %swap3A_482], %swap3A_485 {strides = array<i32>} : memref<16x128xi32, #tpu.memory_space<vmem>>, vector<1x16xi32>,
      %add3A_486 = vector.broadcast %mul3A_477 : i32 to vector<16xi32>
      %add3A_487 = arith.addi %add3A_5, %add3A_486 : vector<16xi32>
      %swap3A_488 = arith.constant 4 : i32
      %swap3A_489 = arith.index_cast %swap3A_488 : i32 to index
      %swap3A_490 = arith.constant 16 : index
      %swap3A_491 = tpu.vector_load %arg8[%swap3A_489, %swap3A_490] {strides = array<i32>} : memref<16x128xi32, #tpu.memory_space<vmem>>, vector<1x16xi32>,
      %swap3A_492 = vector.shape_cast %swap3A_491 : vector<1x16xi32> to vector<16xi32>
      %swap3A_493 = vector.shape_cast %add3A_487 : vector<16xi32> to vector<1x16xi32>
      tpu.vector_store %arg8[%swap3A_489, %swap3A_490], %swap3A_493 {strides = array<i32>} : memref<16x128xi32, #tpu.memory_space<vmem>>, vector<1x16xi32>,
      %add3A_494 = vector.broadcast %mul3A_477 : i32 to vector<16xi32>
      %add3A_495 = arith.addi %add3A_9, %add3A_494 : vector<16xi32>
      %swap3A_496 = arith.constant 4 : i32
      %swap3A_497 = arith.index_cast %swap3A_496 : i32 to index
      %swap3A_498 = arith.constant 32 : index
      %swap3A_499 = tpu.vector_load %arg8[%swap3A_497, %swap3A_498] {strides = array<i32>} : memref<16x128xi32, #tpu.memory_space<vmem>>, vector<1x16xi32>,
      %swap3A_500 = vector.shape_cast %swap3A_499 : vector<1x16xi32> to vector<16xi32>
      %swap3A_501 = vector.shape_cast %add3A_495 : vector<16xi32> to vector<1x16xi32>
      tpu.vector_store %arg8[%swap3A_497, %swap3A_498], %swap3A_501 {strides = array<i32>} : memref<16x128xi32, #tpu.memory_space<vmem>>, vector<1x16xi32>,
      %add3A_502 = vector.broadcast %mul3A_477 : i32 to vector<16xi32>
      %add3A_503 = arith.addi %add3A_13, %add3A_502 : vector<16xi32>
      %swap3A_504 = arith.constant 4 : i32
      %swap3A_505 = arith.index_cast %swap3A_504 : i32 to index
      %swap3A_506 = arith.constant 48 : index
      %swap3A_507 = tpu.vector_load %arg8[%swap3A_505, %swap3A_506] {strides = array<i32>} : memref<16x128xi32, #tpu.memory_space<vmem>>, vector<1x16xi32>,
      %swap3A_508 = vector.shape_cast %swap3A_507 : vector<1x16xi32> to vector<16xi32>
      %swap3A_509 = vector.shape_cast %add3A_503 : vector<16xi32> to vector<1x16xi32>
      tpu.vector_store %arg8[%swap3A_505, %swap3A_506], %swap3A_509 {strides = array<i32>} : memref<16x128xi32, #tpu.memory_space<vmem>>, vector<1x16xi32>,
      %add3A_510 = vector.broadcast %mul3A_477 : i32 to vector<16xi32>
      %add3A_511 = arith.addi %add3A_17, %add3A_510 : vector<16xi32>
      %swap3A_512 = arith.constant 4 : i32
      %swap3A_513 = arith.index_cast %swap3A_512 : i32 to index
      %swap3A_514 = arith.constant 64 : index
      %swap3A_515 = tpu.vector_load %arg8[%swap3A_513, %swap3A_514] {strides = array<i32>} : memref<16x128xi32, #tpu.memory_space<vmem>>, vector<1x16xi32>,
      %swap3A_516 = vector.shape_cast %swap3A_515 : vector<1x16xi32> to vector<16xi32>
      %swap3A_517 = vector.shape_cast %add3A_511 : vector<16xi32> to vector<1x16xi32>
      tpu.vector_store %arg8[%swap3A_513, %swap3A_514], %swap3A_517 {strides = array<i32>} : memref<16x128xi32, #tpu.memory_space<vmem>>, vector<1x16xi32>,
      %add3A_518 = vector.broadcast %mul3A_477 : i32 to vector<16xi32>
      %add3A_519 = arith.addi %add3A_21, %add3A_518 : vector<16xi32>
      %swap3A_520 = arith.constant 4 : i32
      %swap3A_521 = arith.index_cast %swap3A_520 : i32 to index
      %swap3A_522 = arith.constant 80 : index
      %swap3A_523 = tpu.vector_load %arg8[%swap3A_521, %swap3A_522] {strides = array<i32>} : memref<16x128xi32, #tpu.memory_space<vmem>>, vector<1x16xi32>,
      %swap3A_524 = vector.shape_cast %swap3A_523 : vector<1x16xi32> to vector<16xi32>
      %swap3A_525 = vector.shape_cast %add3A_519 : vector<16xi32> to vector<1x16xi32>
      tpu.vector_store %arg8[%swap3A_521, %swap3A_522], %swap3A_525 {strides = array<i32>} : memref<16x128xi32, #tpu.memory_space<vmem>>, vector<1x16xi32>,
      %add3A_526 = vector.broadcast %mul3A_477 : i32 to vector<16xi32>
      %add3A_527 = arith.addi %add3A_25, %add3A_526 : vector<16xi32>
      %swap3A_528 = arith.constant 4 : i32
      %swap3A_529 = arith.index_cast %swap3A_528 : i32 to index
      %swap3A_530 = arith.constant 96 : index
      %swap3A_531 = tpu.vector_load %arg8[%swap3A_529, %swap3A_530] {strides = array<i32>} : memref<16x128xi32, #tpu.memory_space<vmem>>, vector<1x16xi32>,
      %swap3A_532 = vector.shape_cast %swap3A_531 : vector<1x16xi32> to vector<16xi32>
      %swap3A_533 = vector.shape_cast %add3A_527 : vector<16xi32> to vector<1x16xi32>
      tpu.vector_store %arg8[%swap3A_529, %swap3A_530], %swap3A_533 {strides = array<i32>} : memref<16x128xi32, #tpu.memory_space<vmem>>, vector<1x16xi32>,
      %add3A_534 = vector.broadcast %mul3A_477 : i32 to vector<16xi32>
      %add3A_535 = arith.addi %add3A_29, %add3A_534 : vector<16xi32>
      %swap3A_536 = arith.constant 4 : i32
      %swap3A_537 = arith.index_cast %swap3A_536 : i32 to index
      %swap3A_538 = arith.constant 112 : index
      %swap3A_539 = tpu.vector_load %arg8[%swap3A_537, %swap3A_538] {strides = array<i32>} : memref<16x128xi32, #tpu.memory_space<vmem>>, vector<1x16xi32>,
      %swap3A_540 = vector.shape_cast %swap3A_539 : vector<1x16xi32> to vector<16xi32>
      %swap3A_541 = vector.shape_cast %add3A_535 : vector<16xi32> to vector<1x16xi32>
      tpu.vector_store %arg8[%swap3A_537, %swap3A_538], %swap3A_541 {strides = array<i32>} : memref<16x128xi32, #tpu.memory_space<vmem>>, vector<1x16xi32>,
      %slice3A_542 = vector.extract_strided_slice %get3A_204 {offsets = [5], sizes = [1], strides = [1]} : vector<16xi32> to vector<1xi32>
      %squeeze3A_543 = vector.extract %slice3A_542[0] : i32 from vector<1xi32>
      %mul3A_544 = arith.constant 128 : i32
      %mul3A_545 = arith.muli %squeeze3A_543, %mul3A_544 : i32
      %add3A_546 = vector.broadcast %mul3A_545 : i32 to vector<16xi32>
      %add3A_547 = arith.addi %add3A_1, %add3A_546 : vector<16xi32>
      %swap3A_548 = arith.constant 5 : i32
      %swap3A_549 = arith.index_cast %swap3A_548 : i32 to index
      %swap3A_550 = arith.constant 0 : index
      %swap3A_551 = tpu.vector_load %arg8[%swap3A_549, %swap3A_550] {strides = array<i32>} : memref<16x128xi32, #tpu.memory_space<vmem>>, vector<1x16xi32>,
      %swap3A_552 = vector.shape_cast %swap3A_551 : vector<1x16xi32> to vector<16xi32>
      %swap3A_553 = vector.shape_cast %add3A_547 : vector<16xi32> to vector<1x16xi32>
      tpu.vector_store %arg8[%swap3A_549, %swap3A_550], %swap3A_553 {strides = array<i32>} : memref<16x128xi32, #tpu.memory_space<vmem>>, vector<1x16xi32>,
      %add3A_554 = vector.broadcast %mul3A_545 : i32 to vector<16xi32>
      %add3A_555 = arith.addi %add3A_5, %add3A_554 : vector<16xi32>
      %swap3A_556 = arith.constant 5 : i32
      %swap3A_557 = arith.index_cast %swap3A_556 : i32 to index
      %swap3A_558 = arith.constant 16 : index
      %swap3A_559 = tpu.vector_load %arg8[%swap3A_557, %swap3A_558] {strides = array<i32>} : memref<16x128xi32, #tpu.memory_space<vmem>>, vector<1x16xi32>,
      %swap3A_560 = vector.shape_cast %swap3A_559 : vector<1x16xi32> to vector<16xi32>
      %swap3A_561 = vector.shape_cast %add3A_555 : vector<16xi32> to vector<1x16xi32>
      tpu.vector_store %arg8[%swap3A_557, %swap3A_558], %swap3A_561 {strides = array<i32>} : memref<16x128xi32, #tpu.memory_space<vmem>>, vector<1x16xi32>,
      %add3A_562 = vector.broadcast %mul3A_545 : i32 to vector<16xi32>
      %add3A_563 = arith.addi %add3A_9, %add3A_562 : vector<16xi32>
      %swap3A_564 = arith.constant 5 : i32
      %swap3A_565 = arith.index_cast %swap3A_564 : i32 to index
      %swap3A_566 = arith.constant 32 : index
      %swap3A_567 = tpu.vector_load %arg8[%swap3A_565, %swap3A_566] {strides = array<i32>} : memref<16x128xi32, #tpu.memory_space<vmem>>, vector<1x16xi32>,
      %swap3A_568 = vector.shape_cast %swap3A_567 : vector<1x16xi32> to vector<16xi32>
      %swap3A_569 = vector.shape_cast %add3A_563 : vector<16xi32> to vector<1x16xi32>
      tpu.vector_store %arg8[%swap3A_565, %swap3A_566], %swap3A_569 {strides = array<i32>} : memref<16x128xi32, #tpu.memory_space<vmem>>, vector<1x16xi32>,
      %add3A_570 = vector.broadcast %mul3A_545 : i32 to vector<16xi32>
      %add3A_571 = arith.addi %add3A_13, %add3A_570 : vector<16xi32>
      %swap3A_572 = arith.constant 5 : i32
      %swap3A_573 = arith.index_cast %swap3A_572 : i32 to index
      %swap3A_574 = arith.constant 48 : index
      %swap3A_575 = tpu.vector_load %arg8[%swap3A_573, %swap3A_574] {strides = array<i32>} : memref<16x128xi32, #tpu.memory_space<vmem>>, vector<1x16xi32>,
      %swap3A_576 = vector.shape_cast %swap3A_575 : vector<1x16xi32> to vector<16xi32>
      %swap3A_577 = vector.shape_cast %add3A_571 : vector<16xi32> to vector<1x16xi32>
      tpu.vector_store %arg8[%swap3A_573, %swap3A_574], %swap3A_577 {strides = array<i32>} : memref<16x128xi32, #tpu.memory_space<vmem>>, vector<1x16xi32>,
      %add3A_578 = vector.broadcast %mul3A_545 : i32 to vector<16xi32>
      %add3A_579 = arith.addi %add3A_17, %add3A_578 : vector<16xi32>
      %swap3A_580 = arith.constant 5 : i32
      %swap3A_581 = arith.index_cast %swap3A_580 : i32 to index
      %swap3A_582 = arith.constant 64 : index
      %swap3A_583 = tpu.vector_load %arg8[%swap3A_581, %swap3A_582] {strides = array<i32>} : memref<16x128xi32, #tpu.memory_space<vmem>>, vector<1x16xi32>,
      %swap3A_584 = vector.shape_cast %swap3A_583 : vector<1x16xi32> to vector<16xi32>
      %swap3A_585 = vector.shape_cast %add3A_579 : vector<16xi32> to vector<1x16xi32>
      tpu.vector_store %arg8[%swap3A_581, %swap3A_582], %swap3A_585 {strides = array<i32>} : memref<16x128xi32, #tpu.memory_space<vmem>>, vector<1x16xi32>,
      %add3A_586 = vector.broadcast %mul3A_545 : i32 to vector<16xi32>
      %add3A_587 = arith.addi %add3A_21, %add3A_586 : vector<16xi32>
      %swap3A_588 = arith.constant 5 : i32
      %swap3A_589 = arith.index_cast %swap3A_588 : i32 to index
      %swap3A_590 = arith.constant 80 : index
      %swap3A_591 = tpu.vector_load %arg8[%swap3A_589, %swap3A_590] {strides = array<i32>} : memref<16x128xi32, #tpu.memory_space<vmem>>, vector<1x16xi32>,
      %swap3A_592 = vector.shape_cast %swap3A_591 : vector<1x16xi32> to vector<16xi32>
      %swap3A_593 = vector.shape_cast %add3A_587 : vector<16xi32> to vector<1x16xi32>
      tpu.vector_store %arg8[%swap3A_589, %swap3A_590], %swap3A_593 {strides = array<i32>} : memref<16x128xi32, #tpu.memory_space<vmem>>, vector<1x16xi32>,
      %add3A_594 = vector.broadcast %mul3A_545 : i32 to vector<16xi32>
      %add3A_595 = arith.addi %add3A_25, %add3A_594 : vector<16xi32>
      %swap3A_596 = arith.constant 5 : i32
      %swap3A_597 = arith.index_cast %swap3A_596 : i32 to index
      %swap3A_598 = arith.constant 96 : index
      %swap3A_599 = tpu.vector_load %arg8[%swap3A_597, %swap3A_598] {strides = array<i32>} : memref<16x128xi32, #tpu.memory_space<vmem>>, vector<1x16xi32>,
      %swap3A_600 = vector.shape_cast %swap3A_599 : vector<1x16xi32> to vector<16xi32>
      %swap3A_601 = vector.shape_cast %add3A_595 : vector<16xi32> to vector<1x16xi32>
      tpu.vector_store %arg8[%swap3A_597, %swap3A_598], %swap3A_601 {strides = array<i32>} : memref<16x128xi32, #tpu.memory_space<vmem>>, vector<1x16xi32>,
      %add3A_602 = vector.broadcast %mul3A_545 : i32 to vector<16xi32>
      %add3A_603 = arith.addi %add3A_29, %add3A_602 : vector<16xi32>
      %swap3A_604 = arith.constant 5 : i32
      %swap3A_605 = arith.index_cast %swap3A_604 : i32 to index
      %swap3A_606 = arith.constant 112 : index
      %swap3A_607 = tpu.vector_load %arg8[%swap3A_605, %swap3A_606] {strides = array<i32>} : memref<16x128xi32, #tpu.memory_space<vmem>>, vector<1x16xi32>,
      %swap3A_608 = vector.shape_cast %swap3A_607 : vector<1x16xi32> to vector<16xi32>
      %swap3A_609 = vector.shape_cast %add3A_603 : vector<16xi32> to vector<1x16xi32>
      tpu.vector_store %arg8[%swap3A_605, %swap3A_606], %swap3A_609 {strides = array<i32>} : memref<16x128xi32, #tpu.memory_space<vmem>>, vector<1x16xi32>,
      %slice3A_610 = vector.extract_strided_slice %get3A_204 {offsets = [6], sizes = [1], strides = [1]} : vector<16xi32> to vector<1xi32>
      %squeeze3A_611 = vector.extract %slice3A_610[0] : i32 from vector<1xi32>
      %mul3A_612 = arith.constant 128 : i32
      %mul3A_613 = arith.muli %squeeze3A_611, %mul3A_612 : i32
      %add3A_614 = vector.broadcast %mul3A_613 : i32 to vector<16xi32>
      %add3A_615 = arith.addi %add3A_1, %add3A_614 : vector<16xi32>
      %swap3A_616 = arith.constant 6 : i32
      %swap3A_617 = arith.index_cast %swap3A_616 : i32 to index
      %swap3A_618 = arith.constant 0 : index
      %swap3A_619 = tpu.vector_load %arg8[%swap3A_617, %swap3A_618] {strides = array<i32>} : memref<16x128xi32, #tpu.memory_space<vmem>>, vector<1x16xi32>,
      %swap3A_620 = vector.shape_cast %swap3A_619 : vector<1x16xi32> to vector<16xi32>
      %swap3A_621 = vector.shape_cast %add3A_615 : vector<16xi32> to vector<1x16xi32>
      tpu.vector_store %arg8[%swap3A_617, %swap3A_618], %swap3A_621 {strides = array<i32>} : memref<16x128xi32, #tpu.memory_space<vmem>>, vector<1x16xi32>,
      %add3A_622 = vector.broadcast %mul3A_613 : i32 to vector<16xi32>
      %add3A_623 = arith.addi %add3A_5, %add3A_622 : vector<16xi32>
      %swap3A_624 = arith.constant 6 : i32
      %swap3A_625 = arith.index_cast %swap3A_624 : i32 to index
      %swap3A_626 = arith.constant 16 : index
      %swap3A_627 = tpu.vector_load %arg8[%swap3A_625, %swap3A_626] {strides = array<i32>} : memref<16x128xi32, #tpu.memory_space<vmem>>, vector<1x16xi32>,
      %swap3A_628 = vector.shape_cast %swap3A_627 : vector<1x16xi32> to vector<16xi32>
      %swap3A_629 = vector.shape_cast %add3A_623 : vector<16xi32> to vector<1x16xi32>
      tpu.vector_store %arg8[%swap3A_625, %swap3A_626], %swap3A_629 {strides = array<i32>} : memref<16x128xi32, #tpu.memory_space<vmem>>, vector<1x16xi32>,
      %add3A_630 = vector.broadcast %mul3A_613 : i32 to vector<16xi32>
      %add3A_631 = arith.addi %add3A_9, %add3A_630 : vector<16xi32>
      %swap3A_632 = arith.constant 6 : i32
      %swap3A_633 = arith.index_cast %swap3A_632 : i32 to index
      %swap3A_634 = arith.constant 32 : index
      %swap3A_635 = tpu.vector_load %arg8[%swap3A_633, %swap3A_634] {strides = array<i32>} : memref<16x128xi32, #tpu.memory_space<vmem>>, vector<1x16xi32>,
      %swap3A_636 = vector.shape_cast %swap3A_635 : vector<1x16xi32> to vector<16xi32>
      %swap3A_637 = vector.shape_cast %add3A_631 : vector<16xi32> to vector<1x16xi32>
      tpu.vector_store %arg8[%swap3A_633, %swap3A_634], %swap3A_637 {strides = array<i32>} : memref<16x128xi32, #tpu.memory_space<vmem>>, vector<1x16xi32>,
      %add3A_638 = vector.broadcast %mul3A_613 : i32 to vector<16xi32>
      %add3A_639 = arith.addi %add3A_13, %add3A_638 : vector<16xi32>
      %swap3A_640 = arith.constant 6 : i32
      %swap3A_641 = arith.index_cast %swap3A_640 : i32 to index
      %swap3A_642 = arith.constant 48 : index
      %swap3A_643 = tpu.vector_load %arg8[%swap3A_641, %swap3A_642] {strides = array<i32>} : memref<16x128xi32, #tpu.memory_space<vmem>>, vector<1x16xi32>,
      %swap3A_644 = vector.shape_cast %swap3A_643 : vector<1x16xi32> to vector<16xi32>
      %swap3A_645 = vector.shape_cast %add3A_639 : vector<16xi32> to vector<1x16xi32>
      tpu.vector_store %arg8[%swap3A_641, %swap3A_642], %swap3A_645 {strides = array<i32>} : memref<16x128xi32, #tpu.memory_space<vmem>>, vector<1x16xi32>,
      %add3A_646 = vector.broadcast %mul3A_613 : i32 to vector<16xi32>
      %add3A_647 = arith.addi %add3A_17, %add3A_646 : vector<16xi32>
      %swap3A_648 = arith.constant 6 : i32
      %swap3A_649 = arith.index_cast %swap3A_648 : i32 to index
      %swap3A_650 = arith.constant 64 : index
      %swap3A_651 = tpu.vector_load %arg8[%swap3A_649, %swap3A_650] {strides = array<i32>} : memref<16x128xi32, #tpu.memory_space<vmem>>, vector<1x16xi32>,
      %swap3A_652 = vector.shape_cast %swap3A_651 : vector<1x16xi32> to vector<16xi32>
      %swap3A_653 = vector.shape_cast %add3A_647 : vector<16xi32> to vector<1x16xi32>
      tpu.vector_store %arg8[%swap3A_649, %swap3A_650], %swap3A_653 {strides = array<i32>} : memref<16x128xi32, #tpu.memory_space<vmem>>, vector<1x16xi32>,
      %add3A_654 = vector.broadcast %mul3A_613 : i32 to vector<16xi32>
      %add3A_655 = arith.addi %add3A_21, %add3A_654 : vector<16xi32>
      %swap3A_656 = arith.constant 6 : i32
      %swap3A_657 = arith.index_cast %swap3A_656 : i32 to index
      %swap3A_658 = arith.constant 80 : index
      %swap3A_659 = tpu.vector_load %arg8[%swap3A_657, %swap3A_658] {strides = array<i32>} : memref<16x128xi32, #tpu.memory_space<vmem>>, vector<1x16xi32>,
      %swap3A_660 = vector.shape_cast %swap3A_659 : vector<1x16xi32> to vector<16xi32>
      %swap3A_661 = vector.shape_cast %add3A_655 : vector<16xi32> to vector<1x16xi32>
      tpu.vector_store %arg8[%swap3A_657, %swap3A_658], %swap3A_661 {strides = array<i32>} : memref<16x128xi32, #tpu.memory_space<vmem>>, vector<1x16xi32>,
      %add3A_662 = vector.broadcast %mul3A_613 : i32 to vector<16xi32>
      %add3A_663 = arith.addi %add3A_25, %add3A_662 : vector<16xi32>
      %swap3A_664 = arith.constant 6 : i32
      %swap3A_665 = arith.index_cast %swap3A_664 : i32 to index
      %swap3A_666 = arith.constant 96 : index
      %swap3A_667 = tpu.vector_load %arg8[%swap3A_665, %swap3A_666] {strides = array<i32>} : memref<16x128xi32, #tpu.memory_space<vmem>>, vector<1x16xi32>,
      %swap3A_668 = vector.shape_cast %swap3A_667 : vector<1x16xi32> to vector<16xi32>
      %swap3A_669 = vector.shape_cast %add3A_663 : vector<16xi32> to vector<1x16xi32>
      tpu.vector_store %arg8[%swap3A_665, %swap3A_666], %swap3A_669 {strides = array<i32>} : memref<16x128xi32, #tpu.memory_space<vmem>>, vector<1x16xi32>,
      %add3A_670 = vector.broadcast %mul3A_613 : i32 to vector<16xi32>
      %add3A_671 = arith.addi %add3A_29, %add3A_670 : vector<16xi32>
      %swap3A_672 = arith.constant 6 : i32
      %swap3A_673 = arith.index_cast %swap3A_672 : i32 to index
      %swap3A_674 = arith.constant 112 : index
      %swap3A_675 = tpu.vector_load %arg8[%swap3A_673, %swap3A_674] {strides = array<i32>} : memref<16x128xi32, #tpu.memory_space<vmem>>, vector<1x16xi32>,
      %swap3A_676 = vector.shape_cast %swap3A_675 : vector<1x16xi32> to vector<16xi32>
      %swap3A_677 = vector.shape_cast %add3A_671 : vector<16xi32> to vector<1x16xi32>
      tpu.vector_store %arg8[%swap3A_673, %swap3A_674], %swap3A_677 {strides = array<i32>} : memref<16x128xi32, #tpu.memory_space<vmem>>, vector<1x16xi32>,
      %slice3A_678 = vector.extract_strided_slice %get3A_204 {offsets = [7], sizes = [1], strides = [1]} : vector<16xi32> to vector<1xi32>
      %squeeze3A_679 = vector.extract %slice3A_678[0] : i32 from vector<1xi32>
      %mul3A_680 = arith.constant 128 : i32
      %mul3A_681 = arith.muli %squeeze3A_679, %mul3A_680 : i32
      %add3A_682 = vector.broadcast %mul3A_681 : i32 to vector<16xi32>
      %add3A_683 = arith.addi %add3A_1, %add3A_682 : vector<16xi32>
      %swap3A_684 = arith.constant 7 : i32
      %swap3A_685 = arith.index_cast %swap3A_684 : i32 to index
      %swap3A_686 = arith.constant 0 : index
      %swap3A_687 = tpu.vector_load %arg8[%swap3A_685, %swap3A_686] {strides = array<i32>} : memref<16x128xi32, #tpu.memory_space<vmem>>, vector<1x16xi32>,
      %swap3A_688 = vector.shape_cast %swap3A_687 : vector<1x16xi32> to vector<16xi32>
      %swap3A_689 = vector.shape_cast %add3A_683 : vector<16xi32> to vector<1x16xi32>
      tpu.vector_store %arg8[%swap3A_685, %swap3A_686], %swap3A_689 {strides = array<i32>} : memref<16x128xi32, #tpu.memory_space<vmem>>, vector<1x16xi32>,
      %add3A_690 = vector.broadcast %mul3A_681 : i32 to vector<16xi32>
      %add3A_691 = arith.addi %add3A_5, %add3A_690 : vector<16xi32>
      %swap3A_692 = arith.constant 7 : i32
      %swap3A_693 = arith.index_cast %swap3A_692 : i32 to index
      %swap3A_694 = arith.constant 16 : index
      %swap3A_695 = tpu.vector_load %arg8[%swap3A_693, %swap3A_694] {strides = array<i32>} : memref<16x128xi32, #tpu.memory_space<vmem>>, vector<1x16xi32>,
      %swap3A_696 = vector.shape_cast %swap3A_695 : vector<1x16xi32> to vector<16xi32>
      %swap3A_697 = vector.shape_cast %add3A_691 : vector<16xi32> to vector<1x16xi32>
      tpu.vector_store %arg8[%swap3A_693, %swap3A_694], %swap3A_697 {strides = array<i32>} : memref<16x128xi32, #tpu.memory_space<vmem>>, vector<1x16xi32>,
      %add3A_698 = vector.broadcast %mul3A_681 : i32 to vector<16xi32>
      %add3A_699 = arith.addi %add3A_9, %add3A_698 : vector<16xi32>
      %swap3A_700 = arith.constant 7 : i32
      %swap3A_701 = arith.index_cast %swap3A_700 : i32 to index
      %swap3A_702 = arith.constant 32 : index
      %swap3A_703 = tpu.vector_load %arg8[%swap3A_701, %swap3A_702] {strides = array<i32>} : memref<16x128xi32, #tpu.memory_space<vmem>>, vector<1x16xi32>,
      %swap3A_704 = vector.shape_cast %swap3A_703 : vector<1x16xi32> to vector<16xi32>
      %swap3A_705 = vector.shape_cast %add3A_699 : vector<16xi32> to vector<1x16xi32>
      tpu.vector_store %arg8[%swap3A_701, %swap3A_702], %swap3A_705 {strides = array<i32>} : memref<16x128xi32, #tpu.memory_space<vmem>>, vector<1x16xi32>,
      %add3A_706 = vector.broadcast %mul3A_681 : i32 to vector<16xi32>
      %add3A_707 = arith.addi %add3A_13, %add3A_706 : vector<16xi32>
      %swap3A_708 = arith.constant 7 : i32
      %swap3A_709 = arith.index_cast %swap3A_708 : i32 to index
      %swap3A_710 = arith.constant 48 : index
      %swap3A_711 = tpu.vector_load %arg8[%swap3A_709, %swap3A_710] {strides = array<i32>} : memref<16x128xi32, #tpu.memory_space<vmem>>, vector<1x16xi32>,
      %swap3A_712 = vector.shape_cast %swap3A_711 : vector<1x16xi32> to vector<16xi32>
      %swap3A_713 = vector.shape_cast %add3A_707 : vector<16xi32> to vector<1x16xi32>
      tpu.vector_store %arg8[%swap3A_709, %swap3A_710], %swap3A_713 {strides = array<i32>} : memref<16x128xi32, #tpu.memory_space<vmem>>, vector<1x16xi32>,
      %add3A_714 = vector.broadcast %mul3A_681 : i32 to vector<16xi32>
      %add3A_715 = arith.addi %add3A_17, %add3A_714 : vector<16xi32>
      %swap3A_716 = arith.constant 7 : i32
      %swap3A_717 = arith.index_cast %swap3A_716 : i32 to index
      %swap3A_718 = arith.constant 64 : index
      %swap3A_719 = tpu.vector_load %arg8[%swap3A_717, %swap3A_718] {strides = array<i32>} : memref<16x128xi32, #tpu.memory_space<vmem>>, vector<1x16xi32>,
      %swap3A_720 = vector.shape_cast %swap3A_719 : vector<1x16xi32> to vector<16xi32>
      %swap3A_721 = vector.shape_cast %add3A_715 : vector<16xi32> to vector<1x16xi32>
      tpu.vector_store %arg8[%swap3A_717, %swap3A_718], %swap3A_721 {strides = array<i32>} : memref<16x128xi32, #tpu.memory_space<vmem>>, vector<1x16xi32>,
      %add3A_722 = vector.broadcast %mul3A_681 : i32 to vector<16xi32>
      %add3A_723 = arith.addi %add3A_21, %add3A_722 : vector<16xi32>
      %swap3A_724 = arith.constant 7 : i32
      %swap3A_725 = arith.index_cast %swap3A_724 : i32 to index
      %swap3A_726 = arith.constant 80 : index
      %swap3A_727 = tpu.vector_load %arg8[%swap3A_725, %swap3A_726] {strides = array<i32>} : memref<16x128xi32, #tpu.memory_space<vmem>>, vector<1x16xi32>,
      %swap3A_728 = vector.shape_cast %swap3A_727 : vector<1x16xi32> to vector<16xi32>
      %swap3A_729 = vector.shape_cast %add3A_723 : vector<16xi32> to vector<1x16xi32>
      tpu.vector_store %arg8[%swap3A_725, %swap3A_726], %swap3A_729 {strides = array<i32>} : memref<16x128xi32, #tpu.memory_space<vmem>>, vector<1x16xi32>,
      %add3A_730 = vector.broadcast %mul3A_681 : i32 to vector<16xi32>
      %add3A_731 = arith.addi %add3A_25, %add3A_730 : vector<16xi32>
      %swap3A_732 = arith.constant 7 : i32
      %swap3A_733 = arith.index_cast %swap3A_732 : i32 to index
      %swap3A_734 = arith.constant 96 : index
      %swap3A_735 = tpu.vector_load %arg8[%swap3A_733, %swap3A_734] {strides = array<i32>} : memref<16x128xi32, #tpu.memory_space<vmem>>, vector<1x16xi32>,
      %swap3A_736 = vector.shape_cast %swap3A_735 : vector<1x16xi32> to vector<16xi32>
      %swap3A_737 = vector.shape_cast %add3A_731 : vector<16xi32> to vector<1x16xi32>
      tpu.vector_store %arg8[%swap3A_733, %swap3A_734], %swap3A_737 {strides = array<i32>} : memref<16x128xi32, #tpu.memory_space<vmem>>, vector<1x16xi32>,
      %add3A_738 = vector.broadcast %mul3A_681 : i32 to vector<16xi32>
      %add3A_739 = arith.addi %add3A_29, %add3A_738 : vector<16xi32>
      %swap3A_740 = arith.constant 7 : i32
      %swap3A_741 = arith.index_cast %swap3A_740 : i32 to index
      %swap3A_742 = arith.constant 112 : index
      %swap3A_743 = tpu.vector_load %arg8[%swap3A_741, %swap3A_742] {strides = array<i32>} : memref<16x128xi32, #tpu.memory_space<vmem>>, vector<1x16xi32>,
      %swap3A_744 = vector.shape_cast %swap3A_743 : vector<1x16xi32> to vector<16xi32>
      %swap3A_745 = vector.shape_cast %add3A_739 : vector<16xi32> to vector<1x16xi32>
      tpu.vector_store %arg8[%swap3A_741, %swap3A_742], %swap3A_745 {strides = array<i32>} : memref<16x128xi32, #tpu.memory_space<vmem>>, vector<1x16xi32>,
      %slice3A_746 = vector.extract_strided_slice %get3A_204 {offsets = [8], sizes = [1], strides = [1]} : vector<16xi32> to vector<1xi32>
      %squeeze3A_747 = vector.extract %slice3A_746[0] : i32 from vector<1xi32>
      %mul3A_748 = arith.constant 128 : i32
      %mul3A_749 = arith.muli %squeeze3A_747, %mul3A_748 : i32
      %add3A_750 = vector.broadcast %mul3A_749 : i32 to vector<16xi32>
      %add3A_751 = arith.addi %add3A_1, %add3A_750 : vector<16xi32>
      %swap3A_752 = arith.constant 8 : i32
      %swap3A_753 = arith.index_cast %swap3A_752 : i32 to index
      %swap3A_754 = arith.constant 0 : index
      %swap3A_755 = tpu.vector_load %arg8[%swap3A_753, %swap3A_754] {strides = array<i32>} : memref<16x128xi32, #tpu.memory_space<vmem>>, vector<1x16xi32>,
      %swap3A_756 = vector.shape_cast %swap3A_755 : vector<1x16xi32> to vector<16xi32>
      %swap3A_757 = vector.shape_cast %add3A_751 : vector<16xi32> to vector<1x16xi32>
      tpu.vector_store %arg8[%swap3A_753, %swap3A_754], %swap3A_757 {strides = array<i32>} : memref<16x128xi32, #tpu.memory_space<vmem>>, vector<1x16xi32>,
      %add3A_758 = vector.broadcast %mul3A_749 : i32 to vector<16xi32>
      %add3A_759 = arith.addi %add3A_5, %add3A_758 : vector<16xi32>
      %swap3A_760 = arith.constant 8 : i32
      %swap3A_761 = arith.index_cast %swap3A_760 : i32 to index
      %swap3A_762 = arith.constant 16 : index
      %swap3A_763 = tpu.vector_load %arg8[%swap3A_761, %swap3A_762] {strides = array<i32>} : memref<16x128xi32, #tpu.memory_space<vmem>>, vector<1x16xi32>,
      %swap3A_764 = vector.shape_cast %swap3A_763 : vector<1x16xi32> to vector<16xi32>
      %swap3A_765 = vector.shape_cast %add3A_759 : vector<16xi32> to vector<1x16xi32>
      tpu.vector_store %arg8[%swap3A_761, %swap3A_762], %swap3A_765 {strides = array<i32>} : memref<16x128xi32, #tpu.memory_space<vmem>>, vector<1x16xi32>,
      %add3A_766 = vector.broadcast %mul3A_749 : i32 to vector<16xi32>
      %add3A_767 = arith.addi %add3A_9, %add3A_766 : vector<16xi32>
      %swap3A_768 = arith.constant 8 : i32
      %swap3A_769 = arith.index_cast %swap3A_768 : i32 to index
      %swap3A_770 = arith.constant 32 : index
      %swap3A_771 = tpu.vector_load %arg8[%swap3A_769, %swap3A_770] {strides = array<i32>} : memref<16x128xi32, #tpu.memory_space<vmem>>, vector<1x16xi32>,
      %swap3A_772 = vector.shape_cast %swap3A_771 : vector<1x16xi32> to vector<16xi32>
      %swap3A_773 = vector.shape_cast %add3A_767 : vector<16xi32> to vector<1x16xi32>
      tpu.vector_store %arg8[%swap3A_769, %swap3A_770], %swap3A_773 {strides = array<i32>} : memref<16x128xi32, #tpu.memory_space<vmem>>, vector<1x16xi32>,
      %add3A_774 = vector.broadcast %mul3A_749 : i32 to vector<16xi32>
      %add3A_775 = arith.addi %add3A_13, %add3A_774 : vector<16xi32>
      %swap3A_776 = arith.constant 8 : i32
      %swap3A_777 = arith.index_cast %swap3A_776 : i32 to index
      %swap3A_778 = arith.constant 48 : index
      %swap3A_779 = tpu.vector_load %arg8[%swap3A_777, %swap3A_778] {strides = array<i32>} : memref<16x128xi32, #tpu.memory_space<vmem>>, vector<1x16xi32>,
      %swap3A_780 = vector.shape_cast %swap3A_779 : vector<1x16xi32> to vector<16xi32>
      %swap3A_781 = vector.shape_cast %add3A_775 : vector<16xi32> to vector<1x16xi32>
      tpu.vector_store %arg8[%swap3A_777, %swap3A_778], %swap3A_781 {strides = array<i32>} : memref<16x128xi32, #tpu.memory_space<vmem>>, vector<1x16xi32>,
      %add3A_782 = vector.broadcast %mul3A_749 : i32 to vector<16xi32>
      %add3A_783 = arith.addi %add3A_17, %add3A_782 : vector<16xi32>
      %swap3A_784 = arith.constant 8 : i32
      %swap3A_785 = arith.index_cast %swap3A_784 : i32 to index
      %swap3A_786 = arith.constant 64 : index
      %swap3A_787 = tpu.vector_load %arg8[%swap3A_785, %swap3A_786] {strides = array<i32>} : memref<16x128xi32, #tpu.memory_space<vmem>>, vector<1x16xi32>,
      %swap3A_788 = vector.shape_cast %swap3A_787 : vector<1x16xi32> to vector<16xi32>
      %swap3A_789 = vector.shape_cast %add3A_783 : vector<16xi32> to vector<1x16xi32>
      tpu.vector_store %arg8[%swap3A_785, %swap3A_786], %swap3A_789 {strides = array<i32>} : memref<16x128xi32, #tpu.memory_space<vmem>>, vector<1x16xi32>,
      %add3A_790 = vector.broadcast %mul3A_749 : i32 to vector<16xi32>
      %add3A_791 = arith.addi %add3A_21, %add3A_790 : vector<16xi32>
      %swap3A_792 = arith.constant 8 : i32
      %swap3A_793 = arith.index_cast %swap3A_792 : i32 to index
      %swap3A_794 = arith.constant 80 : index
      %swap3A_795 = tpu.vector_load %arg8[%swap3A_793, %swap3A_794] {strides = array<i32>} : memref<16x128xi32, #tpu.memory_space<vmem>>, vector<1x16xi32>,
      %swap3A_796 = vector.shape_cast %swap3A_795 : vector<1x16xi32> to vector<16xi32>
      %swap3A_797 = vector.shape_cast %add3A_791 : vector<16xi32> to vector<1x16xi32>
      tpu.vector_store %arg8[%swap3A_793, %swap3A_794], %swap3A_797 {strides = array<i32>} : memref<16x128xi32, #tpu.memory_space<vmem>>, vector<1x16xi32>,
      %add3A_798 = vector.broadcast %mul3A_749 : i32 to vector<16xi32>
      %add3A_799 = arith.addi %add3A_25, %add3A_798 : vector<16xi32>
      %swap3A_800 = arith.constant 8 : i32
      %swap3A_801 = arith.index_cast %swap3A_800 : i32 to index
      %swap3A_802 = arith.constant 96 : index
      %swap3A_803 = tpu.vector_load %arg8[%swap3A_801, %swap3A_802] {strides = array<i32>} : memref<16x128xi32, #tpu.memory_space<vmem>>, vector<1x16xi32>,
      %swap3A_804 = vector.shape_cast %swap3A_803 : vector<1x16xi32> to vector<16xi32>
      %swap3A_805 = vector.shape_cast %add3A_799 : vector<16xi32> to vector<1x16xi32>
      tpu.vector_store %arg8[%swap3A_801, %swap3A_802], %swap3A_805 {strides = array<i32>} : memref<16x128xi32, #tpu.memory_space<vmem>>, vector<1x16xi32>,
      %add3A_806 = vector.broadcast %mul3A_749 : i32 to vector<16xi32>
      %add3A_807 = arith.addi %add3A_29, %add3A_806 : vector<16xi32>
      %swap3A_808 = arith.constant 8 : i32
      %swap3A_809 = arith.index_cast %swap3A_808 : i32 to index
      %swap3A_810 = arith.constant 112 : index
      %swap3A_811 = tpu.vector_load %arg8[%swap3A_809, %swap3A_810] {strides = array<i32>} : memref<16x128xi32, #tpu.memory_space<vmem>>, vector<1x16xi32>,
      %swap3A_812 = vector.shape_cast %swap3A_811 : vector<1x16xi32> to vector<16xi32>
      %swap3A_813 = vector.shape_cast %add3A_807 : vector<16xi32> to vector<1x16xi32>
      tpu.vector_store %arg8[%swap3A_809, %swap3A_810], %swap3A_813 {strides = array<i32>} : memref<16x128xi32, #tpu.memory_space<vmem>>, vector<1x16xi32>,
      %slice3A_814 = vector.extract_strided_slice %get3A_204 {offsets = [9], sizes = [1], strides = [1]} : vector<16xi32> to vector<1xi32>
      %squeeze3A_815 = vector.extract %slice3A_814[0] : i32 from vector<1xi32>
      %mul3A_816 = arith.constant 128 : i32
      %mul3A_817 = arith.muli %squeeze3A_815, %mul3A_816 : i32
      %add3A_818 = vector.broadcast %mul3A_817 : i32 to vector<16xi32>
      %add3A_819 = arith.addi %add3A_1, %add3A_818 : vector<16xi32>
      %swap3A_820 = arith.constant 9 : i32
      %swap3A_821 = arith.index_cast %swap3A_820 : i32 to index
      %swap3A_822 = arith.constant 0 : index
      %swap3A_823 = tpu.vector_load %arg8[%swap3A_821, %swap3A_822] {strides = array<i32>} : memref<16x128xi32, #tpu.memory_space<vmem>>, vector<1x16xi32>,
      %swap3A_824 = vector.shape_cast %swap3A_823 : vector<1x16xi32> to vector<16xi32>
      %swap3A_825 = vector.shape_cast %add3A_819 : vector<16xi32> to vector<1x16xi32>
      tpu.vector_store %arg8[%swap3A_821, %swap3A_822], %swap3A_825 {strides = array<i32>} : memref<16x128xi32, #tpu.memory_space<vmem>>, vector<1x16xi32>,
      %add3A_826 = vector.broadcast %mul3A_817 : i32 to vector<16xi32>
      %add3A_827 = arith.addi %add3A_5, %add3A_826 : vector<16xi32>
      %swap3A_828 = arith.constant 9 : i32
      %swap3A_829 = arith.index_cast %swap3A_828 : i32 to index
      %swap3A_830 = arith.constant 16 : index
      %swap3A_831 = tpu.vector_load %arg8[%swap3A_829, %swap3A_830] {strides = array<i32>} : memref<16x128xi32, #tpu.memory_space<vmem>>, vector<1x16xi32>,
      %swap3A_832 = vector.shape_cast %swap3A_831 : vector<1x16xi32> to vector<16xi32>
      %swap3A_833 = vector.shape_cast %add3A_827 : vector<16xi32> to vector<1x16xi32>
      tpu.vector_store %arg8[%swap3A_829, %swap3A_830], %swap3A_833 {strides = array<i32>} : memref<16x128xi32, #tpu.memory_space<vmem>>, vector<1x16xi32>,
      %add3A_834 = vector.broadcast %mul3A_817 : i32 to vector<16xi32>
      %add3A_835 = arith.addi %add3A_9, %add3A_834 : vector<16xi32>
      %swap3A_836 = arith.constant 9 : i32
      %swap3A_837 = arith.index_cast %swap3A_836 : i32 to index
      %swap3A_838 = arith.constant 32 : index
      %swap3A_839 = tpu.vector_load %arg8[%swap3A_837, %swap3A_838] {strides = array<i32>} : memref<16x128xi32, #tpu.memory_space<vmem>>, vector<1x16xi32>,
      %swap3A_840 = vector.shape_cast %swap3A_839 : vector<1x16xi32> to vector<16xi32>
      %swap3A_841 = vector.shape_cast %add3A_835 : vector<16xi32> to vector<1x16xi32>
      tpu.vector_store %arg8[%swap3A_837, %swap3A_838], %swap3A_841 {strides = array<i32>} : memref<16x128xi32, #tpu.memory_space<vmem>>, vector<1x16xi32>,
      %add3A_842 = vector.broadcast %mul3A_817 : i32 to vector<16xi32>
      %add3A_843 = arith.addi %add3A_13, %add3A_842 : vector<16xi32>
      %swap3A_844 = arith.constant 9 : i32
      %swap3A_845 = arith.index_cast %swap3A_844 : i32 to index
      %swap3A_846 = arith.constant 48 : index
      %swap3A_847 = tpu.vector_load %arg8[%swap3A_845, %swap3A_846] {strides = array<i32>} : memref<16x128xi32, #tpu.memory_space<vmem>>, vector<1x16xi32>,
      %swap3A_848 = vector.shape_cast %swap3A_847 : vector<1x16xi32> to vector<16xi32>
      %swap3A_849 = vector.shape_cast %add3A_843 : vector<16xi32> to vector<1x16xi32>
      tpu.vector_store %arg8[%swap3A_845, %swap3A_846], %swap3A_849 {strides = array<i32>} : memref<16x128xi32, #tpu.memory_space<vmem>>, vector<1x16xi32>,
      %add3A_850 = vector.broadcast %mul3A_817 : i32 to vector<16xi32>
      %add3A_851 = arith.addi %add3A_17, %add3A_850 : vector<16xi32>
      %swap3A_852 = arith.constant 9 : i32
      %swap3A_853 = arith.index_cast %swap3A_852 : i32 to index
      %swap3A_854 = arith.constant 64 : index
      %swap3A_855 = tpu.vector_load %arg8[%swap3A_853, %swap3A_854] {strides = array<i32>} : memref<16x128xi32, #tpu.memory_space<vmem>>, vector<1x16xi32>,
      %swap3A_856 = vector.shape_cast %swap3A_855 : vector<1x16xi32> to vector<16xi32>
      %swap3A_857 = vector.shape_cast %add3A_851 : vector<16xi32> to vector<1x16xi32>
      tpu.vector_store %arg8[%swap3A_853, %swap3A_854], %swap3A_857 {strides = array<i32>} : memref<16x128xi32, #tpu.memory_space<vmem>>, vector<1x16xi32>,
      %add3A_858 = vector.broadcast %mul3A_817 : i32 to vector<16xi32>
      %add3A_859 = arith.addi %add3A_21, %add3A_858 : vector<16xi32>
      %swap3A_860 = arith.constant 9 : i32
      %swap3A_861 = arith.index_cast %swap3A_860 : i32 to index
      %swap3A_862 = arith.constant 80 : index
      %swap3A_863 = tpu.vector_load %arg8[%swap3A_861, %swap3A_862] {strides = array<i32>} : memref<16x128xi32, #tpu.memory_space<vmem>>, vector<1x16xi32>,
      %swap3A_864 = vector.shape_cast %swap3A_863 : vector<1x16xi32> to vector<16xi32>
      %swap3A_865 = vector.shape_cast %add3A_859 : vector<16xi32> to vector<1x16xi32>
      tpu.vector_store %arg8[%swap3A_861, %swap3A_862], %swap3A_865 {strides = array<i32>} : memref<16x128xi32, #tpu.memory_space<vmem>>, vector<1x16xi32>,
      %add3A_866 = vector.broadcast %mul3A_817 : i32 to vector<16xi32>
      %add3A_867 = arith.addi %add3A_25, %add3A_866 : vector<16xi32>
      %swap3A_868 = arith.constant 9 : i32
      %swap3A_869 = arith.index_cast %swap3A_868 : i32 to index
      %swap3A_870 = arith.constant 96 : index
      %swap3A_871 = tpu.vector_load %arg8[%swap3A_869, %swap3A_870] {strides = array<i32>} : memref<16x128xi32, #tpu.memory_space<vmem>>, vector<1x16xi32>,
      %swap3A_872 = vector.shape_cast %swap3A_871 : vector<1x16xi32> to vector<16xi32>
      %swap3A_873 = vector.shape_cast %add3A_867 : vector<16xi32> to vector<1x16xi32>
      tpu.vector_store %arg8[%swap3A_869, %swap3A_870], %swap3A_873 {strides = array<i32>} : memref<16x128xi32, #tpu.memory_space<vmem>>, vector<1x16xi32>,
      %add3A_874 = vector.broadcast %mul3A_817 : i32 to vector<16xi32>
      %add3A_875 = arith.addi %add3A_29, %add3A_874 : vector<16xi32>
      %swap3A_876 = arith.constant 9 : i32
      %swap3A_877 = arith.index_cast %swap3A_876 : i32 to index
      %swap3A_878 = arith.constant 112 : index
      %swap3A_879 = tpu.vector_load %arg8[%swap3A_877, %swap3A_878] {strides = array<i32>} : memref<16x128xi32, #tpu.memory_space<vmem>>, vector<1x16xi32>,
      %swap3A_880 = vector.shape_cast %swap3A_879 : vector<1x16xi32> to vector<16xi32>
      %swap3A_881 = vector.shape_cast %add3A_875 : vector<16xi32> to vector<1x16xi32>
      tpu.vector_store %arg8[%swap3A_877, %swap3A_878], %swap3A_881 {strides = array<i32>} : memref<16x128xi32, #tpu.memory_space<vmem>>, vector<1x16xi32>,
      %slice3A_882 = vector.extract_strided_slice %get3A_204 {offsets = [10], sizes = [1], strides = [1]} : vector<16xi32> to vector<1xi32>
      %squeeze3A_883 = vector.extract %slice3A_882[0] : i32 from vector<1xi32>
      %mul3A_884 = arith.constant 128 : i32
      %mul3A_885 = arith.muli %squeeze3A_883, %mul3A_884 : i32
      %add3A_886 = vector.broadcast %mul3A_885 : i32 to vector<16xi32>
      %add3A_887 = arith.addi %add3A_1, %add3A_886 : vector<16xi32>
      %swap3A_888 = arith.constant 10 : i32
      %swap3A_889 = arith.index_cast %swap3A_888 : i32 to index
      %swap3A_890 = arith.constant 0 : index
      %swap3A_891 = tpu.vector_load %arg8[%swap3A_889, %swap3A_890] {strides = array<i32>} : memref<16x128xi32, #tpu.memory_space<vmem>>, vector<1x16xi32>,
      %swap3A_892 = vector.shape_cast %swap3A_891 : vector<1x16xi32> to vector<16xi32>
      %swap3A_893 = vector.shape_cast %add3A_887 : vector<16xi32> to vector<1x16xi32>
      tpu.vector_store %arg8[%swap3A_889, %swap3A_890], %swap3A_893 {strides = array<i32>} : memref<16x128xi32, #tpu.memory_space<vmem>>, vector<1x16xi32>,
      %add3A_894 = vector.broadcast %mul3A_885 : i32 to vector<16xi32>
      %add3A_895 = arith.addi %add3A_5, %add3A_894 : vector<16xi32>
      %swap3A_896 = arith.constant 10 : i32
      %swap3A_897 = arith.index_cast %swap3A_896 : i32 to index
      %swap3A_898 = arith.constant 16 : index
      %swap3A_899 = tpu.vector_load %arg8[%swap3A_897, %swap3A_898] {strides = array<i32>} : memref<16x128xi32, #tpu.memory_space<vmem>>, vector<1x16xi32>,
      %swap3A_900 = vector.shape_cast %swap3A_899 : vector<1x16xi32> to vector<16xi32>
      %swap3A_901 = vector.shape_cast %add3A_895 : vector<16xi32> to vector<1x16xi32>
      tpu.vector_store %arg8[%swap3A_897, %swap3A_898], %swap3A_901 {strides = array<i32>} : memref<16x128xi32, #tpu.memory_space<vmem>>, vector<1x16xi32>,
      %add3A_902 = vector.broadcast %mul3A_885 : i32 to vector<16xi32>
      %add3A_903 = arith.addi %add3A_9, %add3A_902 : vector<16xi32>
      %swap3A_904 = arith.constant 10 : i32
      %swap3A_905 = arith.index_cast %swap3A_904 : i32 to index
      %swap3A_906 = arith.constant 32 : index
      %swap3A_907 = tpu.vector_load %arg8[%swap3A_905, %swap3A_906] {strides = array<i32>} : memref<16x128xi32, #tpu.memory_space<vmem>>, vector<1x16xi32>,
      %swap3A_908 = vector.shape_cast %swap3A_907 : vector<1x16xi32> to vector<16xi32>
      %swap3A_909 = vector.shape_cast %add3A_903 : vector<16xi32> to vector<1x16xi32>
      tpu.vector_store %arg8[%swap3A_905, %swap3A_906], %swap3A_909 {strides = array<i32>} : memref<16x128xi32, #tpu.memory_space<vmem>>, vector<1x16xi32>,
      %add3A_910 = vector.broadcast %mul3A_885 : i32 to vector<16xi32>
      %add3A_911 = arith.addi %add3A_13, %add3A_910 : vector<16xi32>
      %swap3A_912 = arith.constant 10 : i32
      %swap3A_913 = arith.index_cast %swap3A_912 : i32 to index
      %swap3A_914 = arith.constant 48 : index
      %swap3A_915 = tpu.vector_load %arg8[%swap3A_913, %swap3A_914] {strides = array<i32>} : memref<16x128xi32, #tpu.memory_space<vmem>>, vector<1x16xi32>,
      %swap3A_916 = vector.shape_cast %swap3A_915 : vector<1x16xi32> to vector<16xi32>
      %swap3A_917 = vector.shape_cast %add3A_911 : vector<16xi32> to vector<1x16xi32>
      tpu.vector_store %arg8[%swap3A_913, %swap3A_914], %swap3A_917 {strides = array<i32>} : memref<16x128xi32, #tpu.memory_space<vmem>>, vector<1x16xi32>,
      %add3A_918 = vector.broadcast %mul3A_885 : i32 to vector<16xi32>
      %add3A_919 = arith.addi %add3A_17, %add3A_918 : vector<16xi32>
      %swap3A_920 = arith.constant 10 : i32
      %swap3A_921 = arith.index_cast %swap3A_920 : i32 to index
      %swap3A_922 = arith.constant 64 : index
      %swap3A_923 = tpu.vector_load %arg8[%swap3A_921, %swap3A_922] {strides = array<i32>} : memref<16x128xi32, #tpu.memory_space<vmem>>, vector<1x16xi32>,
      %swap3A_924 = vector.shape_cast %swap3A_923 : vector<1x16xi32> to vector<16xi32>
      %swap3A_925 = vector.shape_cast %add3A_919 : vector<16xi32> to vector<1x16xi32>
      tpu.vector_store %arg8[%swap3A_921, %swap3A_922], %swap3A_925 {strides = array<i32>} : memref<16x128xi32, #tpu.memory_space<vmem>>, vector<1x16xi32>,
      %add3A_926 = vector.broadcast %mul3A_885 : i32 to vector<16xi32>
      %add3A_927 = arith.addi %add3A_21, %add3A_926 : vector<16xi32>
      %swap3A_928 = arith.constant 10 : i32
      %swap3A_929 = arith.index_cast %swap3A_928 : i32 to index
      %swap3A_930 = arith.constant 80 : index
      %swap3A_931 = tpu.vector_load %arg8[%swap3A_929, %swap3A_930] {strides = array<i32>} : memref<16x128xi32, #tpu.memory_space<vmem>>, vector<1x16xi32>,
      %swap3A_932 = vector.shape_cast %swap3A_931 : vector<1x16xi32> to vector<16xi32>
      %swap3A_933 = vector.shape_cast %add3A_927 : vector<16xi32> to vector<1x16xi32>
      tpu.vector_store %arg8[%swap3A_929, %swap3A_930], %swap3A_933 {strides = array<i32>} : memref<16x128xi32, #tpu.memory_space<vmem>>, vector<1x16xi32>,
      %add3A_934 = vector.broadcast %mul3A_885 : i32 to vector<16xi32>
      %add3A_935 = arith.addi %add3A_25, %add3A_934 : vector<16xi32>
      %swap3A_936 = arith.constant 10 : i32
      %swap3A_937 = arith.index_cast %swap3A_936 : i32 to index
      %swap3A_938 = arith.constant 96 : index
      %swap3A_939 = tpu.vector_load %arg8[%swap3A_937, %swap3A_938] {strides = array<i32>} : memref<16x128xi32, #tpu.memory_space<vmem>>, vector<1x16xi32>,
      %swap3A_940 = vector.shape_cast %swap3A_939 : vector<1x16xi32> to vector<16xi32>
      %swap3A_941 = vector.shape_cast %add3A_935 : vector<16xi32> to vector<1x16xi32>
      tpu.vector_store %arg8[%swap3A_937, %swap3A_938], %swap3A_941 {strides = array<i32>} : memref<16x128xi32, #tpu.memory_space<vmem>>, vector<1x16xi32>,
      %add3A_942 = vector.broadcast %mul3A_885 : i32 to vector<16xi32>
      %add3A_943 = arith.addi %add3A_29, %add3A_942 : vector<16xi32>
      %swap3A_944 = arith.constant 10 : i32
      %swap3A_945 = arith.index_cast %swap3A_944 : i32 to index
      %swap3A_946 = arith.constant 112 : index
      %swap3A_947 = tpu.vector_load %arg8[%swap3A_945, %swap3A_946] {strides = array<i32>} : memref<16x128xi32, #tpu.memory_space<vmem>>, vector<1x16xi32>,
      %swap3A_948 = vector.shape_cast %swap3A_947 : vector<1x16xi32> to vector<16xi32>
      %swap3A_949 = vector.shape_cast %add3A_943 : vector<16xi32> to vector<1x16xi32>
      tpu.vector_store %arg8[%swap3A_945, %swap3A_946], %swap3A_949 {strides = array<i32>} : memref<16x128xi32, #tpu.memory_space<vmem>>, vector<1x16xi32>,
      %slice3A_950 = vector.extract_strided_slice %get3A_204 {offsets = [11], sizes = [1], strides = [1]} : vector<16xi32> to vector<1xi32>
      %squeeze3A_951 = vector.extract %slice3A_950[0] : i32 from vector<1xi32>
      %mul3A_952 = arith.constant 128 : i32
      %mul3A_953 = arith.muli %squeeze3A_951, %mul3A_952 : i32
      %add3A_954 = vector.broadcast %mul3A_953 : i32 to vector<16xi32>
      %add3A_955 = arith.addi %add3A_1, %add3A_954 : vector<16xi32>
      %swap3A_956 = arith.constant 11 : i32
      %swap3A_957 = arith.index_cast %swap3A_956 : i32 to index
      %swap3A_958 = arith.constant 0 : index
      %swap3A_959 = tpu.vector_load %arg8[%swap3A_957, %swap3A_958] {strides = array<i32>} : memref<16x128xi32, #tpu.memory_space<vmem>>, vector<1x16xi32>,
      %swap3A_960 = vector.shape_cast %swap3A_959 : vector<1x16xi32> to vector<16xi32>
      %swap3A_961 = vector.shape_cast %add3A_955 : vector<16xi32> to vector<1x16xi32>
      tpu.vector_store %arg8[%swap3A_957, %swap3A_958], %swap3A_961 {strides = array<i32>} : memref<16x128xi32, #tpu.memory_space<vmem>>, vector<1x16xi32>,
      %add3A_962 = vector.broadcast %mul3A_953 : i32 to vector<16xi32>
      %add3A_963 = arith.addi %add3A_5, %add3A_962 : vector<16xi32>
      %swap3A_964 = arith.constant 11 : i32
      %swap3A_965 = arith.index_cast %swap3A_964 : i32 to index
      %swap3A_966 = arith.constant 16 : index
      %swap3A_967 = tpu.vector_load %arg8[%swap3A_965, %swap3A_966] {strides = array<i32>} : memref<16x128xi32, #tpu.memory_space<vmem>>, vector<1x16xi32>,
      %swap3A_968 = vector.shape_cast %swap3A_967 : vector<1x16xi32> to vector<16xi32>
      %swap3A_969 = vector.shape_cast %add3A_963 : vector<16xi32> to vector<1x16xi32>
      tpu.vector_store %arg8[%swap3A_965, %swap3A_966], %swap3A_969 {strides = array<i32>} : memref<16x128xi32, #tpu.memory_space<vmem>>, vector<1x16xi32>,
      %add3A_970 = vector.broadcast %mul3A_953 : i32 to vector<16xi32>
      %add3A_971 = arith.addi %add3A_9, %add3A_970 : vector<16xi32>
      %swap3A_972 = arith.constant 11 : i32
      %swap3A_973 = arith.index_cast %swap3A_972 : i32 to index
      %swap3A_974 = arith.constant 32 : index
      %swap3A_975 = tpu.vector_load %arg8[%swap3A_973, %swap3A_974] {strides = array<i32>} : memref<16x128xi32, #tpu.memory_space<vmem>>, vector<1x16xi32>,
      %swap3A_976 = vector.shape_cast %swap3A_975 : vector<1x16xi32> to vector<16xi32>
      %swap3A_977 = vector.shape_cast %add3A_971 : vector<16xi32> to vector<1x16xi32>
      tpu.vector_store %arg8[%swap3A_973, %swap3A_974], %swap3A_977 {strides = array<i32>} : memref<16x128xi32, #tpu.memory_space<vmem>>, vector<1x16xi32>,
      %add3A_978 = vector.broadcast %mul3A_953 : i32 to vector<16xi32>
      %add3A_979 = arith.addi %add3A_13, %add3A_978 : vector<16xi32>
      %swap3A_980 = arith.constant 11 : i32
      %swap3A_981 = arith.index_cast %swap3A_980 : i32 to index
      %swap3A_982 = arith.constant 48 : index
      %swap3A_983 = tpu.vector_load %arg8[%swap3A_981, %swap3A_982] {strides = array<i32>} : memref<16x128xi32, #tpu.memory_space<vmem>>, vector<1x16xi32>,
      %swap3A_984 = vector.shape_cast %swap3A_983 : vector<1x16xi32> to vector<16xi32>
      %swap3A_985 = vector.shape_cast %add3A_979 : vector<16xi32> to vector<1x16xi32>
      tpu.vector_store %arg8[%swap3A_981, %swap3A_982], %swap3A_985 {strides = array<i32>} : memref<16x128xi32, #tpu.memory_space<vmem>>, vector<1x16xi32>,
      %add3A_986 = vector.broadcast %mul3A_953 : i32 to vector<16xi32>
      %add3A_987 = arith.addi %add3A_17, %add3A_986 : vector<16xi32>
      %swap3A_988 = arith.constant 11 : i32
      %swap3A_989 = arith.index_cast %swap3A_988 : i32 to index
      %swap3A_990 = arith.constant 64 : index
      %swap3A_991 = tpu.vector_load %arg8[%swap3A_989, %swap3A_990] {strides = array<i32>} : memref<16x128xi32, #tpu.memory_space<vmem>>, vector<1x16xi32>,
      %swap3A_992 = vector.shape_cast %swap3A_991 : vector<1x16xi32> to vector<16xi32>
      %swap3A_993 = vector.shape_cast %add3A_987 : vector<16xi32> to vector<1x16xi32>
      tpu.vector_store %arg8[%swap3A_989, %swap3A_990], %swap3A_993 {strides = array<i32>} : memref<16x128xi32, #tpu.memory_space<vmem>>, vector<1x16xi32>,
      %add3A_994 = vector.broadcast %mul3A_953 : i32 to vector<16xi32>
      %add3A_995 = arith.addi %add3A_21, %add3A_994 : vector<16xi32>
      %swap3A_996 = arith.constant 11 : i32
      %swap3A_997 = arith.index_cast %swap3A_996 : i32 to index
      %swap3A_998 = arith.constant 80 : index
      %swap3A_999 = tpu.vector_load %arg8[%swap3A_997, %swap3A_998] {strides = array<i32>} : memref<16x128xi32, #tpu.memory_space<vmem>>, vector<1x16xi32>,
      %swap3A_1000 = vector.shape_cast %swap3A_999 : vector<1x16xi32> to vector<16xi32>
      %swap3A_1001 = vector.shape_cast %add3A_995 : vector<16xi32> to vector<1x16xi32>
      tpu.vector_store %arg8[%swap3A_997, %swap3A_998], %swap3A_1001 {strides = array<i32>} : memref<16x128xi32, #tpu.memory_space<vmem>>, vector<1x16xi32>,
      %add3A_1002 = vector.broadcast %mul3A_953 : i32 to vector<16xi32>
      %add3A_1003 = arith.addi %add3A_25, %add3A_1002 : vector<16xi32>
      %swap3A_1004 = arith.constant 11 : i32
      %swap3A_1005 = arith.index_cast %swap3A_1004 : i32 to index
      %swap3A_1006 = arith.constant 96 : index
      %swap3A_1007 = tpu.vector_load %arg8[%swap3A_1005, %swap3A_1006] {strides = array<i32>} : memref<16x128xi32, #tpu.memory_space<vmem>>, vector<1x16xi32>,
      %swap3A_1008 = vector.shape_cast %swap3A_1007 : vector<1x16xi32> to vector<16xi32>
      %swap3A_1009 = vector.shape_cast %add3A_1003 : vector<16xi32> to vector<1x16xi32>
      tpu.vector_store %arg8[%swap3A_1005, %swap3A_1006], %swap3A_1009 {strides = array<i32>} : memref<16x128xi32, #tpu.memory_space<vmem>>, vector<1x16xi32>,
      %add3A_1010 = vector.broadcast %mul3A_953 : i32 to vector<16xi32>
      %add3A_1011 = arith.addi %add3A_29, %add3A_1010 : vector<16xi32>
      %swap3A_1012 = arith.constant 11 : i32
      %swap3A_1013 = arith.index_cast %swap3A_1012 : i32 to index
      %swap3A_1014 = arith.constant 112 : index
      %swap3A_1015 = tpu.vector_load %arg8[%swap3A_1013, %swap3A_1014] {strides = array<i32>} : memref<16x128xi32, #tpu.memory_space<vmem>>, vector<1x16xi32>,
      %swap3A_1016 = vector.shape_cast %swap3A_1015 : vector<1x16xi32> to vector<16xi32>
      %swap3A_1017 = vector.shape_cast %add3A_1011 : vector<16xi32> to vector<1x16xi32>
      tpu.vector_store %arg8[%swap3A_1013, %swap3A_1014], %swap3A_1017 {strides = array<i32>} : memref<16x128xi32, #tpu.memory_space<vmem>>, vector<1x16xi32>,
      %slice3A_1018 = vector.extract_strided_slice %get3A_204 {offsets = [12], sizes = [1], strides = [1]} : vector<16xi32> to vector<1xi32>
      %squeeze3A_1019 = vector.extract %slice3A_1018[0] : i32 from vector<1xi32>
      %mul3A_1020 = arith.constant 128 : i32
      %mul3A_1021 = arith.muli %squeeze3A_1019, %mul3A_1020 : i32
      %add3A_1022 = vector.broadcast %mul3A_1021 : i32 to vector<16xi32>
      %add3A_1023 = arith.addi %add3A_1, %add3A_1022 : vector<16xi32>
      %swap3A_1024 = arith.constant 12 : i32
      %swap3A_1025 = arith.index_cast %swap3A_1024 : i32 to index
      %swap3A_1026 = arith.constant 0 : index
      %swap3A_1027 = tpu.vector_load %arg8[%swap3A_1025, %swap3A_1026] {strides = array<i32>} : memref<16x128xi32, #tpu.memory_space<vmem>>, vector<1x16xi32>,
      %swap3A_1028 = vector.shape_cast %swap3A_1027 : vector<1x16xi32> to vector<16xi32>
      %swap3A_1029 = vector.shape_cast %add3A_1023 : vector<16xi32> to vector<1x16xi32>
      tpu.vector_store %arg8[%swap3A_1025, %swap3A_1026], %swap3A_1029 {strides = array<i32>} : memref<16x128xi32, #tpu.memory_space<vmem>>, vector<1x16xi32>,
      %add3A_1030 = vector.broadcast %mul3A_1021 : i32 to vector<16xi32>
      %add3A_1031 = arith.addi %add3A_5, %add3A_1030 : vector<16xi32>
      %swap3A_1032 = arith.constant 12 : i32
      %swap3A_1033 = arith.index_cast %swap3A_1032 : i32 to index
      %swap3A_1034 = arith.constant 16 : index
      %swap3A_1035 = tpu.vector_load %arg8[%swap3A_1033, %swap3A_1034] {strides = array<i32>} : memref<16x128xi32, #tpu.memory_space<vmem>>, vector<1x16xi32>,
      %swap3A_1036 = vector.shape_cast %swap3A_1035 : vector<1x16xi32> to vector<16xi32>
      %swap3A_1037 = vector.shape_cast %add3A_1031 : vector<16xi32> to vector<1x16xi32>
      tpu.vector_store %arg8[%swap3A_1033, %swap3A_1034], %swap3A_1037 {strides = array<i32>} : memref<16x128xi32, #tpu.memory_space<vmem>>, vector<1x16xi32>,
      %add3A_1038 = vector.broadcast %mul3A_1021 : i32 to vector<16xi32>
      %add3A_1039 = arith.addi %add3A_9, %add3A_1038 : vector<16xi32>
      %swap3A_1040 = arith.constant 12 : i32
      %swap3A_1041 = arith.index_cast %swap3A_1040 : i32 to index
      %swap3A_1042 = arith.constant 32 : index
      %swap3A_1043 = tpu.vector_load %arg8[%swap3A_1041, %swap3A_1042] {strides = array<i32>} : memref<16x128xi32, #tpu.memory_space<vmem>>, vector<1x16xi32>,
      %swap3A_1044 = vector.shape_cast %swap3A_1043 : vector<1x16xi32> to vector<16xi32>
      %swap3A_1045 = vector.shape_cast %add3A_1039 : vector<16xi32> to vector<1x16xi32>
      tpu.vector_store %arg8[%swap3A_1041, %swap3A_1042], %swap3A_1045 {strides = array<i32>} : memref<16x128xi32, #tpu.memory_space<vmem>>, vector<1x16xi32>,
      %add3A_1046 = vector.broadcast %mul3A_1021 : i32 to vector<16xi32>
      %add3A_1047 = arith.addi %add3A_13, %add3A_1046 : vector<16xi32>
      %swap3A_1048 = arith.constant 12 : i32
      %swap3A_1049 = arith.index_cast %swap3A_1048 : i32 to index
      %swap3A_1050 = arith.constant 48 : index
      %swap3A_1051 = tpu.vector_load %arg8[%swap3A_1049, %swap3A_1050] {strides = array<i32>} : memref<16x128xi32, #tpu.memory_space<vmem>>, vector<1x16xi32>,
      %swap3A_1052 = vector.shape_cast %swap3A_1051 : vector<1x16xi32> to vector<16xi32>
      %swap3A_1053 = vector.shape_cast %add3A_1047 : vector<16xi32> to vector<1x16xi32>
      tpu.vector_store %arg8[%swap3A_1049, %swap3A_1050], %swap3A_1053 {strides = array<i32>} : memref<16x128xi32, #tpu.memory_space<vmem>>, vector<1x16xi32>,
      %add3A_1054 = vector.broadcast %mul3A_1021 : i32 to vector<16xi32>
      %add3A_1055 = arith.addi %add3A_17, %add3A_1054 : vector<16xi32>
      %swap3A_1056 = arith.constant 12 : i32
      %swap3A_1057 = arith.index_cast %swap3A_1056 : i32 to index
      %swap3A_1058 = arith.constant 64 : index
      %swap3A_1059 = tpu.vector_load %arg8[%swap3A_1057, %swap3A_1058] {strides = array<i32>} : memref<16x128xi32, #tpu.memory_space<vmem>>, vector<1x16xi32>,
      %swap3A_1060 = vector.shape_cast %swap3A_1059 : vector<1x16xi32> to vector<16xi32>
      %swap3A_1061 = vector.shape_cast %add3A_1055 : vector<16xi32> to vector<1x16xi32>
      tpu.vector_store %arg8[%swap3A_1057, %swap3A_1058], %swap3A_1061 {strides = array<i32>} : memref<16x128xi32, #tpu.memory_space<vmem>>, vector<1x16xi32>,
      %add3A_1062 = vector.broadcast %mul3A_1021 : i32 to vector<16xi32>
      %add3A_1063 = arith.addi %add3A_21, %add3A_1062 : vector<16xi32>
      %swap3A_1064 = arith.constant 12 : i32
      %swap3A_1065 = arith.index_cast %swap3A_1064 : i32 to index
      %swap3A_1066 = arith.constant 80 : index
      %swap3A_1067 = tpu.vector_load %arg8[%swap3A_1065, %swap3A_1066] {strides = array<i32>} : memref<16x128xi32, #tpu.memory_space<vmem>>, vector<1x16xi32>,
      %swap3A_1068 = vector.shape_cast %swap3A_1067 : vector<1x16xi32> to vector<16xi32>
      %swap3A_1069 = vector.shape_cast %add3A_1063 : vector<16xi32> to vector<1x16xi32>
      tpu.vector_store %arg8[%swap3A_1065, %swap3A_1066], %swap3A_1069 {strides = array<i32>} : memref<16x128xi32, #tpu.memory_space<vmem>>, vector<1x16xi32>,
      %add3A_1070 = vector.broadcast %mul3A_1021 : i32 to vector<16xi32>
      %add3A_1071 = arith.addi %add3A_25, %add3A_1070 : vector<16xi32>
      %swap3A_1072 = arith.constant 12 : i32
      %swap3A_1073 = arith.index_cast %swap3A_1072 : i32 to index
      %swap3A_1074 = arith.constant 96 : index
      %swap3A_1075 = tpu.vector_load %arg8[%swap3A_1073, %swap3A_1074] {strides = array<i32>} : memref<16x128xi32, #tpu.memory_space<vmem>>, vector<1x16xi32>,
      %swap3A_1076 = vector.shape_cast %swap3A_1075 : vector<1x16xi32> to vector<16xi32>
      %swap3A_1077 = vector.shape_cast %add3A_1071 : vector<16xi32> to vector<1x16xi32>
      tpu.vector_store %arg8[%swap3A_1073, %swap3A_1074], %swap3A_1077 {strides = array<i32>} : memref<16x128xi32, #tpu.memory_space<vmem>>, vector<1x16xi32>,
      %add3A_1078 = vector.broadcast %mul3A_1021 : i32 to vector<16xi32>
      %add3A_1079 = arith.addi %add3A_29, %add3A_1078 : vector<16xi32>
      %swap3A_1080 = arith.constant 12 : i32
      %swap3A_1081 = arith.index_cast %swap3A_1080 : i32 to index
      %swap3A_1082 = arith.constant 112 : index
      %swap3A_1083 = tpu.vector_load %arg8[%swap3A_1081, %swap3A_1082] {strides = array<i32>} : memref<16x128xi32, #tpu.memory_space<vmem>>, vector<1x16xi32>,
      %swap3A_1084 = vector.shape_cast %swap3A_1083 : vector<1x16xi32> to vector<16xi32>
      %swap3A_1085 = vector.shape_cast %add3A_1079 : vector<16xi32> to vector<1x16xi32>
      tpu.vector_store %arg8[%swap3A_1081, %swap3A_1082], %swap3A_1085 {strides = array<i32>} : memref<16x128xi32, #tpu.memory_space<vmem>>, vector<1x16xi32>,
      %slice3A_1086 = vector.extract_strided_slice %get3A_204 {offsets = [13], sizes = [1], strides = [1]} : vector<16xi32> to vector<1xi32>
      %squeeze3A_1087 = vector.extract %slice3A_1086[0] : i32 from vector<1xi32>
      %mul3A_1088 = arith.constant 128 : i32
      %mul3A_1089 = arith.muli %squeeze3A_1087, %mul3A_1088 : i32
      %add3A_1090 = vector.broadcast %mul3A_1089 : i32 to vector<16xi32>
      %add3A_1091 = arith.addi %add3A_1, %add3A_1090 : vector<16xi32>
      %swap3A_1092 = arith.constant 13 : i32
      %swap3A_1093 = arith.index_cast %swap3A_1092 : i32 to index
      %swap3A_1094 = arith.constant 0 : index
      %swap3A_1095 = tpu.vector_load %arg8[%swap3A_1093, %swap3A_1094] {strides = array<i32>} : memref<16x128xi32, #tpu.memory_space<vmem>>, vector<1x16xi32>,
      %swap3A_1096 = vector.shape_cast %swap3A_1095 : vector<1x16xi32> to vector<16xi32>
      %swap3A_1097 = vector.shape_cast %add3A_1091 : vector<16xi32> to vector<1x16xi32>
      tpu.vector_store %arg8[%swap3A_1093, %swap3A_1094], %swap3A_1097 {strides = array<i32>} : memref<16x128xi32, #tpu.memory_space<vmem>>, vector<1x16xi32>,
      %add3A_1098 = vector.broadcast %mul3A_1089 : i32 to vector<16xi32>
      %add3A_1099 = arith.addi %add3A_5, %add3A_1098 : vector<16xi32>
      %swap3A_1100 = arith.constant 13 : i32
      %swap3A_1101 = arith.index_cast %swap3A_1100 : i32 to index
      %swap3A_1102 = arith.constant 16 : index
      %swap3A_1103 = tpu.vector_load %arg8[%swap3A_1101, %swap3A_1102] {strides = array<i32>} : memref<16x128xi32, #tpu.memory_space<vmem>>, vector<1x16xi32>,
      %swap3A_1104 = vector.shape_cast %swap3A_1103 : vector<1x16xi32> to vector<16xi32>
      %swap3A_1105 = vector.shape_cast %add3A_1099 : vector<16xi32> to vector<1x16xi32>
      tpu.vector_store %arg8[%swap3A_1101, %swap3A_1102], %swap3A_1105 {strides = array<i32>} : memref<16x128xi32, #tpu.memory_space<vmem>>, vector<1x16xi32>,
      %add3A_1106 = vector.broadcast %mul3A_1089 : i32 to vector<16xi32>
      %add3A_1107 = arith.addi %add3A_9, %add3A_1106 : vector<16xi32>
      %swap3A_1108 = arith.constant 13 : i32
      %swap3A_1109 = arith.index_cast %swap3A_1108 : i32 to index
      %swap3A_1110 = arith.constant 32 : index
      %swap3A_1111 = tpu.vector_load %arg8[%swap3A_1109, %swap3A_1110] {strides = array<i32>} : memref<16x128xi32, #tpu.memory_space<vmem>>, vector<1x16xi32>,
      %swap3A_1112 = vector.shape_cast %swap3A_1111 : vector<1x16xi32> to vector<16xi32>
      %swap3A_1113 = vector.shape_cast %add3A_1107 : vector<16xi32> to vector<1x16xi32>
      tpu.vector_store %arg8[%swap3A_1109, %swap3A_1110], %swap3A_1113 {strides = array<i32>} : memref<16x128xi32, #tpu.memory_space<vmem>>, vector<1x16xi32>,
      %add3A_1114 = vector.broadcast %mul3A_1089 : i32 to vector<16xi32>
      %add3A_1115 = arith.addi %add3A_13, %add3A_1114 : vector<16xi32>
      %swap3A_1116 = arith.constant 13 : i32
      %swap3A_1117 = arith.index_cast %swap3A_1116 : i32 to index
      %swap3A_1118 = arith.constant 48 : index
      %swap3A_1119 = tpu.vector_load %arg8[%swap3A_1117, %swap3A_1118] {strides = array<i32>} : memref<16x128xi32, #tpu.memory_space<vmem>>, vector<1x16xi32>,
      %swap3A_1120 = vector.shape_cast %swap3A_1119 : vector<1x16xi32> to vector<16xi32>
      %swap3A_1121 = vector.shape_cast %add3A_1115 : vector<16xi32> to vector<1x16xi32>
      tpu.vector_store %arg8[%swap3A_1117, %swap3A_1118], %swap3A_1121 {strides = array<i32>} : memref<16x128xi32, #tpu.memory_space<vmem>>, vector<1x16xi32>,
      %add3A_1122 = vector.broadcast %mul3A_1089 : i32 to vector<16xi32>
      %add3A_1123 = arith.addi %add3A_17, %add3A_1122 : vector<16xi32>
      %swap3A_1124 = arith.constant 13 : i32
      %swap3A_1125 = arith.index_cast %swap3A_1124 : i32 to index
      %swap3A_1126 = arith.constant 64 : index
      %swap3A_1127 = tpu.vector_load %arg8[%swap3A_1125, %swap3A_1126] {strides = array<i32>} : memref<16x128xi32, #tpu.memory_space<vmem>>, vector<1x16xi32>,
      %swap3A_1128 = vector.shape_cast %swap3A_1127 : vector<1x16xi32> to vector<16xi32>
      %swap3A_1129 = vector.shape_cast %add3A_1123 : vector<16xi32> to vector<1x16xi32>
      tpu.vector_store %arg8[%swap3A_1125, %swap3A_1126], %swap3A_1129 {strides = array<i32>} : memref<16x128xi32, #tpu.memory_space<vmem>>, vector<1x16xi32>,
      %add3A_1130 = vector.broadcast %mul3A_1089 : i32 to vector<16xi32>
      %add3A_1131 = arith.addi %add3A_21, %add3A_1130 : vector<16xi32>
      %swap3A_1132 = arith.constant 13 : i32
      %swap3A_1133 = arith.index_cast %swap3A_1132 : i32 to index
      %swap3A_1134 = arith.constant 80 : index
      %swap3A_1135 = tpu.vector_load %arg8[%swap3A_1133, %swap3A_1134] {strides = array<i32>} : memref<16x128xi32, #tpu.memory_space<vmem>>, vector<1x16xi32>,
      %swap3A_1136 = vector.shape_cast %swap3A_1135 : vector<1x16xi32> to vector<16xi32>
      %swap3A_1137 = vector.shape_cast %add3A_1131 : vector<16xi32> to vector<1x16xi32>
      tpu.vector_store %arg8[%swap3A_1133, %swap3A_1134], %swap3A_1137 {strides = array<i32>} : memref<16x128xi32, #tpu.memory_space<vmem>>, vector<1x16xi32>,
      %add3A_1138 = vector.broadcast %mul3A_1089 : i32 to vector<16xi32>
      %add3A_1139 = arith.addi %add3A_25, %add3A_1138 : vector<16xi32>
      %swap3A_1140 = arith.constant 13 : i32
      %swap3A_1141 = arith.index_cast %swap3A_1140 : i32 to index
      %swap3A_1142 = arith.constant 96 : index
      %swap3A_1143 = tpu.vector_load %arg8[%swap3A_1141, %swap3A_1142] {strides = array<i32>} : memref<16x128xi32, #tpu.memory_space<vmem>>, vector<1x16xi32>,
      %swap3A_1144 = vector.shape_cast %swap3A_1143 : vector<1x16xi32> to vector<16xi32>
      %swap3A_1145 = vector.shape_cast %add3A_1139 : vector<16xi32> to vector<1x16xi32>
      tpu.vector_store %arg8[%swap3A_1141, %swap3A_1142], %swap3A_1145 {strides = array<i32>} : memref<16x128xi32, #tpu.memory_space<vmem>>, vector<1x16xi32>,
      %add3A_1146 = vector.broadcast %mul3A_1089 : i32 to vector<16xi32>
      %add3A_1147 = arith.addi %add3A_29, %add3A_1146 : vector<16xi32>
      %swap3A_1148 = arith.constant 13 : i32
      %swap3A_1149 = arith.index_cast %swap3A_1148 : i32 to index
      %swap3A_1150 = arith.constant 112 : index
      %swap3A_1151 = tpu.vector_load %arg8[%swap3A_1149, %swap3A_1150] {strides = array<i32>} : memref<16x128xi32, #tpu.memory_space<vmem>>, vector<1x16xi32>,
      %swap3A_1152 = vector.shape_cast %swap3A_1151 : vector<1x16xi32> to vector<16xi32>
      %swap3A_1153 = vector.shape_cast %add3A_1147 : vector<16xi32> to vector<1x16xi32>
      tpu.vector_store %arg8[%swap3A_1149, %swap3A_1150], %swap3A_1153 {strides = array<i32>} : memref<16x128xi32, #tpu.memory_space<vmem>>, vector<1x16xi32>,
      %slice3A_1154 = vector.extract_strided_slice %get3A_204 {offsets = [14], sizes = [1], strides = [1]} : vector<16xi32> to vector<1xi32>
      %squeeze3A_1155 = vector.extract %slice3A_1154[0] : i32 from vector<1xi32>
      %mul3A_1156 = arith.constant 128 : i32
      %mul3A_1157 = arith.muli %squeeze3A_1155, %mul3A_1156 : i32
      %add3A_1158 = vector.broadcast %mul3A_1157 : i32 to vector<16xi32>
      %add3A_1159 = arith.addi %add3A_1, %add3A_1158 : vector<16xi32>
      %swap3A_1160 = arith.constant 14 : i32
      %swap3A_1161 = arith.index_cast %swap3A_1160 : i32 to index
      %swap3A_1162 = arith.constant 0 : index
      %swap3A_1163 = tpu.vector_load %arg8[%swap3A_1161, %swap3A_1162] {strides = array<i32>} : memref<16x128xi32, #tpu.memory_space<vmem>>, vector<1x16xi32>,
      %swap3A_1164 = vector.shape_cast %swap3A_1163 : vector<1x16xi32> to vector<16xi32>
      %swap3A_1165 = vector.shape_cast %add3A_1159 : vector<16xi32> to vector<1x16xi32>
      tpu.vector_store %arg8[%swap3A_1161, %swap3A_1162], %swap3A_1165 {strides = array<i32>} : memref<16x128xi32, #tpu.memory_space<vmem>>, vector<1x16xi32>,
      %add3A_1166 = vector.broadcast %mul3A_1157 : i32 to vector<16xi32>
      %add3A_1167 = arith.addi %add3A_5, %add3A_1166 : vector<16xi32>
      %swap3A_1168 = arith.constant 14 : i32
      %swap3A_1169 = arith.index_cast %swap3A_1168 : i32 to index
      %swap3A_1170 = arith.constant 16 : index
      %swap3A_1171 = tpu.vector_load %arg8[%swap3A_1169, %swap3A_1170] {strides = array<i32>} : memref<16x128xi32, #tpu.memory_space<vmem>>, vector<1x16xi32>,
      %swap3A_1172 = vector.shape_cast %swap3A_1171 : vector<1x16xi32> to vector<16xi32>
      %swap3A_1173 = vector.shape_cast %add3A_1167 : vector<16xi32> to vector<1x16xi32>
      tpu.vector_store %arg8[%swap3A_1169, %swap3A_1170], %swap3A_1173 {strides = array<i32>} : memref<16x128xi32, #tpu.memory_space<vmem>>, vector<1x16xi32>,
      %add3A_1174 = vector.broadcast %mul3A_1157 : i32 to vector<16xi32>
      %add3A_1175 = arith.addi %add3A_9, %add3A_1174 : vector<16xi32>
      %swap3A_1176 = arith.constant 14 : i32
      %swap3A_1177 = arith.index_cast %swap3A_1176 : i32 to index
      %swap3A_1178 = arith.constant 32 : index
      %swap3A_1179 = tpu.vector_load %arg8[%swap3A_1177, %swap3A_1178] {strides = array<i32>} : memref<16x128xi32, #tpu.memory_space<vmem>>, vector<1x16xi32>,
      %swap3A_1180 = vector.shape_cast %swap3A_1179 : vector<1x16xi32> to vector<16xi32>
      %swap3A_1181 = vector.shape_cast %add3A_1175 : vector<16xi32> to vector<1x16xi32>
      tpu.vector_store %arg8[%swap3A_1177, %swap3A_1178], %swap3A_1181 {strides = array<i32>} : memref<16x128xi32, #tpu.memory_space<vmem>>, vector<1x16xi32>,
      %add3A_1182 = vector.broadcast %mul3A_1157 : i32 to vector<16xi32>
      %add3A_1183 = arith.addi %add3A_13, %add3A_1182 : vector<16xi32>
      %swap3A_1184 = arith.constant 14 : i32
      %swap3A_1185 = arith.index_cast %swap3A_1184 : i32 to index
      %swap3A_1186 = arith.constant 48 : index
      %swap3A_1187 = tpu.vector_load %arg8[%swap3A_1185, %swap3A_1186] {strides = array<i32>} : memref<16x128xi32, #tpu.memory_space<vmem>>, vector<1x16xi32>,
      %swap3A_1188 = vector.shape_cast %swap3A_1187 : vector<1x16xi32> to vector<16xi32>
      %swap3A_1189 = vector.shape_cast %add3A_1183 : vector<16xi32> to vector<1x16xi32>
      tpu.vector_store %arg8[%swap3A_1185, %swap3A_1186], %swap3A_1189 {strides = array<i32>} : memref<16x128xi32, #tpu.memory_space<vmem>>, vector<1x16xi32>,
      %add3A_1190 = vector.broadcast %mul3A_1157 : i32 to vector<16xi32>
      %add3A_1191 = arith.addi %add3A_17, %add3A_1190 : vector<16xi32>
      %swap3A_1192 = arith.constant 14 : i32
      %swap3A_1193 = arith.index_cast %swap3A_1192 : i32 to index
      %swap3A_1194 = arith.constant 64 : index
      %swap3A_1195 = tpu.vector_load %arg8[%swap3A_1193, %swap3A_1194] {strides = array<i32>} : memref<16x128xi32, #tpu.memory_space<vmem>>, vector<1x16xi32>,
      %swap3A_1196 = vector.shape_cast %swap3A_1195 : vector<1x16xi32> to vector<16xi32>
      %swap3A_1197 = vector.shape_cast %add3A_1191 : vector<16xi32> to vector<1x16xi32>
      tpu.vector_store %arg8[%swap3A_1193, %swap3A_1194], %swap3A_1197 {strides = array<i32>} : memref<16x128xi32, #tpu.memory_space<vmem>>, vector<1x16xi32>,
      %add3A_1198 = vector.broadcast %mul3A_1157 : i32 to vector<16xi32>
      %add3A_1199 = arith.addi %add3A_21, %add3A_1198 : vector<16xi32>
      %swap3A_1200 = arith.constant 14 : i32
      %swap3A_1201 = arith.index_cast %swap3A_1200 : i32 to index
      %swap3A_1202 = arith.constant 80 : index
      %swap3A_1203 = tpu.vector_load %arg8[%swap3A_1201, %swap3A_1202] {strides = array<i32>} : memref<16x128xi32, #tpu.memory_space<vmem>>, vector<1x16xi32>,
      %swap3A_1204 = vector.shape_cast %swap3A_1203 : vector<1x16xi32> to vector<16xi32>
      %swap3A_1205 = vector.shape_cast %add3A_1199 : vector<16xi32> to vector<1x16xi32>
      tpu.vector_store %arg8[%swap3A_1201, %swap3A_1202], %swap3A_1205 {strides = array<i32>} : memref<16x128xi32, #tpu.memory_space<vmem>>, vector<1x16xi32>,
      %add3A_1206 = vector.broadcast %mul3A_1157 : i32 to vector<16xi32>
      %add3A_1207 = arith.addi %add3A_25, %add3A_1206 : vector<16xi32>
      %swap3A_1208 = arith.constant 14 : i32
      %swap3A_1209 = arith.index_cast %swap3A_1208 : i32 to index
      %swap3A_1210 = arith.constant 96 : index
      %swap3A_1211 = tpu.vector_load %arg8[%swap3A_1209, %swap3A_1210] {strides = array<i32>} : memref<16x128xi32, #tpu.memory_space<vmem>>, vector<1x16xi32>,
      %swap3A_1212 = vector.shape_cast %swap3A_1211 : vector<1x16xi32> to vector<16xi32>
      %swap3A_1213 = vector.shape_cast %add3A_1207 : vector<16xi32> to vector<1x16xi32>
      tpu.vector_store %arg8[%swap3A_1209, %swap3A_1210], %swap3A_1213 {strides = array<i32>} : memref<16x128xi32, #tpu.memory_space<vmem>>, vector<1x16xi32>,
      %add3A_1214 = vector.broadcast %mul3A_1157 : i32 to vector<16xi32>
      %add3A_1215 = arith.addi %add3A_29, %add3A_1214 : vector<16xi32>
      %swap3A_1216 = arith.constant 14 : i32
      %swap3A_1217 = arith.index_cast %swap3A_1216 : i32 to index
      %swap3A_1218 = arith.constant 112 : index
      %swap3A_1219 = tpu.vector_load %arg8[%swap3A_1217, %swap3A_1218] {strides = array<i32>} : memref<16x128xi32, #tpu.memory_space<vmem>>, vector<1x16xi32>,
      %swap3A_1220 = vector.shape_cast %swap3A_1219 : vector<1x16xi32> to vector<16xi32>
      %swap3A_1221 = vector.shape_cast %add3A_1215 : vector<16xi32> to vector<1x16xi32>
      tpu.vector_store %arg8[%swap3A_1217, %swap3A_1218], %swap3A_1221 {strides = array<i32>} : memref<16x128xi32, #tpu.memory_space<vmem>>, vector<1x16xi32>,
      %slice3A_1222 = vector.extract_strided_slice %get3A_204 {offsets = [15], sizes = [1], strides = [1]} : vector<16xi32> to vector<1xi32>
      %squeeze3A_1223 = vector.extract %slice3A_1222[0] : i32 from vector<1xi32>
      %mul3A_1224 = arith.constant 128 : i32
      %mul3A_1225 = arith.muli %squeeze3A_1223, %mul3A_1224 : i32
      %add3A_1226 = vector.broadcast %mul3A_1225 : i32 to vector<16xi32>
      %add3A_1227 = arith.addi %add3A_1, %add3A_1226 : vector<16xi32>
      %swap3A_1228 = arith.constant 15 : i32
      %swap3A_1229 = arith.index_cast %swap3A_1228 : i32 to index
      %swap3A_1230 = arith.constant 0 : index
      %swap3A_1231 = tpu.vector_load %arg8[%swap3A_1229, %swap3A_1230] {strides = array<i32>} : memref<16x128xi32, #tpu.memory_space<vmem>>, vector<1x16xi32>,
      %swap3A_1232 = vector.shape_cast %swap3A_1231 : vector<1x16xi32> to vector<16xi32>
      %swap3A_1233 = vector.shape_cast %add3A_1227 : vector<16xi32> to vector<1x16xi32>
      tpu.vector_store %arg8[%swap3A_1229, %swap3A_1230], %swap3A_1233 {strides = array<i32>} : memref<16x128xi32, #tpu.memory_space<vmem>>, vector<1x16xi32>,
      %add3A_1234 = vector.broadcast %mul3A_1225 : i32 to vector<16xi32>
      %add3A_1235 = arith.addi %add3A_5, %add3A_1234 : vector<16xi32>
      %swap3A_1236 = arith.constant 15 : i32
      %swap3A_1237 = arith.index_cast %swap3A_1236 : i32 to index
      %swap3A_1238 = arith.constant 16 : index
      %swap3A_1239 = tpu.vector_load %arg8[%swap3A_1237, %swap3A_1238] {strides = array<i32>} : memref<16x128xi32, #tpu.memory_space<vmem>>, vector<1x16xi32>,
      %swap3A_1240 = vector.shape_cast %swap3A_1239 : vector<1x16xi32> to vector<16xi32>
      %swap3A_1241 = vector.shape_cast %add3A_1235 : vector<16xi32> to vector<1x16xi32>
      tpu.vector_store %arg8[%swap3A_1237, %swap3A_1238], %swap3A_1241 {strides = array<i32>} : memref<16x128xi32, #tpu.memory_space<vmem>>, vector<1x16xi32>,
      %add3A_1242 = vector.broadcast %mul3A_1225 : i32 to vector<16xi32>
      %add3A_1243 = arith.addi %add3A_9, %add3A_1242 : vector<16xi32>
      %swap3A_1244 = arith.constant 15 : i32
      %swap3A_1245 = arith.index_cast %swap3A_1244 : i32 to index
      %swap3A_1246 = arith.constant 32 : index
      %swap3A_1247 = tpu.vector_load %arg8[%swap3A_1245, %swap3A_1246] {strides = array<i32>} : memref<16x128xi32, #tpu.memory_space<vmem>>, vector<1x16xi32>,
      %swap3A_1248 = vector.shape_cast %swap3A_1247 : vector<1x16xi32> to vector<16xi32>
      %swap3A_1249 = vector.shape_cast %add3A_1243 : vector<16xi32> to vector<1x16xi32>
      tpu.vector_store %arg8[%swap3A_1245, %swap3A_1246], %swap3A_1249 {strides = array<i32>} : memref<16x128xi32, #tpu.memory_space<vmem>>, vector<1x16xi32>,
      %add3A_1250 = vector.broadcast %mul3A_1225 : i32 to vector<16xi32>
      %add3A_1251 = arith.addi %add3A_13, %add3A_1250 : vector<16xi32>
      %swap3A_1252 = arith.constant 15 : i32
      %swap3A_1253 = arith.index_cast %swap3A_1252 : i32 to index
      %swap3A_1254 = arith.constant 48 : index
      %swap3A_1255 = tpu.vector_load %arg8[%swap3A_1253, %swap3A_1254] {strides = array<i32>} : memref<16x128xi32, #tpu.memory_space<vmem>>, vector<1x16xi32>,
      %swap3A_1256 = vector.shape_cast %swap3A_1255 : vector<1x16xi32> to vector<16xi32>
      %swap3A_1257 = vector.shape_cast %add3A_1251 : vector<16xi32> to vector<1x16xi32>
      tpu.vector_store %arg8[%swap3A_1253, %swap3A_1254], %swap3A_1257 {strides = array<i32>} : memref<16x128xi32, #tpu.memory_space<vmem>>, vector<1x16xi32>,
      %add3A_1258 = vector.broadcast %mul3A_1225 : i32 to vector<16xi32>
      %add3A_1259 = arith.addi %add3A_17, %add3A_1258 : vector<16xi32>
      %swap3A_1260 = arith.constant 15 : i32
      %swap3A_1261 = arith.index_cast %swap3A_1260 : i32 to index
      %swap3A_1262 = arith.constant 64 : index
      %swap3A_1263 = tpu.vector_load %arg8[%swap3A_1261, %swap3A_1262] {strides = array<i32>} : memref<16x128xi32, #tpu.memory_space<vmem>>, vector<1x16xi32>,
      %swap3A_1264 = vector.shape_cast %swap3A_1263 : vector<1x16xi32> to vector<16xi32>
      %swap3A_1265 = vector.shape_cast %add3A_1259 : vector<16xi32> to vector<1x16xi32>
      tpu.vector_store %arg8[%swap3A_1261, %swap3A_1262], %swap3A_1265 {strides = array<i32>} : memref<16x128xi32, #tpu.memory_space<vmem>>, vector<1x16xi32>,
      %add3A_1266 = vector.broadcast %mul3A_1225 : i32 to vector<16xi32>
      %add3A_1267 = arith.addi %add3A_21, %add3A_1266 : vector<16xi32>
      %swap3A_1268 = arith.constant 15 : i32
      %swap3A_1269 = arith.index_cast %swap3A_1268 : i32 to index
      %swap3A_1270 = arith.constant 80 : index
      %swap3A_1271 = tpu.vector_load %arg8[%swap3A_1269, %swap3A_1270] {strides = array<i32>} : memref<16x128xi32, #tpu.memory_space<vmem>>, vector<1x16xi32>,
      %swap3A_1272 = vector.shape_cast %swap3A_1271 : vector<1x16xi32> to vector<16xi32>
      %swap3A_1273 = vector.shape_cast %add3A_1267 : vector<16xi32> to vector<1x16xi32>
      tpu.vector_store %arg8[%swap3A_1269, %swap3A_1270], %swap3A_1273 {strides = array<i32>} : memref<16x128xi32, #tpu.memory_space<vmem>>, vector<1x16xi32>,
      %add3A_1274 = vector.broadcast %mul3A_1225 : i32 to vector<16xi32>
      %add3A_1275 = arith.addi %add3A_25, %add3A_1274 : vector<16xi32>
      %swap3A_1276 = arith.constant 15 : i32
      %swap3A_1277 = arith.index_cast %swap3A_1276 : i32 to index
      %swap3A_1278 = arith.constant 96 : index
      %swap3A_1279 = tpu.vector_load %arg8[%swap3A_1277, %swap3A_1278] {strides = array<i32>} : memref<16x128xi32, #tpu.memory_space<vmem>>, vector<1x16xi32>,
      %swap3A_1280 = vector.shape_cast %swap3A_1279 : vector<1x16xi32> to vector<16xi32>
      %swap3A_1281 = vector.shape_cast %add3A_1275 : vector<16xi32> to vector<1x16xi32>
      tpu.vector_store %arg8[%swap3A_1277, %swap3A_1278], %swap3A_1281 {strides = array<i32>} : memref<16x128xi32, #tpu.memory_space<vmem>>, vector<1x16xi32>,
      %add3A_1282 = vector.broadcast %mul3A_1225 : i32 to vector<16xi32>
      %add3A_1283 = arith.addi %add3A_29, %add3A_1282 : vector<16xi32>
      %swap3A_1284 = arith.constant 15 : i32
      %swap3A_1285 = arith.index_cast %swap3A_1284 : i32 to index
      %swap3A_1286 = arith.constant 112 : index
      %swap3A_1287 = tpu.vector_load %arg8[%swap3A_1285, %swap3A_1286] {strides = array<i32>} : memref<16x128xi32, #tpu.memory_space<vmem>>, vector<1x16xi32>,
      %swap3A_1288 = vector.shape_cast %swap3A_1287 : vector<1x16xi32> to vector<16xi32>
      %swap3A_1289 = vector.shape_cast %add3A_1283 : vector<16xi32> to vector<1x16xi32>
      tpu.vector_store %arg8[%swap3A_1285, %swap3A_1286], %swap3A_1289 {strides = array<i32>} : memref<16x128xi32, #tpu.memory_space<vmem>>, vector<1x16xi32>,
      %dma_wait3A = arith.constant 0 : i32
      %dma_wait3A_1290 = arith.constant 0 : i32
      %dma_wait3A_1291 = tpu.memref_slice %arg4[%dma_wait3A, %dma_wait3A_1290] : memref<10000x256xf32, #tpu.memory_space<hbm>> -> memref<10000x256xf32, #tpu.memory_space<hbm>>
      tpu.wait_indirect_dma semaphore(%arg12 : memref<!tpu.dma_semaphore, #tpu.memory_space<semaphore_mem>>) src(%dma_wait3A_1291 : memref<10000x256xf32, #tpu.memory_space<hbm>>) dst(%arg9 : memref<16x256xf32, #tpu.memory_space<vmem>>)
      %dma_start3A_1292 = arith.constant 0 : i32
      %dma_start3A_1293 = arith.constant 0 : i32
      %dma_start3A_1294 = arith.constant 128 : i32
      %dma_start3A_1295 = tpu.memref_slice %arg9[%dma_start3A_1292, %dma_start3A_1294] : memref<16x256xf32, #tpu.memory_space<vmem>> -> memref<1x128xf32, #tpu.memory_space<vmem>>
      %dma_start3A_1296 = tpu.memref_squeeze %dma_start3A_1295 : memref<1x128xf32, #tpu.memory_space<vmem>> -> memref<128xf32, #tpu.memory_space<vmem>>
      %dma_start3A_1297 = arith.constant 0 : i32
      %dma_start3A_1298 = tpu.memref_slice %arg8[%dma_start3A_1293, %dma_start3A_1297] : memref<16x128xi32, #tpu.memory_space<vmem>> -> memref<1x128xi32, #tpu.memory_space<vmem>>
      %dma_start3A_1299 = tpu.memref_squeeze %dma_start3A_1298 : memref<1x128xi32, #tpu.memory_space<vmem>> -> memref<128xi32, #tpu.memory_space<vmem>>
      %dma_start3A_1300 = arith.constant 0 : i32
      %dma_start3A_1301 = tpu.memref_slice %arg11[%dma_start3A_1300] : memref<1310720xf32, #tpu.memory_space<vmem_shared>> -> memref<1310720xf32, #tpu.memory_space<vmem_shared>>
      tpu.enqueue_indirect_dma source(%dma_start3A_1296 : memref<128xf32, #tpu.memory_space<vmem>>) target(%dma_start3A_1301 : memref<1310720xf32, #tpu.memory_space<vmem_shared>>) offsets(%dma_start3A_1299 : memref<128xi32, #tpu.memory_space<vmem>>) semaphore(%arg13 : memref<!tpu.dma_semaphore, #tpu.memory_space<semaphore_mem>>) {add = true}
      %dma_start3A_1302 = arith.constant 1 : i32
      %dma_start3A_1303 = arith.constant 1 : i32
      %dma_start3A_1304 = arith.constant 128 : i32
      %dma_start3A_1305 = tpu.memref_slice %arg9[%dma_start3A_1302, %dma_start3A_1304] : memref<16x256xf32, #tpu.memory_space<vmem>> -> memref<1x128xf32, #tpu.memory_space<vmem>>
      %dma_start3A_1306 = tpu.memref_squeeze %dma_start3A_1305 : memref<1x128xf32, #tpu.memory_space<vmem>> -> memref<128xf32, #tpu.memory_space<vmem>>
      %dma_start3A_1307 = arith.constant 0 : i32
      %dma_start3A_1308 = tpu.memref_slice %arg8[%dma_start3A_1303, %dma_start3A_1307] : memref<16x128xi32, #tpu.memory_space<vmem>> -> memref<1x128xi32, #tpu.memory_space<vmem>>
      %dma_start3A_1309 = tpu.memref_squeeze %dma_start3A_1308 : memref<1x128xi32, #tpu.memory_space<vmem>> -> memref<128xi32, #tpu.memory_space<vmem>>
      %dma_start3A_1310 = arith.constant 0 : i32
      %dma_start3A_1311 = tpu.memref_slice %arg11[%dma_start3A_1310] : memref<1310720xf32, #tpu.memory_space<vmem_shared>> -> memref<1310720xf32, #tpu.memory_space<vmem_shared>>
      tpu.enqueue_indirect_dma source(%dma_start3A_1306 : memref<128xf32, #tpu.memory_space<vmem>>) target(%dma_start3A_1311 : memref<1310720xf32, #tpu.memory_space<vmem_shared>>) offsets(%dma_start3A_1309 : memref<128xi32, #tpu.memory_space<vmem>>) semaphore(%arg13 : memref<!tpu.dma_semaphore, #tpu.memory_space<semaphore_mem>>) {add = true}
      %dma_start3A_1312 = arith.constant 2 : i32
      %dma_start3A_1313 = arith.constant 2 : i32
      %dma_start3A_1314 = arith.constant 128 : i32
      %dma_start3A_1315 = tpu.memref_slice %arg9[%dma_start3A_1312, %dma_start3A_1314] : memref<16x256xf32, #tpu.memory_space<vmem>> -> memref<1x128xf32, #tpu.memory_space<vmem>>
      %dma_start3A_1316 = tpu.memref_squeeze %dma_start3A_1315 : memref<1x128xf32, #tpu.memory_space<vmem>> -> memref<128xf32, #tpu.memory_space<vmem>>
      %dma_start3A_1317 = arith.constant 0 : i32
      %dma_start3A_1318 = tpu.memref_slice %arg8[%dma_start3A_1313, %dma_start3A_1317] : memref<16x128xi32, #tpu.memory_space<vmem>> -> memref<1x128xi32, #tpu.memory_space<vmem>>
      %dma_start3A_1319 = tpu.memref_squeeze %dma_start3A_1318 : memref<1x128xi32, #tpu.memory_space<vmem>> -> memref<128xi32, #tpu.memory_space<vmem>>
      %dma_start3A_1320 = arith.constant 0 : i32
      %dma_start3A_1321 = tpu.memref_slice %arg11[%dma_start3A_1320] : memref<1310720xf32, #tpu.memory_space<vmem_shared>> -> memref<1310720xf32, #tpu.memory_space<vmem_shared>>
      tpu.enqueue_indirect_dma source(%dma_start3A_1316 : memref<128xf32, #tpu.memory_space<vmem>>) target(%dma_start3A_1321 : memref<1310720xf32, #tpu.memory_space<vmem_shared>>) offsets(%dma_start3A_1319 : memref<128xi32, #tpu.memory_space<vmem>>) semaphore(%arg13 : memref<!tpu.dma_semaphore, #tpu.memory_space<semaphore_mem>>) {add = true}
      %dma_start3A_1322 = arith.constant 3 : i32
      %dma_start3A_1323 = arith.constant 3 : i32
      %dma_start3A_1324 = arith.constant 128 : i32
      %dma_start3A_1325 = tpu.memref_slice %arg9[%dma_start3A_1322, %dma_start3A_1324] : memref<16x256xf32, #tpu.memory_space<vmem>> -> memref<1x128xf32, #tpu.memory_space<vmem>>
      %dma_start3A_1326 = tpu.memref_squeeze %dma_start3A_1325 : memref<1x128xf32, #tpu.memory_space<vmem>> -> memref<128xf32, #tpu.memory_space<vmem>>
      %dma_start3A_1327 = arith.constant 0 : i32
      %dma_start3A_1328 = tpu.memref_slice %arg8[%dma_start3A_1323, %dma_start3A_1327] : memref<16x128xi32, #tpu.memory_space<vmem>> -> memref<1x128xi32, #tpu.memory_space<vmem>>
      %dma_start3A_1329 = tpu.memref_squeeze %dma_start3A_1328 : memref<1x128xi32, #tpu.memory_space<vmem>> -> memref<128xi32, #tpu.memory_space<vmem>>
      %dma_start3A_1330 = arith.constant 0 : i32
      %dma_start3A_1331 = tpu.memref_slice %arg11[%dma_start3A_1330] : memref<1310720xf32, #tpu.memory_space<vmem_shared>> -> memref<1310720xf32, #tpu.memory_space<vmem_shared>>
      tpu.enqueue_indirect_dma source(%dma_start3A_1326 : memref<128xf32, #tpu.memory_space<vmem>>) target(%dma_start3A_1331 : memref<1310720xf32, #tpu.memory_space<vmem_shared>>) offsets(%dma_start3A_1329 : memref<128xi32, #tpu.memory_space<vmem>>) semaphore(%arg13 : memref<!tpu.dma_semaphore, #tpu.memory_space<semaphore_mem>>) {add = true}
      %dma_start3A_1332 = arith.constant 4 : i32
      %dma_start3A_1333 = arith.constant 4 : i32
      %dma_start3A_1334 = arith.constant 128 : i32
      %dma_start3A_1335 = tpu.memref_slice %arg9[%dma_start3A_1332, %dma_start3A_1334] : memref<16x256xf32, #tpu.memory_space<vmem>> -> memref<1x128xf32, #tpu.memory_space<vmem>>
      %dma_start3A_1336 = tpu.memref_squeeze %dma_start3A_1335 : memref<1x128xf32, #tpu.memory_space<vmem>> -> memref<128xf32, #tpu.memory_space<vmem>>
      %dma_start3A_1337 = arith.constant 0 : i32
      %dma_start3A_1338 = tpu.memref_slice %arg8[%dma_start3A_1333, %dma_start3A_1337] : memref<16x128xi32, #tpu.memory_space<vmem>> -> memref<1x128xi32, #tpu.memory_space<vmem>>
      %dma_start3A_1339 = tpu.memref_squeeze %dma_start3A_1338 : memref<1x128xi32, #tpu.memory_space<vmem>> -> memref<128xi32, #tpu.memory_space<vmem>>
      %dma_start3A_1340 = arith.constant 0 : i32
      %dma_start3A_1341 = tpu.memref_slice %arg11[%dma_start3A_1340] : memref<1310720xf32, #tpu.memory_space<vmem_shared>> -> memref<1310720xf32, #tpu.memory_space<vmem_shared>>
      tpu.enqueue_indirect_dma source(%dma_start3A_1336 : memref<128xf32, #tpu.memory_space<vmem>>) target(%dma_start3A_1341 : memref<1310720xf32, #tpu.memory_space<vmem_shared>>) offsets(%dma_start3A_1339 : memref<128xi32, #tpu.memory_space<vmem>>) semaphore(%arg13 : memref<!tpu.dma_semaphore, #tpu.memory_space<semaphore_mem>>) {add = true}
      %dma_start3A_1342 = arith.constant 5 : i32
      %dma_start3A_1343 = arith.constant 5 : i32
      %dma_start3A_1344 = arith.constant 128 : i32
      %dma_start3A_1345 = tpu.memref_slice %arg9[%dma_start3A_1342, %dma_start3A_1344] : memref<16x256xf32, #tpu.memory_space<vmem>> -> memref<1x128xf32, #tpu.memory_space<vmem>>
      %dma_start3A_1346 = tpu.memref_squeeze %dma_start3A_1345 : memref<1x128xf32, #tpu.memory_space<vmem>> -> memref<128xf32, #tpu.memory_space<vmem>>
      %dma_start3A_1347 = arith.constant 0 : i32
      %dma_start3A_1348 = tpu.memref_slice %arg8[%dma_start3A_1343, %dma_start3A_1347] : memref<16x128xi32, #tpu.memory_space<vmem>> -> memref<1x128xi32, #tpu.memory_space<vmem>>
      %dma_start3A_1349 = tpu.memref_squeeze %dma_start3A_1348 : memref<1x128xi32, #tpu.memory_space<vmem>> -> memref<128xi32, #tpu.memory_space<vmem>>
      %dma_start3A_1350 = arith.constant 0 : i32
      %dma_start3A_1351 = tpu.memref_slice %arg11[%dma_start3A_1350] : memref<1310720xf32, #tpu.memory_space<vmem_shared>> -> memref<1310720xf32, #tpu.memory_space<vmem_shared>>
      tpu.enqueue_indirect_dma source(%dma_start3A_1346 : memref<128xf32, #tpu.memory_space<vmem>>) target(%dma_start3A_1351 : memref<1310720xf32, #tpu.memory_space<vmem_shared>>) offsets(%dma_start3A_1349 : memref<128xi32, #tpu.memory_space<vmem>>) semaphore(%arg13 : memref<!tpu.dma_semaphore, #tpu.memory_space<semaphore_mem>>) {add = true}
      %dma_start3A_1352 = arith.constant 6 : i32
      %dma_start3A_1353 = arith.constant 6 : i32
      %dma_start3A_1354 = arith.constant 128 : i32
      %dma_start3A_1355 = tpu.memref_slice %arg9[%dma_start3A_1352, %dma_start3A_1354] : memref<16x256xf32, #tpu.memory_space<vmem>> -> memref<1x128xf32, #tpu.memory_space<vmem>>
      %dma_start3A_1356 = tpu.memref_squeeze %dma_start3A_1355 : memref<1x128xf32, #tpu.memory_space<vmem>> -> memref<128xf32, #tpu.memory_space<vmem>>
      %dma_start3A_1357 = arith.constant 0 : i32
      %dma_start3A_1358 = tpu.memref_slice %arg8[%dma_start3A_1353, %dma_start3A_1357] : memref<16x128xi32, #tpu.memory_space<vmem>> -> memref<1x128xi32, #tpu.memory_space<vmem>>
      %dma_start3A_1359 = tpu.memref_squeeze %dma_start3A_1358 : memref<1x128xi32, #tpu.memory_space<vmem>> -> memref<128xi32, #tpu.memory_space<vmem>>
      %dma_start3A_1360 = arith.constant 0 : i32
      %dma_start3A_1361 = tpu.memref_slice %arg11[%dma_start3A_1360] : memref<1310720xf32, #tpu.memory_space<vmem_shared>> -> memref<1310720xf32, #tpu.memory_space<vmem_shared>>
      tpu.enqueue_indirect_dma source(%dma_start3A_1356 : memref<128xf32, #tpu.memory_space<vmem>>) target(%dma_start3A_1361 : memref<1310720xf32, #tpu.memory_space<vmem_shared>>) offsets(%dma_start3A_1359 : memref<128xi32, #tpu.memory_space<vmem>>) semaphore(%arg13 : memref<!tpu.dma_semaphore, #tpu.memory_space<semaphore_mem>>) {add = true}
      %dma_start3A_1362 = arith.constant 7 : i32
      %dma_start3A_1363 = arith.constant 7 : i32
      %dma_start3A_1364 = arith.constant 128 : i32
      %dma_start3A_1365 = tpu.memref_slice %arg9[%dma_start3A_1362, %dma_start3A_1364] : memref<16x256xf32, #tpu.memory_space<vmem>> -> memref<1x128xf32, #tpu.memory_space<vmem>>
      %dma_start3A_1366 = tpu.memref_squeeze %dma_start3A_1365 : memref<1x128xf32, #tpu.memory_space<vmem>> -> memref<128xf32, #tpu.memory_space<vmem>>
      %dma_start3A_1367 = arith.constant 0 : i32
      %dma_start3A_1368 = tpu.memref_slice %arg8[%dma_start3A_1363, %dma_start3A_1367] : memref<16x128xi32, #tpu.memory_space<vmem>> -> memref<1x128xi32, #tpu.memory_space<vmem>>
      %dma_start3A_1369 = tpu.memref_squeeze %dma_start3A_1368 : memref<1x128xi32, #tpu.memory_space<vmem>> -> memref<128xi32, #tpu.memory_space<vmem>>
      %dma_start3A_1370 = arith.constant 0 : i32
      %dma_start3A_1371 = tpu.memref_slice %arg11[%dma_start3A_1370] : memref<1310720xf32, #tpu.memory_space<vmem_shared>> -> memref<1310720xf32, #tpu.memory_space<vmem_shared>>
      tpu.enqueue_indirect_dma source(%dma_start3A_1366 : memref<128xf32, #tpu.memory_space<vmem>>) target(%dma_start3A_1371 : memref<1310720xf32, #tpu.memory_space<vmem_shared>>) offsets(%dma_start3A_1369 : memref<128xi32, #tpu.memory_space<vmem>>) semaphore(%arg13 : memref<!tpu.dma_semaphore, #tpu.memory_space<semaphore_mem>>) {add = true}
      %dma_start3A_1372 = arith.constant 8 : i32
      %dma_start3A_1373 = arith.constant 8 : i32
      %dma_start3A_1374 = arith.constant 128 : i32
      %dma_start3A_1375 = tpu.memref_slice %arg9[%dma_start3A_1372, %dma_start3A_1374] : memref<16x256xf32, #tpu.memory_space<vmem>> -> memref<1x128xf32, #tpu.memory_space<vmem>>
      %dma_start3A_1376 = tpu.memref_squeeze %dma_start3A_1375 : memref<1x128xf32, #tpu.memory_space<vmem>> -> memref<128xf32, #tpu.memory_space<vmem>>
      %dma_start3A_1377 = arith.constant 0 : i32
      %dma_start3A_1378 = tpu.memref_slice %arg8[%dma_start3A_1373, %dma_start3A_1377] : memref<16x128xi32, #tpu.memory_space<vmem>> -> memref<1x128xi32, #tpu.memory_space<vmem>>
      %dma_start3A_1379 = tpu.memref_squeeze %dma_start3A_1378 : memref<1x128xi32, #tpu.memory_space<vmem>> -> memref<128xi32, #tpu.memory_space<vmem>>
      %dma_start3A_1380 = arith.constant 0 : i32
      %dma_start3A_1381 = tpu.memref_slice %arg11[%dma_start3A_1380] : memref<1310720xf32, #tpu.memory_space<vmem_shared>> -> memref<1310720xf32, #tpu.memory_space<vmem_shared>>
      tpu.enqueue_indirect_dma source(%dma_start3A_1376 : memref<128xf32, #tpu.memory_space<vmem>>) target(%dma_start3A_1381 : memref<1310720xf32, #tpu.memory_space<vmem_shared>>) offsets(%dma_start3A_1379 : memref<128xi32, #tpu.memory_space<vmem>>) semaphore(%arg13 : memref<!tpu.dma_semaphore, #tpu.memory_space<semaphore_mem>>) {add = true}
      %dma_start3A_1382 = arith.constant 9 : i32
      %dma_start3A_1383 = arith.constant 9 : i32
      %dma_start3A_1384 = arith.constant 128 : i32
      %dma_start3A_1385 = tpu.memref_slice %arg9[%dma_start3A_1382, %dma_start3A_1384] : memref<16x256xf32, #tpu.memory_space<vmem>> -> memref<1x128xf32, #tpu.memory_space<vmem>>
      %dma_start3A_1386 = tpu.memref_squeeze %dma_start3A_1385 : memref<1x128xf32, #tpu.memory_space<vmem>> -> memref<128xf32, #tpu.memory_space<vmem>>
      %dma_start3A_1387 = arith.constant 0 : i32
      %dma_start3A_1388 = tpu.memref_slice %arg8[%dma_start3A_1383, %dma_start3A_1387] : memref<16x128xi32, #tpu.memory_space<vmem>> -> memref<1x128xi32, #tpu.memory_space<vmem>>
      %dma_start3A_1389 = tpu.memref_squeeze %dma_start3A_1388 : memref<1x128xi32, #tpu.memory_space<vmem>> -> memref<128xi32, #tpu.memory_space<vmem>>
      %dma_start3A_1390 = arith.constant 0 : i32
      %dma_start3A_1391 = tpu.memref_slice %arg11[%dma_start3A_1390] : memref<1310720xf32, #tpu.memory_space<vmem_shared>> -> memref<1310720xf32, #tpu.memory_space<vmem_shared>>
      tpu.enqueue_indirect_dma source(%dma_start3A_1386 : memref<128xf32, #tpu.memory_space<vmem>>) target(%dma_start3A_1391 : memref<1310720xf32, #tpu.memory_space<vmem_shared>>) offsets(%dma_start3A_1389 : memref<128xi32, #tpu.memory_space<vmem>>) semaphore(%arg13 : memref<!tpu.dma_semaphore, #tpu.memory_space<semaphore_mem>>) {add = true}
      %dma_start3A_1392 = arith.constant 10 : i32
      %dma_start3A_1393 = arith.constant 10 : i32
      %dma_start3A_1394 = arith.constant 128 : i32
      %dma_start3A_1395 = tpu.memref_slice %arg9[%dma_start3A_1392, %dma_start3A_1394] : memref<16x256xf32, #tpu.memory_space<vmem>> -> memref<1x128xf32, #tpu.memory_space<vmem>>
      %dma_start3A_1396 = tpu.memref_squeeze %dma_start3A_1395 : memref<1x128xf32, #tpu.memory_space<vmem>> -> memref<128xf32, #tpu.memory_space<vmem>>
      %dma_start3A_1397 = arith.constant 0 : i32
      %dma_start3A_1398 = tpu.memref_slice %arg8[%dma_start3A_1393, %dma_start3A_1397] : memref<16x128xi32, #tpu.memory_space<vmem>> -> memref<1x128xi32, #tpu.memory_space<vmem>>
      %dma_start3A_1399 = tpu.memref_squeeze %dma_start3A_1398 : memref<1x128xi32, #tpu.memory_space<vmem>> -> memref<128xi32, #tpu.memory_space<vmem>>
      %dma_start3A_1400 = arith.constant 0 : i32
      %dma_start3A_1401 = tpu.memref_slice %arg11[%dma_start3A_1400] : memref<1310720xf32, #tpu.memory_space<vmem_shared>> -> memref<1310720xf32, #tpu.memory_space<vmem_shared>>
      tpu.enqueue_indirect_dma source(%dma_start3A_1396 : memref<128xf32, #tpu.memory_space<vmem>>) target(%dma_start3A_1401 : memref<1310720xf32, #tpu.memory_space<vmem_shared>>) offsets(%dma_start3A_1399 : memref<128xi32, #tpu.memory_space<vmem>>) semaphore(%arg13 : memref<!tpu.dma_semaphore, #tpu.memory_space<semaphore_mem>>) {add = true}
      %dma_start3A_1402 = arith.constant 11 : i32
      %dma_start3A_1403 = arith.constant 11 : i32
      %dma_start3A_1404 = arith.constant 128 : i32
      %dma_start3A_1405 = tpu.memref_slice %arg9[%dma_start3A_1402, %dma_start3A_1404] : memref<16x256xf32, #tpu.memory_space<vmem>> -> memref<1x128xf32, #tpu.memory_space<vmem>>
      %dma_start3A_1406 = tpu.memref_squeeze %dma_start3A_1405 : memref<1x128xf32, #tpu.memory_space<vmem>> -> memref<128xf32, #tpu.memory_space<vmem>>
      %dma_start3A_1407 = arith.constant 0 : i32
      %dma_start3A_1408 = tpu.memref_slice %arg8[%dma_start3A_1403, %dma_start3A_1407] : memref<16x128xi32, #tpu.memory_space<vmem>> -> memref<1x128xi32, #tpu.memory_space<vmem>>
      %dma_start3A_1409 = tpu.memref_squeeze %dma_start3A_1408 : memref<1x128xi32, #tpu.memory_space<vmem>> -> memref<128xi32, #tpu.memory_space<vmem>>
      %dma_start3A_1410 = arith.constant 0 : i32
      %dma_start3A_1411 = tpu.memref_slice %arg11[%dma_start3A_1410] : memref<1310720xf32, #tpu.memory_space<vmem_shared>> -> memref<1310720xf32, #tpu.memory_space<vmem_shared>>
      tpu.enqueue_indirect_dma source(%dma_start3A_1406 : memref<128xf32, #tpu.memory_space<vmem>>) target(%dma_start3A_1411 : memref<1310720xf32, #tpu.memory_space<vmem_shared>>) offsets(%dma_start3A_1409 : memref<128xi32, #tpu.memory_space<vmem>>) semaphore(%arg13 : memref<!tpu.dma_semaphore, #tpu.memory_space<semaphore_mem>>) {add = true}
      %dma_start3A_1412 = arith.constant 12 : i32
      %dma_start3A_1413 = arith.constant 12 : i32
      %dma_start3A_1414 = arith.constant 128 : i32
      %dma_start3A_1415 = tpu.memref_slice %arg9[%dma_start3A_1412, %dma_start3A_1414] : memref<16x256xf32, #tpu.memory_space<vmem>> -> memref<1x128xf32, #tpu.memory_space<vmem>>
      %dma_start3A_1416 = tpu.memref_squeeze %dma_start3A_1415 : memref<1x128xf32, #tpu.memory_space<vmem>> -> memref<128xf32, #tpu.memory_space<vmem>>
      %dma_start3A_1417 = arith.constant 0 : i32
      %dma_start3A_1418 = tpu.memref_slice %arg8[%dma_start3A_1413, %dma_start3A_1417] : memref<16x128xi32, #tpu.memory_space<vmem>> -> memref<1x128xi32, #tpu.memory_space<vmem>>
      %dma_start3A_1419 = tpu.memref_squeeze %dma_start3A_1418 : memref<1x128xi32, #tpu.memory_space<vmem>> -> memref<128xi32, #tpu.memory_space<vmem>>
      %dma_start3A_1420 = arith.constant 0 : i32
      %dma_start3A_1421 = tpu.memref_slice %arg11[%dma_start3A_1420] : memref<1310720xf32, #tpu.memory_space<vmem_shared>> -> memref<1310720xf32, #tpu.memory_space<vmem_shared>>
      tpu.enqueue_indirect_dma source(%dma_start3A_1416 : memref<128xf32, #tpu.memory_space<vmem>>) target(%dma_start3A_1421 : memref<1310720xf32, #tpu.memory_space<vmem_shared>>) offsets(%dma_start3A_1419 : memref<128xi32, #tpu.memory_space<vmem>>) semaphore(%arg13 : memref<!tpu.dma_semaphore, #tpu.memory_space<semaphore_mem>>) {add = true}
      %dma_start3A_1422 = arith.constant 13 : i32
      %dma_start3A_1423 = arith.constant 13 : i32
      %dma_start3A_1424 = arith.constant 128 : i32
      %dma_start3A_1425 = tpu.memref_slice %arg9[%dma_start3A_1422, %dma_start3A_1424] : memref<16x256xf32, #tpu.memory_space<vmem>> -> memref<1x128xf32, #tpu.memory_space<vmem>>
      %dma_start3A_1426 = tpu.memref_squeeze %dma_start3A_1425 : memref<1x128xf32, #tpu.memory_space<vmem>> -> memref<128xf32, #tpu.memory_space<vmem>>
      %dma_start3A_1427 = arith.constant 0 : i32
      %dma_start3A_1428 = tpu.memref_slice %arg8[%dma_start3A_1423, %dma_start3A_1427] : memref<16x128xi32, #tpu.memory_space<vmem>> -> memref<1x128xi32, #tpu.memory_space<vmem>>
      %dma_start3A_1429 = tpu.memref_squeeze %dma_start3A_1428 : memref<1x128xi32, #tpu.memory_space<vmem>> -> memref<128xi32, #tpu.memory_space<vmem>>
      %dma_start3A_1430 = arith.constant 0 : i32
      %dma_start3A_1431 = tpu.memref_slice %arg11[%dma_start3A_1430] : memref<1310720xf32, #tpu.memory_space<vmem_shared>> -> memref<1310720xf32, #tpu.memory_space<vmem_shared>>
      tpu.enqueue_indirect_dma source(%dma_start3A_1426 : memref<128xf32, #tpu.memory_space<vmem>>) target(%dma_start3A_1431 : memref<1310720xf32, #tpu.memory_space<vmem_shared>>) offsets(%dma_start3A_1429 : memref<128xi32, #tpu.memory_space<vmem>>) semaphore(%arg13 : memref<!tpu.dma_semaphore, #tpu.memory_space<semaphore_mem>>) {add = true}
      %dma_start3A_1432 = arith.constant 14 : i32
      %dma_start3A_1433 = arith.constant 14 : i32
      %dma_start3A_1434 = arith.constant 128 : i32
      %dma_start3A_1435 = tpu.memref_slice %arg9[%dma_start3A_1432, %dma_start3A_1434] : memref<16x256xf32, #tpu.memory_space<vmem>> -> memref<1x128xf32, #tpu.memory_space<vmem>>
      %dma_start3A_1436 = tpu.memref_squeeze %dma_start3A_1435 : memref<1x128xf32, #tpu.memory_space<vmem>> -> memref<128xf32, #tpu.memory_space<vmem>>
      %dma_start3A_1437 = arith.constant 0 : i32
      %dma_start3A_1438 = tpu.memref_slice %arg8[%dma_start3A_1433, %dma_start3A_1437] : memref<16x128xi32, #tpu.memory_space<vmem>> -> memref<1x128xi32, #tpu.memory_space<vmem>>
      %dma_start3A_1439 = tpu.memref_squeeze %dma_start3A_1438 : memref<1x128xi32, #tpu.memory_space<vmem>> -> memref<128xi32, #tpu.memory_space<vmem>>
      %dma_start3A_1440 = arith.constant 0 : i32
      %dma_start3A_1441 = tpu.memref_slice %arg11[%dma_start3A_1440] : memref<1310720xf32, #tpu.memory_space<vmem_shared>> -> memref<1310720xf32, #tpu.memory_space<vmem_shared>>
      tpu.enqueue_indirect_dma source(%dma_start3A_1436 : memref<128xf32, #tpu.memory_space<vmem>>) target(%dma_start3A_1441 : memref<1310720xf32, #tpu.memory_space<vmem_shared>>) offsets(%dma_start3A_1439 : memref<128xi32, #tpu.memory_space<vmem>>) semaphore(%arg13 : memref<!tpu.dma_semaphore, #tpu.memory_space<semaphore_mem>>) {add = true}
      %dma_start3A_1442 = arith.constant 15 : i32
      %dma_start3A_1443 = arith.constant 15 : i32
      %dma_start3A_1444 = arith.constant 128 : i32
      %dma_start3A_1445 = tpu.memref_slice %arg9[%dma_start3A_1442, %dma_start3A_1444] : memref<16x256xf32, #tpu.memory_space<vmem>> -> memref<1x128xf32, #tpu.memory_space<vmem>>
      %dma_start3A_1446 = tpu.memref_squeeze %dma_start3A_1445 : memref<1x128xf32, #tpu.memory_space<vmem>> -> memref<128xf32, #tpu.memory_space<vmem>>
      %dma_start3A_1447 = arith.constant 0 : i32
      %dma_start3A_1448 = tpu.memref_slice %arg8[%dma_start3A_1443, %dma_start3A_1447] : memref<16x128xi32, #tpu.memory_space<vmem>> -> memref<1x128xi32, #tpu.memory_space<vmem>>
      %dma_start3A_1449 = tpu.memref_squeeze %dma_start3A_1448 : memref<1x128xi32, #tpu.memory_space<vmem>> -> memref<128xi32, #tpu.memory_space<vmem>>
      %dma_start3A_1450 = arith.constant 0 : i32
      %dma_start3A_1451 = tpu.memref_slice %arg11[%dma_start3A_1450] : memref<1310720xf32, #tpu.memory_space<vmem_shared>> -> memref<1310720xf32, #tpu.memory_space<vmem_shared>>
      tpu.enqueue_indirect_dma source(%dma_start3A_1446 : memref<128xf32, #tpu.memory_space<vmem>>) target(%dma_start3A_1451 : memref<1310720xf32, #tpu.memory_space<vmem_shared>>) offsets(%dma_start3A_1449 : memref<128xi32, #tpu.memory_space<vmem>>) semaphore(%arg13 : memref<!tpu.dma_semaphore, #tpu.memory_space<semaphore_mem>>) {add = true}
      %dma_wait3A_1452 = arith.constant 0 : i32
      %dma_wait3A_1453 = arith.constant 0 : i32
      %dma_wait3A_1454 = arith.constant 128 : i32
      %dma_wait3A_1455 = tpu.memref_slice %arg9[%dma_wait3A_1452, %dma_wait3A_1454] : memref<16x256xf32, #tpu.memory_space<vmem>> -> memref<1x128xf32, #tpu.memory_space<vmem>>
      %dma_wait3A_1456 = tpu.memref_squeeze %dma_wait3A_1455 : memref<1x128xf32, #tpu.memory_space<vmem>> -> memref<128xf32, #tpu.memory_space<vmem>>
      %dma_wait3A_1457 = arith.constant 0 : i32
      %dma_wait3A_1458 = tpu.memref_slice %arg8[%dma_wait3A_1453, %dma_wait3A_1457] : memref<16x128xi32, #tpu.memory_space<vmem>> -> memref<1x128xi32, #tpu.memory_space<vmem>>
      %dma_wait3A_1459 = tpu.memref_squeeze %dma_wait3A_1458 : memref<1x128xi32, #tpu.memory_space<vmem>> -> memref<128xi32, #tpu.memory_space<vmem>>
      %dma_wait3A_1460 = arith.constant 0 : i32
      %dma_wait3A_1461 = tpu.memref_slice %arg11[%dma_wait3A_1460] : memref<1310720xf32, #tpu.memory_space<vmem_shared>> -> memref<1310720xf32, #tpu.memory_space<vmem_shared>>
      tpu.wait_indirect_dma semaphore(%arg13 : memref<!tpu.dma_semaphore, #tpu.memory_space<semaphore_mem>>) src(%dma_wait3A_1456 : memref<128xf32, #tpu.memory_space<vmem>>) dst(%dma_wait3A_1461 : memref<1310720xf32, #tpu.memory_space<vmem_shared>>)
      %dma_wait3A_1462 = arith.constant 1 : i32
      %dma_wait3A_1463 = arith.constant 1 : i32
      %dma_wait3A_1464 = arith.constant 128 : i32
      %dma_wait3A_1465 = tpu.memref_slice %arg9[%dma_wait3A_1462, %dma_wait3A_1464] : memref<16x256xf32, #tpu.memory_space<vmem>> -> memref<1x128xf32, #tpu.memory_space<vmem>>
      %dma_wait3A_1466 = tpu.memref_squeeze %dma_wait3A_1465 : memref<1x128xf32, #tpu.memory_space<vmem>> -> memref<128xf32, #tpu.memory_space<vmem>>
      %dma_wait3A_1467 = arith.constant 0 : i32
      %dma_wait3A_1468 = tpu.memref_slice %arg8[%dma_wait3A_1463, %dma_wait3A_1467] : memref<16x128xi32, #tpu.memory_space<vmem>> -> memref<1x128xi32, #tpu.memory_space<vmem>>
      %dma_wait3A_1469 = tpu.memref_squeeze %dma_wait3A_1468 : memref<1x128xi32, #tpu.memory_space<vmem>> -> memref<128xi32, #tpu.memory_space<vmem>>
      %dma_wait3A_1470 = arith.constant 0 : i32
      %dma_wait3A_1471 = tpu.memref_slice %arg11[%dma_wait3A_1470] : memref<1310720xf32, #tpu.memory_space<vmem_shared>> -> memref<1310720xf32, #tpu.memory_space<vmem_shared>>
      tpu.wait_indirect_dma semaphore(%arg13 : memref<!tpu.dma_semaphore, #tpu.memory_space<semaphore_mem>>) src(%dma_wait3A_1466 : memref<128xf32, #tpu.memory_space<vmem>>) dst(%dma_wait3A_1471 : memref<1310720xf32, #tpu.memory_space<vmem_shared>>)
      %dma_wait3A_1472 = arith.constant 2 : i32
      %dma_wait3A_1473 = arith.constant 2 : i32
      %dma_wait3A_1474 = arith.constant 128 : i32
      %dma_wait3A_1475 = tpu.memref_slice %arg9[%dma_wait3A_1472, %dma_wait3A_1474] : memref<16x256xf32, #tpu.memory_space<vmem>> -> memref<1x128xf32, #tpu.memory_space<vmem>>
      %dma_wait3A_1476 = tpu.memref_squeeze %dma_wait3A_1475 : memref<1x128xf32, #tpu.memory_space<vmem>> -> memref<128xf32, #tpu.memory_space<vmem>>
      %dma_wait3A_1477 = arith.constant 0 : i32
      %dma_wait3A_1478 = tpu.memref_slice %arg8[%dma_wait3A_1473, %dma_wait3A_1477] : memref<16x128xi32, #tpu.memory_space<vmem>> -> memref<1x128xi32, #tpu.memory_space<vmem>>
      %dma_wait3A_1479 = tpu.memref_squeeze %dma_wait3A_1478 : memref<1x128xi32, #tpu.memory_space<vmem>> -> memref<128xi32, #tpu.memory_space<vmem>>
      %dma_wait3A_1480 = arith.constant 0 : i32
      %dma_wait3A_1481 = tpu.memref_slice %arg11[%dma_wait3A_1480] : memref<1310720xf32, #tpu.memory_space<vmem_shared>> -> memref<1310720xf32, #tpu.memory_space<vmem_shared>>
      tpu.wait_indirect_dma semaphore(%arg13 : memref<!tpu.dma_semaphore, #tpu.memory_space<semaphore_mem>>) src(%dma_wait3A_1476 : memref<128xf32, #tpu.memory_space<vmem>>) dst(%dma_wait3A_1481 : memref<1310720xf32, #tpu.memory_space<vmem_shared>>)
      %dma_wait3A_1482 = arith.constant 3 : i32
      %dma_wait3A_1483 = arith.constant 3 : i32
      %dma_wait3A_1484 = arith.constant 128 : i32
      %dma_wait3A_1485 = tpu.memref_slice %arg9[%dma_wait3A_1482, %dma_wait3A_1484] : memref<16x256xf32, #tpu.memory_space<vmem>> -> memref<1x128xf32, #tpu.memory_space<vmem>>
      %dma_wait3A_1486 = tpu.memref_squeeze %dma_wait3A_1485 : memref<1x128xf32, #tpu.memory_space<vmem>> -> memref<128xf32, #tpu.memory_space<vmem>>
      %dma_wait3A_1487 = arith.constant 0 : i32
      %dma_wait3A_1488 = tpu.memref_slice %arg8[%dma_wait3A_1483, %dma_wait3A_1487] : memref<16x128xi32, #tpu.memory_space<vmem>> -> memref<1x128xi32, #tpu.memory_space<vmem>>
      %dma_wait3A_1489 = tpu.memref_squeeze %dma_wait3A_1488 : memref<1x128xi32, #tpu.memory_space<vmem>> -> memref<128xi32, #tpu.memory_space<vmem>>
      %dma_wait3A_1490 = arith.constant 0 : i32
      %dma_wait3A_1491 = tpu.memref_slice %arg11[%dma_wait3A_1490] : memref<1310720xf32, #tpu.memory_space<vmem_shared>> -> memref<1310720xf32, #tpu.memory_space<vmem_shared>>
      tpu.wait_indirect_dma semaphore(%arg13 : memref<!tpu.dma_semaphore, #tpu.memory_space<semaphore_mem>>) src(%dma_wait3A_1486 : memref<128xf32, #tpu.memory_space<vmem>>) dst(%dma_wait3A_1491 : memref<1310720xf32, #tpu.memory_space<vmem_shared>>)
      %dma_wait3A_1492 = arith.constant 4 : i32
      %dma_wait3A_1493 = arith.constant 4 : i32
      %dma_wait3A_1494 = arith.constant 128 : i32
      %dma_wait3A_1495 = tpu.memref_slice %arg9[%dma_wait3A_1492, %dma_wait3A_1494] : memref<16x256xf32, #tpu.memory_space<vmem>> -> memref<1x128xf32, #tpu.memory_space<vmem>>
      %dma_wait3A_1496 = tpu.memref_squeeze %dma_wait3A_1495 : memref<1x128xf32, #tpu.memory_space<vmem>> -> memref<128xf32, #tpu.memory_space<vmem>>
      %dma_wait3A_1497 = arith.constant 0 : i32
      %dma_wait3A_1498 = tpu.memref_slice %arg8[%dma_wait3A_1493, %dma_wait3A_1497] : memref<16x128xi32, #tpu.memory_space<vmem>> -> memref<1x128xi32, #tpu.memory_space<vmem>>
      %dma_wait3A_1499 = tpu.memref_squeeze %dma_wait3A_1498 : memref<1x128xi32, #tpu.memory_space<vmem>> -> memref<128xi32, #tpu.memory_space<vmem>>
      %dma_wait3A_1500 = arith.constant 0 : i32
      %dma_wait3A_1501 = tpu.memref_slice %arg11[%dma_wait3A_1500] : memref<1310720xf32, #tpu.memory_space<vmem_shared>> -> memref<1310720xf32, #tpu.memory_space<vmem_shared>>
      tpu.wait_indirect_dma semaphore(%arg13 : memref<!tpu.dma_semaphore, #tpu.memory_space<semaphore_mem>>) src(%dma_wait3A_1496 : memref<128xf32, #tpu.memory_space<vmem>>) dst(%dma_wait3A_1501 : memref<1310720xf32, #tpu.memory_space<vmem_shared>>)
      %dma_wait3A_1502 = arith.constant 5 : i32
      %dma_wait3A_1503 = arith.constant 5 : i32
      %dma_wait3A_1504 = arith.constant 128 : i32
      %dma_wait3A_1505 = tpu.memref_slice %arg9[%dma_wait3A_1502, %dma_wait3A_1504] : memref<16x256xf32, #tpu.memory_space<vmem>> -> memref<1x128xf32, #tpu.memory_space<vmem>>
      %dma_wait3A_1506 = tpu.memref_squeeze %dma_wait3A_1505 : memref<1x128xf32, #tpu.memory_space<vmem>> -> memref<128xf32, #tpu.memory_space<vmem>>
      %dma_wait3A_1507 = arith.constant 0 : i32
      %dma_wait3A_1508 = tpu.memref_slice %arg8[%dma_wait3A_1503, %dma_wait3A_1507] : memref<16x128xi32, #tpu.memory_space<vmem>> -> memref<1x128xi32, #tpu.memory_space<vmem>>
      %dma_wait3A_1509 = tpu.memref_squeeze %dma_wait3A_1508 : memref<1x128xi32, #tpu.memory_space<vmem>> -> memref<128xi32, #tpu.memory_space<vmem>>
      %dma_wait3A_1510 = arith.constant 0 : i32
      %dma_wait3A_1511 = tpu.memref_slice %arg11[%dma_wait3A_1510] : memref<1310720xf32, #tpu.memory_space<vmem_shared>> -> memref<1310720xf32, #tpu.memory_space<vmem_shared>>
      tpu.wait_indirect_dma semaphore(%arg13 : memref<!tpu.dma_semaphore, #tpu.memory_space<semaphore_mem>>) src(%dma_wait3A_1506 : memref<128xf32, #tpu.memory_space<vmem>>) dst(%dma_wait3A_1511 : memref<1310720xf32, #tpu.memory_space<vmem_shared>>)
      %dma_wait3A_1512 = arith.constant 6 : i32
      %dma_wait3A_1513 = arith.constant 6 : i32
      %dma_wait3A_1514 = arith.constant 128 : i32
      %dma_wait3A_1515 = tpu.memref_slice %arg9[%dma_wait3A_1512, %dma_wait3A_1514] : memref<16x256xf32, #tpu.memory_space<vmem>> -> memref<1x128xf32, #tpu.memory_space<vmem>>
      %dma_wait3A_1516 = tpu.memref_squeeze %dma_wait3A_1515 : memref<1x128xf32, #tpu.memory_space<vmem>> -> memref<128xf32, #tpu.memory_space<vmem>>
      %dma_wait3A_1517 = arith.constant 0 : i32
      %dma_wait3A_1518 = tpu.memref_slice %arg8[%dma_wait3A_1513, %dma_wait3A_1517] : memref<16x128xi32, #tpu.memory_space<vmem>> -> memref<1x128xi32, #tpu.memory_space<vmem>>
      %dma_wait3A_1519 = tpu.memref_squeeze %dma_wait3A_1518 : memref<1x128xi32, #tpu.memory_space<vmem>> -> memref<128xi32, #tpu.memory_space<vmem>>
      %dma_wait3A_1520 = arith.constant 0 : i32
      %dma_wait3A_1521 = tpu.memref_slice %arg11[%dma_wait3A_1520] : memref<1310720xf32, #tpu.memory_space<vmem_shared>> -> memref<1310720xf32, #tpu.memory_space<vmem_shared>>
      tpu.wait_indirect_dma semaphore(%arg13 : memref<!tpu.dma_semaphore, #tpu.memory_space<semaphore_mem>>) src(%dma_wait3A_1516 : memref<128xf32, #tpu.memory_space<vmem>>) dst(%dma_wait3A_1521 : memref<1310720xf32, #tpu.memory_space<vmem_shared>>)
      %dma_wait3A_1522 = arith.constant 7 : i32
      %dma_wait3A_1523 = arith.constant 7 : i32
      %dma_wait3A_1524 = arith.constant 128 : i32
      %dma_wait3A_1525 = tpu.memref_slice %arg9[%dma_wait3A_1522, %dma_wait3A_1524] : memref<16x256xf32, #tpu.memory_space<vmem>> -> memref<1x128xf32, #tpu.memory_space<vmem>>
      %dma_wait3A_1526 = tpu.memref_squeeze %dma_wait3A_1525 : memref<1x128xf32, #tpu.memory_space<vmem>> -> memref<128xf32, #tpu.memory_space<vmem>>
      %dma_wait3A_1527 = arith.constant 0 : i32
      %dma_wait3A_1528 = tpu.memref_slice %arg8[%dma_wait3A_1523, %dma_wait3A_1527] : memref<16x128xi32, #tpu.memory_space<vmem>> -> memref<1x128xi32, #tpu.memory_space<vmem>>
      %dma_wait3A_1529 = tpu.memref_squeeze %dma_wait3A_1528 : memref<1x128xi32, #tpu.memory_space<vmem>> -> memref<128xi32, #tpu.memory_space<vmem>>
      %dma_wait3A_1530 = arith.constant 0 : i32
      %dma_wait3A_1531 = tpu.memref_slice %arg11[%dma_wait3A_1530] : memref<1310720xf32, #tpu.memory_space<vmem_shared>> -> memref<1310720xf32, #tpu.memory_space<vmem_shared>>
      tpu.wait_indirect_dma semaphore(%arg13 : memref<!tpu.dma_semaphore, #tpu.memory_space<semaphore_mem>>) src(%dma_wait3A_1526 : memref<128xf32, #tpu.memory_space<vmem>>) dst(%dma_wait3A_1531 : memref<1310720xf32, #tpu.memory_space<vmem_shared>>)
      %dma_wait3A_1532 = arith.constant 8 : i32
      %dma_wait3A_1533 = arith.constant 8 : i32
      %dma_wait3A_1534 = arith.constant 128 : i32
      %dma_wait3A_1535 = tpu.memref_slice %arg9[%dma_wait3A_1532, %dma_wait3A_1534] : memref<16x256xf32, #tpu.memory_space<vmem>> -> memref<1x128xf32, #tpu.memory_space<vmem>>
      %dma_wait3A_1536 = tpu.memref_squeeze %dma_wait3A_1535 : memref<1x128xf32, #tpu.memory_space<vmem>> -> memref<128xf32, #tpu.memory_space<vmem>>
      %dma_wait3A_1537 = arith.constant 0 : i32
      %dma_wait3A_1538 = tpu.memref_slice %arg8[%dma_wait3A_1533, %dma_wait3A_1537] : memref<16x128xi32, #tpu.memory_space<vmem>> -> memref<1x128xi32, #tpu.memory_space<vmem>>
      %dma_wait3A_1539 = tpu.memref_squeeze %dma_wait3A_1538 : memref<1x128xi32, #tpu.memory_space<vmem>> -> memref<128xi32, #tpu.memory_space<vmem>>
      %dma_wait3A_1540 = arith.constant 0 : i32
      %dma_wait3A_1541 = tpu.memref_slice %arg11[%dma_wait3A_1540] : memref<1310720xf32, #tpu.memory_space<vmem_shared>> -> memref<1310720xf32, #tpu.memory_space<vmem_shared>>
      tpu.wait_indirect_dma semaphore(%arg13 : memref<!tpu.dma_semaphore, #tpu.memory_space<semaphore_mem>>) src(%dma_wait3A_1536 : memref<128xf32, #tpu.memory_space<vmem>>) dst(%dma_wait3A_1541 : memref<1310720xf32, #tpu.memory_space<vmem_shared>>)
      %dma_wait3A_1542 = arith.constant 9 : i32
      %dma_wait3A_1543 = arith.constant 9 : i32
      %dma_wait3A_1544 = arith.constant 128 : i32
      %dma_wait3A_1545 = tpu.memref_slice %arg9[%dma_wait3A_1542, %dma_wait3A_1544] : memref<16x256xf32, #tpu.memory_space<vmem>> -> memref<1x128xf32, #tpu.memory_space<vmem>>
      %dma_wait3A_1546 = tpu.memref_squeeze %dma_wait3A_1545 : memref<1x128xf32, #tpu.memory_space<vmem>> -> memref<128xf32, #tpu.memory_space<vmem>>
      %dma_wait3A_1547 = arith.constant 0 : i32
      %dma_wait3A_1548 = tpu.memref_slice %arg8[%dma_wait3A_1543, %dma_wait3A_1547] : memref<16x128xi32, #tpu.memory_space<vmem>> -> memref<1x128xi32, #tpu.memory_space<vmem>>
      %dma_wait3A_1549 = tpu.memref_squeeze %dma_wait3A_1548 : memref<1x128xi32, #tpu.memory_space<vmem>> -> memref<128xi32, #tpu.memory_space<vmem>>
      %dma_wait3A_1550 = arith.constant 0 : i32
      %dma_wait3A_1551 = tpu.memref_slice %arg11[%dma_wait3A_1550] : memref<1310720xf32, #tpu.memory_space<vmem_shared>> -> memref<1310720xf32, #tpu.memory_space<vmem_shared>>
      tpu.wait_indirect_dma semaphore(%arg13 : memref<!tpu.dma_semaphore, #tpu.memory_space<semaphore_mem>>) src(%dma_wait3A_1546 : memref<128xf32, #tpu.memory_space<vmem>>) dst(%dma_wait3A_1551 : memref<1310720xf32, #tpu.memory_space<vmem_shared>>)
      %dma_wait3A_1552 = arith.constant 10 : i32
      %dma_wait3A_1553 = arith.constant 10 : i32
      %dma_wait3A_1554 = arith.constant 128 : i32
      %dma_wait3A_1555 = tpu.memref_slice %arg9[%dma_wait3A_1552, %dma_wait3A_1554] : memref<16x256xf32, #tpu.memory_space<vmem>> -> memref<1x128xf32, #tpu.memory_space<vmem>>
      %dma_wait3A_1556 = tpu.memref_squeeze %dma_wait3A_1555 : memref<1x128xf32, #tpu.memory_space<vmem>> -> memref<128xf32, #tpu.memory_space<vmem>>
      %dma_wait3A_1557 = arith.constant 0 : i32
      %dma_wait3A_1558 = tpu.memref_slice %arg8[%dma_wait3A_1553, %dma_wait3A_1557] : memref<16x128xi32, #tpu.memory_space<vmem>> -> memref<1x128xi32, #tpu.memory_space<vmem>>
      %dma_wait3A_1559 = tpu.memref_squeeze %dma_wait3A_1558 : memref<1x128xi32, #tpu.memory_space<vmem>> -> memref<128xi32, #tpu.memory_space<vmem>>
      %dma_wait3A_1560 = arith.constant 0 : i32
      %dma_wait3A_1561 = tpu.memref_slice %arg11[%dma_wait3A_1560] : memref<1310720xf32, #tpu.memory_space<vmem_shared>> -> memref<1310720xf32, #tpu.memory_space<vmem_shared>>
      tpu.wait_indirect_dma semaphore(%arg13 : memref<!tpu.dma_semaphore, #tpu.memory_space<semaphore_mem>>) src(%dma_wait3A_1556 : memref<128xf32, #tpu.memory_space<vmem>>) dst(%dma_wait3A_1561 : memref<1310720xf32, #tpu.memory_space<vmem_shared>>)
      %dma_wait3A_1562 = arith.constant 11 : i32
      %dma_wait3A_1563 = arith.constant 11 : i32
      %dma_wait3A_1564 = arith.constant 128 : i32
      %dma_wait3A_1565 = tpu.memref_slice %arg9[%dma_wait3A_1562, %dma_wait3A_1564] : memref<16x256xf32, #tpu.memory_space<vmem>> -> memref<1x128xf32, #tpu.memory_space<vmem>>
      %dma_wait3A_1566 = tpu.memref_squeeze %dma_wait3A_1565 : memref<1x128xf32, #tpu.memory_space<vmem>> -> memref<128xf32, #tpu.memory_space<vmem>>
      %dma_wait3A_1567 = arith.constant 0 : i32
      %dma_wait3A_1568 = tpu.memref_slice %arg8[%dma_wait3A_1563, %dma_wait3A_1567] : memref<16x128xi32, #tpu.memory_space<vmem>> -> memref<1x128xi32, #tpu.memory_space<vmem>>
      %dma_wait3A_1569 = tpu.memref_squeeze %dma_wait3A_1568 : memref<1x128xi32, #tpu.memory_space<vmem>> -> memref<128xi32, #tpu.memory_space<vmem>>
      %dma_wait3A_1570 = arith.constant 0 : i32
      %dma_wait3A_1571 = tpu.memref_slice %arg11[%dma_wait3A_1570] : memref<1310720xf32, #tpu.memory_space<vmem_shared>> -> memref<1310720xf32, #tpu.memory_space<vmem_shared>>
      tpu.wait_indirect_dma semaphore(%arg13 : memref<!tpu.dma_semaphore, #tpu.memory_space<semaphore_mem>>) src(%dma_wait3A_1566 : memref<128xf32, #tpu.memory_space<vmem>>) dst(%dma_wait3A_1571 : memref<1310720xf32, #tpu.memory_space<vmem_shared>>)
      %dma_wait3A_1572 = arith.constant 12 : i32
      %dma_wait3A_1573 = arith.constant 12 : i32
      %dma_wait3A_1574 = arith.constant 128 : i32
      %dma_wait3A_1575 = tpu.memref_slice %arg9[%dma_wait3A_1572, %dma_wait3A_1574] : memref<16x256xf32, #tpu.memory_space<vmem>> -> memref<1x128xf32, #tpu.memory_space<vmem>>
      %dma_wait3A_1576 = tpu.memref_squeeze %dma_wait3A_1575 : memref<1x128xf32, #tpu.memory_space<vmem>> -> memref<128xf32, #tpu.memory_space<vmem>>
      %dma_wait3A_1577 = arith.constant 0 : i32
      %dma_wait3A_1578 = tpu.memref_slice %arg8[%dma_wait3A_1573, %dma_wait3A_1577] : memref<16x128xi32, #tpu.memory_space<vmem>> -> memref<1x128xi32, #tpu.memory_space<vmem>>
      %dma_wait3A_1579 = tpu.memref_squeeze %dma_wait3A_1578 : memref<1x128xi32, #tpu.memory_space<vmem>> -> memref<128xi32, #tpu.memory_space<vmem>>
      %dma_wait3A_1580 = arith.constant 0 : i32
      %dma_wait3A_1581 = tpu.memref_slice %arg11[%dma_wait3A_1580] : memref<1310720xf32, #tpu.memory_space<vmem_shared>> -> memref<1310720xf32, #tpu.memory_space<vmem_shared>>
      tpu.wait_indirect_dma semaphore(%arg13 : memref<!tpu.dma_semaphore, #tpu.memory_space<semaphore_mem>>) src(%dma_wait3A_1576 : memref<128xf32, #tpu.memory_space<vmem>>) dst(%dma_wait3A_1581 : memref<1310720xf32, #tpu.memory_space<vmem_shared>>)
      %dma_wait3A_1582 = arith.constant 13 : i32
      %dma_wait3A_1583 = arith.constant 13 : i32
      %dma_wait3A_1584 = arith.constant 128 : i32
      %dma_wait3A_1585 = tpu.memref_slice %arg9[%dma_wait3A_1582, %dma_wait3A_1584] : memref<16x256xf32, #tpu.memory_space<vmem>> -> memref<1x128xf32, #tpu.memory_space<vmem>>
      %dma_wait3A_1586 = tpu.memref_squeeze %dma_wait3A_1585 : memref<1x128xf32, #tpu.memory_space<vmem>> -> memref<128xf32, #tpu.memory_space<vmem>>
      %dma_wait3A_1587 = arith.constant 0 : i32
      %dma_wait3A_1588 = tpu.memref_slice %arg8[%dma_wait3A_1583, %dma_wait3A_1587] : memref<16x128xi32, #tpu.memory_space<vmem>> -> memref<1x128xi32, #tpu.memory_space<vmem>>
      %dma_wait3A_1589 = tpu.memref_squeeze %dma_wait3A_1588 : memref<1x128xi32, #tpu.memory_space<vmem>> -> memref<128xi32, #tpu.memory_space<vmem>>
      %dma_wait3A_1590 = arith.constant 0 : i32
      %dma_wait3A_1591 = tpu.memref_slice %arg11[%dma_wait3A_1590] : memref<1310720xf32, #tpu.memory_space<vmem_shared>> -> memref<1310720xf32, #tpu.memory_space<vmem_shared>>
      tpu.wait_indirect_dma semaphore(%arg13 : memref<!tpu.dma_semaphore, #tpu.memory_space<semaphore_mem>>) src(%dma_wait3A_1586 : memref<128xf32, #tpu.memory_space<vmem>>) dst(%dma_wait3A_1591 : memref<1310720xf32, #tpu.memory_space<vmem_shared>>)
      %dma_wait3A_1592 = arith.constant 14 : i32
      %dma_wait3A_1593 = arith.constant 14 : i32
      %dma_wait3A_1594 = arith.constant 128 : i32
      %dma_wait3A_1595 = tpu.memref_slice %arg9[%dma_wait3A_1592, %dma_wait3A_1594] : memref<16x256xf32, #tpu.memory_space<vmem>> -> memref<1x128xf32, #tpu.memory_space<vmem>>
      %dma_wait3A_1596 = tpu.memref_squeeze %dma_wait3A_1595 : memref<1x128xf32, #tpu.memory_space<vmem>> -> memref<128xf32, #tpu.memory_space<vmem>>
      %dma_wait3A_1597 = arith.constant 0 : i32
      %dma_wait3A_1598 = tpu.memref_slice %arg8[%dma_wait3A_1593, %dma_wait3A_1597] : memref<16x128xi32, #tpu.memory_space<vmem>> -> memref<1x128xi32, #tpu.memory_space<vmem>>
      %dma_wait3A_1599 = tpu.memref_squeeze %dma_wait3A_1598 : memref<1x128xi32, #tpu.memory_space<vmem>> -> memref<128xi32, #tpu.memory_space<vmem>>
      %dma_wait3A_1600 = arith.constant 0 : i32
      %dma_wait3A_1601 = tpu.memref_slice %arg11[%dma_wait3A_1600] : memref<1310720xf32, #tpu.memory_space<vmem_shared>> -> memref<1310720xf32, #tpu.memory_space<vmem_shared>>
      tpu.wait_indirect_dma semaphore(%arg13 : memref<!tpu.dma_semaphore, #tpu.memory_space<semaphore_mem>>) src(%dma_wait3A_1596 : memref<128xf32, #tpu.memory_space<vmem>>) dst(%dma_wait3A_1601 : memref<1310720xf32, #tpu.memory_space<vmem_shared>>)
      %dma_wait3A_1602 = arith.constant 15 : i32
      %dma_wait3A_1603 = arith.constant 15 : i32
      %dma_wait3A_1604 = arith.constant 128 : i32
      %dma_wait3A_1605 = tpu.memref_slice %arg9[%dma_wait3A_1602, %dma_wait3A_1604] : memref<16x256xf32, #tpu.memory_space<vmem>> -> memref<1x128xf32, #tpu.memory_space<vmem>>
      %dma_wait3A_1606 = tpu.memref_squeeze %dma_wait3A_1605 : memref<1x128xf32, #tpu.memory_space<vmem>> -> memref<128xf32, #tpu.memory_space<vmem>>
      %dma_wait3A_1607 = arith.constant 0 : i32
      %dma_wait3A_1608 = tpu.memref_slice %arg8[%dma_wait3A_1603, %dma_wait3A_1607] : memref<16x128xi32, #tpu.memory_space<vmem>> -> memref<1x128xi32, #tpu.memory_space<vmem>>
      %dma_wait3A_1609 = tpu.memref_squeeze %dma_wait3A_1608 : memref<1x128xi32, #tpu.memory_space<vmem>> -> memref<128xi32, #tpu.memory_space<vmem>>
      %dma_wait3A_1610 = arith.constant 0 : i32
      %dma_wait3A_1611 = tpu.memref_slice %arg11[%dma_wait3A_1610] : memref<1310720xf32, #tpu.memory_space<vmem_shared>> -> memref<1310720xf32, #tpu.memory_space<vmem_shared>>
      tpu.wait_indirect_dma semaphore(%arg13 : memref<!tpu.dma_semaphore, #tpu.memory_space<semaphore_mem>>) src(%dma_wait3A_1606 : memref<128xf32, #tpu.memory_space<vmem>>) dst(%dma_wait3A_1611 : memref<1310720xf32, #tpu.memory_space<vmem_shared>>)
      %scan3A_1612 = arith.constant 0 : i32
      scf.yield %scan3A_1612 : i32
    }
    %scan3A_184 = arith.constant 320 : i32
    %barrier3A_185 = arith.constant 0 : index
    tpu.barrier barrier_id(%barrier3A_185)
    %mul3A_186 = arith.constant 81920 : i32
    %mul3A_187 = arith.muli %arg1, %mul3A_186 : i32
    %mul3A_188 = arith.constant 81920 : i32
    %mul3A_189 = arith.muli %arg1, %mul3A_188 : i32
    %run_scoped3A_190 = arith.constant 1 : i32
    "tpu.region"() ({
      %run_scoped3A_191 = tpu.sem_alloc : memref<!tpu.dma_semaphore, #tpu.memory_space<semaphore_mem>>
      %dma_start3A = tpu.memref_slice %arg5[%arg0, %run_scoped3A_190, %mul3A_189] : memref<2x2x1310720xf32, #tpu.memory_space<hbm>> -> memref<1x1x81920xf32, #tpu.memory_space<hbm>>
      %dma_start3A_192 = tpu.memref_squeeze %dma_start3A : memref<1x1x81920xf32, #tpu.memory_space<hbm>> -> memref<81920xf32, #tpu.memory_space<hbm>>
      %dma_start3A_193 = tpu.memref_slice %arg11[%mul3A_187] : memref<1310720xf32, #tpu.memory_space<vmem_shared>> -> memref<81920xf32, #tpu.memory_space<vmem_shared>>
      tpu.enqueue_dma source(%dma_start3A_193 : memref<81920xf32, #tpu.memory_space<vmem_shared>>) target(%dma_start3A_192 : memref<81920xf32, #tpu.memory_space<hbm>>) target_semaphore(%run_scoped3A_191 : memref<!tpu.dma_semaphore, #tpu.memory_space<semaphore_mem>>)
      %dma_wait3A = tpu.memref_slice %arg5[%arg0, %run_scoped3A_190, %mul3A_189] : memref<2x2x1310720xf32, #tpu.memory_space<hbm>> -> memref<1x1x81920xf32, #tpu.memory_space<hbm>>
      %dma_wait3A_194 = tpu.memref_squeeze %dma_wait3A : memref<1x1x81920xf32, #tpu.memory_space<hbm>> -> memref<81920xf32, #tpu.memory_space<hbm>>
      %dma_wait3A_195 = tpu.memref_slice %arg11[%mul3A_187] : memref<1310720xf32, #tpu.memory_space<vmem_shared>> -> memref<81920xf32, #tpu.memory_space<vmem_shared>>
      tpu.wait_dma2 semaphore(%run_scoped3A_191 : memref<!tpu.dma_semaphore, #tpu.memory_space<semaphore_mem>>) src(%dma_wait3A_195 : memref<81920xf32, #tpu.memory_space<vmem_shared>>) dst(%dma_wait3A_194 : memref<81920xf32, #tpu.memory_space<hbm>>)
      tpu.yield
    }) : () -> ()
    return
  }
}

module attributes {stable_mosaic.version = 14 : i64} {
  func.func @_lin1_body(%arg0: i32, %arg1: memref<400x256xf32, #tpu.memory_space<vmem>>, %arg2: memref<256x256xf32, #tpu.memory_space<vmem>>, %arg3: memref<400x1xf32, #tpu.memory_space<vmem>>, %arg4: memref<400x1xf32, #tpu.memory_space<vmem>>, %arg5: memref<400x256xf32, #tpu.memory_space<vmem>>, %arg6: memref<400x1xf32, #tpu.memory_space<vmem>>) attributes {dimension_semantics = [#tpu.dimension_semantics<arbitrary>], iteration_bounds = array<i64: 25>, scalar_prefetch = 0 : i64, scratch_operands = 0 : i64, tpu.core_type = #tpu.core_type<tc>, window_params = [{transform_indices = @transform_0, window_bounds = array<i64: 400, 256>}, {pipeline_mode = #tpu.pipeline_mode<synchronous>, transform_indices = @transform_1, window_bounds = array<i64: 256, 256>}, {transform_indices = @transform_2, window_bounds = array<i64: 400, 1>}, {transform_indices = @transform_3, window_bounds = array<i64: 400, 1>}, {transform_indices = @transform_4, window_bounds = array<i64: 400, 256>}, {transform_indices = @transform_5, window_bounds = array<i64: 400, 1>}]} {
    %get3A = arith.constant 0 : index
    %get3A_0 = arith.constant 0 : index
    %get3A_1 = vector.load %arg3[%get3A, %get3A_0] : memref<400x1xf32, #tpu.memory_space<vmem>>, vector<400x1xf32>
    %get3A_2 = arith.constant 0 : index
    %get3A_3 = arith.constant 0 : index
    %get3A_4 = vector.load %arg4[%get3A_2, %get3A_3] : memref<400x1xf32, #tpu.memory_space<vmem>>, vector<400x1xf32>
    %add3A = arith.addf %get3A_1, %get3A_4 : vector<400x1xf32>
    %add3A_5 = arith.constant 1.000000e+00 : f32
    %add3A_6 = vector.broadcast %add3A_5 : f32 to vector<400x1xf32>
    %add3A_7 = arith.addf %add3A, %add3A_6 : vector<400x1xf32>
    %max3A = arith.constant 1.000000e+00 : f32
    %max3A_8 = vector.broadcast %max3A : f32 to vector<400x1xf32>
    %max3A_9 = arith.maximumf %add3A_7, %max3A_8 : vector<400x1xf32>
    %rsqrt3A = math.rsqrt %max3A_9 : vector<400x1xf32>
    %get3A_10 = arith.constant 0 : index
    %get3A_11 = arith.constant 0 : index
    %get3A_12 = vector.load %arg1[%get3A_10, %get3A_11] : memref<400x256xf32, #tpu.memory_space<vmem>>, vector<400x256xf32>
    %get3A_13 = arith.constant 0 : index
    %get3A_14 = arith.constant 0 : index
    %get3A_15 = vector.load %arg2[%get3A_13, %get3A_14] : memref<256x256xf32, #tpu.memory_space<vmem>>, vector<256x256xf32>
    %dot_general3A = arith.constant dense<0.000000e+00> : vector<400x256xf32>
    %dot_general3A_16 = tpu.matmul %get3A_12, %get3A_15, %dot_general3A {dimension_numbers = #tpu.dot_dimension_numbers<[1], [0], [0], [1], [0, 0, 1, 1], [], []>, transpose_lhs_hint = false} : vector<400x256xf32>, vector<256x256xf32>, vector<400x256xf32> -> vector<400x256xf32>
    %mul3A = vector.broadcast %rsqrt3A : vector<400x1xf32> to vector<400x256xf32>
    %mul3A_17 = arith.mulf %mul3A, %dot_general3A_16 : vector<400x256xf32>
    %swap3A = arith.constant 0 : index
    %swap3A_18 = arith.constant 0 : index
    %swap3A_19 = vector.load %arg5[%swap3A, %swap3A_18] : memref<400x256xf32, #tpu.memory_space<vmem>>, vector<400x256xf32>
    tpu.vector_store %arg5[%swap3A, %swap3A_18], %mul3A_17 {strides = array<i32>} : memref<400x256xf32, #tpu.memory_space<vmem>>, vector<400x256xf32>,
    %swap3A_20 = arith.constant 0 : index
    %swap3A_21 = arith.constant 0 : index
    %swap3A_22 = vector.load %arg6[%swap3A_20, %swap3A_21] : memref<400x1xf32, #tpu.memory_space<vmem>>, vector<400x1xf32>
    tpu.vector_store %arg6[%swap3A_20, %swap3A_21], %rsqrt3A {strides = array<i32>} : memref<400x1xf32, #tpu.memory_space<vmem>>, vector<400x1xf32>,
    return
  }
  func.func @transform_0(%arg0: i32) -> (i32, i32) {
    %c0_i32 = arith.constant 0 : i32
    %c0_i32_0 = arith.constant 0 : i32
    return %arg0, %c0_i32 : i32, i32
  }
  func.func @transform_1(%arg0: i32) -> (i32, i32) {
    %c0_i32 = arith.constant 0 : i32
    %c0_i32_0 = arith.constant 0 : i32
    %c0_i32_1 = arith.constant 0 : i32
    return %c0_i32, %c0_i32_0 : i32, i32
  }
  func.func @transform_2(%arg0: i32) -> (i32, i32) {
    %c0_i32 = arith.constant 0 : i32
    %c0_i32_0 = arith.constant 0 : i32
    return %arg0, %c0_i32 : i32, i32
  }
  func.func @transform_3(%arg0: i32) -> (i32, i32) {
    %c0_i32 = arith.constant 0 : i32
    %c0_i32_0 = arith.constant 0 : i32
    return %arg0, %c0_i32 : i32, i32
  }
  func.func @transform_4(%arg0: i32) -> (i32, i32) {
    %c0_i32 = arith.constant 0 : i32
    %c0_i32_0 = arith.constant 0 : i32
    return %arg0, %c0_i32 : i32, i32
  }
  func.func @transform_5(%arg0: i32) -> (i32, i32) {
    %c0_i32 = arith.constant 0 : i32
    %c0_i32_0 = arith.constant 0 : i32
    return %arg0, %c0_i32 : i32, i32
  }
}

module attributes {stable_mosaic.version = 14 : i64} {
  func.func @_gates_body(%arg0: i32, %arg1: memref<400x256xf32, #tpu.memory_space<vmem>>, %arg2: memref<400x256xf32, #tpu.memory_space<vmem>>, %arg3: memref<400x256xf32, #tpu.memory_space<vmem>>, %arg4: memref<400x1xf32, #tpu.memory_space<vmem>>, %arg5: memref<1x256xf32, #tpu.memory_space<vmem>>, %arg6: memref<768x256xf32, #tpu.memory_space<vmem>>, %arg7: memref<1x768xf32, #tpu.memory_space<vmem>>, %arg8: memref<400x768xf32, #tpu.memory_space<vmem>>) attributes {dimension_semantics = [#tpu.dimension_semantics<arbitrary>], iteration_bounds = array<i64: 25>, scalar_prefetch = 0 : i64, scratch_operands = 0 : i64, tpu.core_type = #tpu.core_type<tc>, window_params = [{transform_indices = @transform_0, window_bounds = array<i64: 400, 256>}, {transform_indices = @transform_1, window_bounds = array<i64: 400, 256>}, {transform_indices = @transform_2, window_bounds = array<i64: 400, 256>}, {transform_indices = @transform_3, window_bounds = array<i64: 400, 1>}, {pipeline_mode = #tpu.pipeline_mode<synchronous>, transform_indices = @transform_4, window_bounds = array<i64: 1, 256>}, {pipeline_mode = #tpu.pipeline_mode<synchronous>, transform_indices = @transform_5, window_bounds = array<i64: 768, 256>}, {pipeline_mode = #tpu.pipeline_mode<synchronous>, transform_indices = @transform_6, window_bounds = array<i64: 1, 768>}, {transform_indices = @transform_7, window_bounds = array<i64: 400, 768>}]} {
    %get3A = arith.constant 0 : index
    %get3A_0 = arith.constant 0 : index
    %get3A_1 = vector.load %arg4[%get3A, %get3A_0] : memref<400x1xf32, #tpu.memory_space<vmem>>, vector<400x1xf32>
    %get3A_2 = arith.constant 0 : index
    %get3A_3 = arith.constant 0 : index
    %get3A_4 = vector.load %arg1[%get3A_2, %get3A_3] : memref<400x256xf32, #tpu.memory_space<vmem>>, vector<400x256xf32>
    %get3A_5 = arith.constant 0 : index
    %get3A_6 = arith.constant 0 : index
    %get3A_7 = vector.load %arg2[%get3A_5, %get3A_6] : memref<400x256xf32, #tpu.memory_space<vmem>>, vector<400x256xf32>
    %add3A = arith.addf %get3A_4, %get3A_7 : vector<400x256xf32>
    %get3A_8 = arith.constant 0 : index
    %get3A_9 = arith.constant 0 : index
    %get3A_10 = vector.load %arg3[%get3A_8, %get3A_9] : memref<400x256xf32, #tpu.memory_space<vmem>>, vector<400x256xf32>
    %add3A_11 = arith.addf %add3A, %get3A_10 : vector<400x256xf32>
    %mul3A = vector.broadcast %get3A_1 : vector<400x1xf32> to vector<400x256xf32>
    %mul3A_12 = arith.mulf %mul3A, %add3A_11 : vector<400x256xf32>
    %get3A_13 = arith.constant 0 : index
    %get3A_14 = arith.constant 0 : index
    %get3A_15 = vector.load %arg5[%get3A_13, %get3A_14] : memref<1x256xf32, #tpu.memory_space<vmem>>, vector<1x256xf32>
    %add3A_16 = vector.broadcast %get3A_15 : vector<1x256xf32> to vector<400x256xf32>
    %add3A_17 = arith.addf %mul3A_12, %add3A_16 : vector<400x256xf32>
    %max3A = arith.constant 0.000000e+00 : f32
    %max3A_18 = vector.broadcast %max3A : f32 to vector<400x256xf32>
    %max3A_19 = arith.maximumf %add3A_17, %max3A_18 : vector<400x256xf32>
    %get3A_20 = arith.constant 0 : index
    %get3A_21 = arith.constant 0 : index
    %get3A_22 = vector.load %arg6[%get3A_20, %get3A_21] : memref<768x256xf32, #tpu.memory_space<vmem>>, vector<768x256xf32>
    %dot_general3A = arith.constant dense<0.000000e+00> : vector<400x768xf32>
    %dot_general3A_23 = tpu.matmul %max3A_19, %get3A_22, %dot_general3A {dimension_numbers = #tpu.dot_dimension_numbers<[1], [1], [0], [0], [0, 0, 1, 0], [], []>, transpose_lhs_hint = false} : vector<400x256xf32>, vector<768x256xf32>, vector<400x768xf32> -> vector<400x768xf32>
    %get3A_24 = arith.constant 0 : index
    %get3A_25 = arith.constant 0 : index
    %get3A_26 = vector.load %arg7[%get3A_24, %get3A_25] : memref<1x768xf32, #tpu.memory_space<vmem>>, vector<1x768xf32>
    %add3A_27 = vector.broadcast %get3A_26 : vector<1x768xf32> to vector<400x768xf32>
    %add3A_28 = arith.addf %dot_general3A_23, %add3A_27 : vector<400x768xf32>
    %swap3A = arith.constant 0 : index
    %swap3A_29 = arith.constant 0 : index
    %swap3A_30 = vector.load %arg8[%swap3A, %swap3A_29] : memref<400x768xf32, #tpu.memory_space<vmem>>, vector<400x768xf32>
    tpu.vector_store %arg8[%swap3A, %swap3A_29], %add3A_28 {strides = array<i32>} : memref<400x768xf32, #tpu.memory_space<vmem>>, vector<400x768xf32>,
    return
  }
  func.func @transform_0(%arg0: i32) -> (i32, i32) {
    %c0_i32 = arith.constant 0 : i32
    %c0_i32_0 = arith.constant 0 : i32
    return %arg0, %c0_i32 : i32, i32
  }
  func.func @transform_1(%arg0: i32) -> (i32, i32) {
    %c0_i32 = arith.constant 0 : i32
    %c0_i32_0 = arith.constant 0 : i32
    return %arg0, %c0_i32 : i32, i32
  }
  func.func @transform_2(%arg0: i32) -> (i32, i32) {
    %c0_i32 = arith.constant 0 : i32
    %c0_i32_0 = arith.constant 0 : i32
    return %arg0, %c0_i32 : i32, i32
  }
  func.func @transform_3(%arg0: i32) -> (i32, i32) {
    %c0_i32 = arith.constant 0 : i32
    %c0_i32_0 = arith.constant 0 : i32
    return %arg0, %c0_i32 : i32, i32
  }
  func.func @transform_4(%arg0: i32) -> (i32, i32) {
    %c0_i32 = arith.constant 0 : i32
    %c0_i32_0 = arith.constant 0 : i32
    %c0_i32_1 = arith.constant 0 : i32
    return %c0_i32, %c0_i32_0 : i32, i32
  }
  func.func @transform_5(%arg0: i32) -> (i32, i32) {
    %c0_i32 = arith.constant 0 : i32
    %c0_i32_0 = arith.constant 0 : i32
    %c0_i32_1 = arith.constant 0 : i32
    return %c0_i32, %c0_i32_0 : i32, i32
  }
  func.func @transform_6(%arg0: i32) -> (i32, i32) {
    %c0_i32 = arith.constant 0 : i32
    %c0_i32_0 = arith.constant 0 : i32
    %c0_i32_1 = arith.constant 0 : i32
    return %c0_i32, %c0_i32_0 : i32, i32
  }
  func.func @transform_7(%arg0: i32) -> (i32, i32) {
    %c0_i32 = arith.constant 0 : i32
    %c0_i32_0 = arith.constant 0 : i32
    return %arg0, %c0_i32 : i32, i32
  }
}

module attributes {stable_mosaic.version = 14 : i64} {
  func.func @_gru_body(%arg0: i32, %arg1: memref<400x768xf32, #tpu.memory_space<vmem>>, %arg2: memref<768x256xf32, #tpu.memory_space<vmem>>, %arg3: memref<1x768xf32, #tpu.memory_space<vmem>>, %arg4: memref<256x1xf32, #tpu.memory_space<vmem>>, %arg5: memref<400x1xf32, #tpu.memory_space<vmem>>, %arg6: memref<400x1xf32, #tpu.memory_space<vmem>>, %arg7: memref<1x256xf32, #tpu.memory_space<vmem>>, %arg8: memref<400x256xf32, #tpu.memory_space<vmem>>) attributes {dimension_semantics = [#tpu.dimension_semantics<arbitrary>], iteration_bounds = array<i64: 25>, scalar_prefetch = 0 : i64, scratch_operands = 2 : i64, tpu.core_type = #tpu.core_type<tc>, window_params = [{transform_indices = @transform_0, window_bounds = array<i64: 400, 768>}, {pipeline_mode = #tpu.pipeline_mode<synchronous>, transform_indices = @transform_1, window_bounds = array<i64: 768, 256>}, {pipeline_mode = #tpu.pipeline_mode<synchronous>, transform_indices = @transform_2, window_bounds = array<i64: 1, 768>}, {pipeline_mode = #tpu.pipeline_mode<synchronous>, transform_indices = @transform_3, window_bounds = array<i64: 256, 1>}, {transform_indices = @transform_4, window_bounds = array<i64: 400, 1>}, {transform_indices = @transform_5, window_bounds = array<i64: 400, 1>}]} {
    %eq3A = arith.constant 0 : i32
    %eq3A_0 = arith.cmpi eq, %arg0, %eq3A : i32
    %convert_element_type3A = arith.extui %eq3A_0 : i1 to i32
    %cond3A = arith.constant 0 : i32
    %cond3A_1 = arith.cmpi ne, %convert_element_type3A, %cond3A : i32
    scf.if %cond3A_1 {
      %broadcast_in_dim3A = arith.constant 0.000000e+00 : f32
      %broadcast_in_dim3A_17 = vector.broadcast %broadcast_in_dim3A : f32 to vector<1x256xf32>
      %swap3A_18 = arith.constant 0 : index
      %swap3A_19 = arith.constant 0 : index
      %swap3A_20 = vector.load %arg7[%swap3A_18, %swap3A_19] : memref<1x256xf32, #tpu.memory_space<vmem>>, vector<1x256xf32>
      tpu.vector_store %arg7[%swap3A_18, %swap3A_19], %broadcast_in_dim3A_17 {strides = array<i32>} : memref<1x256xf32, #tpu.memory_space<vmem>>, vector<1x256xf32>,
    } else {
    }
    %scan3A = arith.constant 0 : i32
    %scan3A_2 = arith.constant 400 : i32
    %scan3A_3 = arith.addi %scan3A, %scan3A_2 : i32
    %scan3A_4 = arith.constant 1 : i32
    scf.for %scan3A_17 = %scan3A to %scan3A_3 step %scan3A_4  : i32 {
      %get3A_18 = arith.constant 0 : index
      %get3A_19 = arith.constant 0 : index
      %get3A_20 = vector.load %arg7[%get3A_18, %get3A_19] : memref<1x256xf32, #tpu.memory_space<vmem>>, vector<1x256xf32>
      %get3A_21 = arith.index_cast %scan3A_17 : i32 to index
      %get3A_22 = arith.constant 0 : index
      %get3A_23 = vector.load %arg1[%get3A_21, %get3A_22] : memref<400x768xf32, #tpu.memory_space<vmem>>, vector<1x768xf32>
      %get3A_24 = arith.constant 0 : index
      %get3A_25 = arith.constant 0 : index
      %get3A_26 = vector.load %arg2[%get3A_24, %get3A_25] : memref<768x256xf32, #tpu.memory_space<vmem>>, vector<768x256xf32>
      %dot_general3A_27 = arith.constant dense<0.000000e+00> : vector<1x768xf32>
      %dot_general3A_28 = tpu.matmul %get3A_20, %get3A_26, %dot_general3A_27 {dimension_numbers = #tpu.dot_dimension_numbers<[1], [1], [0], [0], [0, 0, 1, 0], [], []>, transpose_lhs_hint = false} : vector<1x256xf32>, vector<768x256xf32>, vector<1x768xf32> -> vector<1x768xf32>
      %get3A_29 = arith.constant 0 : index
      %get3A_30 = arith.constant 0 : index
      %get3A_31 = vector.load %arg3[%get3A_29, %get3A_30] : memref<1x768xf32, #tpu.memory_space<vmem>>, vector<1x768xf32>
      %add3A = arith.addf %dot_general3A_28, %get3A_31 : vector<1x768xf32>
      %slice3A = vector.extract_strided_slice %get3A_23 {offsets = [0, 0], sizes = [1, 256], strides = [1, 1]} : vector<1x768xf32> to vector<1x256xf32>
      %slice3A_32 = vector.extract_strided_slice %add3A {offsets = [0, 0], sizes = [1, 256], strides = [1, 1]} : vector<1x768xf32> to vector<1x256xf32>
      %add3A_33 = arith.addf %slice3A, %slice3A_32 : vector<1x256xf32>
      %logistic3A = arith.negf %add3A_33 : vector<1x256xf32>
      %logistic3A_34 = math.exp %logistic3A : vector<1x256xf32>
      %logistic3A_35 = arith.constant 1.000000e+00 : f32
      %logistic3A_36 = vector.broadcast %logistic3A_35 : f32 to vector<1x256xf32>
      %logistic3A_37 = arith.addf %logistic3A_36, %logistic3A_34 : vector<1x256xf32>
      %logistic3A_38 = arith.divf %logistic3A_36, %logistic3A_37 : vector<1x256xf32>
      %slice3A_39 = vector.extract_strided_slice %get3A_23 {offsets = [0, 256], sizes = [1, 256], strides = [1, 1]} : vector<1x768xf32> to vector<1x256xf32>
      %slice3A_40 = vector.extract_strided_slice %add3A {offsets = [0, 256], sizes = [1, 256], strides = [1, 1]} : vector<1x768xf32> to vector<1x256xf32>
      %add3A_41 = arith.addf %slice3A_39, %slice3A_40 : vector<1x256xf32>
      %logistic3A_42 = arith.negf %add3A_41 : vector<1x256xf32>
      %logistic3A_43 = math.exp %logistic3A_42 : vector<1x256xf32>
      %logistic3A_44 = arith.constant 1.000000e+00 : f32
      %logistic3A_45 = vector.broadcast %logistic3A_44 : f32 to vector<1x256xf32>
      %logistic3A_46 = arith.addf %logistic3A_45, %logistic3A_43 : vector<1x256xf32>
      %logistic3A_47 = arith.divf %logistic3A_45, %logistic3A_46 : vector<1x256xf32>
      %slice3A_48 = vector.extract_strided_slice %get3A_23 {offsets = [0, 512], sizes = [1, 256], strides = [1, 1]} : vector<1x768xf32> to vector<1x256xf32>
      %slice3A_49 = vector.extract_strided_slice %add3A {offsets = [0, 512], sizes = [1, 256], strides = [1, 1]} : vector<1x768xf32> to vector<1x256xf32>
      %mul3A_50 = arith.mulf %logistic3A_38, %slice3A_49 : vector<1x256xf32>
      %add3A_51 = arith.addf %slice3A_48, %mul3A_50 : vector<1x256xf32>
      %tanh3A = math.tanh %add3A_51 : vector<1x256xf32>
      %sub3A = arith.constant 1.000000e+00 : f32
      %sub3A_52 = vector.broadcast %sub3A : f32 to vector<1x256xf32>
      %sub3A_53 = arith.subf %sub3A_52, %logistic3A_47 : vector<1x256xf32>
      %mul3A_54 = arith.mulf %sub3A_53, %tanh3A : vector<1x256xf32>
      %mul3A_55 = arith.mulf %logistic3A_47, %get3A_20 : vector<1x256xf32>
      %add3A_56 = arith.addf %mul3A_54, %mul3A_55 : vector<1x256xf32>
      %swap3A_57 = arith.constant 0 : index
      %swap3A_58 = arith.constant 0 : index
      %swap3A_59 = vector.load %arg7[%swap3A_57, %swap3A_58] : memref<1x256xf32, #tpu.memory_space<vmem>>, vector<1x256xf32>
      tpu.vector_store %arg7[%swap3A_57, %swap3A_58], %add3A_56 {strides = array<i32>} : memref<1x256xf32, #tpu.memory_space<vmem>>, vector<1x256xf32>,
      %swap3A_60 = arith.index_cast %scan3A_17 : i32 to index
      %swap3A_61 = arith.constant 0 : index
      %swap3A_62 = vector.load %arg8[%swap3A_60, %swap3A_61] : memref<400x256xf32, #tpu.memory_space<vmem>>, vector<1x256xf32>
      tpu.vector_store %arg8[%swap3A_60, %swap3A_61], %add3A_56 {strides = array<i32>} : memref<400x256xf32, #tpu.memory_space<vmem>>, vector<1x256xf32>,
    }
    %scan3A_5 = arith.constant 400 : i32
    %get3A = arith.constant 0 : index
    %get3A_6 = arith.constant 0 : index
    %get3A_7 = vector.load %arg5[%get3A, %get3A_6] : memref<400x1xf32, #tpu.memory_space<vmem>>, vector<400x1xf32>
    %get3A_8 = arith.constant 0 : index
    %get3A_9 = arith.constant 0 : index
    %get3A_10 = vector.load %arg8[%get3A_8, %get3A_9] : memref<400x256xf32, #tpu.memory_space<vmem>>, vector<400x256xf32>
    %get3A_11 = arith.constant 0 : index
    %get3A_12 = arith.constant 0 : index
    %get3A_13 = vector.load %arg4[%get3A_11, %get3A_12] : memref<256x1xf32, #tpu.memory_space<vmem>>, vector<256x1xf32>
    %dot_general3A = arith.constant dense<0.000000e+00> : vector<400x1xf32>
    %dot_general3A_14 = tpu.matmul %get3A_10, %get3A_13, %dot_general3A {dimension_numbers = #tpu.dot_dimension_numbers<[1], [0], [0], [1], [0, 0, 1, 1], [], []>, transpose_lhs_hint = false} : vector<400x256xf32>, vector<256x1xf32>, vector<400x1xf32> -> vector<400x1xf32>
    %mul3A = arith.mulf %get3A_7, %dot_general3A_14 : vector<400x1xf32>
    %swap3A = arith.constant 0 : index
    %swap3A_15 = arith.constant 0 : index
    %swap3A_16 = vector.load %arg6[%swap3A, %swap3A_15] : memref<400x1xf32, #tpu.memory_space<vmem>>, vector<400x1xf32>
    tpu.vector_store %arg6[%swap3A, %swap3A_15], %mul3A {strides = array<i32>} : memref<400x1xf32, #tpu.memory_space<vmem>>, vector<400x1xf32>,
    return
  }
  func.func @transform_0(%arg0: i32) -> (i32, i32) {
    %c0_i32 = arith.constant 0 : i32
    %c0_i32_0 = arith.constant 0 : i32
    return %arg0, %c0_i32 : i32, i32
  }
  func.func @transform_1(%arg0: i32) -> (i32, i32) {
    %c0_i32 = arith.constant 0 : i32
    %c0_i32_0 = arith.constant 0 : i32
    %c0_i32_1 = arith.constant 0 : i32
    return %c0_i32, %c0_i32_0 : i32, i32
  }
  func.func @transform_2(%arg0: i32) -> (i32, i32) {
    %c0_i32 = arith.constant 0 : i32
    %c0_i32_0 = arith.constant 0 : i32
    %c0_i32_1 = arith.constant 0 : i32
    return %c0_i32, %c0_i32_0 : i32, i32
  }
  func.func @transform_3(%arg0: i32) -> (i32, i32) {
    %c0_i32 = arith.constant 0 : i32
    %c0_i32_0 = arith.constant 0 : i32
    %c0_i32_1 = arith.constant 0 : i32
    return %c0_i32, %c0_i32_0 : i32, i32
  }
  func.func @transform_4(%arg0: i32) -> (i32, i32) {
    %c0_i32 = arith.constant 0 : i32
    %c0_i32_0 = arith.constant 0 : i32
    return %arg0, %c0_i32 : i32, i32
  }
  func.func @transform_5(%arg0: i32) -> (i32, i32) {
    %c0_i32 = arith.constant 0 : i32
    %c0_i32_0 = arith.constant 0 : i32
    return %arg0, %c0_i32 : i32, i32
  }
}

module attributes {stable_mosaic.version = 14 : i64} {
  func.func @_fincomb_body(%arg0: i32, %arg1: memref<400x1xf32, #tpu.memory_space<vmem>>, %arg2: memref<400x1xf32, #tpu.memory_space<vmem>>, %arg3: memref<400x1xf32, #tpu.memory_space<vmem>>, %arg4: memref<400x1xf32, #tpu.memory_space<vmem>>, %arg5: memref<1x1xf32, #tpu.memory_space<vmem>>, %arg6: memref<400x1xf32, #tpu.memory_space<vmem>>) attributes {dimension_semantics = [#tpu.dimension_semantics<arbitrary>], iteration_bounds = array<i64: 25>, scalar_prefetch = 0 : i64, scratch_operands = 0 : i64, tpu.core_type = #tpu.core_type<tc>, window_params = [{transform_indices = @transform_0, window_bounds = array<i64: 400, 1>}, {transform_indices = @transform_1, window_bounds = array<i64: 400, 1>}, {transform_indices = @transform_2, window_bounds = array<i64: 400, 1>}, {transform_indices = @transform_3, window_bounds = array<i64: 400, 1>}, {pipeline_mode = #tpu.pipeline_mode<synchronous>, transform_indices = @transform_4, window_bounds = array<i64: 1, 1>}, {transform_indices = @transform_5, window_bounds = array<i64: 400, 1>}]} {
    %get3A = arith.constant 0 : index
    %get3A_0 = arith.constant 0 : index
    %get3A_1 = vector.load %arg4[%get3A, %get3A_0] : memref<400x1xf32, #tpu.memory_space<vmem>>, vector<400x1xf32>
    %get3A_2 = arith.constant 0 : index
    %get3A_3 = arith.constant 0 : index
    %get3A_4 = vector.load %arg1[%get3A_2, %get3A_3] : memref<400x1xf32, #tpu.memory_space<vmem>>, vector<400x1xf32>
    %get3A_5 = arith.constant 0 : index
    %get3A_6 = arith.constant 0 : index
    %get3A_7 = vector.load %arg2[%get3A_5, %get3A_6] : memref<400x1xf32, #tpu.memory_space<vmem>>, vector<400x1xf32>
    %add3A = arith.addf %get3A_4, %get3A_7 : vector<400x1xf32>
    %get3A_8 = arith.constant 0 : index
    %get3A_9 = arith.constant 0 : index
    %get3A_10 = vector.load %arg3[%get3A_8, %get3A_9] : memref<400x1xf32, #tpu.memory_space<vmem>>, vector<400x1xf32>
    %add3A_11 = arith.addf %add3A, %get3A_10 : vector<400x1xf32>
    %mul3A = arith.mulf %get3A_1, %add3A_11 : vector<400x1xf32>
    %get3A_12 = arith.constant 0 : index
    %get3A_13 = arith.constant 0 : index
    %get3A_14 = vector.load %arg5[%get3A_12, %get3A_13] : memref<1x1xf32, #tpu.memory_space<vmem>>, vector<1x1xf32>
    %add3A_15 = vector.broadcast %get3A_14 : vector<1x1xf32> to vector<400x1xf32>
    %add3A_16 = arith.addf %mul3A, %add3A_15 : vector<400x1xf32>
    %swap3A = arith.constant 0 : index
    %swap3A_17 = arith.constant 0 : index
    %swap3A_18 = vector.load %arg6[%swap3A, %swap3A_17] : memref<400x1xf32, #tpu.memory_space<vmem>>, vector<400x1xf32>
    tpu.vector_store %arg6[%swap3A, %swap3A_17], %add3A_16 {strides = array<i32>} : memref<400x1xf32, #tpu.memory_space<vmem>>, vector<400x1xf32>,
    return
  }
  func.func @transform_0(%arg0: i32) -> (i32, i32) {
    %c0_i32 = arith.constant 0 : i32
    %c0_i32_0 = arith.constant 0 : i32
    return %arg0, %c0_i32 : i32, i32
  }
  func.func @transform_1(%arg0: i32) -> (i32, i32) {
    %c0_i32 = arith.constant 0 : i32
    %c0_i32_0 = arith.constant 0 : i32
    return %arg0, %c0_i32 : i32, i32
  }
  func.func @transform_2(%arg0: i32) -> (i32, i32) {
    %c0_i32 = arith.constant 0 : i32
    %c0_i32_0 = arith.constant 0 : i32
    return %arg0, %c0_i32 : i32, i32
  }
  func.func @transform_3(%arg0: i32) -> (i32, i32) {
    %c0_i32 = arith.constant 0 : i32
    %c0_i32_0 = arith.constant 0 : i32
    return %arg0, %c0_i32 : i32, i32
  }
  func.func @transform_4(%arg0: i32) -> (i32, i32) {
    %c0_i32 = arith.constant 0 : i32
    %c0_i32_0 = arith.constant 0 : i32
    %c0_i32_1 = arith.constant 0 : i32
    return %c0_i32, %c0_i32_0 : i32, i32
  }
  func.func @transform_5(%arg0: i32) -> (i32, i32) {
    %c0_i32 = arith.constant 0 : i32
    %c0_i32_0 = arith.constant 0 : i32
    return %arg0, %c0_i32 : i32, i32
  }
}

</mosaic_0001>

<sc_bundles>
// kernel: kernel.12.cloned.1.call-start
scs
__scs_entry_jumppad:
0x0: {  	(pc) =	sbr.rel $0x88, $3  }
0x1: {  	(tag) =	ssettag $0x0;
	lr =	simm.s32 $0x1  }
0x2: {  	[smem:$0x3F97] =	sst lr;
	_ =	strace $0xD0000000  }
0x3: {  	_ = 	snop  }
0x4: {  	_ = 	snop  }
0x5: {  	_ = 	snop  }
0x6: {  	_ = 	snop  }
0x7: {  	_ = 	snop  }
__scs_overlays_trampoline_lowered:
0x8: {  	[smem:$0x3FA6] =	sst s0  }
0x9: {  	[smem:$0x3FA7] =	sst s1  }
0xa: {  	[smem:$0x3FA8] =	sst s2  }
0xb: {  	[smem:$0x3FA9] =	sst s3  }
0xc: {  	[smem:$0x3FAA] =	sst s4  }
0xd: {  	[smem:$0x3FAB] =	sst s5  }
0xe: {  	[smem:$0x3FAC] =	sst s6  }
0xf: {  	[smem:$0x3FAD] =	sst s7  }
0x10: {  	[smem:$0x3FAE] =	sst s8  }
0x11: {  	[smem:$0x3FAF] =	sst s9;
	s0 =	simm.s32 @!p0 $0x0  }
0x12: {  	s1 =	sld [smem:$0x3F95];
	s0 =	simm.s32 @p0 $0x1  }
0x13: {  	[smem:$0x3FB0] =	sst s0;
	s0 =	simm.s32 @!p1 $0x0  }
0x14: {  	s2 =	sld [smem:$0x3F94];
	s0 =	simm.s32 @p1 $0x1  }
0x15: {  	[smem:$0x3FB1] =	sst s0;
	s0 =	simm.s32 @!p2 $0x0  }
0x16: {  	s3 =	sld [smem:$0x3FDB];
	s0 =	simm.s32 @p2 $0x1  }
0x17: {  	s4 =	simm.s32 $0x1BF5;
	[smem:$0x3FB3] =	sst s0  }
0x18: {  	s0 =	sld [smem:$0x3F96];
	_ =	swait.ge [sflag:s4], $0x0  }
0x19: {  	s7 =	sld [smem:$0x3F97]  }
0x1a: {  	s8 =	sadd.s32 $0xFFFFE003, lr  }
0x1b: {  	s9 =	sadd.s32 $0xFFFFFEF7, lr;
	s5 =	simm.s32 $0xFFFFFFFF;
	p2 =	slt.u32 s8, $0xFFFFF086  }
0x1c: {  	p1 =	slt.u32 s9, $0xF7A;
	s5 =	simm.s32 @!p2 $0x0  }
0x1d: {  	s5 =	simm.s32 @p1 $0x1;
	p0 =	seq.s32 s7, s2  }
0x1e: {  	s7 =	smul.u32 @!p0 $0xF7A, s2;
	p2 =	seq.s32 @!p0 s5, $0x0  }
0x1f: {  	s9 =	smul.u32 $0xF7A, s1;
	s8 =	simm.s32 @!p0 $0x1BF5;
	p2 =	por !p2, p0  }
0x20: {  	[sflag:s8] =	ssyncset.s32 @!p0 $0xFFFFF086;
	s6 =	sadd.s32 @!p0 s3, s7;
	s7 =	simm.s32 @!p0 $0x108  }
0x21: {  	s3 =	sadd.s32 s3, s9;
	s6 =	sadd.s32 @!p0 $0x88, s6;
	s7 =	simm.s32 @p2 $0x1082  }
0x22: {  	[simem:s7], [sflag:s8] =	dma.local @!p0 [hbm:s6], $0xF7A  }
0x23: {  	s9 =	sor.u32 $0xD0000000, s2;
	s6 =	simm.s32 $0x108;
	_ =	swait.ge @!p0 [sflag:s8], $0x0  }
0x24: {  	s3 =	sadd.s32 $0x88, s3;
	s6 =	simm.s32 @!p1 $0x1082;
	[sflag:s4] =	ssyncset.s32 $0xFFFFF086  }
0x25: {  	[simem:s6], [sflag:s4] =	dma.local [hbm:s3], $0xF7A  }
0x26: {  	[smem:$0x3F97] =	sst s1;
	(tag) =	ssettag s2;
	_ =	strace s9  }
0x27: {  	s1 =	sld [smem:$0x3FA7]  }
0x28: {  	s2 =	sld [smem:$0x3FA8]  }
0x29: {  	s4 =	sld [smem:$0x3FAA]  }
0x2a: {  	p0 =	seq.s32 s5, $0x0;
	s5 =	sld [smem:$0x3FAB]  }
0x2b: {  	s6 =	sld [smem:$0x3FAC]  }
0x2c: {  	s7 =	sld [smem:$0x3FAD]  }
0x2d: {  	s3 =	simm.s32 $0x108;
	s8 =	sld [smem:$0x3FAE]  }
0x2e: {  	s3 =	simm.s32 @!p0 $0x1082;
	s9 =	sld [smem:$0x3FAF]  }
0x2f: {  	lr =	sadd.s32 s0, s3;
	s0 =	sld [smem:$0x3FA6]  }
0x30: {  	s3 =	sld [smem:$0x3FA9]  }
0x31: {  	[smem:$0x3FB2] =	sst s10  }
0x32: {  	s10 =	sld [smem:$0x3FB0];
	_ =	sdelay $0x3  }
0x33: {  	p0 =	seq.s32 s10, $0x1;
	s10 =	sld [smem:$0x3FB2];
	_ =	sdelay $0x3  }
0x34: {  	[smem:$0x3FB2] =	sst s10  }
0x35: {  	s10 =	sld [smem:$0x3FB1];
	_ =	sdelay $0x3  }
0x36: {  	p1 =	seq.s32 s10, $0x1;
	s10 =	sld [smem:$0x3FB2];
	_ =	sdelay $0x3  }
0x37: {  	[smem:$0x3FB2] =	sst s10  }
0x38: {  	s10 =	sld [smem:$0x3FB3]  }
0x39: {  	_ = 	snop;
	(pc) =	sbr.ind lr, $3  }
0x3a: {  	_ = 	snop  }
0x3b: {  	_ = 	snop  }
0x3c: {  	p2 =	seq.s32 s10, $0x1;
	s10 =	sld [smem:$0x3FB2]  }
0x3d: {  	_ =	shalt  }
0x3e: {  	_ =	shalt  }
0x3f: {  	_ =	shalt  }
0x40: {  	_ =	shalt  }
0x41: {  	_ =	shalt  }
0x42: {  	_ =	shalt  }
0x43: {  	_ =	shalt  }
0x44: {  	_ =	shalt  }
0x45: {  	_ =	shalt  }
0x46: {  	_ =	shalt  }
0x47: {  	_ =	shalt  }
0x48: {  	_ =	shalt  }
0x49: {  	_ =	shalt  }
0x4a: {  	_ =	shalt  }
0x4b: {  	_ =	shalt  }
0x4c: {  	_ =	shalt  }
0x4d: {  	_ =	shalt  }
0x4e: {  	_ =	shalt  }
0x4f: {  	_ =	shalt  }
0x50: {  	_ =	shalt  }
0x51: {  	_ =	shalt  }
0x52: {  	_ =	shalt  }
0x53: {  	_ =	shalt  }
0x54: {  	_ =	shalt  }
0x55: {  	_ =	shalt  }
0x56: {  	_ =	shalt  }
0x57: {  	_ =	shalt  }
0x58: {  	_ =	shalt  }
0x59: {  	_ =	shalt  }
0x5a: {  	_ =	shalt  }
0x5b: {  	_ =	shalt  }
0x5c: {  	_ =	shalt  }
0x5d: {  	_ =	shalt  }
0x5e: {  	_ =	shalt  }
0x5f: {  	_ =	shalt  }
0x60: {  	_ =	shalt  }
0x61: {  	_ =	shalt  }
0x62: {  	_ =	shalt  }
0x63: {  	_ =	shalt  }
0x64: {  	_ =	shalt  }
0x65: {  	_ =	shalt  }
0x66: {  	_ =	shalt  }
0x67: {  	_ =	shalt  }
0x68: {  	_ =	shalt  }
0x69: {  	_ =	shalt  }
0x6a: {  	_ =	shalt  }
0x6b: {  	_ =	shalt  }
0x6c: {  	_ =	shalt  }
0x6d: {  	_ =	shalt  }
0x6e: {  	_ =	shalt  }
0x6f: {  	_ =	shalt  }
0x70: {  	_ =	shalt  }
0x71: {  	_ =	shalt  }
0x72: {  	_ =	shalt  }
0x73: {  	_ =	shalt  }
0x74: {  	_ =	shalt  }
0x75: {  	_ =	shalt  }
0x76: {  	_ =	shalt  }
0x77: {  	_ =	shalt  }
0x78: {  	_ =	shalt  }
0x79: {  	_ =	shalt  }
0x7a: {  	_ =	shalt  }
0x7b: {  	_ =	shalt  }
0x7c: {  	_ =	shalt  }
0x7d: {  	_ =	shalt  }
0x7e: {  	_ =	shalt  }
0x7f: {  	_ =	shalt  }
0x80: {  	_ =	shalt  }
0x81: {  	_ =	shalt  }
0x82: {  	_ =	shalt  }
0x83: {  	_ =	shalt  }
0x84: {  	_ =	shalt  }
0x85: {  	_ =	shalt  }
0x86: {  	_ =	shalt  }
0x87: {  	_ =	shalt  }
.Lfunc_end0:
.L_simem_size_0:
called_computation.1_lowered:
.L_overlay_start_0:
0x88: {  	s2 =	sld [smem:$0x3FD9]  }
0x89: {  	s3 =	sld [smem:$0x3FFE];
	_ =	sdelay $0x1  }
0x8a: {  	s1 =	srdreg.scid  }
0x8b: {  	s0 =	sand.u32 $0x1, s1  }
0x8c: {  	s16 =	sshll.u32 s0, $0xA;
	s2 =	sadd.s32 s3, s2  }
0x8d: {  	s2 =	sadd.s32 s2, s16  }
0x8e: {  	[smem:$0x3FBE] =	sst s2  }
0x8f: {  	_ = 	snop  }
0x90: {  	(tm) =	ssettm $0x1  }
0x91: {  	s17 =	sld [smem:$0x3FFB];
	_ =	sdelay $0x3  }
0x92: {  	_ =	strace s17  }
0x93: {  	s2 =	sld [smem:$0x3FFC];
	_ =	sdelay $0x3  }
0x94: {  	_ =	strace s2  }
0x95: {  	s2 =	sld [smem:$0x3FFD];
	_ =	sdelay $0x3  }
0x96: {  	_ =	strace s2  }
0x97: {  	_ =	strace $0x8FFFFFFF  }
0x98: {  	s18 =	sld [smem:$0x3FDB];
	_ =	sdelay $0x1  }
0x99: {  	s19 =	simm.s32 $_scs_section_size  }
0x9a: {  	s4 =	simm.s32 $_size__tile_overlayer_lowered;
	s5 =	simm.s32 $_tile_overlayer_lowered  }
0x9b: {  	s22 =	simm.s32 $0x1BFF;
	s21 =	sshll.u32 s5, $0x1;
	s2 =	sadd.s32 s19, s18  }
0x9c: {  	s6 =	simm.s32 $0x0;
	s20 =	sshll.u32 s4, $0x1;
	s4 =	sadd.s32 s21, s2  }
0x9d: {  	[timem:s6], [sflag:s22] =	dma.local [hbm:s4], s20  }
0x9e: {  	_ =	swait.ge [sflag:s22], s20  }
0x9f: {  	s3 =	ssub.s32 $0x0, s20;
	[sflag:s22] =	ssyncset.done $0x0  }
0xa0: {  	[sflag:s22] =	ssyncadd.s32 s3;
	_ =	sdelay $0x1  }
0xa1: {  	s23 =	simm.s32 $0x1B8B  }
0xa2: {  	_ =	swait.ge [sflag:s23], $0x1  }
0xa3: {  	[sflag:s23] =	ssyncset.done $0x0  }
0xa4: {  	s25 =	simm.s32 $0x1B8E;
	s24 =	sld [smem:$0x3FFE];
	[sflag:s23] =	ssyncadd.s32 $0xFFFFFFFF  }
0xa5: {  	s26 =	simm.s32 $execute0_lowered;
	[smem:$0x3FD2] =	sst s25  }
0xa6: {  	s4 =	sshll.u32 s26, $0x1;
	_ =	strace $0x80000049;
	[dreg:$0x1] =	wrdreg $0xFFFFFFFF  }
0xa7: {  	s28 =	simm.s32 $_size_execute0_lowered;
	s2 =	sadd.s32 s2, s4;
	[dreg:$0x0] =	wrdreg $0x0  }
0xa8: {  	s4 =	sshll.u32 s28, $0x1;
	[dreg:$0x2] =	wrdreg s2  }
0xa9: {  	[dreg:$0x3] =	wrdreg s4  }
0xaa: {  	[dreg:$0x4] =	wrdreg $0xC0  }
0xab: {  	_ =	task [dreg:s6], $0x5FFFF  }
0xac: {  	[dreg:$0x1] =	wrdreg $0xFFFFFFFF  }
0xad: {  	[dreg:$0x0] =	wrdreg $0x60  }
0xae: {  	[dreg:$0x2] =	wrdreg s24  }
0xaf: {  	[dreg:$0x3] =	wrdreg $0x2D000  }
0xb0: {  	[dreg:$0x4] =	wrdreg $0x9  }
0xb1: {  	_ =	task.clear_ibuf [dreg:s6], $0x5FFFF;
	_ =	strace $0x90000049  }
0xb2: {  	s29 =	simm.s32 $0x9;
	_ =	strace $0x8000004B  }
0xb3: {  	_ =	swait.ge [sflag:s29], $0x1  }
0xb4: {  	[sflag:s29] =	ssyncadd.s32 $0xFFFFFFFF  }
0xb5: {  	_ =	strace $0x9000004B  }
0xb6: {  	_ =	sfence  }
0xb7: {  	s30 =	sld [smem:$0x0];
	_ =	sdelay $0x2  }
0xb8: {  	s31 =	sshll.u32 s1, $0xD;
	s1 =	sshrl.u32 s1, $0x2  }
0xb9: {  	s3 =	sand.u32 $0x4000, s31;
	s1 =	sadd.s32 s1, s30  }
0xba: {  	s0 =	sor.u32 s3, s0;
	s1 =	sshll.u32 s1, $0x11  }
0xbb: {  	s0 =	sor.u32 s1, s0  }
0xbc: {  	s0 =	sadd.s32 $0x8F2B, s0  }
0xbd: {  	[sflag:s0] =	ssyncadd.remote.s32 $0x1  }
0xbe: {  	_ =	sfence.sel $0xFFFF  }
0xbf: {  	[dreg:$0x0] =	wrdreg $0xFFFFFFFF;
	(pc) =	sbr.abs _section_cstart, $3  }
0xc0: {  	[dreg:$0x1] =	wrdreg $0xFFFFFFFF  }
0xc1: {  	_ =	task.clear_ibuf [dreg:s6], $0x2FFFF;
	_ =	strace $0x9FFFFFFF  }
0xc2: {  	(tm) =	ssettm $0x7FFFFFFF  }
0xc3: {  	_ =	shalt  }
tec
execute0_lowered:
.L_overlay_start_1:
0x0: {  	(tag) =	ssettag $0x1  }
0x1: {  	s1 =	rddreg [dreg:$0x0]  }
0x2: {  	s2 =	rddreg [dreg:$0x1];
	s3 =	simm.s32 $0x0  }
0x3: {  	s16 =	simm.s32 $0x980;
	[smem:$0x7FF] =	sst s3  }
0x4: {  	s17 =	simm.s32 $0xA00;
	_ =	strace $0x8000004A;
	[dreg:$0x3] =	wrdreg s16  }
0x5: {  	s8 =	simm.s32 $0xA80;
	[dreg:$0x4] =	wrdreg s17  }
0x6: {  	s18 =	simm.s32 $0xB00;
	[dreg:$0x5] =	wrdreg s8  }
0x7: {  	s19 =	simm.s32 $0xB80;
	[dreg:$0x6] =	wrdreg s18  }
0x8: {  	s20 =	simm.s32 $0xC00;
	[dreg:$0x7] =	wrdreg s19  }
0x9: {  	s21 =	simm.s32 $0xC80;
	[dreg:$0x8] =	wrdreg s20  }
0xa: {  	s9 =	stileid.u32;
	s22 =	simm.s32 $0x1180;
	[dreg:$0x9] =	wrdreg s21  }
0xb: {  	s24 =	simm.s32 $0x1200;
	s4 =	smul.u32 $0x1400, s9;
	[dreg:$0xa] =	wrdreg s22  }
0xc: {  	s26 =	simm.s32 $0x1280;
	s7 =	smul.u32 $0x28000, s9;
	[dreg:$0xb] =	wrdreg s24  }
0xd: {  	s25 =	smul.u32 $0x50000, s9;
	s9 =	simm.s32 $0x1300;
	[dreg:$0xc] =	wrdreg s26  }
0xe: {  	s11 =	simm.s32 $0x1380;
	[dreg:$0xd] =	wrdreg s9  }
0xf: {  	s12 =	simm.s32 $0x1400;
	[dreg:$0xe] =	wrdreg s11  }
0x10: {  	s14 =	simm.s32 $0x1480;
	[dreg:$0xf] =	wrdreg s12  }
0x11: {  	[dreg:$0x10] =	wrdreg s14;
	s16 =	simm.s32 $0xD00  }
0x12: {  	s18 =	simm.s32 $0xD80;
	[dreg:$0x11] =	wrdreg s16  }
0x13: {  	s0 =	srdreg.scid;
	s20 =	simm.s32 $0xE00;
	[dreg:$0x12] =	wrdreg s18  }
0x14: {  	s28 =	simm.s32 $0x3;
	s22 =	simm.s32 $0xE80;
	[dreg:$0x13] =	wrdreg s20  }
0x15: {  	s29 =	simm.s32 $0x80;
	s24 =	simm.s32 $0xF00;
	[dreg:$0x14] =	wrdreg s22  }
0x16: {  	s30 =	simm.s32 $0x900;
	s26 =	simm.s32 $0xF80;
	[dreg:$0x15] =	wrdreg s24  }
0x17: {  	s31 =	simm.s32 $0x1100;
	s12 =	simm.s32 $0x1080;
	[dreg:$0x16] =	wrdreg s26  }
0x18: {  	s5 =	sand.u32 $0x1, s0;
	s14 =	simm.s32 $0x1500;
	[dreg:$0x18] =	wrdreg s12  }
0x19: {  	s0 =	smul.u32 $0x14000, s5;
	[dreg:$0x19] =	wrdreg s14;
	s16 =	simm.s32 $0x1580  }
0x1a: {  	s6 =	smul.u32 $0x280000, s5;
	s18 =	simm.s32 $0x1600;
	[dreg:$0x1a] =	wrdreg s16  }
0x1b: {  	s5 =	ssub.s32 $0x2, s5;
	s20 =	simm.s32 $0x1680;
	[dreg:$0x1b] =	wrdreg s18  }
0x1c: {  	s10 =	sshrl.u32 s25, $0x2;
	s22 =	simm.s32 $0x1700;
	[dreg:$0x1c] =	wrdreg s20  }
0x1d: {  	s26 =	simm.s32 $0x1880;
	s6 =	sadd.s32 s7, s6;
	[dreg:$0x1d] =	wrdreg s22  }
0x1e: {  	s7 =	sadd.s32 s10, s2;
	s10 =	simm.s32 $0x1000;
	[smem:$0x7FD] =	sst s26  }
0x1f: {  	s8 =	simm.s32 $0x400;
	s23 =	sshrl.u32 s5, $0x1;
	[dreg:$0x17] =	wrdreg s10  }
0x20: {  	s12 =	simm.s32 $0x600;
	s13 =	sadd.s32 $0x1400, s7;
	[smem:$0x7F8] =	sst s7  }
0x21: {  	s14 =	simm.s32 $0x700;
	s15 =	sadd.s32 $0x2800, s7;
	[smem:$0x7EA] =	sst s13  }
0x22: {  	s0 =	sadd.s32 s4, s0;
	s17 =	sadd.s32 $0x3C00, s7;
	[smem:$0x7EB] =	sst s15  }
0x23: {  	s4 =	sadd.s32 $0xBC00, s1;
	s19 =	sadd.s32 $0x5000, s7;
	[smem:$0x7EC] =	sst s17  }
0x24: {  	s5 =	ssub.s32 s5, s23;
	s21 =	sadd.s32 $0x6400, s7;
	[smem:$0x7ED] =	sst s19  }
0x25: {  	s26 =	simm.s32 $0x1900;
	s23 =	sadd.s32 $0x7800, s7;
	[smem:$0x7EE] =	sst s21  }
0x26: {  	s22 =	simm.s32 $0x200;
	s25 =	sadd.s32 $0x8C00, s7;
	[smem:$0x7EF] =	sst s23  }
0x27: {  	s16 =	simm.s32 $0x800;
	s9 =	sadd.s32 $0xA000, s7;
	[smem:$0x7F0] =	sst s25  }
0x28: {  	s18 =	simm.s32 $0x2;
	s11 =	sadd.s32 $0xB400, s7;
	[smem:$0x7F1] =	sst s9  }
0x29: {  	s0 =	sshrl.u32 s0, $0x3;
	s5 =	smax.u32 s5, $0x1;
	[smem:$0x7F2] =	sst s11  }
0x2a: {  	s6 =	sshrl.u32 s6, $0x3;
	s13 =	sadd.s32 $0xC800, s7;
	[smem:$0x7FC] =	sst s5  }
0x2b: {  	s10 =	simm.s32 $0x500;
	s15 =	sadd.s32 $0xDC00, s7;
	[smem:$0x7F3] =	sst s13  }
0x2c: {  	s0 =	sadd.s32 s0, s1;
	s17 =	sadd.s32 $0xF000, s7;
	[smem:$0x7F4] =	sst s15  }
0x2d: {  	s1 =	sadd.s32 s6, s1;
	s19 =	sadd.s32 $0x10400, s7;
	[smem:$0x7F5] =	sst s17  }
0x2e: {  	s21 =	sadd.s32 $0x11800, s7;
	s7 =	sadd.s32 $0x12C00, s7;
	[smem:$0x7F6] =	sst s19  }
0x2f: {  	s23 =	simm.s32 $0x1780;
	s25 =	simm.s32 $0x1800;
	[smem:$0x7F7] =	sst s21  }
0x30: {  	s6 =	simm.s32 $0x300;
	s9 =	simm.s32 $0x480;
	[smem:$0x7F9] =	sst s7  }
0x31: {  	s11 =	simm.s32 $0x580;
	s24 =	sadd.s32 $0x81000, s1;
	[dreg:$0x1e] =	wrdreg s23  }
0x32: {  	v0 =	vlaneseq.u32;
	v1 =	vimm.f32 $0.0e+00;
	s1 =	sadd.s32 $0x81010, s1;
	[dreg:$0x1f] =	wrdreg s25;
	s25 =	sadd.s32 $0x6C00, s0  }
0x33: {  	vm0 =	vmmov $0xffff;
	v3 =	vshrl.u32 v0, $0x3;
	v2 =	vand.u32 $0x7, v0;
	s21 =	simm.s32 $0x180;
	s23 =	simm.s32 $0x280;
	s7 =	simm.s32 $0x380  }
0x34: {  	v4 =	vor.u32 $0x8, v0;
	v5 =	vor.u32 $0x10, v0;
	v6 =	vor.u32 $0x20, v0;
	s13 =	simm.s32 $0x680;
	s15 =	simm.s32 $0x780;
	[smem:$0x7FA] =	sst s24  }
0x35: {  	v7 =	vor.u32 $0x30, v0;
	v8 =	vor.u32 $0x40, v0;
	v9 =	vor.u32 $0x50, v0;
	s17 =	simm.s32 $0x880;
	s19 =	simm.s32 $0x0;
	[smem:$0x7FB] =	sst s1  }
0x36: {  	v10 =	vor.u32 $0x60, v0;
	v11 =	vor.u32 $0x70, v0;
	v3 =	vmul.u32 $0x8, v3;
	s24 =	sadd.s32 $0x1200, s0;
	s1 =	simm.s32 $0x1;
	s0 =	simm.s32 $0x100  }
.LBB2_1:
0x37: {  	[smem:$0x7E9] =	sst s19;
	s5 =	simm.s32 $0x40;
	s20 =	simm.s32 $0x0  }
.LBB2_2:
0x38: {  	p0 =	sne.s32 s5, $0x4FC0;
	[tilespmem:s20+$0x1900] =	vst v1;
	s20 =	smov.u32 s5;
	s5 =	sadd.s32 $0x40, s5  }
.Ltmp0:
0x39: {  	(pc) =	sbr.rel @p0 .LBB2_2-.Ltmp0, $2  }
0x3a: {  	_ =	sdelay $0x2  }
0x3b: {  	s20 =	sshra.s32 s20, $0x2  }
0x3c: {  	s5 =	sld [smem:$0x7F8];
	_ =	sdelay $0x1  }
0x3d: {  	[tilespmem:s20+$0x1900] =	vst v1  }
0x3e: {  	[spmem:s5] =	stream.linear.scatter [tilespmem:s26], [sflag:$0x3], $0x1400, $0x38;
	[tilespmem:$0x16D00] =	vst v63  }
0x3f: {  	_ =	swait.ge [sflag:s28], $0x1400  }
0x40: {  	s20 =	sld [smem:$0x7EA]  }
0x41: {  	[sflag:s28] =	ssyncset.done $0x0  }
0x42: {  	[sflag:s28] =	ssyncadd.s32 $0xFFFFEC00  }
0x43: {  	[spmem:s20] =	stream.linear.scatter [tilespmem:s26], [sflag:$0x3], $0x1400, $0x38;
	[tilespmem:$0x16D00] =	vst v63  }
0x44: {  	_ =	swait.ge [sflag:s28], $0x1400  }
0x45: {  	s19 =	sld [smem:$0x7EB]  }
0x46: {  	[sflag:s28] =	ssyncset.done $0x0  }
0x47: {  	[sflag:s28] =	ssyncadd.s32 $0xFFFFEC00  }
0x48: {  	[spmem:s19] =	stream.linear.scatter [tilespmem:s26], [sflag:$0x3], $0x1400, $0x38;
	[tilespmem:$0x16D00] =	vst v63  }
0x49: {  	_ =	swait.ge [sflag:s28], $0x1400  }
0x4a: {  	s20 =	sld [smem:$0x7EC]  }
0x4b: {  	[sflag:s28] =	ssyncset.done $0x0  }
0x4c: {  	[sflag:s28] =	ssyncadd.s32 $0xFFFFEC00  }
0x4d: {  	[spmem:s20] =	stream.linear.scatter [tilespmem:s26], [sflag:$0x3], $0x1400, $0x38;
	[tilespmem:$0x16D00] =	vst v63  }
0x4e: {  	_ =	swait.ge [sflag:s28], $0x1400  }
0x4f: {  	s19 =	sld [smem:$0x7ED]  }
0x50: {  	[sflag:s28] =	ssyncset.done $0x0  }
0x51: {  	[sflag:s28] =	ssyncadd.s32 $0xFFFFEC00  }
0x52: {  	[spmem:s19] =	stream.linear.scatter [tilespmem:s26], [sflag:$0x3], $0x1400, $0x38;
	[tilespmem:$0x16D00] =	vst v63  }
0x53: {  	_ =	swait.ge [sflag:s28], $0x1400  }
0x54: {  	s20 =	sld [smem:$0x7EE]  }
0x55: {  	[sflag:s28] =	ssyncset.done $0x0  }
0x56: {  	[sflag:s28] =	ssyncadd.s32 $0xFFFFEC00  }
0x57: {  	[spmem:s20] =	stream.linear.scatter [tilespmem:s26], [sflag:$0x3], $0x1400, $0x38;
	[tilespmem:$0x16D00] =	vst v63  }
0x58: {  	_ =	swait.ge [sflag:s28], $0x1400  }
0x59: {  	s19 =	sld [smem:$0x7EF]  }
0x5a: {  	[sflag:s28] =	ssyncset.done $0x0  }
0x5b: {  	[sflag:s28] =	ssyncadd.s32 $0xFFFFEC00  }
0x5c: {  	[spmem:s19] =	stream.linear.scatter [tilespmem:s26], [sflag:$0x3], $0x1400, $0x38;
	[tilespmem:$0x16D00] =	vst v63  }
0x5d: {  	_ =	swait.ge [sflag:s28], $0x1400  }
0x5e: {  	s20 =	sld [smem:$0x7F0]  }
0x5f: {  	[sflag:s28] =	ssyncset.done $0x0  }
0x60: {  	[sflag:s28] =	ssyncadd.s32 $0xFFFFEC00  }
0x61: {  	[spmem:s20] =	stream.linear.scatter [tilespmem:s26], [sflag:$0x3], $0x1400, $0x38;
	[tilespmem:$0x16D00] =	vst v63  }
0x62: {  	_ =	swait.ge [sflag:s28], $0x1400  }
0x63: {  	s19 =	sld [smem:$0x7F1]  }
0x64: {  	[sflag:s28] =	ssyncset.done $0x0  }
0x65: {  	[sflag:s28] =	ssyncadd.s32 $0xFFFFEC00  }
0x66: {  	[spmem:s19] =	stream.linear.scatter [tilespmem:s26], [sflag:$0x3], $0x1400, $0x38;
	[tilespmem:$0x16D00] =	vst v63  }
0x67: {  	_ =	swait.ge [sflag:s28], $0x1400  }
0x68: {  	s20 =	sld [smem:$0x7F2]  }
0x69: {  	[sflag:s28] =	ssyncset.done $0x0  }
0x6a: {  	[sflag:s28] =	ssyncadd.s32 $0xFFFFEC00  }
0x6b: {  	[spmem:s20] =	stream.linear.scatter [tilespmem:s26], [sflag:$0x3], $0x1400, $0x38;
	[tilespmem:$0x16D00] =	vst v63  }
0x6c: {  	_ =	swait.ge [sflag:s28], $0x1400  }
0x6d: {  	s19 =	sld [smem:$0x7F3]  }
0x6e: {  	[sflag:s28] =	ssyncset.done $0x0  }
0x6f: {  	[sflag:s28] =	ssyncadd.s32 $0xFFFFEC00  }
0x70: {  	[spmem:s19] =	stream.linear.scatter [tilespmem:s26], [sflag:$0x3], $0x1400, $0x38;
	[tilespmem:$0x16D00] =	vst v63  }
0x71: {  	_ =	swait.ge [sflag:s28], $0x1400  }
0x72: {  	s20 =	sld [smem:$0x7F4]  }
0x73: {  	[sflag:s28] =	ssyncset.done $0x0  }
0x74: {  	[sflag:s28] =	ssyncadd.s32 $0xFFFFEC00  }
0x75: {  	[spmem:s20] =	stream.linear.scatter [tilespmem:s26], [sflag:$0x3], $0x1400, $0x38;
	[tilespmem:$0x16D00] =	vst v63  }
0x76: {  	_ =	swait.ge [sflag:s28], $0x1400  }
0x77: {  	s19 =	sld [smem:$0x7F5]  }
0x78: {  	[sflag:s28] =	ssyncset.done $0x0  }
0x79: {  	[sflag:s28] =	ssyncadd.s32 $0xFFFFEC00  }
0x7a: {  	[spmem:s19] =	stream.linear.scatter [tilespmem:s26], [sflag:$0x3], $0x1400, $0x38;
	[tilespmem:$0x16D00] =	vst v63  }
0x7b: {  	_ =	swait.ge [sflag:s28], $0x1400  }
0x7c: {  	s20 =	sld [smem:$0x7F6]  }
0x7d: {  	[sflag:s28] =	ssyncset.done $0x0  }
0x7e: {  	[sflag:s28] =	ssyncadd.s32 $0xFFFFEC00  }
0x7f: {  	[spmem:s20] =	stream.linear.scatter [tilespmem:s26], [sflag:$0x3], $0x1400, $0x38;
	[tilespmem:$0x16D00] =	vst v63  }
0x80: {  	_ =	swait.ge [sflag:s28], $0x1400  }
0x81: {  	s19 =	sld [smem:$0x7F7]  }
0x82: {  	[sflag:s28] =	ssyncset.done $0x0  }
0x83: {  	[sflag:s28] =	ssyncadd.s32 $0xFFFFEC00  }
0x84: {  	[spmem:s19] =	stream.linear.scatter [tilespmem:s26], [sflag:$0x3], $0x1400, $0x38;
	[tilespmem:$0x16D00] =	vst v63  }
0x85: {  	_ =	swait.ge [sflag:s28], $0x1400  }
0x86: {  	s20 =	sld [smem:$0x7F9]  }
0x87: {  	[sflag:s28] =	ssyncset.done $0x0  }
0x88: {  	[sflag:s28] =	ssyncadd.s32 $0xFFFFEC00  }
0x89: {  	[spmem:s20] =	stream.linear.scatter [tilespmem:s26], [sflag:$0x3], $0x1400, $0x38;
	[tilespmem:$0x16D00] =	vst v63  }
0x8a: {  	_ =	swait.ge [sflag:s28], $0x1400  }
0x8b: {  	[sflag:s28] =	ssyncset.done $0x0  }
0x8c: {  	[sflag:s28] =	ssyncadd.s32 $0xFFFFEC00  }
0x8d: {  	s5 =	simm.s32 $0x0;
	[bflag:$0x0] =	sbarrier.arrive $0xFFFF  }
.LBB2_4:
0x8e: {  	s20 =	sadd.s32 s5, s25  }
0x8f: {  	[tilespmem:s3], [sflag:$0x3] =	stream.linear.gather [hbm4b:s20+s3], $0x10, $0x38;
	[tilespmem:$0x16D00] =	vst v63  }
0x90: {  	_ =	swait.ge [sflag:s28], $0x10  }
0x91: {  	[sflag:s28] =	ssyncset.done $0x0  }
0x92: {  	s26 =	sadd.s32 s5, s24;
	[sflag:s28] =	ssyncadd.s32 $0xFFFFFFF0  }
0x93: {  	[tilespmem:s29], [sflag:$0x3] =	stream.linear.gather [hbm4b:s26+s3], $0x10, $0x38;
	[tilespmem:$0x16D00] =	vst v63  }
0x94: {  	_ =	swait.ge [sflag:s28], $0x10  }
0x95: {  	[sflag:s28] =	ssyncset.done $0x0  }
0x96: {  	[sflag:s28] =	ssyncadd.s32 $0xFFFFFFF0  }
0x97: {  	v12 =	vld [tilespmem:$0x0];
	_ =	sdelay $0x4  }
0x98: {  	v13 =	vshll.u32 v12, $0x1  }
0x99: {  	v12 =	vand.u32 $0x7, v12;
	v13 =	vand.u32 $0xFFFFFFF0, v13  }
0x9a: {  	v12 =	vor.u32 v12, v13  }
0x9b: {  	v13 =	vperm.xlane v12, v2;
	_ =	sdelay $0x1  }
0x9c: {  	v12 =	vperm.xlane v12, v4;
	v13 =	vadd.s32 v3, v13;
	_ =	sdelay $0x1  }
0x9d: {  	v12 =	vadd.s32 v3, v12;
	_ =	sdelay $0x2  }
0x9e: {  	[tilespmem:s30], [sflag:$0x1] =	stream.indirect_vreg.gather [hbm4b:s4+s3], $0x80, v13, vm0, $0xb8;
	[tilespmem:$0x16D00] =	vst v63  }
0x9f: {  	_ = 	snop  }
0xa0: {  	[tilespmem:s31], [sflag:$0x1] =	stream.indirect_vreg.gather [hbm4b:s4+s3], $0x80, v12, vm0, $0xb8;
	[tilespmem:$0x16D00] =	vst v63  }
0xa1: {  	v12 =	vld [tilespmem:$0x80];
	_ =	sdelay $0x4  }
0xa2: {  	v12 =	vshll.u32 v12, $0x7  }
0xa3: {  	v22 =	vbroadcast v12, $0x0;
	_ =	sdelay $0x1  }
0xa4: {  	v14 =	vor.u32 v0, v22  }
0xa5: {  	v23 =	vor.u32 v5, v22;
	[tilespmem:$0x100] =	vst v14  }
0xa6: {  	v24 =	vor.u32 v6, v22;
	[tilespmem:$0x110] =	vst v23  }
0xa7: {  	v25 =	vor.u32 v7, v22;
	[tilespmem:$0x120] =	vst v24  }
0xa8: {  	v26 =	vor.u32 v8, v22;
	[tilespmem:$0x130] =	vst v25  }
0xa9: {  	v27 =	vor.u32 v9, v22;
	[tilespmem:$0x140] =	vst v26  }
0xaa: {  	v15 =	vbroadcast v12, $0x1;
	v28 =	vor.u32 v10, v22;
	[tilespmem:$0x150] =	vst v27  }
0xab: {  	v13 =	vor.u32 v11, v22;
	[tilespmem:$0x160] =	vst v28  }
0xac: {  	v29 =	vor.u32 v0, v15;
	[tilespmem:$0x170] =	vst v13  }
0xad: {  	v30 =	vor.u32 v5, v15;
	[tilespmem:$0x180] =	vst v29  }
0xae: {  	v31 =	vor.u32 v6, v15;
	[tilespmem:$0x190] =	vst v30  }
0xaf: {  	v32 =	vor.u32 v7, v15;
	[tilespmem:$0x1A0] =	vst v31  }
0xb0: {  	v33 =	vor.u32 v8, v15;
	[tilespmem:$0x1B0] =	vst v32  }
0xb1: {  	v34 =	vor.u32 v9, v15;
	[tilespmem:$0x1C0] =	vst v33  }
0xb2: {  	v36 =	vbroadcast v12, $0x2;
	v35 =	vor.u32 v10, v15;
	[tilespmem:$0x1D0] =	vst v34  }
0xb3: {  	v37 =	vor.u32 v11, v15;
	[tilespmem:$0x1E0] =	vst v35  }
0xb4: {  	v38 =	vor.u32 v0, v36;
	[tilespmem:$0x1F0] =	vst v37  }
0xb5: {  	v39 =	vor.u32 v5, v36;
	[tilespmem:$0x200] =	vst v38  }
0xb6: {  	v40 =	vor.u32 v6, v36;
	[tilespmem:$0x210] =	vst v39  }
0xb7: {  	v41 =	vor.u32 v7, v36;
	[tilespmem:$0x220] =	vst v40  }
0xb8: {  	v42 =	vor.u32 v8, v36;
	[tilespmem:$0x230] =	vst v41  }
0xb9: {  	v43 =	vor.u32 v9, v36;
	[tilespmem:$0x240] =	vst v42  }
0xba: {  	v45 =	vbroadcast v12, $0x3;
	v44 =	vor.u32 v10, v36;
	[tilespmem:$0x250] =	vst v43  }
0xbb: {  	v46 =	vor.u32 v11, v36;
	[tilespmem:$0x260] =	vst v44  }
0xbc: {  	v47 =	vor.u32 v0, v45;
	[tilespmem:$0x270] =	vst v46  }
0xbd: {  	v48 =	vor.u32 v5, v45;
	[tilespmem:$0x280] =	vst v47  }
0xbe: {  	v49 =	vor.u32 v6, v45;
	[tilespmem:$0x290] =	vst v48  }
0xbf: {  	v50 =	vor.u32 v7, v45;
	[tilespmem:$0x2A0] =	vst v49  }
0xc0: {  	v51 =	vor.u32 v8, v45;
	[tilespmem:$0x2B0] =	vst v50  }
0xc1: {  	v52 =	vor.u32 v9, v45;
	[tilespmem:$0x2C0] =	vst v51  }
0xc2: {  	v54 =	vbroadcast v12, $0x4;
	v53 =	vor.u32 v10, v45;
	[tilespmem:$0x2D0] =	vst v52  }
0xc3: {  	v55 =	vor.u32 v11, v45;
	[tilespmem:$0x2E0] =	vst v53  }
0xc4: {  	v56 =	vor.u32 v0, v54;
	[tilespmem:$0x2F0] =	vst v55  }
0xc5: {  	v57 =	vor.u32 v5, v54;
	[tilespmem:$0x300] =	vst v56  }
0xc6: {  	v58 =	vor.u32 v6, v54;
	[tilespmem:$0x310] =	vst v57  }
0xc7: {  	v59 =	vor.u32 v7, v54;
	[tilespmem:$0x320] =	vst v58  }
0xc8: {  	v60 =	vor.u32 v8, v54;
	[tilespmem:$0x330] =	vst v59  }
0xc9: {  	v61 =	vor.u32 v9, v54;
	[tilespmem:$0x340] =	vst v60  }
0xca: {  	v63 =	vbroadcast v12, $0x5;
	v62 =	vor.u32 v10, v54;
	[tilespmem:$0x350] =	vst v61  }
0xcb: {  	v16 =	vor.u32 v11, v54;
	[tilespmem:$0x360] =	vst v62  }
0xcc: {  	v17 =	vor.u32 v0, v63;
	[tilespmem:$0x370] =	vst v16  }
0xcd: {  	v18 =	vor.u32 v5, v63;
	[tilespmem:$0x380] =	vst v17  }
0xce: {  	v19 =	vor.u32 v6, v63;
	[tilespmem:$0x390] =	vst v18  }
0xcf: {  	v20 =	vor.u32 v7, v63;
	[tilespmem:$0x3A0] =	vst v19  }
0xd0: {  	v21 =	vor.u32 v8, v63;
	[tilespmem:$0x3B0] =	vst v20  }
0xd1: {  	v22 =	vor.u32 v9, v63;
	[tilespmem:$0x3C0] =	vst v21  }
0xd2: {  	[tilespmem:$0x3D0] =	vst v22;
	v23 =	vor.u32 v10, v63;
	v24 =	vbroadcast v12, $0x6  }
0xd3: {  	v25 =	vor.u32 v11, v63;
	[tilespmem:$0x3E0] =	vst v23  }
0xd4: {  	[tilespmem:$0x3F0] =	vst v25;
	v26 =	vor.u32 v0, v24  }
0xd5: {  	v27 =	vor.u32 v5, v24;
	[tilespmem:$0x400] =	vst v26  }
0xd6: {  	v28 =	vor.u32 v6, v24;
	[tilespmem:$0x410] =	vst v27  }
0xd7: {  	v29 =	vor.u32 v7, v24;
	[tilespmem:$0x420] =	vst v28  }
0xd8: {  	v30 =	vor.u32 v8, v24;
	[tilespmem:$0x430] =	vst v29  }
0xd9: {  	v31 =	vor.u32 v9, v24;
	[tilespmem:$0x440] =	vst v30  }
0xda: {  	v33 =	vbroadcast v12, $0x7;
	v32 =	vor.u32 v10, v24;
	[tilespmem:$0x450] =	vst v31  }
0xdb: {  	v34 =	vor.u32 v11, v24;
	[tilespmem:$0x460] =	vst v32  }
0xdc: {  	v35 =	vor.u32 v0, v33;
	[tilespmem:$0x470] =	vst v34  }
0xdd: {  	v36 =	vor.u32 v5, v33;
	[tilespmem:$0x480] =	vst v35  }
0xde: {  	v37 =	vor.u32 v6, v33;
	[tilespmem:$0x490] =	vst v36  }
0xdf: {  	v38 =	vor.u32 v7, v33;
	[tilespmem:$0x4A0] =	vst v37  }
0xe0: {  	v39 =	vor.u32 v8, v33;
	[tilespmem:$0x4B0] =	vst v38  }
0xe1: {  	v40 =	vor.u32 v9, v33;
	[tilespmem:$0x4C0] =	vst v39  }
0xe2: {  	v42 =	vbroadcast v12, $0x8;
	v41 =	vor.u32 v10, v33;
	[tilespmem:$0x4D0] =	vst v40  }
0xe3: {  	v43 =	vor.u32 v11, v33;
	[tilespmem:$0x4E0] =	vst v41  }
0xe4: {  	v44 =	vor.u32 v0, v42;
	[tilespmem:$0x4F0] =	vst v43  }
0xe5: {  	v45 =	vor.u32 v5, v42;
	[tilespmem:$0x500] =	vst v44  }
0xe6: {  	v46 =	vor.u32 v6, v42;
	[tilespmem:$0x510] =	vst v45  }
0xe7: {  	v47 =	vor.u32 v7, v42;
	[tilespmem:$0x520] =	vst v46  }
0xe8: {  	v48 =	vor.u32 v8, v42;
	[tilespmem:$0x530] =	vst v47  }
0xe9: {  	v49 =	vor.u32 v9, v42;
	[tilespmem:$0x540] =	vst v48  }
0xea: {  	v51 =	vbroadcast v12, $0x9;
	v50 =	vor.u32 v10, v42;
	[tilespmem:$0x550] =	vst v49  }
0xeb: {  	v52 =	vor.u32 v11, v42;
	[tilespmem:$0x560] =	vst v50  }
0xec: {  	v53 =	vor.u32 v0, v51;
	[tilespmem:$0x570] =	vst v52  }
0xed: {  	v54 =	vor.u32 v5, v51;
	[tilespmem:$0x580] =	vst v53  }
0xee: {  	v55 =	vor.u32 v6, v51;
	[tilespmem:$0x590] =	vst v54  }
0xef: {  	v56 =	vor.u32 v7, v51;
	[tilespmem:$0x5A0] =	vst v55  }
0xf0: {  	v57 =	vor.u32 v8, v51;
	[tilespmem:$0x5B0] =	vst v56  }
0xf1: {  	v58 =	vor.u32 v9, v51;
	[tilespmem:$0x5C0] =	vst v57  }
0xf2: {  	v60 =	vbroadcast v12, $0xA;
	v59 =	vor.u32 v10, v51;
	[tilespmem:$0x5D0] =	vst v58  }
0xf3: {  	v61 =	vor.u32 v11, v51;
	[tilespmem:$0x5E0] =	vst v59  }
0xf4: {  	v62 =	vor.u32 v0, v60;
	[tilespmem:$0x5F0] =	vst v61  }
0xf5: {  	v63 =	vor.u32 v5, v60;
	[tilespmem:$0x600] =	vst v62  }
0xf6: {  	v16 =	vor.u32 v6, v60;
	[tilespmem:$0x610] =	vst v63  }
0xf7: {  	v17 =	vor.u32 v7, v60;
	[tilespmem:$0x620] =	vst v16  }
0xf8: {  	v18 =	vor.u32 v8, v60;
	[tilespmem:$0x630] =	vst v17  }
0xf9: {  	v19 =	vor.u32 v9, v60;
	[tilespmem:$0x640] =	vst v18  }
0xfa: {  	v21 =	vbroadcast v12, $0xB;
	v20 =	vor.u32 v10, v60;
	[tilespmem:$0x650] =	vst v19  }
0xfb: {  	v22 =	vor.u32 v11, v60;
	[tilespmem:$0x660] =	vst v20  }
0xfc: {  	v23 =	vor.u32 v0, v21;
	[tilespmem:$0x670] =	vst v22  }
0xfd: {  	v24 =	vor.u32 v5, v21;
	[tilespmem:$0x680] =	vst v23  }
0xfe: {  	v25 =	vor.u32 v6, v21;
	[tilespmem:$0x690] =	vst v24  }
0xff: {  	[tilespmem:$0x6A0] =	vst v25;
	v26 =	vor.u32 v7, v21  }
0x100: {  	v27 =	vor.u32 v8, v21;
	[tilespmem:$0x6B0] =	vst v26  }
0x101: {  	v28 =	vor.u32 v9, v21;
	[tilespmem:$0x6C0] =	vst v27  }
0x102: {  	v29 =	vor.u32 v10, v21;
	v30 =	vbroadcast v12, $0xC;
	[tilespmem:$0x6D0] =	vst v28  }
0x103: {  	v31 =	vor.u32 v11, v21;
	[tilespmem:$0x6E0] =	vst v29  }
0x104: {  	[tilespmem:$0x6F0] =	vst v31;
	v32 =	vor.u32 v0, v30  }
0x105: {  	v33 =	vor.u32 v5, v30;
	[tilespmem:$0x700] =	vst v32  }
0x106: {  	v34 =	vor.u32 v6, v30;
	[tilespmem:$0x710] =	vst v33  }
0x107: {  	v35 =	vor.u32 v7, v30;
	[tilespmem:$0x720] =	vst v34  }
0x108: {  	v36 =	vor.u32 v8, v30;
	[tilespmem:$0x730] =	vst v35  }
0x109: {  	v37 =	vor.u32 v9, v30;
	[tilespmem:$0x740] =	vst v36  }
0x10a: {  	v39 =	vbroadcast v12, $0xD;
	v38 =	vor.u32 v10, v30;
	[tilespmem:$0x750] =	vst v37  }
0x10b: {  	v40 =	vor.u32 v11, v30;
	[tilespmem:$0x760] =	vst v38  }
0x10c: {  	(v2sf) =	vpush v12, $0xF;
	v41 =	vor.u32 v0, v39;
	[tilespmem:$0x770] =	vst v40  }
0x10d: {  	v42 =	vor.u32 v5, v39;
	[tilespmem:$0x780] =	vst v41  }
0x10e: {  	v43 =	vor.u32 v6, v39;
	[tilespmem:$0x790] =	vst v42  }
0x10f: {  	v44 =	vor.u32 v7, v39;
	[tilespmem:$0x7A0] =	vst v43  }
0x110: {  	v45 =	vor.u32 v8, v39;
	[tilespmem:$0x7B0] =	vst v44  }
0x111: {  	v46 =	vor.u32 v9, v39;
	[tilespmem:$0x7C0] =	vst v45  }
0x112: {  	v12 =	vbroadcast v12, $0xE;
	v47 =	vor.u32 v10, v39;
	[tilespmem:$0x7D0] =	vst v46  }
0x113: {  	v48 =	vor.u32 v11, v39;
	[tilespmem:$0x7E0] =	vst v47  }
0x114: {  	v49 =	vor.u32 v0, v12;
	[tilespmem:$0x7F0] =	vst v48  }
0x115: {  	v50 =	vor.u32 v5, v12;
	[tilespmem:$0x800] =	vst v49  }
0x116: {  	v51 =	vor.u32 v6, v12;
	[tilespmem:$0x810] =	vst v50  }
0x117: {  	v52 =	vor.u32 v7, v12;
	[tilespmem:$0x820] =	vst v51  }
0x118: {  	v53 =	vor.u32 v8, v12;
	[tilespmem:$0x830] =	vst v52  }
0x119: {  	v54 =	vor.u32 v9, v12;
	[tilespmem:$0x840] =	vst v53  }
0x11a: {  	v55 =	vor.u32 v10, v12;
	[tilespmem:$0x850] =	vst v54  }
0x11b: {  	v12 =	vor.u32 v11, v12;
	[tilespmem:$0x860] =	vst v55;
	s19 =	spop (v2sf)  }
0x11c: {  	[tilespmem:$0x870] =	vst v12;
	v56 =	vor.u32 s19, v0  }
0x11d: {  	v57 =	vor.u32 s19, v5;
	[tilespmem:$0x880] =	vst v56  }
0x11e: {  	v58 =	vor.u32 s19, v6;
	[tilespmem:$0x890] =	vst v57  }
0x11f: {  	v59 =	vor.u32 s19, v7;
	[tilespmem:$0x8A0] =	vst v58  }
0x120: {  	v60 =	vor.u32 s19, v8;
	[tilespmem:$0x8B0] =	vst v59  }
0x121: {  	v61 =	vor.u32 s19, v9;
	[tilespmem:$0x8C0] =	vst v60  }
0x122: {  	v62 =	vor.u32 s19, v10;
	[tilespmem:$0x8D0] =	vst v61  }
0x123: {  	v63 =	vor.u32 s19, v11;
	[tilespmem:$0x8E0] =	vst v62  }
0x124: {  	[tilespmem:$0x8F0] =	vst v63  }
0x125: {  	_ =	swait.ge [sflag:s1], $0x1000  }
0x126: {  	[sflag:s1] =	ssyncset.done $0x0  }
0x127: {  	[sflag:s1] =	ssyncadd.s32 $0xFFFFF000  }
0x128: {  	[spmem:s2] =	stream.indirect.scatter.add.f32 [tilespmem:s30], [sflag:$0x2], $0x1, s0, s29, $0xb8;
	[tilespmem:$0x16D00] =	vst v63  }
0x129: {  	s26 =	rddreg [dreg:$0x3]  }
0x12a: {  	[spmem:s2] =	stream.indirect.scatter.add.f32 [tilespmem:s26], [sflag:$0x2], $0x1, s21, s29, $0xb8;
	[tilespmem:$0x16D00] =	vst v63  }
0x12b: {  	s19 =	rddreg [dreg:$0x4]  }
0x12c: {  	[spmem:s2] =	stream.indirect.scatter.add.f32 [tilespmem:s19], [sflag:$0x2], $0x1, s22, s29, $0xb8;
	[tilespmem:$0x16D00] =	vst v63  }
0x12d: {  	s26 =	rddreg [dreg:$0x5]  }
0x12e: {  	[spmem:s2] =	stream.indirect.scatter.add.f32 [tilespmem:s26], [sflag:$0x2], $0x1, s23, s29, $0xb8;
	[tilespmem:$0x16D00] =	vst v63  }
0x12f: {  	s19 =	rddreg [dreg:$0x6]  }
0x130: {  	[spmem:s2] =	stream.indirect.scatter.add.f32 [tilespmem:s19], [sflag:$0x2], $0x1, s6, s29, $0xb8;
	[tilespmem:$0x16D00] =	vst v63  }
0x131: {  	s26 =	rddreg [dreg:$0x7]  }
0x132: {  	[spmem:s2] =	stream.indirect.scatter.add.f32 [tilespmem:s26], [sflag:$0x2], $0x1, s7, s29, $0xb8;
	[tilespmem:$0x16D00] =	vst v63  }
0x133: {  	s19 =	rddreg [dreg:$0x8]  }
0x134: {  	[spmem:s2] =	stream.indirect.scatter.add.f32 [tilespmem:s19], [sflag:$0x2], $0x1, s8, s29, $0xb8;
	[tilespmem:$0x16D00] =	vst v63  }
0x135: {  	s26 =	rddreg [dreg:$0x9]  }
0x136: {  	[spmem:s2] =	stream.indirect.scatter.add.f32 [tilespmem:s26], [sflag:$0x2], $0x1, s9, s29, $0xb8;
	[tilespmem:$0x16D00] =	vst v63  }
0x137: {  	_ = 	snop  }
0x138: {  	[spmem:s2] =	stream.indirect.scatter.add.f32 [tilespmem:s31], [sflag:$0x2], $0x1, s10, s29, $0xb8;
	[tilespmem:$0x16D00] =	vst v63  }
0x139: {  	s26 =	rddreg [dreg:$0xa]  }
0x13a: {  	[spmem:s2] =	stream.indirect.scatter.add.f32 [tilespmem:s26], [sflag:$0x2], $0x1, s11, s29, $0xb8;
	[tilespmem:$0x16D00] =	vst v63  }
0x13b: {  	s20 =	rddreg [dreg:$0xb]  }
0x13c: {  	[spmem:s2] =	stream.indirect.scatter.add.f32 [tilespmem:s20], [sflag:$0x2], $0x1, s12, s29, $0xb8;
	[tilespmem:$0x16D00] =	vst v63  }
0x13d: {  	s26 =	rddreg [dreg:$0xc]  }
0x13e: {  	[spmem:s2] =	stream.indirect.scatter.add.f32 [tilespmem:s26], [sflag:$0x2], $0x1, s13, s29, $0xb8;
	[tilespmem:$0x16D00] =	vst v63  }
0x13f: {  	s20 =	rddreg [dreg:$0xd]  }
0x140: {  	[spmem:s2] =	stream.indirect.scatter.add.f32 [tilespmem:s20], [sflag:$0x2], $0x1, s14, s29, $0xb8;
	[tilespmem:$0x16D00] =	vst v63  }
0x141: {  	s26 =	rddreg [dreg:$0xe]  }
0x142: {  	[spmem:s2] =	stream.indirect.scatter.add.f32 [tilespmem:s26], [sflag:$0x2], $0x1, s15, s29, $0xb8;
	[tilespmem:$0x16D00] =	vst v63  }
0x143: {  	s20 =	rddreg [dreg:$0xf]  }
0x144: {  	[spmem:s2] =	stream.indirect.scatter.add.f32 [tilespmem:s20], [sflag:$0x2], $0x1, s16, s29, $0xb8;
	[tilespmem:$0x16D00] =	vst v63  }
0x145: {  	s26 =	rddreg [dreg:$0x10]  }
0x146: {  	[spmem:s2] =	stream.indirect.scatter.add.f32 [tilespmem:s26], [sflag:$0x2], $0x1, s17, s29, $0xb8;
	[tilespmem:$0x16D00] =	vst v63  }
0x147: {  	_ =	swait.ge [sflag:s18], $0x80  }
0x148: {  	[sflag:s18] =	ssyncset.done $0x0  }
0x149: {  	[sflag:s18] =	ssyncadd.s32 $0xFFFFFF80  }
0x14a: {  	_ =	swait.ge [sflag:s18], $0x80  }
0x14b: {  	[sflag:s18] =	ssyncset.done $0x0  }
0x14c: {  	[sflag:s18] =	ssyncadd.s32 $0xFFFFFF80  }
0x14d: {  	_ =	swait.ge [sflag:s18], $0x80  }
0x14e: {  	[sflag:s18] =	ssyncset.done $0x0  }
0x14f: {  	[sflag:s18] =	ssyncadd.s32 $0xFFFFFF80  }
0x150: {  	_ =	swait.ge [sflag:s18], $0x80  }
0x151: {  	[sflag:s18] =	ssyncset.done $0x0  }
0x152: {  	[sflag:s18] =	ssyncadd.s32 $0xFFFFFF80  }
0x153: {  	_ =	swait.ge [sflag:s18], $0x80  }
0x154: {  	[sflag:s18] =	ssyncset.done $0x0  }
0x155: {  	[sflag:s18] =	ssyncadd.s32 $0xFFFFFF80  }
0x156: {  	_ =	swait.ge [sflag:s18], $0x80  }
0x157: {  	[sflag:s18] =	ssyncset.done $0x0  }
0x158: {  	[sflag:s18] =	ssyncadd.s32 $0xFFFFFF80  }
0x159: {  	_ =	swait.ge [sflag:s18], $0x80  }
0x15a: {  	[sflag:s18] =	ssyncset.done $0x0  }
0x15b: {  	[sflag:s18] =	ssyncadd.s32 $0xFFFFFF80  }
0x15c: {  	_ =	swait.ge [sflag:s18], $0x80  }
0x15d: {  	[sflag:s18] =	ssyncset.done $0x0  }
0x15e: {  	[sflag:s18] =	ssyncadd.s32 $0xFFFFFF80  }
0x15f: {  	_ =	swait.ge [sflag:s18], $0x80  }
0x160: {  	[sflag:s18] =	ssyncset.done $0x0  }
0x161: {  	[sflag:s18] =	ssyncadd.s32 $0xFFFFFF80  }
0x162: {  	_ =	swait.ge [sflag:s18], $0x80  }
0x163: {  	[sflag:s18] =	ssyncset.done $0x0  }
0x164: {  	[sflag:s18] =	ssyncadd.s32 $0xFFFFFF80  }
0x165: {  	_ =	swait.ge [sflag:s18], $0x80  }
0x166: {  	[sflag:s18] =	ssyncset.done $0x0  }
0x167: {  	[sflag:s18] =	ssyncadd.s32 $0xFFFFFF80  }
0x168: {  	_ =	swait.ge [sflag:s18], $0x80  }
0x169: {  	[sflag:s18] =	ssyncset.done $0x0  }
0x16a: {  	[sflag:s18] =	ssyncadd.s32 $0xFFFFFF80  }
0x16b: {  	_ =	swait.ge [sflag:s18], $0x80  }
0x16c: {  	[sflag:s18] =	ssyncset.done $0x0  }
0x16d: {  	[sflag:s18] =	ssyncadd.s32 $0xFFFFFF80  }
0x16e: {  	_ =	swait.ge [sflag:s18], $0x80  }
0x16f: {  	[sflag:s18] =	ssyncset.done $0x0  }
0x170: {  	[sflag:s18] =	ssyncadd.s32 $0xFFFFFF80  }
0x171: {  	p0 =	sne.s32 s5, $0x27E;
	_ =	swait.ge [sflag:s18], $0x80  }
.Ltmp1:
0x172: {  	[sflag:s18] =	ssyncset.done $0x0;
	(pc) =	sbr.rel @p0 .LBB2_4-.Ltmp1, $4  }
0x173: {  	[sflag:s18] =	ssyncadd.s32 $0xFFFFFF80  }
0x174: {  	_ =	swait.ge [sflag:s18], $0x80  }
0x175: {  	[sflag:s18] =	ssyncset.done $0x0  }
0x176: {  	s5 =	sadd.s32 $0x2, s5;
	[sflag:s18] =	ssyncadd.s32 $0xFFFFFF80  }
0x177: {  	s5 =	stileid.u32  }
0x178: {  	[bflag:$0x0] =	sbarrier.arrive $0xFFFF;
	s5 =	sshll.u32 s5, $0x6  }
0x179: {  	s0 =	sor.u32 $0x1C03, s5;
	s5 =	sld [smem:$0x7F8];
	_ =	sdelay $0x1  }
0x17a: {  	s19 =	sld [smem:$0x7FA]  }
0x17b: {  	[smem:$0x7E7] =	sst s0;
	s21 =	sshrl.u32 s5, $0x3  }
0x17c: {  	s20 =	simm.s32 $0x20;
	s26 =	simm.s32 $0x10;
	[smem:$0x7E8] =	sst s21  }
0x17d: {  	[hbm:s19@s20], [sflag:s0] =	dma.strided [spmem:s21@s26], $0x2800, s1, $0x10   }
0x17e: {  	_ =	swait.ge [sflag:s28], $0x2800  }
0x17f: {  	[sflag:s28] =	ssyncset.done $0x0  }
0x180: {  	[sflag:s28] =	ssyncadd.s32 $0xFFFFD800  }
0x181: {  	s26 =	simm.s32 $0x1900;
	[bflag:$0x0] =	sbarrier.arrive $0xFFFF  }
0x182: {  	[spmem:s5] =	stream.linear.scatter [tilespmem:s26], [sflag:$0x3], $0x1400, $0x38;
	[tilespmem:$0x16D00] =	vst v63  }
0x183: {  	_ =	swait.ge [sflag:s28], $0x1400  }
0x184: {  	s20 =	sld [smem:$0x7EA]  }
0x185: {  	[sflag:s28] =	ssyncset.done $0x0  }
0x186: {  	[sflag:s28] =	ssyncadd.s32 $0xFFFFEC00  }
0x187: {  	[spmem:s20] =	stream.linear.scatter [tilespmem:s26], [sflag:$0x3], $0x1400, $0x38;
	[tilespmem:$0x16D00] =	vst v63  }
0x188: {  	_ =	swait.ge [sflag:s28], $0x1400  }
0x189: {  	s19 =	sld [smem:$0x7EB]  }
0x18a: {  	[sflag:s28] =	ssyncset.done $0x0  }
0x18b: {  	[sflag:s28] =	ssyncadd.s32 $0xFFFFEC00  }
0x18c: {  	[spmem:s19] =	stream.linear.scatter [tilespmem:s26], [sflag:$0x3], $0x1400, $0x38;
	[tilespmem:$0x16D00] =	vst v63  }
0x18d: {  	_ =	swait.ge [sflag:s28], $0x1400  }
0x18e: {  	s20 =	sld [smem:$0x7EC]  }
0x18f: {  	[sflag:s28] =	ssyncset.done $0x0  }
0x190: {  	[sflag:s28] =	ssyncadd.s32 $0xFFFFEC00  }
0x191: {  	[spmem:s20] =	stream.linear.scatter [tilespmem:s26], [sflag:$0x3], $0x1400, $0x38;
	[tilespmem:$0x16D00] =	vst v63  }
0x192: {  	_ =	swait.ge [sflag:s28], $0x1400  }
0x193: {  	s19 =	sld [smem:$0x7ED]  }
0x194: {  	[sflag:s28] =	ssyncset.done $0x0  }
0x195: {  	[sflag:s28] =	ssyncadd.s32 $0xFFFFEC00  }
0x196: {  	[spmem:s19] =	stream.linear.scatter [tilespmem:s26], [sflag:$0x3], $0x1400, $0x38;
	[tilespmem:$0x16D00] =	vst v63  }
0x197: {  	_ =	swait.ge [sflag:s28], $0x1400  }
0x198: {  	s20 =	sld [smem:$0x7EE]  }
0x199: {  	[sflag:s28] =	ssyncset.done $0x0  }
0x19a: {  	[sflag:s28] =	ssyncadd.s32 $0xFFFFEC00  }
0x19b: {  	[spmem:s20] =	stream.linear.scatter [tilespmem:s26], [sflag:$0x3], $0x1400, $0x38;
	[tilespmem:$0x16D00] =	vst v63  }
0x19c: {  	_ =	swait.ge [sflag:s28], $0x1400  }
0x19d: {  	s19 =	sld [smem:$0x7EF]  }
0x19e: {  	[sflag:s28] =	ssyncset.done $0x0  }
0x19f: {  	[sflag:s28] =	ssyncadd.s32 $0xFFFFEC00  }
0x1a0: {  	[spmem:s19] =	stream.linear.scatter [tilespmem:s26], [sflag:$0x3], $0x1400, $0x38;
	[tilespmem:$0x16D00] =	vst v63  }
0x1a1: {  	_ =	swait.ge [sflag:s28], $0x1400  }
0x1a2: {  	s20 =	sld [smem:$0x7F0]  }
0x1a3: {  	[sflag:s28] =	ssyncset.done $0x0  }
0x1a4: {  	[sflag:s28] =	ssyncadd.s32 $0xFFFFEC00  }
0x1a5: {  	[spmem:s20] =	stream.linear.scatter [tilespmem:s26], [sflag:$0x3], $0x1400, $0x38;
	[tilespmem:$0x16D00] =	vst v63  }
0x1a6: {  	_ =	swait.ge [sflag:s28], $0x1400  }
0x1a7: {  	s19 =	sld [smem:$0x7F1]  }
0x1a8: {  	[sflag:s28] =	ssyncset.done $0x0  }
0x1a9: {  	[sflag:s28] =	ssyncadd.s32 $0xFFFFEC00  }
0x1aa: {  	[spmem:s19] =	stream.linear.scatter [tilespmem:s26], [sflag:$0x3], $0x1400, $0x38;
	[tilespmem:$0x16D00] =	vst v63  }
0x1ab: {  	_ =	swait.ge [sflag:s28], $0x1400  }
0x1ac: {  	s20 =	sld [smem:$0x7F2]  }
0x1ad: {  	[sflag:s28] =	ssyncset.done $0x0  }
0x1ae: {  	[sflag:s28] =	ssyncadd.s32 $0xFFFFEC00  }
0x1af: {  	[spmem:s20] =	stream.linear.scatter [tilespmem:s26], [sflag:$0x3], $0x1400, $0x38;
	[tilespmem:$0x16D00] =	vst v63  }
0x1b0: {  	_ =	swait.ge [sflag:s28], $0x1400  }
0x1b1: {  	s19 =	sld [smem:$0x7F3]  }
0x1b2: {  	[sflag:s28] =	ssyncset.done $0x0  }
0x1b3: {  	[sflag:s28] =	ssyncadd.s32 $0xFFFFEC00  }
0x1b4: {  	[spmem:s19] =	stream.linear.scatter [tilespmem:s26], [sflag:$0x3], $0x1400, $0x38;
	[tilespmem:$0x16D00] =	vst v63  }
0x1b5: {  	_ =	swait.ge [sflag:s28], $0x1400  }
0x1b6: {  	s20 =	sld [smem:$0x7F4]  }
0x1b7: {  	[sflag:s28] =	ssyncset.done $0x0  }
0x1b8: {  	[sflag:s28] =	ssyncadd.s32 $0xFFFFEC00  }
0x1b9: {  	[spmem:s20] =	stream.linear.scatter [tilespmem:s26], [sflag:$0x3], $0x1400, $0x38;
	[tilespmem:$0x16D00] =	vst v63  }
0x1ba: {  	_ =	swait.ge [sflag:s28], $0x1400  }
0x1bb: {  	s19 =	sld [smem:$0x7F5]  }
0x1bc: {  	[sflag:s28] =	ssyncset.done $0x0  }
0x1bd: {  	[sflag:s28] =	ssyncadd.s32 $0xFFFFEC00  }
0x1be: {  	[spmem:s19] =	stream.linear.scatter [tilespmem:s26], [sflag:$0x3], $0x1400, $0x38;
	[tilespmem:$0x16D00] =	vst v63  }
0x1bf: {  	_ =	swait.ge [sflag:s28], $0x1400  }
0x1c0: {  	s20 =	sld [smem:$0x7F6]  }
0x1c1: {  	[sflag:s28] =	ssyncset.done $0x0  }
0x1c2: {  	[sflag:s28] =	ssyncadd.s32 $0xFFFFEC00  }
0x1c3: {  	[spmem:s20] =	stream.linear.scatter [tilespmem:s26], [sflag:$0x3], $0x1400, $0x38;
	[tilespmem:$0x16D00] =	vst v63  }
0x1c4: {  	_ =	swait.ge [sflag:s28], $0x1400  }
0x1c5: {  	s19 =	sld [smem:$0x7F7]  }
0x1c6: {  	[sflag:s28] =	ssyncset.done $0x0  }
0x1c7: {  	[sflag:s28] =	ssyncadd.s32 $0xFFFFEC00  }
0x1c8: {  	[spmem:s19] =	stream.linear.scatter [tilespmem:s26], [sflag:$0x3], $0x1400, $0x38;
	[tilespmem:$0x16D00] =	vst v63  }
0x1c9: {  	_ =	swait.ge [sflag:s28], $0x1400  }
0x1ca: {  	s20 =	sld [smem:$0x7F9]  }
0x1cb: {  	[sflag:s28] =	ssyncset.done $0x0  }
0x1cc: {  	[sflag:s28] =	ssyncadd.s32 $0xFFFFEC00  }
0x1cd: {  	[spmem:s20] =	stream.linear.scatter [tilespmem:s26], [sflag:$0x3], $0x1400, $0x38;
	[tilespmem:$0x16D00] =	vst v63  }
0x1ce: {  	_ =	swait.ge [sflag:s28], $0x1400  }
0x1cf: {  	[sflag:s28] =	ssyncset.done $0x0  }
0x1d0: {  	s21 =	simm.s32 $0x180;
	[sflag:s28] =	ssyncadd.s32 $0xFFFFEC00  }
0x1d1: {  	s0 =	simm.s32 $0x100;
	s20 =	simm.s32 $0x0;
	[bflag:$0x0] =	sbarrier.arrive $0xFFFF  }
.LBB2_6:
0x1d2: {  	s19 =	sadd.s32 s20, s25  }
0x1d3: {  	[tilespmem:s3], [sflag:$0x3] =	stream.linear.gather [hbm4b:s19+s3], $0x10, $0x38;
	[tilespmem:$0x16D00] =	vst v63  }
0x1d4: {  	_ =	swait.ge [sflag:s28], $0x10  }
0x1d5: {  	[sflag:s28] =	ssyncset.done $0x0  }
0x1d6: {  	s5 =	sadd.s32 s20, s24;
	[sflag:s28] =	ssyncadd.s32 $0xFFFFFFF0  }
0x1d7: {  	[tilespmem:s29], [sflag:$0x3] =	stream.linear.gather [hbm4b:s5+s3], $0x10, $0x38;
	[tilespmem:$0x16D00] =	vst v63  }
0x1d8: {  	_ =	swait.ge [sflag:s28], $0x10  }
0x1d9: {  	[sflag:s28] =	ssyncset.done $0x0  }
0x1da: {  	[sflag:s28] =	ssyncadd.s32 $0xFFFFFFF0  }
0x1db: {  	v12 =	vld [tilespmem:$0x0];
	_ =	sdelay $0x4  }
0x1dc: {  	v13 =	vshll.u32 v12, $0x1  }
0x1dd: {  	v12 =	vand.u32 $0x7, v12;
	v13 =	vand.u32 $0xFFFFFFF0, v13  }
0x1de: {  	v12 =	vor.u32 v12, v13  }
0x1df: {  	v13 =	vperm.xlane v12, v2;
	_ =	sdelay $0x1  }
0x1e0: {  	v12 =	vperm.xlane v12, v4;
	v13 =	vadd.s32 v3, v13;
	_ =	sdelay $0x1  }
0x1e1: {  	v12 =	vadd.s32 v3, v12;
	_ =	sdelay $0x2  }
0x1e2: {  	[tilespmem:s30], [sflag:$0x1] =	stream.indirect_vreg.gather [hbm4b:s4+s3], $0x80, v13, vm0, $0xb8;
	[tilespmem:$0x16D00] =	vst v63  }
0x1e3: {  	_ = 	snop  }
0x1e4: {  	[tilespmem:s31], [sflag:$0x1] =	stream.indirect_vreg.gather [hbm4b:s4+s3], $0x80, v12, vm0, $0xb8;
	[tilespmem:$0x16D00] =	vst v63  }
0x1e5: {  	v12 =	vld [tilespmem:$0x80];
	_ =	sdelay $0x4  }
0x1e6: {  	v12 =	vshll.u32 v12, $0x7  }
0x1e7: {  	v22 =	vbroadcast v12, $0x0;
	_ =	sdelay $0x1  }
0x1e8: {  	v14 =	vor.u32 v0, v22  }
0x1e9: {  	v23 =	vor.u32 v5, v22;
	[tilespmem:$0x100] =	vst v14  }
0x1ea: {  	v24 =	vor.u32 v6, v22;
	[tilespmem:$0x110] =	vst v23  }
0x1eb: {  	v25 =	vor.u32 v7, v22;
	[tilespmem:$0x120] =	vst v24  }
0x1ec: {  	v26 =	vor.u32 v8, v22;
	[tilespmem:$0x130] =	vst v25  }
0x1ed: {  	v27 =	vor.u32 v9, v22;
	[tilespmem:$0x140] =	vst v26  }
0x1ee: {  	v15 =	vbroadcast v12, $0x1;
	v28 =	vor.u32 v10, v22;
	[tilespmem:$0x150] =	vst v27  }
0x1ef: {  	v13 =	vor.u32 v11, v22;
	[tilespmem:$0x160] =	vst v28  }
0x1f0: {  	v29 =	vor.u32 v0, v15;
	[tilespmem:$0x170] =	vst v13  }
0x1f1: {  	v30 =	vor.u32 v5, v15;
	[tilespmem:$0x180] =	vst v29  }
0x1f2: {  	v31 =	vor.u32 v6, v15;
	[tilespmem:$0x190] =	vst v30  }
0x1f3: {  	v32 =	vor.u32 v7, v15;
	[tilespmem:$0x1A0] =	vst v31  }
0x1f4: {  	v33 =	vor.u32 v8, v15;
	[tilespmem:$0x1B0] =	vst v32  }
0x1f5: {  	v34 =	vor.u32 v9, v15;
	[tilespmem:$0x1C0] =	vst v33  }
0x1f6: {  	v36 =	vbroadcast v12, $0x2;
	v35 =	vor.u32 v10, v15;
	[tilespmem:$0x1D0] =	vst v34  }
0x1f7: {  	v37 =	vor.u32 v11, v15;
	[tilespmem:$0x1E0] =	vst v35  }
0x1f8: {  	v38 =	vor.u32 v0, v36;
	[tilespmem:$0x1F0] =	vst v37  }
0x1f9: {  	v39 =	vor.u32 v5, v36;
	[tilespmem:$0x200] =	vst v38  }
0x1fa: {  	v40 =	vor.u32 v6, v36;
	[tilespmem:$0x210] =	vst v39  }
0x1fb: {  	v41 =	vor.u32 v7, v36;
	[tilespmem:$0x220] =	vst v40  }
0x1fc: {  	v42 =	vor.u32 v8, v36;
	[tilespmem:$0x230] =	vst v41  }
0x1fd: {  	v43 =	vor.u32 v9, v36;
	[tilespmem:$0x240] =	vst v42  }
0x1fe: {  	v45 =	vbroadcast v12, $0x3;
	v44 =	vor.u32 v10, v36;
	[tilespmem:$0x250] =	vst v43  }
0x1ff: {  	v46 =	vor.u32 v11, v36;
	[tilespmem:$0x260] =	vst v44  }
0x200: {  	v47 =	vor.u32 v0, v45;
	[tilespmem:$0x270] =	vst v46  }
0x201: {  	v48 =	vor.u32 v5, v45;
	[tilespmem:$0x280] =	vst v47  }
0x202: {  	v49 =	vor.u32 v6, v45;
	[tilespmem:$0x290] =	vst v48  }
0x203: {  	v50 =	vor.u32 v7, v45;
	[tilespmem:$0x2A0] =	vst v49  }
0x204: {  	v51 =	vor.u32 v8, v45;
	[tilespmem:$0x2B0] =	vst v50  }
0x205: {  	v52 =	vor.u32 v9, v45;
	[tilespmem:$0x2C0] =	vst v51  }
0x206: {  	v54 =	vbroadcast v12, $0x4;
	v53 =	vor.u32 v10, v45;
	[tilespmem:$0x2D0] =	vst v52  }
0x207: {  	v55 =	vor.u32 v11, v45;
	[tilespmem:$0x2E0] =	vst v53  }
0x208: {  	v56 =	vor.u32 v0, v54;
	[tilespmem:$0x2F0] =	vst v55  }
0x209: {  	v57 =	vor.u32 v5, v54;
	[tilespmem:$0x300] =	vst v56  }
0x20a: {  	v58 =	vor.u32 v6, v54;
	[tilespmem:$0x310] =	vst v57  }
0x20b: {  	v59 =	vor.u32 v7, v54;
	[tilespmem:$0x320] =	vst v58  }
0x20c: {  	v60 =	vor.u32 v8, v54;
	[tilespmem:$0x330] =	vst v59  }
0x20d: {  	v61 =	vor.u32 v9, v54;
	[tilespmem:$0x340] =	vst v60  }
0x20e: {  	v63 =	vbroadcast v12, $0x5;
	v62 =	vor.u32 v10, v54;
	[tilespmem:$0x350] =	vst v61  }
0x20f: {  	v16 =	vor.u32 v11, v54;
	[tilespmem:$0x360] =	vst v62  }
0x210: {  	v17 =	vor.u32 v0, v63;
	[tilespmem:$0x370] =	vst v16  }
0x211: {  	v18 =	vor.u32 v5, v63;
	[tilespmem:$0x380] =	vst v17  }
0x212: {  	v19 =	vor.u32 v6, v63;
	[tilespmem:$0x390] =	vst v18  }
0x213: {  	v20 =	vor.u32 v7, v63;
	[tilespmem:$0x3A0] =	vst v19  }
0x214: {  	v21 =	vor.u32 v8, v63;
	[tilespmem:$0x3B0] =	vst v20  }
0x215: {  	v22 =	vor.u32 v9, v63;
	[tilespmem:$0x3C0] =	vst v21  }
0x216: {  	[tilespmem:$0x3D0] =	vst v22;
	v23 =	vor.u32 v10, v63;
	v24 =	vbroadcast v12, $0x6  }
0x217: {  	v25 =	vor.u32 v11, v63;
	[tilespmem:$0x3E0] =	vst v23  }
0x218: {  	[tilespmem:$0x3F0] =	vst v25;
	v26 =	vor.u32 v0, v24  }
0x219: {  	v27 =	vor.u32 v5, v24;
	[tilespmem:$0x400] =	vst v26  }
0x21a: {  	v28 =	vor.u32 v6, v24;
	[tilespmem:$0x410] =	vst v27  }
0x21b: {  	v29 =	vor.u32 v7, v24;
	[tilespmem:$0x420] =	vst v28  }
0x21c: {  	v30 =	vor.u32 v8, v24;
	[tilespmem:$0x430] =	vst v29  }
0x21d: {  	v31 =	vor.u32 v9, v24;
	[tilespmem:$0x440] =	vst v30  }
0x21e: {  	v33 =	vbroadcast v12, $0x7;
	v32 =	vor.u32 v10, v24;
	[tilespmem:$0x450] =	vst v31  }
0x21f: {  	v34 =	vor.u32 v11, v24;
	[tilespmem:$0x460] =	vst v32  }
0x220: {  	v35 =	vor.u32 v0, v33;
	[tilespmem:$0x470] =	vst v34  }
0x221: {  	v36 =	vor.u32 v5, v33;
	[tilespmem:$0x480] =	vst v35  }
0x222: {  	v37 =	vor.u32 v6, v33;
	[tilespmem:$0x490] =	vst v36  }
0x223: {  	v38 =	vor.u32 v7, v33;
	[tilespmem:$0x4A0] =	vst v37  }
0x224: {  	v39 =	vor.u32 v8, v33;
	[tilespmem:$0x4B0] =	vst v38  }
0x225: {  	v40 =	vor.u32 v9, v33;
	[tilespmem:$0x4C0] =	vst v39  }
0x226: {  	v42 =	vbroadcast v12, $0x8;
	v41 =	vor.u32 v10, v33;
	[tilespmem:$0x4D0] =	vst v40  }
0x227: {  	v43 =	vor.u32 v11, v33;
	[tilespmem:$0x4E0] =	vst v41  }
0x228: {  	v44 =	vor.u32 v0, v42;
	[tilespmem:$0x4F0] =	vst v43  }
0x229: {  	v45 =	vor.u32 v5, v42;
	[tilespmem:$0x500] =	vst v44  }
0x22a: {  	v46 =	vor.u32 v6, v42;
	[tilespmem:$0x510] =	vst v45  }
0x22b: {  	v47 =	vor.u32 v7, v42;
	[tilespmem:$0x520] =	vst v46  }
0x22c: {  	v48 =	vor.u32 v8, v42;
	[tilespmem:$0x530] =	vst v47  }
0x22d: {  	v49 =	vor.u32 v9, v42;
	[tilespmem:$0x540] =	vst v48  }
0x22e: {  	v51 =	vbroadcast v12, $0x9;
	v50 =	vor.u32 v10, v42;
	[tilespmem:$0x550] =	vst v49  }
0x22f: {  	v52 =	vor.u32 v11, v42;
	[tilespmem:$0x560] =	vst v50  }
0x230: {  	v53 =	vor.u32 v0, v51;
	[tilespmem:$0x570] =	vst v52  }
0x231: {  	v54 =	vor.u32 v5, v51;
	[tilespmem:$0x580] =	vst v53  }
0x232: {  	v55 =	vor.u32 v6, v51;
	[tilespmem:$0x590] =	vst v54  }
0x233: {  	v56 =	vor.u32 v7, v51;
	[tilespmem:$0x5A0] =	vst v55  }
0x234: {  	v57 =	vor.u32 v8, v51;
	[tilespmem:$0x5B0] =	vst v56  }
0x235: {  	v58 =	vor.u32 v9, v51;
	[tilespmem:$0x5C0] =	vst v57  }
0x236: {  	v60 =	vbroadcast v12, $0xA;
	v59 =	vor.u32 v10, v51;
	[tilespmem:$0x5D0] =	vst v58  }
0x237: {  	v61 =	vor.u32 v11, v51;
	[tilespmem:$0x5E0] =	vst v59  }
0x238: {  	v62 =	vor.u32 v0, v60;
	[tilespmem:$0x5F0] =	vst v61  }
0x239: {  	v63 =	vor.u32 v5, v60;
	[tilespmem:$0x600] =	vst v62  }
0x23a: {  	v16 =	vor.u32 v6, v60;
	[tilespmem:$0x610] =	vst v63  }
0x23b: {  	v17 =	vor.u32 v7, v60;
	[tilespmem:$0x620] =	vst v16  }
0x23c: {  	v18 =	vor.u32 v8, v60;
	[tilespmem:$0x630] =	vst v17  }
0x23d: {  	v19 =	vor.u32 v9, v60;
	[tilespmem:$0x640] =	vst v18  }
0x23e: {  	v21 =	vbroadcast v12, $0xB;
	v20 =	vor.u32 v10, v60;
	[tilespmem:$0x650] =	vst v19  }
0x23f: {  	v22 =	vor.u32 v11, v60;
	[tilespmem:$0x660] =	vst v20  }
0x240: {  	v23 =	vor.u32 v0, v21;
	[tilespmem:$0x670] =	vst v22  }
0x241: {  	v24 =	vor.u32 v5, v21;
	[tilespmem:$0x680] =	vst v23  }
0x242: {  	v25 =	vor.u32 v6, v21;
	[tilespmem:$0x690] =	vst v24  }
0x243: {  	[tilespmem:$0x6A0] =	vst v25;
	v26 =	vor.u32 v7, v21  }
0x244: {  	v27 =	vor.u32 v8, v21;
	[tilespmem:$0x6B0] =	vst v26  }
0x245: {  	v28 =	vor.u32 v9, v21;
	[tilespmem:$0x6C0] =	vst v27  }
0x246: {  	v29 =	vor.u32 v10, v21;
	v30 =	vbroadcast v12, $0xC;
	[tilespmem:$0x6D0] =	vst v28  }
0x247: {  	v31 =	vor.u32 v11, v21;
	[tilespmem:$0x6E0] =	vst v29  }
0x248: {  	[tilespmem:$0x6F0] =	vst v31;
	v32 =	vor.u32 v0, v30  }
0x249: {  	v33 =	vor.u32 v5, v30;
	[tilespmem:$0x700] =	vst v32  }
0x24a: {  	v34 =	vor.u32 v6, v30;
	[tilespmem:$0x710] =	vst v33  }
0x24b: {  	v35 =	vor.u32 v7, v30;
	[tilespmem:$0x720] =	vst v34  }
0x24c: {  	v36 =	vor.u32 v8, v30;
	[tilespmem:$0x730] =	vst v35  }
0x24d: {  	v37 =	vor.u32 v9, v30;
	[tilespmem:$0x740] =	vst v36  }
0x24e: {  	v39 =	vbroadcast v12, $0xD;
	v38 =	vor.u32 v10, v30;
	[tilespmem:$0x750] =	vst v37  }
0x24f: {  	v40 =	vor.u32 v11, v30;
	[tilespmem:$0x760] =	vst v38  }
0x250: {  	(v2sf) =	vpush v12, $0xF;
	v41 =	vor.u32 v0, v39;
	[tilespmem:$0x770] =	vst v40  }
0x251: {  	v42 =	vor.u32 v5, v39;
	[tilespmem:$0x780] =	vst v41  }
0x252: {  	v43 =	vor.u32 v6, v39;
	[tilespmem:$0x790] =	vst v42  }
0x253: {  	v44 =	vor.u32 v7, v39;
	[tilespmem:$0x7A0] =	vst v43  }
0x254: {  	v45 =	vor.u32 v8, v39;
	[tilespmem:$0x7B0] =	vst v44  }
0x255: {  	v46 =	vor.u32 v9, v39;
	[tilespmem:$0x7C0] =	vst v45  }
0x256: {  	v12 =	vbroadcast v12, $0xE;
	v47 =	vor.u32 v10, v39;
	[tilespmem:$0x7D0] =	vst v46  }
0x257: {  	v48 =	vor.u32 v11, v39;
	[tilespmem:$0x7E0] =	vst v47  }
0x258: {  	v49 =	vor.u32 v0, v12;
	[tilespmem:$0x7F0] =	vst v48  }
0x259: {  	v50 =	vor.u32 v5, v12;
	[tilespmem:$0x800] =	vst v49  }
0x25a: {  	v51 =	vor.u32 v6, v12;
	[tilespmem:$0x810] =	vst v50  }
0x25b: {  	v52 =	vor.u32 v7, v12;
	[tilespmem:$0x820] =	vst v51  }
0x25c: {  	v53 =	vor.u32 v8, v12;
	[tilespmem:$0x830] =	vst v52  }
0x25d: {  	v54 =	vor.u32 v9, v12;
	[tilespmem:$0x840] =	vst v53  }
0x25e: {  	v55 =	vor.u32 v10, v12;
	[tilespmem:$0x850] =	vst v54  }
0x25f: {  	v12 =	vor.u32 v11, v12;
	[tilespmem:$0x860] =	vst v55;
	s5 =	spop (v2sf)  }
0x260: {  	[tilespmem:$0x870] =	vst v12;
	v56 =	vor.u32 s5, v0  }
0x261: {  	v57 =	vor.u32 s5, v5;
	[tilespmem:$0x880] =	vst v56  }
0x262: {  	v58 =	vor.u32 s5, v6;
	[tilespmem:$0x890] =	vst v57  }
0x263: {  	v59 =	vor.u32 s5, v7;
	[tilespmem:$0x8A0] =	vst v58  }
0x264: {  	v60 =	vor.u32 s5, v8;
	[tilespmem:$0x8B0] =	vst v59  }
0x265: {  	v61 =	vor.u32 s5, v9;
	[tilespmem:$0x8C0] =	vst v60  }
0x266: {  	v62 =	vor.u32 s5, v10;
	[tilespmem:$0x8D0] =	vst v61  }
0x267: {  	v63 =	vor.u32 s5, v11;
	[tilespmem:$0x8E0] =	vst v62  }
0x268: {  	[tilespmem:$0x8F0] =	vst v63  }
0x269: {  	_ =	swait.ge [sflag:s1], $0x1000  }
0x26a: {  	s19 =	rddreg [dreg:$0x11];
	[sflag:s1] =	ssyncset.done $0x0  }
0x26b: {  	s5 =	rddreg [dreg:$0x12];
	[sflag:s1] =	ssyncadd.s32 $0xFFFFF000  }
0x26c: {  	[spmem:s2] =	stream.indirect.scatter.add.f32 [tilespmem:s19], [sflag:$0x2], $0x1, s0, s29, $0xb8;
	[tilespmem:$0x16D00] =	vst v63  }
0x26d: {  	s19 =	rddreg [dreg:$0x13]  }
0x26e: {  	[spmem:s2] =	stream.indirect.scatter.add.f32 [tilespmem:s5], [sflag:$0x2], $0x1, s21, s29, $0xb8;
	[tilespmem:$0x16D00] =	vst v63  }
0x26f: {  	s5 =	rddreg [dreg:$0x14]  }
0x270: {  	[spmem:s2] =	stream.indirect.scatter.add.f32 [tilespmem:s19], [sflag:$0x2], $0x1, s22, s29, $0xb8;
	[tilespmem:$0x16D00] =	vst v63  }
0x271: {  	s19 =	rddreg [dreg:$0x15]  }
0x272: {  	[spmem:s2] =	stream.indirect.scatter.add.f32 [tilespmem:s5], [sflag:$0x2], $0x1, s23, s29, $0xb8;
	[tilespmem:$0x16D00] =	vst v63  }
0x273: {  	s5 =	rddreg [dreg:$0x16]  }
0x274: {  	[spmem:s2] =	stream.indirect.scatter.add.f32 [tilespmem:s19], [sflag:$0x2], $0x1, s6, s29, $0xb8;
	[tilespmem:$0x16D00] =	vst v63  }
0x275: {  	s19 =	rddreg [dreg:$0x17]  }
0x276: {  	[spmem:s2] =	stream.indirect.scatter.add.f32 [tilespmem:s5], [sflag:$0x2], $0x1, s7, s29, $0xb8;
	[tilespmem:$0x16D00] =	vst v63  }
0x277: {  	s5 =	rddreg [dreg:$0x18]  }
0x278: {  	[spmem:s2] =	stream.indirect.scatter.add.f32 [tilespmem:s19], [sflag:$0x2], $0x1, s8, s29, $0xb8;
	[tilespmem:$0x16D00] =	vst v63  }
0x279: {  	s19 =	rddreg [dreg:$0x19]  }
0x27a: {  	[spmem:s2] =	stream.indirect.scatter.add.f32 [tilespmem:s5], [sflag:$0x2], $0x1, s9, s29, $0xb8;
	[tilespmem:$0x16D00] =	vst v63  }
0x27b: {  	s5 =	rddreg [dreg:$0x1a]  }
0x27c: {  	[spmem:s2] =	stream.indirect.scatter.add.f32 [tilespmem:s19], [sflag:$0x2], $0x1, s10, s29, $0xb8;
	[tilespmem:$0x16D00] =	vst v63  }
0x27d: {  	s19 =	rddreg [dreg:$0x1b]  }
0x27e: {  	[spmem:s2] =	stream.indirect.scatter.add.f32 [tilespmem:s5], [sflag:$0x2], $0x1, s11, s29, $0xb8;
	[tilespmem:$0x16D00] =	vst v63  }
0x27f: {  	s5 =	rddreg [dreg:$0x1c]  }
0x280: {  	[spmem:s2] =	stream.indirect.scatter.add.f32 [tilespmem:s19], [sflag:$0x2], $0x1, s12, s29, $0xb8;
	[tilespmem:$0x16D00] =	vst v63  }
0x281: {  	s19 =	rddreg [dreg:$0x1d]  }
0x282: {  	[spmem:s2] =	stream.indirect.scatter.add.f32 [tilespmem:s5], [sflag:$0x2], $0x1, s13, s29, $0xb8;
	[tilespmem:$0x16D00] =	vst v63  }
0x283: {  	s5 =	rddreg [dreg:$0x1e]  }
0x284: {  	[spmem:s2] =	stream.indirect.scatter.add.f32 [tilespmem:s19], [sflag:$0x2], $0x1, s14, s29, $0xb8;
	[tilespmem:$0x16D00] =	vst v63  }
0x285: {  	s19 =	rddreg [dreg:$0x1f]  }
0x286: {  	[spmem:s2] =	stream.indirect.scatter.add.f32 [tilespmem:s5], [sflag:$0x2], $0x1, s15, s29, $0xb8;
	[tilespmem:$0x16D00] =	vst v63  }
0x287: {  	s5 =	sld [smem:$0x7FD]  }
0x288: {  	[spmem:s2] =	stream.indirect.scatter.add.f32 [tilespmem:s19], [sflag:$0x2], $0x1, s16, s29, $0xb8;
	[tilespmem:$0x16D00] =	vst v63  }
0x289: {  	_ = 	snop  }
0x28a: {  	[spmem:s2] =	stream.indirect.scatter.add.f32 [tilespmem:s5], [sflag:$0x2], $0x1, s17, s29, $0xb8;
	[tilespmem:$0x16D00] =	vst v63  }
0x28b: {  	_ =	swait.ge [sflag:s18], $0x80  }
0x28c: {  	[sflag:s18] =	ssyncset.done $0x0  }
0x28d: {  	[sflag:s18] =	ssyncadd.s32 $0xFFFFFF80  }
0x28e: {  	_ =	swait.ge [sflag:s18], $0x80  }
0x28f: {  	[sflag:s18] =	ssyncset.done $0x0  }
0x290: {  	[sflag:s18] =	ssyncadd.s32 $0xFFFFFF80  }
0x291: {  	_ =	swait.ge [sflag:s18], $0x80  }
0x292: {  	[sflag:s18] =	ssyncset.done $0x0  }
0x293: {  	[sflag:s18] =	ssyncadd.s32 $0xFFFFFF80  }
0x294: {  	_ =	swait.ge [sflag:s18], $0x80  }
0x295: {  	[sflag:s18] =	ssyncset.done $0x0  }
0x296: {  	[sflag:s18] =	ssyncadd.s32 $0xFFFFFF80  }
0x297: {  	_ =	swait.ge [sflag:s18], $0x80  }
0x298: {  	[sflag:s18] =	ssyncset.done $0x0  }
0x299: {  	[sflag:s18] =	ssyncadd.s32 $0xFFFFFF80  }
0x29a: {  	_ =	swait.ge [sflag:s18], $0x80  }
0x29b: {  	[sflag:s18] =	ssyncset.done $0x0  }
0x29c: {  	[sflag:s18] =	ssyncadd.s32 $0xFFFFFF80  }
0x29d: {  	_ =	swait.ge [sflag:s18], $0x80  }
0x29e: {  	[sflag:s18] =	ssyncset.done $0x0  }
0x29f: {  	[sflag:s18] =	ssyncadd.s32 $0xFFFFFF80  }
0x2a0: {  	_ =	swait.ge [sflag:s18], $0x80  }
0x2a1: {  	[sflag:s18] =	ssyncset.done $0x0  }
0x2a2: {  	[sflag:s18] =	ssyncadd.s32 $0xFFFFFF80  }
0x2a3: {  	_ =	swait.ge [sflag:s18], $0x80  }
0x2a4: {  	[sflag:s18] =	ssyncset.done $0x0  }
0x2a5: {  	[sflag:s18] =	ssyncadd.s32 $0xFFFFFF80  }
0x2a6: {  	_ =	swait.ge [sflag:s18], $0x80  }
0x2a7: {  	[sflag:s18] =	ssyncset.done $0x0  }
0x2a8: {  	[sflag:s18] =	ssyncadd.s32 $0xFFFFFF80  }
0x2a9: {  	_ =	swait.ge [sflag:s18], $0x80  }
0x2aa: {  	[sflag:s18] =	ssyncset.done $0x0  }
0x2ab: {  	[sflag:s18] =	ssyncadd.s32 $0xFFFFFF80  }
0x2ac: {  	_ =	swait.ge [sflag:s18], $0x80  }
0x2ad: {  	[sflag:s18] =	ssyncset.done $0x0  }
0x2ae: {  	[sflag:s18] =	ssyncadd.s32 $0xFFFFFF80  }
0x2af: {  	_ =	swait.ge [sflag:s18], $0x80  }
0x2b0: {  	[sflag:s18] =	ssyncset.done $0x0  }
0x2b1: {  	[sflag:s18] =	ssyncadd.s32 $0xFFFFFF80  }
0x2b2: {  	_ =	swait.ge [sflag:s18], $0x80  }
0x2b3: {  	[sflag:s18] =	ssyncset.done $0x0  }
0x2b4: {  	[sflag:s18] =	ssyncadd.s32 $0xFFFFFF80  }
0x2b5: {  	p0 =	sne.s32 s20, $0x27E;
	_ =	swait.ge [sflag:s18], $0x80  }
.Ltmp2:
0x2b6: {  	[sflag:s18] =	ssyncset.done $0x0;
	(pc) =	sbr.rel @p0 .LBB2_6-.Ltmp2, $4  }
0x2b7: {  	[sflag:s18] =	ssyncadd.s32 $0xFFFFFF80  }
0x2b8: {  	_ =	swait.ge [sflag:s18], $0x80  }
0x2b9: {  	[sflag:s18] =	ssyncset.done $0x0  }
0x2ba: {  	s20 =	sadd.s32 $0x2, s20;
	[sflag:s18] =	ssyncadd.s32 $0xFFFFFF80  }
0x2bb: {  	[bflag:$0x0] =	sbarrier.arrive $0xFFFF  }
0x2bc: {  	s5 =	sld [smem:$0x7FB]  }
0x2bd: {  	s0 =	sld [smem:$0x7E7]  }
0x2be: {  	s21 =	sld [smem:$0x7E8];
	_ =	sdelay $0x1  }
0x2bf: {  	s19 =	simm.s32 $0x20;
	s20 =	simm.s32 $0x10  }
0x2c0: {  	[hbm:s5@s19], [sflag:s0] =	dma.strided [spmem:s21@s20], $0x2800, s1, $0x10   }
0x2c1: {  	_ =	swait.ge [sflag:s28], $0x2800  }
0x2c2: {  	s5 =	sld [smem:$0x7E9]  }
0x2c3: {  	s20 =	sld [smem:$0x7FC];
	_ =	sdelay $0x1  }
0x2c4: {  	s19 =	sadd.s32 $0x1, s5  }
0x2c5: {  	p0 =	sne.s32 s19, s20  }
.Ltmp3:
0x2c6: {  	_ = 	snop;
	(pc) =	sbr.rel @p0 .LBB2_1-.Ltmp3, $3  }
0x2c7: {  	_ =	sdelay $0x1  }
0x2c8: {  	[sflag:s28] =	ssyncset.done $0x0  }
0x2c9: {  	s21 =	simm.s32 $0x180;
	s0 =	simm.s32 $0x100;
	[sflag:s28] =	ssyncadd.s32 $0xFFFFD800  }
0x2ca: {  	_ =	sfence.sel $0x180000  }
0x2cb: {  	[bflag:$0x0] =	sbarrier.arrive $0xFFFF  }
0x2cc: {  	_ =	strace $0x9000004A  }
0x2cd: {  	s0 =	stileid.u32;
	[bflag:$0x2] =	sbarrier.arrive $0xFFFF  }
0x2ce: {  	p0 =	sne.s32 s0, $0x0;
	s0 =	rddreg [dreg:$0x2]  }
0x2cf: {  	s0 =	sadd.s32 @!p0 $0x100000, s0  }
0x2d0: {  	[sflag:s0] =	ssyncadd.tile.s32 @!p0 $0x1;
	_ =	shalt  }
.Lfunc_end2:
_tile_overlayer_lowered:
.L_overlay_start_2:
0x2d1: {  	(tag) =	ssettag $0x2  }
0x2d2: {  	s0 =	rddreg [dreg:$0x0];
	s2 =	stileid.u32  }
0x2d3: {  	s1 =	rddreg [dreg:$0x1];
	p0 =	sne.s32 s2, $0x0  }
0x2d4: {  	s3 =	rddreg [dreg:$0x2];
	[bflag:$0x3] =	sbarrier.arrive $0xFFFF;
	s2 =	simm.s32 @!p0 $0x1C03  }
0x2d5: {  	[timem:s3], [sflag:s2] =	dma.local @!p0 [hbm:s0], s1  }
0x2d6: {  	s0 =	simm.s32 @!p0 $0x3  }
0x2d7: {  	_ =	swait.ge @!p0 [sflag:s0], s1  }
0x2d8: {  	s1 =	ssub.s32 @!p0 $0x0, s1;
	[sflag:s0] =	ssyncset.done @!p0 $0x0  }
0x2d9: {  	[sflag:s0] =	ssyncadd.s32 @!p0 s1  }
0x2da: {  	[bflag:$0x3] =	sbarrier.arrive $0xFFFF  }
0x2db: {  	_ =	shalt  }

// kernel: kernel.15.cloned.1.call-start
scs
__scs_entry_jumppad:
0x0: {  	(pc) =	sbr.rel $0x88, $3  }
0x1: {  	(tag) =	ssettag $0x0;
	lr =	simm.s32 $0x1  }
0x2: {  	[smem:$0x3F97] =	sst lr;
	_ =	strace $0xD0000000  }
0x3: {  	_ = 	snop  }
0x4: {  	_ = 	snop  }
0x5: {  	_ = 	snop  }
0x6: {  	_ = 	snop  }
0x7: {  	_ = 	snop  }
__scs_overlays_trampoline_lowered:
0x8: {  	[smem:$0x3FA6] =	sst s0  }
0x9: {  	[smem:$0x3FA7] =	sst s1  }
0xa: {  	[smem:$0x3FA8] =	sst s2  }
0xb: {  	[smem:$0x3FA9] =	sst s3  }
0xc: {  	[smem:$0x3FAA] =	sst s4  }
0xd: {  	[smem:$0x3FAB] =	sst s5  }
0xe: {  	[smem:$0x3FAC] =	sst s6  }
0xf: {  	[smem:$0x3FAD] =	sst s7  }
0x10: {  	[smem:$0x3FAE] =	sst s8  }
0x11: {  	[smem:$0x3FAF] =	sst s9;
	s0 =	simm.s32 @!p0 $0x0  }
0x12: {  	s1 =	sld [smem:$0x3F95];
	s0 =	simm.s32 @p0 $0x1  }
0x13: {  	[smem:$0x3FB0] =	sst s0;
	s0 =	simm.s32 @!p1 $0x0  }
0x14: {  	s2 =	sld [smem:$0x3F94];
	s0 =	simm.s32 @p1 $0x1  }
0x15: {  	[smem:$0x3FB1] =	sst s0;
	s0 =	simm.s32 @!p2 $0x0  }
0x16: {  	s3 =	sld [smem:$0x3FDB];
	s0 =	simm.s32 @p2 $0x1  }
0x17: {  	s4 =	simm.s32 $0x1BF5;
	[smem:$0x3FB3] =	sst s0  }
0x18: {  	s0 =	sld [smem:$0x3F96];
	_ =	swait.ge [sflag:s4], $0x0  }
0x19: {  	s7 =	sld [smem:$0x3F97]  }
0x1a: {  	s8 =	sadd.s32 $0xFFFFE003, lr  }
0x1b: {  	s9 =	sadd.s32 $0xFFFFFEF7, lr;
	s5 =	simm.s32 $0xFFFFFFFF;
	p2 =	slt.u32 s8, $0xFFFFF086  }
0x1c: {  	p1 =	slt.u32 s9, $0xF7A;
	s5 =	simm.s32 @!p2 $0x0  }
0x1d: {  	s5 =	simm.s32 @p1 $0x1;
	p0 =	seq.s32 s7, s2  }
0x1e: {  	s7 =	smul.u32 @!p0 $0xF7A, s2;
	p2 =	seq.s32 @!p0 s5, $0x0  }
0x1f: {  	s9 =	smul.u32 $0xF7A, s1;
	s8 =	simm.s32 @!p0 $0x1BF5;
	p2 =	por !p2, p0  }
0x20: {  	[sflag:s8] =	ssyncset.s32 @!p0 $0xFFFFF086;
	s6 =	sadd.s32 @!p0 s3, s7;
	s7 =	simm.s32 @!p0 $0x108  }
0x21: {  	s3 =	sadd.s32 s3, s9;
	s6 =	sadd.s32 @!p0 $0x88, s6;
	s7 =	simm.s32 @p2 $0x1082  }
0x22: {  	[simem:s7], [sflag:s8] =	dma.local @!p0 [hbm:s6], $0xF7A  }
0x23: {  	s9 =	sor.u32 $0xD0000000, s2;
	s6 =	simm.s32 $0x108;
	_ =	swait.ge @!p0 [sflag:s8], $0x0  }
0x24: {  	s3 =	sadd.s32 $0x88, s3;
	s6 =	simm.s32 @!p1 $0x1082;
	[sflag:s4] =	ssyncset.s32 $0xFFFFF086  }
0x25: {  	[simem:s6], [sflag:s4] =	dma.local [hbm:s3], $0xF7A  }
0x26: {  	[smem:$0x3F97] =	sst s1;
	(tag) =	ssettag s2;
	_ =	strace s9  }
0x27: {  	s1 =	sld [smem:$0x3FA7]  }
0x28: {  	s2 =	sld [smem:$0x3FA8]  }
0x29: {  	s4 =	sld [smem:$0x3FAA]  }
0x2a: {  	p0 =	seq.s32 s5, $0x0;
	s5 =	sld [smem:$0x3FAB]  }
0x2b: {  	s6 =	sld [smem:$0x3FAC]  }
0x2c: {  	s7 =	sld [smem:$0x3FAD]  }
0x2d: {  	s3 =	simm.s32 $0x108;
	s8 =	sld [smem:$0x3FAE]  }
0x2e: {  	s3 =	simm.s32 @!p0 $0x1082;
	s9 =	sld [smem:$0x3FAF]  }
0x2f: {  	lr =	sadd.s32 s0, s3;
	s0 =	sld [smem:$0x3FA6]  }
0x30: {  	s3 =	sld [smem:$0x3FA9]  }
0x31: {  	[smem:$0x3FB2] =	sst s10  }
0x32: {  	s10 =	sld [smem:$0x3FB0];
	_ =	sdelay $0x3  }
0x33: {  	p0 =	seq.s32 s10, $0x1;
	s10 =	sld [smem:$0x3FB2];
	_ =	sdelay $0x3  }
0x34: {  	[smem:$0x3FB2] =	sst s10  }
0x35: {  	s10 =	sld [smem:$0x3FB1];
	_ =	sdelay $0x3  }
0x36: {  	p1 =	seq.s32 s10, $0x1;
	s10 =	sld [smem:$0x3FB2];
	_ =	sdelay $0x3  }
0x37: {  	[smem:$0x3FB2] =	sst s10  }
0x38: {  	s10 =	sld [smem:$0x3FB3]  }
0x39: {  	_ = 	snop;
	(pc) =	sbr.ind lr, $3  }
0x3a: {  	_ = 	snop  }
0x3b: {  	_ = 	snop  }
0x3c: {  	p2 =	seq.s32 s10, $0x1;
	s10 =	sld [smem:$0x3FB2]  }
0x3d: {  	_ =	shalt  }
0x3e: {  	_ =	shalt  }
0x3f: {  	_ =	shalt  }
0x40: {  	_ =	shalt  }
0x41: {  	_ =	shalt  }
0x42: {  	_ =	shalt  }
0x43: {  	_ =	shalt  }
0x44: {  	_ =	shalt  }
0x45: {  	_ =	shalt  }
0x46: {  	_ =	shalt  }
0x47: {  	_ =	shalt  }
0x48: {  	_ =	shalt  }
0x49: {  	_ =	shalt  }
0x4a: {  	_ =	shalt  }
0x4b: {  	_ =	shalt  }
0x4c: {  	_ =	shalt  }
0x4d: {  	_ =	shalt  }
0x4e: {  	_ =	shalt  }
0x4f: {  	_ =	shalt  }
0x50: {  	_ =	shalt  }
0x51: {  	_ =	shalt  }
0x52: {  	_ =	shalt  }
0x53: {  	_ =	shalt  }
0x54: {  	_ =	shalt  }
0x55: {  	_ =	shalt  }
0x56: {  	_ =	shalt  }
0x57: {  	_ =	shalt  }
0x58: {  	_ =	shalt  }
0x59: {  	_ =	shalt  }
0x5a: {  	_ =	shalt  }
0x5b: {  	_ =	shalt  }
0x5c: {  	_ =	shalt  }
0x5d: {  	_ =	shalt  }
0x5e: {  	_ =	shalt  }
0x5f: {  	_ =	shalt  }
0x60: {  	_ =	shalt  }
0x61: {  	_ =	shalt  }
0x62: {  	_ =	shalt  }
0x63: {  	_ =	shalt  }
0x64: {  	_ =	shalt  }
0x65: {  	_ =	shalt  }
0x66: {  	_ =	shalt  }
0x67: {  	_ =	shalt  }
0x68: {  	_ =	shalt  }
0x69: {  	_ =	shalt  }
0x6a: {  	_ =	shalt  }
0x6b: {  	_ =	shalt  }
0x6c: {  	_ =	shalt  }
0x6d: {  	_ =	shalt  }
0x6e: {  	_ =	shalt  }
0x6f: {  	_ =	shalt  }
0x70: {  	_ =	shalt  }
0x71: {  	_ =	shalt  }
0x72: {  	_ =	shalt  }
0x73: {  	_ =	shalt  }
0x74: {  	_ =	shalt  }
0x75: {  	_ =	shalt  }
0x76: {  	_ =	shalt  }
0x77: {  	_ =	shalt  }
0x78: {  	_ =	shalt  }
0x79: {  	_ =	shalt  }
0x7a: {  	_ =	shalt  }
0x7b: {  	_ =	shalt  }
0x7c: {  	_ =	shalt  }
0x7d: {  	_ =	shalt  }
0x7e: {  	_ =	shalt  }
0x7f: {  	_ =	shalt  }
0x80: {  	_ =	shalt  }
0x81: {  	_ =	shalt  }
0x82: {  	_ =	shalt  }
0x83: {  	_ =	shalt  }
0x84: {  	_ =	shalt  }
0x85: {  	_ =	shalt  }
0x86: {  	_ =	shalt  }
0x87: {  	_ =	shalt  }
.Lfunc_end0:
.L_simem_size_0:
called_computation.2_lowered:
.L_overlay_start_0:
0x88: {  	s2 =	sld [smem:$0x3FD9]  }
0x89: {  	s3 =	sld [smem:$0x3FFE];
	_ =	sdelay $0x1  }
0x8a: {  	s1 =	srdreg.scid  }
0x8b: {  	s0 =	sand.u32 $0x1, s1  }
0x8c: {  	s17 =	sshll.u32 s0, $0xA;
	s2 =	sadd.s32 s3, s2  }
0x8d: {  	s2 =	sadd.s32 s2, s17  }
0x8e: {  	[smem:$0x3FBE] =	sst s2  }
0x8f: {  	_ = 	snop  }
0x90: {  	s2 =	sld [smem:$0x3FD0];
	(tm) =	ssettm $0x1  }
0x91: {  	s18 =	sld [smem:$0x3FFB];
	_ =	sdelay $0x3  }
0x92: {  	_ =	strace s18  }
0x93: {  	s3 =	sld [smem:$0x3FFC];
	_ =	sdelay $0x3  }
0x94: {  	_ =	strace s3  }
0x95: {  	s3 =	sld [smem:$0x3FFD];
	_ =	sdelay $0x3  }
0x96: {  	_ =	strace s3  }
0x97: {  	_ =	strace $0x8FFFFFFF  }
0x98: {  	s19 =	sld [smem:$0x3FDB];
	_ =	sdelay $0x1  }
0x99: {  	s4 =	simm.s32 $_scs_section_size  }
0x9a: {  	s5 =	simm.s32 $_size__tile_overlayer_lowered;
	s6 =	simm.s32 $_tile_overlayer_lowered  }
0x9b: {  	s22 =	simm.s32 $0x1BFF;
	s21 =	sshll.u32 s6, $0x1;
	s3 =	sadd.s32 s4, s19  }
0x9c: {  	s7 =	simm.s32 $0x0;
	s20 =	sshll.u32 s5, $0x1;
	s5 =	sadd.s32 s21, s3  }
0x9d: {  	[timem:s7], [sflag:s22] =	dma.local [hbm:s5], s20  }
0x9e: {  	_ =	swait.ge [sflag:s22], s20  }
0x9f: {  	s4 =	ssub.s32 $0x0, s20;
	[sflag:s22] =	ssyncset.done $0x0  }
0xa0: {  	[sflag:s22] =	ssyncadd.s32 s4;
	_ =	sdelay $0x1  }
0xa1: {  	s23 =	simm.s32 $0x1B8B  }
0xa2: {  	_ =	swait.ge [sflag:s23], $0x1  }
0xa3: {  	[sflag:s23] =	ssyncset.done $0x0  }
0xa4: {  	s25 =	simm.s32 $0x1B8E;
	s24 =	sld [smem:$0x3FFE];
	[sflag:s23] =	ssyncadd.s32 $0xFFFFFFFF  }
0xa5: {  	s26 =	simm.s32 $execute0_lowered;
	[smem:$0x3FD2] =	sst s25  }
0xa6: {  	s5 =	sshll.u32 s26, $0x1;
	_ =	strace $0x8000004C;
	[dreg:$0x1] =	wrdreg $0xFFFFFFFF  }
0xa7: {  	s28 =	simm.s32 $_size_execute0_lowered;
	s3 =	sadd.s32 s3, s5;
	[dreg:$0x0] =	wrdreg $0x0  }
0xa8: {  	s5 =	sshll.u32 s28, $0x1;
	[dreg:$0x2] =	wrdreg s3  }
0xa9: {  	[dreg:$0x3] =	wrdreg s5  }
0xaa: {  	[dreg:$0x4] =	wrdreg $0xC0  }
0xab: {  	_ =	task [dreg:s7], $0x5FFFF  }
0xac: {  	[dreg:$0x1] =	wrdreg $0xFFFFFFFF  }
0xad: {  	[dreg:$0x0] =	wrdreg $0x60  }
0xae: {  	[dreg:$0x2] =	wrdreg s24  }
0xaf: {  	[dreg:$0x3] =	wrdreg s2  }
0xb0: {  	[dreg:$0x4] =	wrdreg $0x4000  }
0xb1: {  	[dreg:$0x5] =	wrdreg $0x9  }
0xb2: {  	_ =	task.clear_ibuf [dreg:s7], $0x6FFFF;
	_ =	strace $0x9000004C  }
0xb3: {  	s29 =	simm.s32 $0x9;
	_ =	strace $0x8000004E  }
0xb4: {  	_ =	swait.ge [sflag:s29], $0x1  }
0xb5: {  	[sflag:s29] =	ssyncadd.s32 $0xFFFFFFFF  }
0xb6: {  	_ =	strace $0x9000004E  }
0xb7: {  	_ =	sfence  }
0xb8: {  	s30 =	sld [smem:$0x0];
	_ =	sdelay $0x2  }
0xb9: {  	s31 =	sshll.u32 s1, $0xD;
	s1 =	sshrl.u32 s1, $0x2  }
0xba: {  	s3 =	sand.u32 $0x4000, s31;
	s1 =	sadd.s32 s1, s30  }
0xbb: {  	s0 =	sor.u32 s3, s0;
	s1 =	sshll.u32 s1, $0x11  }
0xbc: {  	s0 =	sor.u32 s1, s0  }
0xbd: {  	s0 =	sadd.s32 $0x8F2B, s0  }
0xbe: {  	[sflag:s0] =	ssyncadd.remote.s32 $0x1  }
0xbf: {  	_ =	sfence.sel $0xFFFF  }
0xc0: {  	[dreg:$0x0] =	wrdreg $0xFFFFFFFF;
	(pc) =	sbr.abs _section_cstart, $3  }
0xc1: {  	[dreg:$0x1] =	wrdreg $0xFFFFFFFF  }
0xc2: {  	_ =	task.clear_ibuf [dreg:s7], $0x2FFFF;
	_ =	strace $0x9FFFFFFF  }
0xc3: {  	(tm) =	ssettm $0x7FFFFFFF  }
tec
execute0_lowered:
.L_overlay_start_1:
0x0: {  	(tag) =	ssettag $0x1  }
0x1: {  	s5 =	rddreg [dreg:$0x0]  }
0x2: {  	s2 =	rddreg [dreg:$0x1];
	s0 =	srdreg.scid  }
0x3: {  	s3 =	rddreg [dreg:$0x2];
	s1 =	stileid.u32;
	s4 =	simm.s32 $0x0  }
0x4: {  	s11 =	simm.s32 $0x2;
	s12 =	simm.s32 $0x80;
	s13 =	simm.s32 $0x40  }
0x5: {  	s14 =	simm.s32 $0x100;
	s15 =	simm.s32 $0x1;
	s18 =	simm.s32 $0x20  }
0x6: {  	s19 =	simm.s32 $0x10;
	s20 =	simm.s32 $0x0;
	s8 =	smul.u32 $0x1400, s1  }
0x7: {  	s6 =	sand.u32 $0x1, s0;
	s0 =	rddreg [dreg:$0x3];
	s9 =	smul.u32 $0x500, s1  }
0x8: {  	[smem:$0x7FF] =	sst s4;
	s26 =	smul.u32 $0xA00, s1;
	s16 =	sshll.u32 s1, $0x6  }
0x9: {  	s7 =	smul.u32 $0x14000, s6;
	s25 =	sshll.u32 s6, $0x7;
	s6 =	ssub.s32 $0x2, s6  }
0xa: {  	_ =	strace $0x8000004D;
	s16 =	sor.u32 $0x1C02, s16;
	s29 =	sshrl.u32 s6, $0x1  }
0xb: {  	s30 =	sshrl.u32 s26, $0x2;
	s7 =	sadd.s32 s8, s7;
	s8 =	sor.u32 s25, s9  }
0xc: {  	s31 =	ssub.s32 s6, s29;
	s7 =	sshrl.u32 s7, $0x3;
	s28 =	sshrl.u32 s8, $0x3  }
0xd: {  	s10 =	sadd.s32 s7, s5;
	s7 =	sadd.s32 s28, s5;
	s5 =	sadd.s32 s30, s3  }
0xe: {  	s6 =	sadd.s32 $0x6200, s7;
	s7 =	smax.u32 s31, $0x1;
	s8 =	sadd.s32 $0x1200, s10  }
0xf: {  	v0 =	vimm.f32 $0.0e+00;
	s9 =	sadd.s32 $0x6C00, s10;
	s10 =	simm.s32 $0x180;
	s17 =	sshrl.u32 s5, $0x3  }
.LBB2_1:
0x10: {  	[tilespmem:$0x180] =	vst v0  }
0x11: {  	[tilespmem:$0x190] =	vst v0  }
0x12: {  	[tilespmem:$0x1A0] =	vst v0  }
0x13: {  	[tilespmem:$0x1B0] =	vst v0  }
0x14: {  	[tilespmem:$0x1C0] =	vst v0  }
0x15: {  	[tilespmem:$0x1D0] =	vst v0  }
0x16: {  	[tilespmem:$0x1E0] =	vst v0  }
0x17: {  	[tilespmem:$0x1F0] =	vst v0  }
0x18: {  	[tilespmem:$0x200] =	vst v0  }
0x19: {  	[tilespmem:$0x210] =	vst v0  }
0x1a: {  	[tilespmem:$0x220] =	vst v0  }
0x1b: {  	[tilespmem:$0x230] =	vst v0  }
0x1c: {  	[tilespmem:$0x240] =	vst v0  }
0x1d: {  	[tilespmem:$0x250] =	vst v0  }
0x1e: {  	[tilespmem:$0x260] =	vst v0  }
0x1f: {  	[tilespmem:$0x270] =	vst v0  }
0x20: {  	[tilespmem:$0x280] =	vst v0  }
0x21: {  	[tilespmem:$0x290] =	vst v0  }
0x22: {  	[tilespmem:$0x2A0] =	vst v0  }
0x23: {  	[tilespmem:$0x2B0] =	vst v0  }
0x24: {  	[tilespmem:$0x2C0] =	vst v0  }
0x25: {  	[tilespmem:$0x2D0] =	vst v0  }
0x26: {  	[tilespmem:$0x2E0] =	vst v0  }
0x27: {  	[tilespmem:$0x2F0] =	vst v0  }
0x28: {  	[tilespmem:$0x300] =	vst v0  }
0x29: {  	[tilespmem:$0x310] =	vst v0  }
0x2a: {  	[tilespmem:$0x320] =	vst v0  }
0x2b: {  	[tilespmem:$0x330] =	vst v0  }
0x2c: {  	[tilespmem:$0x340] =	vst v0  }
0x2d: {  	[tilespmem:$0x350] =	vst v0  }
0x2e: {  	[tilespmem:$0x360] =	vst v0  }
0x2f: {  	[tilespmem:$0x370] =	vst v0  }
0x30: {  	[tilespmem:$0x380] =	vst v0  }
0x31: {  	[tilespmem:$0x390] =	vst v0  }
0x32: {  	[tilespmem:$0x3A0] =	vst v0  }
0x33: {  	[tilespmem:$0x3B0] =	vst v0  }
0x34: {  	[tilespmem:$0x3C0] =	vst v0  }
0x35: {  	[tilespmem:$0x3D0] =	vst v0  }
0x36: {  	[tilespmem:$0x3E0] =	vst v0  }
0x37: {  	[tilespmem:$0x3F0] =	vst v0  }
0x38: {  	[spmem:s5] =	stream.linear.scatter [tilespmem:s10], [sflag:$0x2], $0x280, $0x38;
	[tilespmem:$0x680] =	vst v63  }
0x39: {  	_ =	swait.ge [sflag:s11], $0x280  }
0x3a: {  	[sflag:s11] =	ssyncset.done $0x0  }
0x3b: {  	[sflag:s11] =	ssyncadd.s32 $0xFFFFFD80  }
0x3c: {  	s21 =	sadd.s32 $0x0, s9;
	[bflag:$0x0] =	sbarrier.arrive $0xFFFF  }
0x3d: {  	[tilespmem:s4], [sflag:$0x2] =	stream.linear.gather [hbm4b:s21+s4], $0x40, $0x38;
	[tilespmem:$0x680] =	vst v63  }
0x3e: {  	_ =	swait.ge [sflag:s11], $0x40  }
0x3f: {  	[sflag:s11] =	ssyncset.done $0x0  }
0x40: {  	s31 =	sadd.s32 $0x0, s8;
	[sflag:s11] =	ssyncadd.s32 $0xFFFFFFC0  }
0x41: {  	[tilespmem:s12], [sflag:$0x2] =	stream.linear.gather [hbm4b:s31+s4], $0x40, $0x38;
	[tilespmem:$0x680] =	vst v63  }
0x42: {  	_ =	swait.ge [sflag:s11], $0x40  }
0x43: {  	[sflag:s11] =	ssyncset.done $0x0  }
0x44: {  	[sflag:s11] =	ssyncadd.s32 $0xFFFFFFC0  }
0x45: {  	[tilespmem:s14], [sflag:$0x1] =	stream.indirect.gather [hbm4b:s2+s13], $0x1, s4, s13, $0xb8;
	[tilespmem:$0x680] =	vst v63  }
0x46: {  	_ =	swait.ge [sflag:s15], $0x40  }
0x47: {  	[sflag:s15] =	ssyncset.done $0x0  }
0x48: {  	[sflag:s15] =	ssyncadd.s32 $0xFFFFFFC0  }
0x49: {  	[spmem:s3] =	stream.indirect.scatter.add.f32 [tilespmem:s14], [sflag:$0x2], $0x1, s12, s13, $0xb8;
	[tilespmem:$0x680] =	vst v63  }
0x4a: {  	_ =	swait.ge [sflag:s11], $0x40  }
0x4b: {  	s22 =	simm.s32 $0x10;
	s21 =	simm.s32 $0x8;
	[sflag:s11] =	ssyncset.done $0x0  }
.LBB2_2:
0x4c: {  	s23 =	sadd.s32 s21, s9  }
0x4d: {  	[sflag:s11] =	ssyncadd.s32 $0xFFFFFFC0;
	s24 =	smov.u32 s22;
	s25 =	sadd.s32 $0x8, s22  }
0x4e: {  	[tilespmem:s4], [sflag:$0x2] =	stream.linear.gather [hbm4b:s23+s4], $0x40, $0x38;
	[tilespmem:$0x680] =	vst v63  }
0x4f: {  	p0 =	sne.s32 s22, $0x278;
	_ =	swait.ge [sflag:s11], $0x40  }
0x50: {  	[sflag:s11] =	ssyncset.done $0x0  }
0x51: {  	s22 =	sadd.s32 s21, s8;
	s21 =	smov.u32 s24;
	[sflag:s11] =	ssyncadd.s32 $0xFFFFFFC0  }
0x52: {  	[tilespmem:s12], [sflag:$0x2] =	stream.linear.gather [hbm4b:s22+s4], $0x40, $0x38;
	[tilespmem:$0x680] =	vst v63  }
0x53: {  	_ =	swait.ge [sflag:s11], $0x40  }
0x54: {  	[sflag:s11] =	ssyncset.done $0x0  }
0x55: {  	[sflag:s11] =	ssyncadd.s32 $0xFFFFFFC0  }
0x56: {  	[tilespmem:s14], [sflag:$0x1] =	stream.indirect.gather [hbm4b:s2+s13], $0x1, s4, s13, $0xb8;
	[tilespmem:$0x680] =	vst v63  }
0x57: {  	_ =	swait.ge [sflag:s15], $0x40  }
.Ltmp0:
0x58: {  	[sflag:s15] =	ssyncset.done $0x0;
	(pc) =	sbr.rel @p0 .LBB2_2-.Ltmp0, $4  }
0x59: {  	[sflag:s15] =	ssyncadd.s32 $0xFFFFFFC0  }
0x5a: {  	[spmem:s3] =	stream.indirect.scatter.add.f32 [tilespmem:s14], [sflag:$0x2], $0x1, s12, s13, $0xb8;
	[tilespmem:$0x680] =	vst v63  }
0x5b: {  	_ =	swait.ge [sflag:s11], $0x40  }
0x5c: {  	s22 =	smov.u32 s25;
	[sflag:s11] =	ssyncset.done $0x0  }
0x5d: {  	s22 =	sadd.s32 s21, s9;
	[sflag:s11] =	ssyncadd.s32 $0xFFFFFFC0  }
0x5e: {  	[tilespmem:s4], [sflag:$0x2] =	stream.linear.gather [hbm4b:s22+s4], $0x40, $0x38;
	[tilespmem:$0x680] =	vst v63  }
0x5f: {  	_ =	swait.ge [sflag:s11], $0x40  }
0x60: {  	[sflag:s11] =	ssyncset.done $0x0  }
0x61: {  	s31 =	sadd.s32 s21, s8;
	[sflag:s11] =	ssyncadd.s32 $0xFFFFFFC0  }
0x62: {  	[tilespmem:s12], [sflag:$0x2] =	stream.linear.gather [hbm4b:s31+s4], $0x40, $0x38;
	[tilespmem:$0x680] =	vst v63  }
0x63: {  	_ =	swait.ge [sflag:s11], $0x40  }
0x64: {  	[sflag:s11] =	ssyncset.done $0x0  }
0x65: {  	[sflag:s11] =	ssyncadd.s32 $0xFFFFFFC0  }
0x66: {  	[tilespmem:s14], [sflag:$0x1] =	stream.indirect.gather [hbm4b:s2+s13], $0x1, s4, s13, $0xb8;
	[tilespmem:$0x680] =	vst v63  }
0x67: {  	_ =	swait.ge [sflag:s15], $0x40  }
0x68: {  	[sflag:s15] =	ssyncset.done $0x0  }
0x69: {  	[sflag:s15] =	ssyncadd.s32 $0xFFFFFFC0  }
0x6a: {  	[spmem:s3] =	stream.indirect.scatter.add.f32 [tilespmem:s14], [sflag:$0x2], $0x1, s12, s13, $0xb8;
	[tilespmem:$0x680] =	vst v63  }
0x6b: {  	_ =	swait.ge [sflag:s11], $0x40  }
0x6c: {  	s20 =	sadd.s32 $0x1, s20;
	[sflag:s11] =	ssyncset.done $0x0  }
0x6d: {  	p0 =	sne.s32 s20, s7;
	[sflag:s11] =	ssyncadd.s32 $0xFFFFFFC0  }
.Ltmp1:
0x6e: {  	[bflag:$0x0] =	sbarrier.arrive $0xFFFF;
	(pc) =	sbr.rel @p0 .LBB2_1-.Ltmp1, $4  }
0x6f: {  	[hbm:s6@s18], [sflag:s16] =	dma.strided [spmem:s17@s19], $0x50, s15, $0x10   }
0x70: {  	_ =	swait.ge [sflag:s11], $0x50  }
0x71: {  	[sflag:s11] =	ssyncset.done $0x0  }
0x72: {  	[sflag:s11] =	ssyncadd.s32 $0xFFFFFFB0  }
0x73: {  	_ =	sfence.sel $0x180000  }
0x74: {  	[bflag:$0x0] =	sbarrier.arrive $0xFFFF  }
0x75: {  	p0 =	sne.s32 s1, $0x0;
	_ =	strace $0x9000004D  }
0x76: {  	s0 =	sadd.s32 @!p0 $0x100000, s0;
	[bflag:$0x2] =	sbarrier.arrive $0xFFFF  }
0x77: {  	[sflag:s0] =	ssyncadd.tile.s32 @!p0 $0x1;
	_ =	shalt  }
.Lfunc_end2:
_tile_overlayer_lowered:
.L_overlay_start_2:
0x78: {  	(tag) =	ssettag $0x2  }
0x79: {  	s0 =	rddreg [dreg:$0x0];
	s2 =	stileid.u32  }
0x7a: {  	s1 =	rddreg [dreg:$0x1];
	p0 =	sne.s32 s2, $0x0  }
0x7b: {  	s3 =	rddreg [dreg:$0x2];
	[bflag:$0x3] =	sbarrier.arrive $0xFFFF;
	s2 =	simm.s32 @!p0 $0x1C02  }
0x7c: {  	[timem:s3], [sflag:s2] =	dma.local @!p0 [hbm:s0], s1  }
0x7d: {  	s0 =	simm.s32 @!p0 $0x2  }
0x7e: {  	_ =	swait.ge @!p0 [sflag:s0], s1  }
0x7f: {  	s1 =	ssub.s32 @!p0 $0x0, s1;
	[sflag:s0] =	ssyncset.done @!p0 $0x0  }
0x80: {  	[sflag:s0] =	ssyncadd.s32 @!p0 s1  }
0x81: {  	[bflag:$0x3] =	sbarrier.arrive $0xFFFF  }
0x82: {  	_ =	shalt  }

// kernel: kernel.9.cloned.1.call-start
scs
__scs_entry_jumppad:
0x0: {  	(pc) =	sbr.rel $0x88, $3  }
0x1: {  	(tag) =	ssettag $0x0;
	lr =	simm.s32 $0x1  }
0x2: {  	[smem:$0x3F97] =	sst lr;
	_ =	strace $0xD0000000  }
0x3: {  	_ = 	snop  }
0x4: {  	_ = 	snop  }
0x5: {  	_ = 	snop  }
0x6: {  	_ = 	snop  }
0x7: {  	_ = 	snop  }
__scs_overlays_trampoline_lowered:
0x8: {  	[smem:$0x3FA6] =	sst s0  }
0x9: {  	[smem:$0x3FA7] =	sst s1  }
0xa: {  	[smem:$0x3FA8] =	sst s2  }
0xb: {  	[smem:$0x3FA9] =	sst s3  }
0xc: {  	[smem:$0x3FAA] =	sst s4  }
0xd: {  	[smem:$0x3FAB] =	sst s5  }
0xe: {  	[smem:$0x3FAC] =	sst s6  }
0xf: {  	[smem:$0x3FAD] =	sst s7  }
0x10: {  	[smem:$0x3FAE] =	sst s8  }
0x11: {  	[smem:$0x3FAF] =	sst s9;
	s0 =	simm.s32 @!p0 $0x0  }
0x12: {  	s1 =	sld [smem:$0x3F95];
	s0 =	simm.s32 @p0 $0x1  }
0x13: {  	[smem:$0x3FB0] =	sst s0;
	s0 =	simm.s32 @!p1 $0x0  }
0x14: {  	s2 =	sld [smem:$0x3F94];
	s0 =	simm.s32 @p1 $0x1  }
0x15: {  	[smem:$0x3FB1] =	sst s0;
	s0 =	simm.s32 @!p2 $0x0  }
0x16: {  	s3 =	sld [smem:$0x3FDB];
	s0 =	simm.s32 @p2 $0x1  }
0x17: {  	s4 =	simm.s32 $0x1BF5;
	[smem:$0x3FB3] =	sst s0  }
0x18: {  	s0 =	sld [smem:$0x3F96];
	_ =	swait.ge [sflag:s4], $0x0  }
0x19: {  	s7 =	sld [smem:$0x3F97]  }
0x1a: {  	s8 =	sadd.s32 $0xFFFFE003, lr  }
0x1b: {  	s9 =	sadd.s32 $0xFFFFFEF7, lr;
	s5 =	simm.s32 $0xFFFFFFFF;
	p2 =	slt.u32 s8, $0xFFFFF086  }
0x1c: {  	p1 =	slt.u32 s9, $0xF7A;
	s5 =	simm.s32 @!p2 $0x0  }
0x1d: {  	s5 =	simm.s32 @p1 $0x1;
	p0 =	seq.s32 s7, s2  }
0x1e: {  	s7 =	smul.u32 @!p0 $0xF7A, s2;
	p2 =	seq.s32 @!p0 s5, $0x0  }
0x1f: {  	s9 =	smul.u32 $0xF7A, s1;
	s8 =	simm.s32 @!p0 $0x1BF5;
	p2 =	por !p2, p0  }
0x20: {  	[sflag:s8] =	ssyncset.s32 @!p0 $0xFFFFF086;
	s6 =	sadd.s32 @!p0 s3, s7;
	s7 =	simm.s32 @!p0 $0x108  }
0x21: {  	s3 =	sadd.s32 s3, s9;
	s6 =	sadd.s32 @!p0 $0x88, s6;
	s7 =	simm.s32 @p2 $0x1082  }
0x22: {  	[simem:s7], [sflag:s8] =	dma.local @!p0 [hbm:s6], $0xF7A  }
0x23: {  	s9 =	sor.u32 $0xD0000000, s2;
	s6 =	simm.s32 $0x108;
	_ =	swait.ge @!p0 [sflag:s8], $0x0  }
0x24: {  	s3 =	sadd.s32 $0x88, s3;
	s6 =	simm.s32 @!p1 $0x1082;
	[sflag:s4] =	ssyncset.s32 $0xFFFFF086  }
0x25: {  	[simem:s6], [sflag:s4] =	dma.local [hbm:s3], $0xF7A  }
0x26: {  	[smem:$0x3F97] =	sst s1;
	(tag) =	ssettag s2;
	_ =	strace s9  }
0x27: {  	s1 =	sld [smem:$0x3FA7]  }
0x28: {  	s2 =	sld [smem:$0x3FA8]  }
0x29: {  	s4 =	sld [smem:$0x3FAA]  }
0x2a: {  	p0 =	seq.s32 s5, $0x0;
	s5 =	sld [smem:$0x3FAB]  }
0x2b: {  	s6 =	sld [smem:$0x3FAC]  }
0x2c: {  	s7 =	sld [smem:$0x3FAD]  }
0x2d: {  	s3 =	simm.s32 $0x108;
	s8 =	sld [smem:$0x3FAE]  }
0x2e: {  	s3 =	simm.s32 @!p0 $0x1082;
	s9 =	sld [smem:$0x3FAF]  }
0x2f: {  	lr =	sadd.s32 s0, s3;
	s0 =	sld [smem:$0x3FA6]  }
0x30: {  	s3 =	sld [smem:$0x3FA9]  }
0x31: {  	[smem:$0x3FB2] =	sst s10  }
0x32: {  	s10 =	sld [smem:$0x3FB0];
	_ =	sdelay $0x3  }
0x33: {  	p0 =	seq.s32 s10, $0x1;
	s10 =	sld [smem:$0x3FB2];
	_ =	sdelay $0x3  }
0x34: {  	[smem:$0x3FB2] =	sst s10  }
0x35: {  	s10 =	sld [smem:$0x3FB1];
	_ =	sdelay $0x3  }
0x36: {  	p1 =	seq.s32 s10, $0x1;
	s10 =	sld [smem:$0x3FB2];
	_ =	sdelay $0x3  }
0x37: {  	[smem:$0x3FB2] =	sst s10  }
0x38: {  	s10 =	sld [smem:$0x3FB3]  }
0x39: {  	_ = 	snop;
	(pc) =	sbr.ind lr, $3  }
0x3a: {  	_ = 	snop  }
0x3b: {  	_ = 	snop  }
0x3c: {  	p2 =	seq.s32 s10, $0x1;
	s10 =	sld [smem:$0x3FB2]  }
0x3d: {  	_ =	shalt  }
0x3e: {  	_ =	shalt  }
0x3f: {  	_ =	shalt  }
0x40: {  	_ =	shalt  }
0x41: {  	_ =	shalt  }
0x42: {  	_ =	shalt  }
0x43: {  	_ =	shalt  }
0x44: {  	_ =	shalt  }
0x45: {  	_ =	shalt  }
0x46: {  	_ =	shalt  }
0x47: {  	_ =	shalt  }
0x48: {  	_ =	shalt  }
0x49: {  	_ =	shalt  }
0x4a: {  	_ =	shalt  }
0x4b: {  	_ =	shalt  }
0x4c: {  	_ =	shalt  }
0x4d: {  	_ =	shalt  }
0x4e: {  	_ =	shalt  }
0x4f: {  	_ =	shalt  }
0x50: {  	_ =	shalt  }
0x51: {  	_ =	shalt  }
0x52: {  	_ =	shalt  }
0x53: {  	_ =	shalt  }
0x54: {  	_ =	shalt  }
0x55: {  	_ =	shalt  }
0x56: {  	_ =	shalt  }
0x57: {  	_ =	shalt  }
0x58: {  	_ =	shalt  }
0x59: {  	_ =	shalt  }
0x5a: {  	_ =	shalt  }
0x5b: {  	_ =	shalt  }
0x5c: {  	_ =	shalt  }
0x5d: {  	_ =	shalt  }
0x5e: {  	_ =	shalt  }
0x5f: {  	_ =	shalt  }
0x60: {  	_ =	shalt  }
0x61: {  	_ =	shalt  }
0x62: {  	_ =	shalt  }
0x63: {  	_ =	shalt  }
0x64: {  	_ =	shalt  }
0x65: {  	_ =	shalt  }
0x66: {  	_ =	shalt  }
0x67: {  	_ =	shalt  }
0x68: {  	_ =	shalt  }
0x69: {  	_ =	shalt  }
0x6a: {  	_ =	shalt  }
0x6b: {  	_ =	shalt  }
0x6c: {  	_ =	shalt  }
0x6d: {  	_ =	shalt  }
0x6e: {  	_ =	shalt  }
0x6f: {  	_ =	shalt  }
0x70: {  	_ =	shalt  }
0x71: {  	_ =	shalt  }
0x72: {  	_ =	shalt  }
0x73: {  	_ =	shalt  }
0x74: {  	_ =	shalt  }
0x75: {  	_ =	shalt  }
0x76: {  	_ =	shalt  }
0x77: {  	_ =	shalt  }
0x78: {  	_ =	shalt  }
0x79: {  	_ =	shalt  }
0x7a: {  	_ =	shalt  }
0x7b: {  	_ =	shalt  }
0x7c: {  	_ =	shalt  }
0x7d: {  	_ =	shalt  }
0x7e: {  	_ =	shalt  }
0x7f: {  	_ =	shalt  }
0x80: {  	_ =	shalt  }
0x81: {  	_ =	shalt  }
0x82: {  	_ =	shalt  }
0x83: {  	_ =	shalt  }
0x84: {  	_ =	shalt  }
0x85: {  	_ =	shalt  }
0x86: {  	_ =	shalt  }
0x87: {  	_ =	shalt  }
.Lfunc_end0:
.L_simem_size_0:
called_computation_lowered:
.L_overlay_start_0:
0x88: {  	s2 =	sld [smem:$0x3FD9]  }
0x89: {  	s3 =	sld [smem:$0x3FFE];
	_ =	sdelay $0x1  }
0x8a: {  	s1 =	srdreg.scid  }
0x8b: {  	s0 =	sand.u32 $0x1, s1  }
0x8c: {  	s16 =	sshll.u32 s0, $0xA;
	s2 =	sadd.s32 s3, s2  }
0x8d: {  	s2 =	sadd.s32 s2, s16  }
0x8e: {  	[smem:$0x3FBE] =	sst s2  }
0x8f: {  	_ = 	snop  }
0x90: {  	(tm) =	ssettm $0x1  }
0x91: {  	s17 =	sld [smem:$0x3FFB];
	_ =	sdelay $0x3  }
0x92: {  	_ =	strace s17  }
0x93: {  	s2 =	sld [smem:$0x3FFC];
	_ =	sdelay $0x3  }
0x94: {  	_ =	strace s2  }
0x95: {  	s2 =	sld [smem:$0x3FFD];
	_ =	sdelay $0x3  }
0x96: {  	_ =	strace s2  }
0x97: {  	_ =	strace $0x8FFFFFFF  }
0x98: {  	s18 =	sld [smem:$0x3FDB];
	_ =	sdelay $0x1  }
0x99: {  	s19 =	simm.s32 $_scs_section_size  }
0x9a: {  	s4 =	simm.s32 $_size__tile_overlayer_lowered;
	s5 =	simm.s32 $_tile_overlayer_lowered  }
0x9b: {  	s22 =	simm.s32 $0x1BFF;
	s21 =	sshll.u32 s5, $0x1;
	s2 =	sadd.s32 s19, s18  }
0x9c: {  	s6 =	simm.s32 $0x0;
	s20 =	sshll.u32 s4, $0x1;
	s4 =	sadd.s32 s21, s2  }
0x9d: {  	[timem:s6], [sflag:s22] =	dma.local [hbm:s4], s20  }
0x9e: {  	_ =	swait.ge [sflag:s22], s20  }
0x9f: {  	s3 =	ssub.s32 $0x0, s20;
	[sflag:s22] =	ssyncset.done $0x0  }
0xa0: {  	[sflag:s22] =	ssyncadd.s32 s3;
	_ =	sdelay $0x1  }
0xa1: {  	s23 =	simm.s32 $0x1B8B  }
0xa2: {  	_ =	swait.ge [sflag:s23], $0x1  }
0xa3: {  	[sflag:s23] =	ssyncset.done $0x0  }
0xa4: {  	s25 =	simm.s32 $0x1B8E;
	s24 =	sld [smem:$0x3FFE];
	[sflag:s23] =	ssyncadd.s32 $0xFFFFFFFF  }
0xa5: {  	s26 =	simm.s32 $execute0_lowered;
	[smem:$0x3FD2] =	sst s25  }
0xa6: {  	s4 =	sshll.u32 s26, $0x1;
	_ =	strace $0x80000046;
	[dreg:$0x1] =	wrdreg $0xFFFFFFFF  }
0xa7: {  	s28 =	simm.s32 $_size_execute0_lowered;
	s2 =	sadd.s32 s2, s4;
	[dreg:$0x0] =	wrdreg $0x0  }
0xa8: {  	s4 =	sshll.u32 s28, $0x1;
	[dreg:$0x2] =	wrdreg s2  }
0xa9: {  	[dreg:$0x3] =	wrdreg s4  }
0xaa: {  	[dreg:$0x4] =	wrdreg $0xC0  }
0xab: {  	_ =	task [dreg:s6], $0x5FFFF  }
0xac: {  	[dreg:$0x1] =	wrdreg $0xFFFFFFFF  }
0xad: {  	[dreg:$0x0] =	wrdreg $0x60  }
0xae: {  	[dreg:$0x2] =	wrdreg s24  }
0xaf: {  	[dreg:$0x3] =	wrdreg $0x3800  }
0xb0: {  	[dreg:$0x4] =	wrdreg $0x9  }
0xb1: {  	_ =	task.clear_ibuf [dreg:s6], $0x5FFFF;
	_ =	strace $0x90000046  }
0xb2: {  	s29 =	simm.s32 $0x9;
	_ =	strace $0x80000048  }
0xb3: {  	_ =	swait.ge [sflag:s29], $0x1  }
0xb4: {  	[sflag:s29] =	ssyncadd.s32 $0xFFFFFFFF  }
0xb5: {  	_ =	strace $0x90000048  }
0xb6: {  	_ =	sfence  }
0xb7: {  	s30 =	sld [smem:$0x0];
	_ =	sdelay $0x2  }
0xb8: {  	s31 =	sshll.u32 s1, $0xD;
	s1 =	sshrl.u32 s1, $0x2  }
0xb9: {  	s3 =	sand.u32 $0x4000, s31;
	s1 =	sadd.s32 s1, s30  }
0xba: {  	s0 =	sor.u32 s3, s0;
	s1 =	sshll.u32 s1, $0x11  }
0xbb: {  	s0 =	sor.u32 s1, s0  }
0xbc: {  	s0 =	sadd.s32 $0x8F2B, s0  }
0xbd: {  	[sflag:s0] =	ssyncadd.remote.s32 $0x1  }
0xbe: {  	_ =	sfence.sel $0xFFFF  }
0xbf: {  	[dreg:$0x0] =	wrdreg $0xFFFFFFFF;
	(pc) =	sbr.abs _section_cstart, $3  }
0xc0: {  	[dreg:$0x1] =	wrdreg $0xFFFFFFFF  }
0xc1: {  	_ =	task.clear_ibuf [dreg:s6], $0x2FFFF;
	_ =	strace $0x9FFFFFFF  }
0xc2: {  	(tm) =	ssettm $0x7FFFFFFF  }
0xc3: {  	_ =	shalt  }
tec
execute0_lowered:
.L_overlay_start_1:
0x0: {  	(tag) =	ssettag $0x1  }
0x1: {  	s4 =	rddreg [dreg:$0x0];
	s0 =	srdreg.scid  }
0x2: {  	s2 =	rddreg [dreg:$0x1];
	s1 =	stileid.u32;
	s3 =	simm.s32 $0x0  }
0x3: {  	s10 =	simm.s32 $0x40;
	s11 =	simm.s32 $0x80;
	s14 =	simm.s32 $0x20  }
0x4: {  	s15 =	simm.s32 $0x10;
	s16 =	simm.s32 $0x0;
	s7 =	smul.u32 $0x1400, s1  }
0x5: {  	s5 =	sand.u32 $0x1, s0;
	s0 =	rddreg [dreg:$0x2];
	s8 =	smul.u32 $0x500, s1  }
0x6: {  	[smem:$0x7FF] =	sst s3;
	s26 =	smul.u32 $0xA00, s1;
	s12 =	sshll.u32 s1, $0x6  }
0x7: {  	s6 =	smul.u32 $0x14000, s5;
	s25 =	sshll.u32 s5, $0x7;
	s5 =	ssub.s32 $0x2, s5  }
0x8: {  	_ =	strace $0x80000047;
	s12 =	sor.u32 $0x1C01, s12;
	s29 =	sshrl.u32 s5, $0x1  }
0x9: {  	s30 =	sshrl.u32 s26, $0x2;
	s6 =	sadd.s32 s7, s6;
	s7 =	sor.u32 s25, s8  }
0xa: {  	s31 =	ssub.s32 s5, s29;
	s6 =	sshrl.u32 s6, $0x3;
	s28 =	sshrl.u32 s7, $0x3  }
0xb: {  	s8 =	simm.s32 $0x100;
	s9 =	sadd.s32 s6, s4;
	s6 =	sadd.s32 s28, s4  }
0xc: {  	s4 =	sadd.s32 s30, s2;
	s5 =	sadd.s32 $0x6200, s6;
	s6 =	smax.u32 s31, $0x1  }
0xd: {  	v0 =	vimm.f32 $1.000000000e+00;
	v1 =	vimm.f32 $0.0e+00;
	s7 =	sadd.s32 $0x1200, s9;
	s9 =	simm.s32 $0x1;
	s13 =	sshrl.u32 s4, $0x3  }
.LBB2_1:
0xe: {  	[tilespmem:$0x80] =	vst v0  }
0xf: {  	[tilespmem:$0x90] =	vst v0  }
0x10: {  	[tilespmem:$0xA0] =	vst v0  }
0x11: {  	[tilespmem:$0xB0] =	vst v0  }
0x12: {  	[tilespmem:$0x100] =	vst v1  }
0x13: {  	[tilespmem:$0x110] =	vst v1  }
0x14: {  	[tilespmem:$0x120] =	vst v1  }
0x15: {  	[tilespmem:$0x130] =	vst v1  }
0x16: {  	[tilespmem:$0x140] =	vst v1  }
0x17: {  	[tilespmem:$0x150] =	vst v1  }
0x18: {  	[tilespmem:$0x160] =	vst v1  }
0x19: {  	[tilespmem:$0x170] =	vst v1  }
0x1a: {  	[tilespmem:$0x180] =	vst v1  }
0x1b: {  	[tilespmem:$0x190] =	vst v1  }
0x1c: {  	[tilespmem:$0x1A0] =	vst v1  }
0x1d: {  	[tilespmem:$0x1B0] =	vst v1  }
0x1e: {  	[tilespmem:$0x1C0] =	vst v1  }
0x1f: {  	[tilespmem:$0x1D0] =	vst v1  }
0x20: {  	[tilespmem:$0x1E0] =	vst v1  }
0x21: {  	[tilespmem:$0x1F0] =	vst v1  }
0x22: {  	[tilespmem:$0x200] =	vst v1  }
0x23: {  	[tilespmem:$0x210] =	vst v1  }
0x24: {  	[tilespmem:$0x220] =	vst v1  }
0x25: {  	[tilespmem:$0x230] =	vst v1  }
0x26: {  	[tilespmem:$0x240] =	vst v1  }
0x27: {  	[tilespmem:$0x250] =	vst v1  }
0x28: {  	[tilespmem:$0x260] =	vst v1  }
0x29: {  	[tilespmem:$0x270] =	vst v1  }
0x2a: {  	[tilespmem:$0x280] =	vst v1  }
0x2b: {  	[tilespmem:$0x290] =	vst v1  }
0x2c: {  	[tilespmem:$0x2A0] =	vst v1  }
0x2d: {  	[tilespmem:$0x2B0] =	vst v1  }
0x2e: {  	[tilespmem:$0x2C0] =	vst v1  }
0x2f: {  	[tilespmem:$0x2D0] =	vst v1  }
0x30: {  	[tilespmem:$0x2E0] =	vst v1  }
0x31: {  	[tilespmem:$0x2F0] =	vst v1  }
0x32: {  	[tilespmem:$0x300] =	vst v1  }
0x33: {  	[tilespmem:$0x310] =	vst v1  }
0x34: {  	[tilespmem:$0x320] =	vst v1  }
0x35: {  	[tilespmem:$0x330] =	vst v1  }
0x36: {  	[tilespmem:$0x340] =	vst v1  }
0x37: {  	[tilespmem:$0x350] =	vst v1  }
0x38: {  	[tilespmem:$0x360] =	vst v1  }
0x39: {  	[tilespmem:$0x370] =	vst v1  }
0x3a: {  	[spmem:s4] =	stream.linear.scatter [tilespmem:s8], [sflag:$0x1], $0x280, $0x38;
	[tilespmem:$0x600] =	vst v63  }
0x3b: {  	_ =	swait.ge [sflag:s9], $0x280  }
0x3c: {  	[sflag:s9] =	ssyncset.done $0x0  }
0x3d: {  	[sflag:s9] =	ssyncadd.s32 $0xFFFFFD80  }
0x3e: {  	s17 =	sadd.s32 $0x0, s7;
	[bflag:$0x0] =	sbarrier.arrive $0xFFFF  }
0x3f: {  	[tilespmem:s3], [sflag:$0x1] =	stream.linear.gather [hbm4b:s17+s3], $0x40, $0x38;
	[tilespmem:$0x600] =	vst v63  }
0x40: {  	_ =	swait.ge [sflag:s9], $0x40  }
0x41: {  	[sflag:s9] =	ssyncset.done $0x0  }
0x42: {  	[sflag:s9] =	ssyncadd.s32 $0xFFFFFFC0  }
0x43: {  	[spmem:s2] =	stream.indirect.scatter.add.f32 [tilespmem:s11], [sflag:$0x1], $0x1, s3, s10, $0xb8;
	[tilespmem:$0x600] =	vst v63  }
0x44: {  	_ =	swait.ge [sflag:s9], $0x40  }
0x45: {  	s18 =	simm.s32 $0x10;
	s17 =	simm.s32 $0x8;
	[sflag:s9] =	ssyncset.done $0x0  }
.LBB2_2:
0x46: {  	s19 =	sadd.s32 s17, s7  }
0x47: {  	[sflag:s9] =	ssyncadd.s32 $0xFFFFFFC0;
	s17 =	smov.u32 s18;
	s20 =	sadd.s32 $0x8, s18  }
0x48: {  	[tilespmem:s3], [sflag:$0x1] =	stream.linear.gather [hbm4b:s19+s3], $0x40, $0x38;
	[tilespmem:$0x600] =	vst v63  }
0x49: {  	p0 =	sne.s32 s18, $0x278;
	_ =	swait.ge [sflag:s9], $0x40  }
.Ltmp0:
0x4a: {  	[sflag:s9] =	ssyncset.done $0x0;
	(pc) =	sbr.rel @p0 .LBB2_2-.Ltmp0, $4  }
0x4b: {  	[sflag:s9] =	ssyncadd.s32 $0xFFFFFFC0  }
0x4c: {  	[spmem:s2] =	stream.indirect.scatter.add.f32 [tilespmem:s11], [sflag:$0x1], $0x1, s3, s10, $0xb8;
	[tilespmem:$0x600] =	vst v63  }
0x4d: {  	_ =	swait.ge [sflag:s9], $0x40  }
0x4e: {  	s18 =	smov.u32 s20;
	[sflag:s9] =	ssyncset.done $0x0  }
0x4f: {  	s17 =	sadd.s32 s17, s7;
	[sflag:s9] =	ssyncadd.s32 $0xFFFFFFC0  }
0x50: {  	[tilespmem:s3], [sflag:$0x1] =	stream.linear.gather [hbm4b:s17+s3], $0x40, $0x38;
	[tilespmem:$0x600] =	vst v63  }
0x51: {  	_ =	swait.ge [sflag:s9], $0x40  }
0x52: {  	[sflag:s9] =	ssyncset.done $0x0  }
0x53: {  	[sflag:s9] =	ssyncadd.s32 $0xFFFFFFC0  }
0x54: {  	[spmem:s2] =	stream.indirect.scatter.add.f32 [tilespmem:s11], [sflag:$0x1], $0x1, s3, s10, $0xb8;
	[tilespmem:$0x600] =	vst v63  }
0x55: {  	_ =	swait.ge [sflag:s9], $0x40  }
0x56: {  	s16 =	sadd.s32 $0x1, s16;
	[sflag:s9] =	ssyncset.done $0x0  }
0x57: {  	p0 =	sne.s32 s16, s6;
	[sflag:s9] =	ssyncadd.s32 $0xFFFFFFC0  }
.Ltmp1:
0x58: {  	[bflag:$0x0] =	sbarrier.arrive $0xFFFF;
	(pc) =	sbr.rel @p0 .LBB2_1-.Ltmp1, $4  }
0x59: {  	[hbm:s5@s14], [sflag:s12] =	dma.strided [spmem:s13@s15], $0x50, s9, $0x10   }
0x5a: {  	_ =	swait.ge [sflag:s9], $0x50  }
0x5b: {  	[sflag:s9] =	ssyncset.done $0x0  }
0x5c: {  	[sflag:s9] =	ssyncadd.s32 $0xFFFFFFB0  }
0x5d: {  	_ =	sfence.sel $0x180000  }
0x5e: {  	[bflag:$0x0] =	sbarrier.arrive $0xFFFF  }
0x5f: {  	p0 =	sne.s32 s1, $0x0;
	_ =	strace $0x90000047  }
0x60: {  	s0 =	sadd.s32 @!p0 $0x100000, s0;
	[bflag:$0x2] =	sbarrier.arrive $0xFFFF  }
0x61: {  	[sflag:s0] =	ssyncadd.tile.s32 @!p0 $0x1;
	_ =	shalt  }
.Lfunc_end2:
_tile_overlayer_lowered:
.L_overlay_start_2:
0x62: {  	(tag) =	ssettag $0x2  }
0x63: {  	s0 =	rddreg [dreg:$0x0];
	s2 =	stileid.u32  }
0x64: {  	s1 =	rddreg [dreg:$0x1];
	p0 =	sne.s32 s2, $0x0  }
0x65: {  	s3 =	rddreg [dreg:$0x2];
	[bflag:$0x3] =	sbarrier.arrive $0xFFFF;
	s2 =	simm.s32 @!p0 $0x1C01  }
0x66: {  	[timem:s3], [sflag:s2] =	dma.local @!p0 [hbm:s0], s1  }
0x67: {  	s0 =	simm.s32 @!p0 $0x1  }
0x68: {  	_ =	swait.ge @!p0 [sflag:s0], s1  }
0x69: {  	s1 =	ssub.s32 @!p0 $0x0, s1;
	[sflag:s0] =	ssyncset.done @!p0 $0x0  }
0x6a: {  	[sflag:s0] =	ssyncadd.s32 @!p0 s1  }
0x6b: {  	[bflag:$0x3] =	sbarrier.arrive $0xFFFF  }
0x6c: {  	_ =	shalt  }

</sc_bundles>
